<compile_context>
chip_gen: v7x
topology: tpu7x:2x2x1
jax: 0.10.2.dev20260603
libtpu: 0.0.44.dev20260713+nightly
codegen_flags: <defaults>
</compile_context>

<pallas_src>
import functools
import jax
import jax.numpy as jnp
from jax import lax
from jax.experimental import pallas as pl
from jax.experimental.pallas import tpu as pltpu
from jax.experimental.pallas import tpu_sc as plsc

_N_P = 18000
_N_GRID = 128
_DX = 1.0 / _N_GRID
_INV_DX = float(_N_GRID)
_DT = 1e-4
_P_VOL = (_DX * 0.5) ** 2
_P_MASS = _P_VOL * 1.0
_E_MOD = 5000.0
_NU = 0.2
_MU_0 = _E_MOD / (2 * (1 + _NU))
_LA_0 = _E_MOD * _NU / ((1 + _NU) * (1 - 2 * _NU))

_NW = 32
_PPW = 576
_NPP = _NW * _PPW
_NCHUNK = _PPW // 16
_NNODE = _N_GRID * _N_GRID
_NPT = _NNODE // 16

_mesh = plsc.VectorSubcoreMesh(core_axis_name="c", subcore_axis_name="s")
_cparams = pltpu.CompilerParams(needs_layout_passes=False)
_f32 = jnp.float32
_i32 = jnp.int32


def _rsqrt(x):
    xi = lax.bitcast_convert_type(x, _i32)
    yi = jnp.int32(0x5F3759DF) - (xi >> 1)
    y = lax.bitcast_convert_type(yi, _f32)
    for _ in range(3):
        y = y * (1.5 - 0.5 * x * y * y)
    return y


def _inv(x):
    r = _rsqrt(x)
    return r * r


def _bf16r(x):
    xi = lax.bitcast_convert_type(x, _i32)
    r = (xi + 0x7FFF + ((xi >> 16) & 1)) & jnp.int32(-65536)
    return lax.bitcast_convert_type(r, _f32)


def _bf16soft(x, sigma):
    bn = _bf16r(x)
    ei = lax.bitcast_convert_type(bn, _i32) & jnp.int32(0x7F800000)
    ulp = lax.bitcast_convert_type(ei, _f32) * (2.0 ** -7)
    ulp = jnp.maximum(ulp, 1e-12)
    t = x - bn
    dist = jnp.maximum(0.5 * ulp - jnp.abs(t), 0.0)
    p = 0.5 * jnp.exp(-dist * _inv(jnp.maximum(sigma, 1e-12)))
    return bn + jnp.sign(t) * (ulp * p)


def _spline_w(f):
    t0 = 1.5 - f
    t1 = f - 1.0
    t2 = f - 0.5
    return [0.5 * t0 * t0, 0.75 - t1 * t1, 0.5 * t2 * t2]


@functools.partial(
    pl.kernel,
    out_type=(
        jax.ShapeDtypeStruct((_NW, 3 * _NNODE), _f32),
        jax.ShapeDtypeStruct((_NPP,), _f32),
        jax.ShapeDtypeStruct((_NPP,), _f32),
        jax.ShapeDtypeStruct((_NPP,), _f32),
        jax.ShapeDtypeStruct((_NPP,), _f32),
        jax.ShapeDtypeStruct((_NPP,), _f32),
    ),
    mesh=_mesh,
    scratch_types=(
        [pltpu.VMEM((_PPW,), _f32)] * 13
        + [pltpu.VMEM((_PPW,), _i32)]
        + [pltpu.VMEM((_NNODE,), _f32)] * 3
        + [pltpu.VMEM((_PPW,), _f32)] * 5
    ),
    compiler_params=_cparams,
)
def _p2g(x0, x1, v0, v1, c00, c01, c10, c11, f00, f01, f10, f11, jp, mt,
         pg, of00, of01, of10, of11, ojp,
         sx0, sx1, sv0, sv1, sc00, sc01, sc10, sc11, sf00, sf01, sf10, sf11,
         sjp, smt, g0, g1, g2, t00, t01, t10, t11, tjp):
    cid = lax.axis_index("c")
    sid = lax.axis_index("s")
    wid = cid * 16 + sid
    base = wid * _PPW

    for src, dst in ((x0, sx0), (x1, sx1), (v0, sv0), (v1, sv1),
                     (c00, sc00), (c01, sc01), (c10, sc10), (c11, sc11),
                     (f00, sf00), (f01, sf01), (f10, sf10), (f11, sf11),
                     (jp, sjp), (mt, smt)):
        pltpu.sync_copy(src.at[pl.ds(base, _PPW)], dst)

    zer = jnp.zeros((16,), _f32)

    def zbody(i, carry):
        sl = pl.ds(i * 16, 16)
        g0[sl] = zer
        g1[sl] = zer
        g2[sl] = zer
        return carry

    lax.fori_loop(0, _NPT, zbody, 0)

    lane = lax.iota(_i32, 16)

    def chunk(k, carry):
        sl = pl.ds(k * 16, 16)
        xx = sx0[sl]
        xy = sx1[sl]
        xv0 = sv0[sl]
        xv1 = sv1[sl]
        xc00 = sc00[sl]
        xc01 = sc01[sl]
        xc10 = sc10[sl]
        xc11 = sc11[sl]
        xjp = sjp[sl]
        xmt = smt[sl]
        valid = (base + k * 16 + lane) < _N_P

        bf00 = _bf16r(sf00[sl])
        bf01 = _bf16r(sf01[sl])
        bf10 = _bf16r(sf10[sl])
        bf11 = _bf16r(sf11[sl])
        g00 = _bf16r(1.0 + _DT * xc00)
        g01 = _bf16r(_DT * xc01)
        g10 = _bf16r(_DT * xc10)
        g11 = _bf16r(1.0 + _DT * xc11)
        a = g00 * bf00 + g01 * bf10
        b = g00 * bf01 + g01 * bf11
        c = g10 * bf00 + g11 * bf10
        d = g10 * bf01 + g11 * bf11

        is0 = xmt == 0
        is1 = xmt == 1
        is2 = xmt == 2
        h = jnp.clip(jnp.exp(10.0 * (1.0 - xjp)), 0.1, 5.0)
        h = jnp.where(is1, 0.3, h)
        mu = jnp.where(is0, 0.0, _MU_0 * h)
        la = _LA_0 * h

        h2 = (a + d) * (a + d) + (c - b) * (c - b)
        inv_hn = _rsqrt(jnp.maximum(h2, 1e-30))
        ct = (a + d) * inv_hn
        st = (c - b) * inv_hn
        Sq = ct * b + st * d
        mm = 0.5 * (ct * (a + d) + st * (c - b))
        dd = 0.5 * (ct * (a - d) + st * (c + b))
        d2 = dd * dd + Sq * Sq
        delta = d2 * _rsqrt(jnp.maximum(d2, 1e-30))
        s1 = mm + delta
        s2 = mm - delta
        c1x = Sq
        c1y = delta - dd
        c2x = delta + dd
        c2y = Sq
        n1 = c1x * c1x + c1y * c1y
        n2 = c2x * c2x + c2y * c2y
        use1 = n1 >= n2
        evx = jnp.where(use1, c1x, c2x)
        evy = jnp.where(use1, c1y, c2y)
        nn = evx * evx + evy * evy
        degen = nn < 1e-30
        evx = jnp.where(degen, 1.0, evx)
        evy = jnp.where(degen, 0.0, evy)
        nn = jnp.where(degen, 1.0, nn)
        innr = _rsqrt(nn)
        evx = evx * innr
        evy = evy * innr

        ns1 = jnp.where(is2, jnp.clip(s1, 1.0 - 2.5e-2, 1.0 + 4.5e-3), s1)
        ns2 = jnp.where(is2, jnp.clip(s2, 1.0 - 2.5e-2, 1.0 + 4.5e-3), s2)
        jp_new = xjp * (s1 * _inv(jnp.maximum(ns1, 1e-30))) \
                     * (s2 * _inv(jnp.maximum(ns2, 1e-30)))
        J = ns1 * ns2
        cu = ct * evx - st * evy
        su = st * evx + ct * evy
        seps = 1.3e-8 * _inv(jnp.maximum(delta, 1e-7))
        acu = jnp.abs(cu)
        asu = jnp.abs(su)
        avx = jnp.abs(evx)
        avy = jnp.abs(evy)
        bcu = _bf16soft(cu, seps * asu)
        bsu = _bf16soft(su, seps * acu)
        bvx = _bf16soft(evx, seps * avy)
        bvy = _bf16soft(evy, seps * avx)
        R00 = bcu * bvx + bsu * bvy
        R01 = bcu * bvy - bsu * bvx
        R10 = bsu * bvx - bcu * bvy
        R11 = bsu * bvy + bcu * bvx
        bm00 = _bf16soft(ns1 * evx, seps * ns1 * avy)
        bm01 = _bf16soft(ns1 * evy, seps * ns1 * avx)
        bm10 = _bf16soft(-(ns2 * evy), seps * ns2 * avx)
        bm11 = _bf16soft(ns2 * evx, seps * ns2 * avy)
        Fs_a = bcu * bm00 - bsu * bm10
        Fs_b = bcu * bm01 - bsu * bm11
        Fs_c = bsu * bm00 + bcu * bm10
        Fs_d = bsu * bm01 + bcu * bm11
        sqJ = J * _rsqrt(jnp.maximum(J, 1e-30))
        Fa = jnp.where(is0, sqJ, jnp.where(is2, Fs_a, a))
        Fb = jnp.where(is0, 0.0, jnp.where(is2, Fs_b, b))
        Fc = jnp.where(is0, 0.0, jnp.where(is2, Fs_c, c))
        Fd = jnp.where(is0, sqJ, jnp.where(is2, Fs_d, d))

        k2mu = 2.0 * mu
        laJ = la * J * (J - 1.0)
        e00 = _bf16r(Fa - R00)
        e01 = _bf16r(Fb - R01)
        e10 = _bf16r(Fc - R10)
        e11 = _bf16r(Fd - R11)
        tb00 = _bf16r(Fa)
        tb01 = _bf16r(Fb)
        tb10 = _bf16r(Fc)
        tb11 = _bf16r(Fd)
        scl = -_DT * _P_VOL * 4.0 * _INV_DX * _INV_DX
        A11 = scl * (k2mu * (e00 * tb00 + e01 * tb01) + laJ) + _P_MASS * xc00
        A12 = scl * (k2mu * (e00 * tb10 + e01 * tb11)) + _P_MASS * xc01
        A21 = scl * (k2mu * (e10 * tb00 + e11 * tb01)) + _P_MASS * xc10
        A22 = scl * (k2mu * (e10 * tb10 + e11 * tb11) + laJ) + _P_MASS * xc11
        ba11 = _bf16r(A11)
        ba12 = _bf16r(A12)
        ba21 = _bf16r(A21)
        ba22 = _bf16r(A22)

        t00[sl] = Fa
        t01[sl] = Fb
        t10[sl] = Fc
        t11[sl] = Fd
        tjp[sl] = jp_new

        bx = (xx * _INV_DX - 0.5).astype(_i32)
        by = (xy * _INV_DX - 0.5).astype(_i32)
        fx0 = xx * _INV_DX - bx.astype(_f32)
        fx1 = xy * _INV_DX - by.astype(_f32)
        w0 = _spline_w(fx0)
        w1 = _spline_w(fx1)
        mv0 = _P_MASS * xv0
        mv1 = _P_MASS * xv1
        for i in range(3):
            bdx = _bf16r((i - fx0) * _DX)
            lini = (bx + i) * _N_GRID
            for j in range(3):
                bdy = _bf16r((j - fx1) * _DX)
                weight = w0[i] * w1[j]
                lin = lini + by + j
                cvx = weight * (mv0 + (ba11 * bdx + ba12 * bdy))
                cvy = weight * (mv1 + (ba21 * bdx + ba22 * bdy))
                plsc.addupdate_scatter(g0, [lin], cvx, mask=valid)
                plsc.addupdate_scatter(g1, [lin], cvy, mask=valid)
                plsc.addupdate_scatter(g2, [lin], weight * _P_MASS, mask=valid)
        return carry

    lax.fori_loop(0, _NCHUNK, chunk, 0)

    pltpu.sync_copy(g0, pg.at[wid, pl.ds(0, _NNODE)])
    pltpu.sync_copy(g1, pg.at[wid, pl.ds(_NNODE, _NNODE)])
    pltpu.sync_copy(g2, pg.at[wid, pl.ds(2 * _NNODE, _NNODE)])
    pltpu.sync_copy(t00, of00.at[pl.ds(base, _PPW)])
    pltpu.sync_copy(t01, of01.at[pl.ds(base, _PPW)])
    pltpu.sync_copy(t10, of10.at[pl.ds(base, _PPW)])
    pltpu.sync_copy(t11, of11.at[pl.ds(base, _PPW)])
    pltpu.sync_copy(tjp, ojp.at[pl.ds(base, _PPW)])


@functools.partial(
    pl.kernel,
    out_type=tuple(jax.ShapeDtypeStruct((_NPP,), _f32) for _ in range(8)),
    mesh=_mesh,
    scratch_types=(
        [pltpu.VMEM((_NW, _NPT), _f32)]
        + [pltpu.VMEM((_NPT,), _f32)] * 3
        + [pltpu.VMEM_SHARED((_NNODE,), _f32)] * 2
        + [pltpu.VMEM((_NNODE,), _f32)] * 2
        + [pltpu.VMEM((_PPW,), _f32)] * 2
        + [pltpu.VMEM((8, 16), _f32)]
        + [pltpu.VMEM((_PPW,), _f32)] * 8
    ),
    compiler_params=_cparams,
)
def _g2p(pg, px0, px1, par,
         oxn0, oxn1, onv0, onv1, oc00, oc01, oc10, oc11,
         red, acc0, acc1, acc2, shx, shy, gfx, gfy, sx0, sx1, spar,
         u0, u1, u2, u3, u4, u5, u6, u7):
    cid = lax.axis_index("c")
    sid = lax.axis_index("s")
    wid = cid * 16 + sid
    pbase = wid * _PPW
    nodeoff = sid * _NPT

    pltpu.sync_copy(par, spar)
    pltpu.sync_copy(px0.at[pl.ds(pbase, _PPW)], sx0)
    pltpu.sync_copy(px1.at[pl.ds(pbase, _PPW)], sx1)

    for comp, acc in ((0, acc0), (1, acc1), (2, acc2)):
        pltpu.sync_copy(pg.at[:, pl.ds(comp * _NNODE + nodeoff, _NPT)], red)

        def rbody(i, carry):
            sl = pl.ds(i * 16, 16)
            s = red[0, sl]
            for w in range(1, _NW):
                s = s + red[w, sl]
            acc[sl] = s
            return carry

        lax.fori_loop(0, _NPT // 16, rbody, 0)

    lane = lax.iota(_i32, 16)

    def ubody(i, carry):
        sl = pl.ds(i * 16, 16)
        n = nodeoff + i * 16 + lane
        mrow = acc2[sl]
        havem = mrow > 0.0
        invm = _inv(jnp.maximum(mrow, 1e-30))
        gx = acc0[sl] * invm + spar[3]
        gy = acc1[sl] * invm + spar[4]
        ii = n >> 7
        jj = n & 127
        dx_ = spar[0] - _DX * ii.astype(_f32)
        dy_ = spar[1] - _DX * jj.astype(_f32)
        dn2 = dx_ * dx_ + dy_ * dy_
        dn = dn2 * _rsqrt(jnp.maximum(dn2, 1e-30))
        fac = spar[2] * _inv(dn + 0.01)
        gx = gx + dx_ * fac
        gy = gy + dy_ * fac
        gx = jnp.where((ii < 3) & (gx < 0.0), 0.0, gx)
        gx = jnp.where((ii > _N_GRID - 3) & (gx > 0.0), 0.0, gx)
        gy = jnp.where((jj < 3) & (gy < 0.0), 0.0, gy)
        gy = jnp.where((jj > _N_GRID - 3) & (gy > 0.0), 0.0, gy)
        acc0[sl] = jnp.where(havem, gx, 0.0)
        acc1[sl] = jnp.where(havem, gy, 0.0)
        return carry

    lax.fori_loop(0, _NPT // 16, ubody, 0)

    pltpu.sync_copy(acc0, shx.at[pl.ds(nodeoff, _NPT)])
    pltpu.sync_copy(acc1, shy.at[pl.ds(nodeoff, _NPT)])
    plsc.subcore_barrier()
    pltpu.sync_copy(shx, gfx)
    pltpu.sync_copy(shy, gfy)

    def chunk(k, carry):
        sl = pl.ds(k * 16, 16)
        xx = sx0[sl]
        xy = sx1[sl]
        bx = (xx * _INV_DX - 0.5).astype(_i32)
        by = (xy * _INV_DX - 0.5).astype(_i32)
        fx0 = xx * _INV_DX - bx.astype(_f32)
        fx1 = xy * _INV_DX - by.astype(_f32)
        w0 = _spline_w(fx0)
        w1 = _spline_w(fx1)
        zv = jnp.zeros((16,), _f32)
        nvx = zv
        nvy = zv
        nc00 = zv
        nc01 = zv
        nc10 = zv
        nc11 = zv
        for i in range(3):
            dpx = i - fx0
            lini = (bx + i) * _N_GRID
            for j in range(3):
                dpy = j - fx1
                lin = lini + by + j
                gx = plsc.load_gather(gfx, [lin])
                gy = plsc.load_gather(gfy, [lin])
                weight = w0[i] * w1[j]
                k4 = (4.0 * _INV_DX) * weight
                nvx = nvx + weight * gx
                nvy = nvy + weight * gy
                nc00 = nc00 + k4 * gx * dpx
                nc01 = nc01 + k4 * gx * dpy
                nc10 = nc10 + k4 * gy * dpx
                nc11 = nc11 + k4 * gy * dpy
        u0[sl] = xx + _DT * nvx
        u1[sl] = xy + _DT * nvy
        u2[sl] = nvx
        u3[sl] = nvy
        u4[sl] = nc00
        u5[sl] = nc01
        u6[sl] = nc10
        u7[sl] = nc11
        return carry

    lax.fori_loop(0, _NCHUNK, chunk, 0)

    for src, dst in ((u0, oxn0), (u1, oxn1), (u2, onv0), (u3, onv1),
                     (u4, oc00), (u5, oc01), (u6, oc10), (u7, oc11)):
        pltpu.sync_copy(src, dst.at[pl.ds(pbase, _PPW)])


def kernel(x, v, C, F, Jp, material, gravity, attractor_strength, attractor_pos):
    pad = _NPP - _N_P

    def padf(arr, cv=0.0):
        return jnp.pad(arr.astype(_f32), (0, pad), constant_values=cv)

    x0 = padf(x[:, 0], 0.5)
    x1 = padf(x[:, 1], 0.5)
    v0 = padf(v[:, 0])
    v1 = padf(v[:, 1])
    c00 = padf(C[:, 0, 0])
    c01 = padf(C[:, 0, 1])
    c10 = padf(C[:, 1, 0])
    c11 = padf(C[:, 1, 1])
    f00 = padf(F[:, 0, 0], 1.0)
    f01 = padf(F[:, 0, 1])
    f10 = padf(F[:, 1, 0])
    f11 = padf(F[:, 1, 1], 1.0)
    jp = padf(Jp, 1.0)
    mt = jnp.pad(material.astype(_i32), (0, pad), constant_values=1)

    pg, of00, of01, of10, of11, ojp = _p2g(
        x0, x1, v0, v1, c00, c01, c10, c11, f00, f01, f10, f11, jp, mt)

    gf = gravity.astype(_f32)
    par = jnp.stack([
        jnp.full((16,), attractor_pos[0], _f32),
        jnp.full((16,), attractor_pos[1], _f32),
        jnp.full((16,), attractor_strength * jnp.float32(_DT * 100.0), _f32),
        jnp.full((16,), gf[0] * jnp.float32(_DT * 30.0), _f32),
        jnp.full((16,), gf[1] * jnp.float32(_DT * 30.0), _f32),
        jnp.zeros((16,), _f32),
        jnp.zeros((16,), _f32),
        jnp.zeros((16,), _f32),
    ])

    xn0, xn1, nv0, nv1, nc00, nc01, nc10, nc11 = _g2p(pg, x0, x1, par)

    out = jnp.stack([xn0, xn1, nv0, nv1, nc00, nc01, nc10, nc11,
                     of00, of01, of10, of11, ojp], axis=1)
    return out[:_N_P]

# --- scband reference (transcript-rebuilt; emitter-appended) ---
"""Pipeline reference for scband-material-point-model2d-38285338477002 (READ-ONLY COPY).

The authoritative reference and input builder live on the scoring server;
editing this copy changes nothing except your own understanding.
"""

import jax, jax.numpy as jnp
import numpy as np

N_P = 18000
N_GRID = 128
DX = 1.0 / N_GRID
INV_DX = float(N_GRID)
DT = 1e-4
P_VOL = (DX * 0.5) ** 2
P_RHO = 1.0
P_MASS = P_VOL * P_RHO
E_MOD = 5000.0
NU = 0.2
MU_0 = E_MOD / (2 * (1 + NU))
LAMBDA_0 = E_MOD * NU / ((1 + NU) * (1 - 2 * NU))


def setup_inputs(seed: int = 0) -> dict:
    key = jax.random.key(seed)
    k = jax.random.split(key, 8)
    x = 0.2 + 0.6 * jax.random.uniform(k[0], (N_P, 2), dtype=jnp.float32)
    v = 0.5 * jax.random.normal(k[1], (N_P, 2), dtype=jnp.float32)
    C = jnp.zeros((N_P, 2, 2), jnp.float32)
    F = jnp.eye(2, dtype=jnp.float32)[None, :, :] + 0.01 * jax.random.normal(k[2], (N_P, 2, 2), dtype=jnp.float32)
    Jp = jnp.ones((N_P,), jnp.float32)
    material = jax.random.randint(k[3], (N_P,), 0, 3, dtype=jnp.int32)
    gravity = jnp.array([0.0, -1.0], jnp.float32)
    attractor_strength = jnp.float32(1.0)
    attractor_pos = jax.random.uniform(k[4], (2,), dtype=jnp.float32)
    return dict(x=x, v=v, C=C, F=F, Jp=Jp, material=material, gravity=gravity,
                attractor_strength=attractor_strength, attractor_pos=attractor_pos)


def _substep(x, v, C, F, Jp, gravity, attractor_strength, attractor_pos, material):
    base = jnp.floor(x * INV_DX - 0.5).astype(jnp.int32)
    fx = x * INV_DX - base.astype(jnp.float32)
    w = jnp.stack([0.5 * (1.5 - fx) ** 2,
                   0.75 - (fx - 1.0) ** 2,
                   0.5 * (fx - 0.5) ** 2], axis=0)  # [3, N, 2]
    I2 = jnp.eye(2, dtype=x.dtype)
    F = (I2[None] + DT * C) @ F
    h = jnp.clip(jnp.exp(10.0 * (1.0 - Jp)), 0.1, 5.0)
    h = jnp.where(material == 1, 0.3, h)
    mu = MU_0 * h
    la = LAMBDA_0 * h
    mu = jnp.where(material == 0, 0.0, mu)
    U, sig, Vh = jnp.linalg.svd(F)
    new_sig = jnp.where((material == 2)[:, None],
                        jnp.clip(sig, 1.0 - 0.025, 1.0 + 0.0045), sig)
    Jp = Jp * jnp.prod(sig / new_sig, axis=-1)
    J = jnp.prod(new_sig, axis=-1)
    sig = new_sig
    F_fluid = I2[None] * jnp.sqrt(J)[:, None, None]
    F_snow = U @ (sig[..., None] * Vh)
    F = jnp.where((material == 0)[:, None, None], F_fluid,
                  jnp.where((material == 2)[:, None, None], F_snow, F))
    R = U @ Vh
    stress = 2.0 * mu[:, None, None] * ((F - R) @ jnp.swapaxes(F, -1, -2)) \
             + I2[None] * (la * J * (J - 1.0))[:, None, None]
    stress = (-DT * P_VOL * 4.0 * INV_DX * INV_DX) * stress
    affine = stress + P_MASS * C

    grid_v = jnp.zeros((N_GRID * N_GRID, 2), x.dtype)
    grid_m = jnp.zeros((N_GRID * N_GRID,), x.dtype)
    for i in range(3):
        for j in range(3):
            offset = jnp.array([float(i), float(j)], x.dtype)
            dpos = (offset[None, :] - fx) * DX
            weight = w[i, :, 0] * w[j, :, 1]
            lin = (base[:, 0] + i) * N_GRID + (base[:, 1] + j)
            contrib_v = weight[:, None] * (P_MASS * v + jnp.einsum('nij,nj->ni', affine, dpos))
            grid_v = grid_v.at[lin].add(contrib_v)
            grid_m = grid_m.at[lin].add(weight * P_MASS)

    mask = grid_m > 0
    safe_m = jnp.where(mask, grid_m, 1.0)
    gv = grid_v / safe_m[:, None]
    gv = gv + DT * gravity[None, :] * 30.0
    ii, jj = jnp.meshgrid(jnp.arange(N_GRID), jnp.arange(N_GRID), indexing='ij')
    node_pos = DX * jnp.stack([ii, jj], axis=-1).reshape(-1, 2).astype(x.dtype)
    dist = attractor_pos[None, :] - node_pos
    gv = gv + dist / (0.01 + jnp.linalg.norm(dist, axis=-1, keepdims=True)) \
              * attractor_strength * DT * 100.0
    ii_f = ii.reshape(-1)
    jj_f = jj.reshape(-1)
    vx = gv[:, 0]
    vy = gv[:, 1]
    vx = jnp.where((ii_f < 3) & (vx < 0), 0.0, vx)
    vx = jnp.where((ii_f > N_GRID - 3) & (vx > 0), 0.0, vx)
    vy = jnp.where((jj_f < 3) & (vy < 0), 0.0, vy)
    vy = jnp.where((jj_f > N_GRID - 3) & (vy > 0), 0.0, vy)
    gv = jnp.stack([vx, vy], axis=-1)
    grid_v = jnp.where(mask[:, None], gv, 0.0)

    new_v = jnp.zeros_like(v)
    new_C = jnp.zeros_like(C)
    for i in range(3):
        for j in range(3):
            dpos = jnp.array([float(i), float(j)], x.dtype)[None, :] - fx
            lin = (base[:, 0] + i) * N_GRID + (base[:, 1] + j)
            g_v = grid_v[lin]
            weight = w[i, :, 0] * w[j, :, 1]
            new_v = new_v + weight[:, None] * g_v
            new_C = new_C + 4.0 * INV_DX * weight[:, None, None] * (g_v[:, :, None] * dpos[:, None, :])
    x_new = x + DT * new_v
    return jnp.concatenate([x_new, new_v, new_C.reshape(N_P, 4),
                            F.reshape(N_P, 4), Jp[:, None]], axis=1)


def reference(x, v, C, F, Jp, material, gravity, attractor_strength, attractor_pos):
    return _substep(x, v, C, F, Jp, gravity, attractor_strength, attractor_pos, material)

if __name__ == "__main__":
    import jax
    _d = setup_inputs()
    print(jax.jit(kernel)(*tuple(_d.values())))

</pallas_src>

<mosaic_0001>
#map = affine_map<(d0, d1) -> (0)>
#map1 = affine_map<(d0, d1) -> (0, 0)>
module attributes {stable_mosaic.version = 14 : i64} {
  func.func @_p2g(%arg0: i32, %arg1: i32, %arg2: memref<18432xf32, #tpu.memory_space<hbm>>, %arg3: memref<18432xf32, #tpu.memory_space<hbm>>, %arg4: memref<18432xf32, #tpu.memory_space<hbm>>, %arg5: memref<18432xf32, #tpu.memory_space<hbm>>, %arg6: memref<18432xf32, #tpu.memory_space<hbm>>, %arg7: memref<18432xf32, #tpu.memory_space<hbm>>, %arg8: memref<18432xf32, #tpu.memory_space<hbm>>, %arg9: memref<18432xf32, #tpu.memory_space<hbm>>, %arg10: memref<18432xf32, #tpu.memory_space<hbm>>, %arg11: memref<18432xf32, #tpu.memory_space<hbm>>, %arg12: memref<18432xf32, #tpu.memory_space<hbm>>, %arg13: memref<18432xf32, #tpu.memory_space<hbm>>, %arg14: memref<18432xf32, #tpu.memory_space<hbm>>, %arg15: memref<18432xi32, #tpu.memory_space<hbm>>, %arg16: memref<32x49152xf32, #tpu.memory_space<hbm>>, %arg17: memref<18432xf32, #tpu.memory_space<hbm>>, %arg18: memref<18432xf32, #tpu.memory_space<hbm>>, %arg19: memref<18432xf32, #tpu.memory_space<hbm>>, %arg20: memref<18432xf32, #tpu.memory_space<hbm>>, %arg21: memref<18432xf32, #tpu.memory_space<hbm>>, %arg22: memref<576xf32, #tpu.memory_space<vmem>>, %arg23: memref<576xf32, #tpu.memory_space<vmem>>, %arg24: memref<576xf32, #tpu.memory_space<vmem>>, %arg25: memref<576xf32, #tpu.memory_space<vmem>>, %arg26: memref<576xf32, #tpu.memory_space<vmem>>, %arg27: memref<576xf32, #tpu.memory_space<vmem>>, %arg28: memref<576xf32, #tpu.memory_space<vmem>>, %arg29: memref<576xf32, #tpu.memory_space<vmem>>, %arg30: memref<576xf32, #tpu.memory_space<vmem>>, %arg31: memref<576xf32, #tpu.memory_space<vmem>>, %arg32: memref<576xf32, #tpu.memory_space<vmem>>, %arg33: memref<576xf32, #tpu.memory_space<vmem>>, %arg34: memref<576xf32, #tpu.memory_space<vmem>>, %arg35: memref<576xi32, #tpu.memory_space<vmem>>, %arg36: memref<16384xf32, #tpu.memory_space<vmem>>, %arg37: memref<16384xf32, #tpu.memory_space<vmem>>, %arg38: memref<16384xf32, #tpu.memory_space<vmem>>, %arg39: memref<576xf32, #tpu.memory_space<vmem>>, %arg40: memref<576xf32, #tpu.memory_space<vmem>>, %arg41: memref<576xf32, #tpu.memory_space<vmem>>, %arg42: memref<576xf32, #tpu.memory_space<vmem>>, %arg43: memref<576xf32, #tpu.memory_space<vmem>>) attributes {dimension_semantics = [#tpu.dimension_semantics<core_parallel>, #tpu.dimension_semantics<subcore_parallel>], iteration_bounds = array<i64: 2, 16>, scalar_prefetch = 0 : i64, scratch_operands = 22 : i64, tpu.core_type = #tpu.core_type<sc_vector_subcore>, window_params = [{transform_indices = #map}, {transform_indices = #map}, {transform_indices = #map}, {transform_indices = #map}, {transform_indices = #map}, {transform_indices = #map}, {transform_indices = #map}, {transform_indices = #map}, {transform_indices = #map}, {transform_indices = #map}, {transform_indices = #map}, {transform_indices = #map}, {transform_indices = #map}, {transform_indices = #map}, {transform_indices = #map1}, {transform_indices = #map}, {transform_indices = #map}, {transform_indices = #map}, {transform_indices = #map}, {transform_indices = #map}]} {
    %mul3A = arith.constant 16 : i32
    %mul3A_0 = arith.muli %arg0, %mul3A : i32
    %add3A = arith.addi %mul3A_0, %arg1 : i32
    %mul3A_1 = arith.constant 576 : i32
    %mul3A_2 = arith.muli %add3A, %mul3A_1 : i32
    "tpu.region"() ({
      %run_scoped3A = tpu.sem_alloc : memref<!tpu.dma_semaphore, #tpu.memory_space<semaphore_mem>>
      %dma_start3A = tpu.memref_slice %arg2[%mul3A_2] : memref<18432xf32, #tpu.memory_space<hbm>> -> memref<576xf32, #tpu.memory_space<hbm>>
      %dma_start3A_15 = tpu.memref_slice %arg2[%mul3A_2] : memref<18432xf32, #tpu.memory_space<hbm>> -> memref<576xf32, #tpu.memory_space<hbm>>
      tpu.enqueue_dma source(%dma_start3A_15 : memref<576xf32, #tpu.memory_space<hbm>>) target(%arg22 : memref<576xf32, #tpu.memory_space<vmem>>) target_semaphore(%run_scoped3A : memref<!tpu.dma_semaphore, #tpu.memory_space<semaphore_mem>>)
      %dma_wait3A = tpu.memref_slice %arg2[%mul3A_2] : memref<18432xf32, #tpu.memory_space<hbm>> -> memref<576xf32, #tpu.memory_space<hbm>>
      %dma_wait3A_16 = tpu.memref_slice %arg2[%mul3A_2] : memref<18432xf32, #tpu.memory_space<hbm>> -> memref<576xf32, #tpu.memory_space<hbm>>
      tpu.wait_dma2 semaphore(%run_scoped3A : memref<!tpu.dma_semaphore, #tpu.memory_space<semaphore_mem>>) src(%dma_wait3A_16 : memref<576xf32, #tpu.memory_space<hbm>>) dst(%arg22 : memref<576xf32, #tpu.memory_space<vmem>>)
      tpu.yield
    }) : () -> ()
    "tpu.region"() ({
      %run_scoped3A = tpu.sem_alloc : memref<!tpu.dma_semaphore, #tpu.memory_space<semaphore_mem>>
      %dma_start3A = tpu.memref_slice %arg3[%mul3A_2] : memref<18432xf32, #tpu.memory_space<hbm>> -> memref<576xf32, #tpu.memory_space<hbm>>
      %dma_start3A_15 = tpu.memref_slice %arg3[%mul3A_2] : memref<18432xf32, #tpu.memory_space<hbm>> -> memref<576xf32, #tpu.memory_space<hbm>>
      tpu.enqueue_dma source(%dma_start3A_15 : memref<576xf32, #tpu.memory_space<hbm>>) target(%arg23 : memref<576xf32, #tpu.memory_space<vmem>>) target_semaphore(%run_scoped3A : memref<!tpu.dma_semaphore, #tpu.memory_space<semaphore_mem>>)
      %dma_wait3A = tpu.memref_slice %arg3[%mul3A_2] : memref<18432xf32, #tpu.memory_space<hbm>> -> memref<576xf32, #tpu.memory_space<hbm>>
      %dma_wait3A_16 = tpu.memref_slice %arg3[%mul3A_2] : memref<18432xf32, #tpu.memory_space<hbm>> -> memref<576xf32, #tpu.memory_space<hbm>>
      tpu.wait_dma2 semaphore(%run_scoped3A : memref<!tpu.dma_semaphore, #tpu.memory_space<semaphore_mem>>) src(%dma_wait3A_16 : memref<576xf32, #tpu.memory_space<hbm>>) dst(%arg23 : memref<576xf32, #tpu.memory_space<vmem>>)
      tpu.yield
    }) : () -> ()
    "tpu.region"() ({
      %run_scoped3A = tpu.sem_alloc : memref<!tpu.dma_semaphore, #tpu.memory_space<semaphore_mem>>
      %dma_start3A = tpu.memref_slice %arg4[%mul3A_2] : memref<18432xf32, #tpu.memory_space<hbm>> -> memref<576xf32, #tpu.memory_space<hbm>>
      %dma_start3A_15 = tpu.memref_slice %arg4[%mul3A_2] : memref<18432xf32, #tpu.memory_space<hbm>> -> memref<576xf32, #tpu.memory_space<hbm>>
      tpu.enqueue_dma source(%dma_start3A_15 : memref<576xf32, #tpu.memory_space<hbm>>) target(%arg24 : memref<576xf32, #tpu.memory_space<vmem>>) target_semaphore(%run_scoped3A : memref<!tpu.dma_semaphore, #tpu.memory_space<semaphore_mem>>)
      %dma_wait3A = tpu.memref_slice %arg4[%mul3A_2] : memref<18432xf32, #tpu.memory_space<hbm>> -> memref<576xf32, #tpu.memory_space<hbm>>
      %dma_wait3A_16 = tpu.memref_slice %arg4[%mul3A_2] : memref<18432xf32, #tpu.memory_space<hbm>> -> memref<576xf32, #tpu.memory_space<hbm>>
      tpu.wait_dma2 semaphore(%run_scoped3A : memref<!tpu.dma_semaphore, #tpu.memory_space<semaphore_mem>>) src(%dma_wait3A_16 : memref<576xf32, #tpu.memory_space<hbm>>) dst(%arg24 : memref<576xf32, #tpu.memory_space<vmem>>)
      tpu.yield
    }) : () -> ()
    "tpu.region"() ({
      %run_scoped3A = tpu.sem_alloc : memref<!tpu.dma_semaphore, #tpu.memory_space<semaphore_mem>>
      %dma_start3A = tpu.memref_slice %arg5[%mul3A_2] : memref<18432xf32, #tpu.memory_space<hbm>> -> memref<576xf32, #tpu.memory_space<hbm>>
      %dma_start3A_15 = tpu.memref_slice %arg5[%mul3A_2] : memref<18432xf32, #tpu.memory_space<hbm>> -> memref<576xf32, #tpu.memory_space<hbm>>
      tpu.enqueue_dma source(%dma_start3A_15 : memref<576xf32, #tpu.memory_space<hbm>>) target(%arg25 : memref<576xf32, #tpu.memory_space<vmem>>) target_semaphore(%run_scoped3A : memref<!tpu.dma_semaphore, #tpu.memory_space<semaphore_mem>>)
      %dma_wait3A = tpu.memref_slice %arg5[%mul3A_2] : memref<18432xf32, #tpu.memory_space<hbm>> -> memref<576xf32, #tpu.memory_space<hbm>>
      %dma_wait3A_16 = tpu.memref_slice %arg5[%mul3A_2] : memref<18432xf32, #tpu.memory_space<hbm>> -> memref<576xf32, #tpu.memory_space<hbm>>
      tpu.wait_dma2 semaphore(%run_scoped3A : memref<!tpu.dma_semaphore, #tpu.memory_space<semaphore_mem>>) src(%dma_wait3A_16 : memref<576xf32, #tpu.memory_space<hbm>>) dst(%arg25 : memref<576xf32, #tpu.memory_space<vmem>>)
      tpu.yield
    }) : () -> ()
    "tpu.region"() ({
      %run_scoped3A = tpu.sem_alloc : memref<!tpu.dma_semaphore, #tpu.memory_space<semaphore_mem>>
      %dma_start3A = tpu.memref_slice %arg6[%mul3A_2] : memref<18432xf32, #tpu.memory_space<hbm>> -> memref<576xf32, #tpu.memory_space<hbm>>
      %dma_start3A_15 = tpu.memref_slice %arg6[%mul3A_2] : memref<18432xf32, #tpu.memory_space<hbm>> -> memref<576xf32, #tpu.memory_space<hbm>>
      tpu.enqueue_dma source(%dma_start3A_15 : memref<576xf32, #tpu.memory_space<hbm>>) target(%arg26 : memref<576xf32, #tpu.memory_space<vmem>>) target_semaphore(%run_scoped3A : memref<!tpu.dma_semaphore, #tpu.memory_space<semaphore_mem>>)
      %dma_wait3A = tpu.memref_slice %arg6[%mul3A_2] : memref<18432xf32, #tpu.memory_space<hbm>> -> memref<576xf32, #tpu.memory_space<hbm>>
      %dma_wait3A_16 = tpu.memref_slice %arg6[%mul3A_2] : memref<18432xf32, #tpu.memory_space<hbm>> -> memref<576xf32, #tpu.memory_space<hbm>>
      tpu.wait_dma2 semaphore(%run_scoped3A : memref<!tpu.dma_semaphore, #tpu.memory_space<semaphore_mem>>) src(%dma_wait3A_16 : memref<576xf32, #tpu.memory_space<hbm>>) dst(%arg26 : memref<576xf32, #tpu.memory_space<vmem>>)
      tpu.yield
    }) : () -> ()
    "tpu.region"() ({
      %run_scoped3A = tpu.sem_alloc : memref<!tpu.dma_semaphore, #tpu.memory_space<semaphore_mem>>
      %dma_start3A = tpu.memref_slice %arg7[%mul3A_2] : memref<18432xf32, #tpu.memory_space<hbm>> -> memref<576xf32, #tpu.memory_space<hbm>>
      %dma_start3A_15 = tpu.memref_slice %arg7[%mul3A_2] : memref<18432xf32, #tpu.memory_space<hbm>> -> memref<576xf32, #tpu.memory_space<hbm>>
      tpu.enqueue_dma source(%dma_start3A_15 : memref<576xf32, #tpu.memory_space<hbm>>) target(%arg27 : memref<576xf32, #tpu.memory_space<vmem>>) target_semaphore(%run_scoped3A : memref<!tpu.dma_semaphore, #tpu.memory_space<semaphore_mem>>)
      %dma_wait3A = tpu.memref_slice %arg7[%mul3A_2] : memref<18432xf32, #tpu.memory_space<hbm>> -> memref<576xf32, #tpu.memory_space<hbm>>
      %dma_wait3A_16 = tpu.memref_slice %arg7[%mul3A_2] : memref<18432xf32, #tpu.memory_space<hbm>> -> memref<576xf32, #tpu.memory_space<hbm>>
      tpu.wait_dma2 semaphore(%run_scoped3A : memref<!tpu.dma_semaphore, #tpu.memory_space<semaphore_mem>>) src(%dma_wait3A_16 : memref<576xf32, #tpu.memory_space<hbm>>) dst(%arg27 : memref<576xf32, #tpu.memory_space<vmem>>)
      tpu.yield
    }) : () -> ()
    "tpu.region"() ({
      %run_scoped3A = tpu.sem_alloc : memref<!tpu.dma_semaphore, #tpu.memory_space<semaphore_mem>>
      %dma_start3A = tpu.memref_slice %arg8[%mul3A_2] : memref<18432xf32, #tpu.memory_space<hbm>> -> memref<576xf32, #tpu.memory_space<hbm>>
      %dma_start3A_15 = tpu.memref_slice %arg8[%mul3A_2] : memref<18432xf32, #tpu.memory_space<hbm>> -> memref<576xf32, #tpu.memory_space<hbm>>
      tpu.enqueue_dma source(%dma_start3A_15 : memref<576xf32, #tpu.memory_space<hbm>>) target(%arg28 : memref<576xf32, #tpu.memory_space<vmem>>) target_semaphore(%run_scoped3A : memref<!tpu.dma_semaphore, #tpu.memory_space<semaphore_mem>>)
      %dma_wait3A = tpu.memref_slice %arg8[%mul3A_2] : memref<18432xf32, #tpu.memory_space<hbm>> -> memref<576xf32, #tpu.memory_space<hbm>>
      %dma_wait3A_16 = tpu.memref_slice %arg8[%mul3A_2] : memref<18432xf32, #tpu.memory_space<hbm>> -> memref<576xf32, #tpu.memory_space<hbm>>
      tpu.wait_dma2 semaphore(%run_scoped3A : memref<!tpu.dma_semaphore, #tpu.memory_space<semaphore_mem>>) src(%dma_wait3A_16 : memref<576xf32, #tpu.memory_space<hbm>>) dst(%arg28 : memref<576xf32, #tpu.memory_space<vmem>>)
      tpu.yield
    }) : () -> ()
    "tpu.region"() ({
      %run_scoped3A = tpu.sem_alloc : memref<!tpu.dma_semaphore, #tpu.memory_space<semaphore_mem>>
      %dma_start3A = tpu.memref_slice %arg9[%mul3A_2] : memref<18432xf32, #tpu.memory_space<hbm>> -> memref<576xf32, #tpu.memory_space<hbm>>
      %dma_start3A_15 = tpu.memref_slice %arg9[%mul3A_2] : memref<18432xf32, #tpu.memory_space<hbm>> -> memref<576xf32, #tpu.memory_space<hbm>>
      tpu.enqueue_dma source(%dma_start3A_15 : memref<576xf32, #tpu.memory_space<hbm>>) target(%arg29 : memref<576xf32, #tpu.memory_space<vmem>>) target_semaphore(%run_scoped3A : memref<!tpu.dma_semaphore, #tpu.memory_space<semaphore_mem>>)
      %dma_wait3A = tpu.memref_slice %arg9[%mul3A_2] : memref<18432xf32, #tpu.memory_space<hbm>> -> memref<576xf32, #tpu.memory_space<hbm>>
      %dma_wait3A_16 = tpu.memref_slice %arg9[%mul3A_2] : memref<18432xf32, #tpu.memory_space<hbm>> -> memref<576xf32, #tpu.memory_space<hbm>>
      tpu.wait_dma2 semaphore(%run_scoped3A : memref<!tpu.dma_semaphore, #tpu.memory_space<semaphore_mem>>) src(%dma_wait3A_16 : memref<576xf32, #tpu.memory_space<hbm>>) dst(%arg29 : memref<576xf32, #tpu.memory_space<vmem>>)
      tpu.yield
    }) : () -> ()
    "tpu.region"() ({
      %run_scoped3A = tpu.sem_alloc : memref<!tpu.dma_semaphore, #tpu.memory_space<semaphore_mem>>
      %dma_start3A = tpu.memref_slice %arg10[%mul3A_2] : memref<18432xf32, #tpu.memory_space<hbm>> -> memref<576xf32, #tpu.memory_space<hbm>>
      %dma_start3A_15 = tpu.memref_slice %arg10[%mul3A_2] : memref<18432xf32, #tpu.memory_space<hbm>> -> memref<576xf32, #tpu.memory_space<hbm>>
      tpu.enqueue_dma source(%dma_start3A_15 : memref<576xf32, #tpu.memory_space<hbm>>) target(%arg30 : memref<576xf32, #tpu.memory_space<vmem>>) target_semaphore(%run_scoped3A : memref<!tpu.dma_semaphore, #tpu.memory_space<semaphore_mem>>)
      %dma_wait3A = tpu.memref_slice %arg10[%mul3A_2] : memref<18432xf32, #tpu.memory_space<hbm>> -> memref<576xf32, #tpu.memory_space<hbm>>
      %dma_wait3A_16 = tpu.memref_slice %arg10[%mul3A_2] : memref<18432xf32, #tpu.memory_space<hbm>> -> memref<576xf32, #tpu.memory_space<hbm>>
      tpu.wait_dma2 semaphore(%run_scoped3A : memref<!tpu.dma_semaphore, #tpu.memory_space<semaphore_mem>>) src(%dma_wait3A_16 : memref<576xf32, #tpu.memory_space<hbm>>) dst(%arg30 : memref<576xf32, #tpu.memory_space<vmem>>)
      tpu.yield
    }) : () -> ()
    "tpu.region"() ({
      %run_scoped3A = tpu.sem_alloc : memref<!tpu.dma_semaphore, #tpu.memory_space<semaphore_mem>>
      %dma_start3A = tpu.memref_slice %arg11[%mul3A_2] : memref<18432xf32, #tpu.memory_space<hbm>> -> memref<576xf32, #tpu.memory_space<hbm>>
      %dma_start3A_15 = tpu.memref_slice %arg11[%mul3A_2] : memref<18432xf32, #tpu.memory_space<hbm>> -> memref<576xf32, #tpu.memory_space<hbm>>
      tpu.enqueue_dma source(%dma_start3A_15 : memref<576xf32, #tpu.memory_space<hbm>>) target(%arg31 : memref<576xf32, #tpu.memory_space<vmem>>) target_semaphore(%run_scoped3A : memref<!tpu.dma_semaphore, #tpu.memory_space<semaphore_mem>>)
      %dma_wait3A = tpu.memref_slice %arg11[%mul3A_2] : memref<18432xf32, #tpu.memory_space<hbm>> -> memref<576xf32, #tpu.memory_space<hbm>>
      %dma_wait3A_16 = tpu.memref_slice %arg11[%mul3A_2] : memref<18432xf32, #tpu.memory_space<hbm>> -> memref<576xf32, #tpu.memory_space<hbm>>
      tpu.wait_dma2 semaphore(%run_scoped3A : memref<!tpu.dma_semaphore, #tpu.memory_space<semaphore_mem>>) src(%dma_wait3A_16 : memref<576xf32, #tpu.memory_space<hbm>>) dst(%arg31 : memref<576xf32, #tpu.memory_space<vmem>>)
      tpu.yield
    }) : () -> ()
    "tpu.region"() ({
      %run_scoped3A = tpu.sem_alloc : memref<!tpu.dma_semaphore, #tpu.memory_space<semaphore_mem>>
      %dma_start3A = tpu.memref_slice %arg12[%mul3A_2] : memref<18432xf32, #tpu.memory_space<hbm>> -> memref<576xf32, #tpu.memory_space<hbm>>
      %dma_start3A_15 = tpu.memref_slice %arg12[%mul3A_2] : memref<18432xf32, #tpu.memory_space<hbm>> -> memref<576xf32, #tpu.memory_space<hbm>>
      tpu.enqueue_dma source(%dma_start3A_15 : memref<576xf32, #tpu.memory_space<hbm>>) target(%arg32 : memref<576xf32, #tpu.memory_space<vmem>>) target_semaphore(%run_scoped3A : memref<!tpu.dma_semaphore, #tpu.memory_space<semaphore_mem>>)
      %dma_wait3A = tpu.memref_slice %arg12[%mul3A_2] : memref<18432xf32, #tpu.memory_space<hbm>> -> memref<576xf32, #tpu.memory_space<hbm>>
      %dma_wait3A_16 = tpu.memref_slice %arg12[%mul3A_2] : memref<18432xf32, #tpu.memory_space<hbm>> -> memref<576xf32, #tpu.memory_space<hbm>>
      tpu.wait_dma2 semaphore(%run_scoped3A : memref<!tpu.dma_semaphore, #tpu.memory_space<semaphore_mem>>) src(%dma_wait3A_16 : memref<576xf32, #tpu.memory_space<hbm>>) dst(%arg32 : memref<576xf32, #tpu.memory_space<vmem>>)
      tpu.yield
    }) : () -> ()
    "tpu.region"() ({
      %run_scoped3A = tpu.sem_alloc : memref<!tpu.dma_semaphore, #tpu.memory_space<semaphore_mem>>
      %dma_start3A = tpu.memref_slice %arg13[%mul3A_2] : memref<18432xf32, #tpu.memory_space<hbm>> -> memref<576xf32, #tpu.memory_space<hbm>>
      %dma_start3A_15 = tpu.memref_slice %arg13[%mul3A_2] : memref<18432xf32, #tpu.memory_space<hbm>> -> memref<576xf32, #tpu.memory_space<hbm>>
      tpu.enqueue_dma source(%dma_start3A_15 : memref<576xf32, #tpu.memory_space<hbm>>) target(%arg33 : memref<576xf32, #tpu.memory_space<vmem>>) target_semaphore(%run_scoped3A : memref<!tpu.dma_semaphore, #tpu.memory_space<semaphore_mem>>)
      %dma_wait3A = tpu.memref_slice %arg13[%mul3A_2] : memref<18432xf32, #tpu.memory_space<hbm>> -> memref<576xf32, #tpu.memory_space<hbm>>
      %dma_wait3A_16 = tpu.memref_slice %arg13[%mul3A_2] : memref<18432xf32, #tpu.memory_space<hbm>> -> memref<576xf32, #tpu.memory_space<hbm>>
      tpu.wait_dma2 semaphore(%run_scoped3A : memref<!tpu.dma_semaphore, #tpu.memory_space<semaphore_mem>>) src(%dma_wait3A_16 : memref<576xf32, #tpu.memory_space<hbm>>) dst(%arg33 : memref<576xf32, #tpu.memory_space<vmem>>)
      tpu.yield
    }) : () -> ()
    "tpu.region"() ({
      %run_scoped3A = tpu.sem_alloc : memref<!tpu.dma_semaphore, #tpu.memory_space<semaphore_mem>>
      %dma_start3A = tpu.memref_slice %arg14[%mul3A_2] : memref<18432xf32, #tpu.memory_space<hbm>> -> memref<576xf32, #tpu.memory_space<hbm>>
      %dma_start3A_15 = tpu.memref_slice %arg14[%mul3A_2] : memref<18432xf32, #tpu.memory_space<hbm>> -> memref<576xf32, #tpu.memory_space<hbm>>
      tpu.enqueue_dma source(%dma_start3A_15 : memref<576xf32, #tpu.memory_space<hbm>>) target(%arg34 : memref<576xf32, #tpu.memory_space<vmem>>) target_semaphore(%run_scoped3A : memref<!tpu.dma_semaphore, #tpu.memory_space<semaphore_mem>>)
      %dma_wait3A = tpu.memref_slice %arg14[%mul3A_2] : memref<18432xf32, #tpu.memory_space<hbm>> -> memref<576xf32, #tpu.memory_space<hbm>>
      %dma_wait3A_16 = tpu.memref_slice %arg14[%mul3A_2] : memref<18432xf32, #tpu.memory_space<hbm>> -> memref<576xf32, #tpu.memory_space<hbm>>
      tpu.wait_dma2 semaphore(%run_scoped3A : memref<!tpu.dma_semaphore, #tpu.memory_space<semaphore_mem>>) src(%dma_wait3A_16 : memref<576xf32, #tpu.memory_space<hbm>>) dst(%arg34 : memref<576xf32, #tpu.memory_space<vmem>>)
      tpu.yield
    }) : () -> ()
    "tpu.region"() ({
      %run_scoped3A = tpu.sem_alloc : memref<!tpu.dma_semaphore, #tpu.memory_space<semaphore_mem>>
      %dma_start3A = tpu.memref_slice %arg15[%mul3A_2] : memref<18432xi32, #tpu.memory_space<hbm>> -> memref<576xi32, #tpu.memory_space<hbm>>
      %dma_start3A_15 = tpu.memref_slice %arg15[%mul3A_2] : memref<18432xi32, #tpu.memory_space<hbm>> -> memref<576xi32, #tpu.memory_space<hbm>>
      tpu.enqueue_dma source(%dma_start3A_15 : memref<576xi32, #tpu.memory_space<hbm>>) target(%arg35 : memref<576xi32, #tpu.memory_space<vmem>>) target_semaphore(%run_scoped3A : memref<!tpu.dma_semaphore, #tpu.memory_space<semaphore_mem>>)
      %dma_wait3A = tpu.memref_slice %arg15[%mul3A_2] : memref<18432xi32, #tpu.memory_space<hbm>> -> memref<576xi32, #tpu.memory_space<hbm>>
      %dma_wait3A_16 = tpu.memref_slice %arg15[%mul3A_2] : memref<18432xi32, #tpu.memory_space<hbm>> -> memref<576xi32, #tpu.memory_space<hbm>>
      tpu.wait_dma2 semaphore(%run_scoped3A : memref<!tpu.dma_semaphore, #tpu.memory_space<semaphore_mem>>) src(%dma_wait3A_16 : memref<576xi32, #tpu.memory_space<hbm>>) dst(%arg35 : memref<576xi32, #tpu.memory_space<vmem>>)
      tpu.yield
    }) : () -> ()
    %broadcast_in_dim3A = arith.constant 0.000000e+00 : f32
    %broadcast_in_dim3A_3 = vector.broadcast %broadcast_in_dim3A : f32 to vector<16xf32>
    %scan3A = arith.constant 0 : i32
    %scan3A_4 = arith.constant 0 : i32
    %scan3A_5 = arith.constant 1024 : i32
    %scan3A_6 = arith.addi %scan3A_4, %scan3A_5 : i32
    %scan3A_7 = arith.constant 1 : i32
    scf.for %scan3A_15 = %scan3A_4 to %scan3A_6 step %scan3A_7  : i32 {
      %mul3A_16 = arith.constant 16 : i32
      %mul3A_17 = arith.muli %scan3A_15, %mul3A_16 : i32
      %swap3A = arith.index_cast %mul3A_17 : i32 to index
      %swap3A_18 = tpu.vector_load %arg36[%swap3A] {strides = array<i32>} : memref<16384xf32, #tpu.memory_space<vmem>>, vector<16xf32>,
      tpu.vector_store %arg36[%swap3A], %broadcast_in_dim3A_3 {strides = array<i32>} : memref<16384xf32, #tpu.memory_space<vmem>>, vector<16xf32>,
      %swap3A_19 = arith.index_cast %mul3A_17 : i32 to index
      %swap3A_20 = tpu.vector_load %arg37[%swap3A_19] {strides = array<i32>} : memref<16384xf32, #tpu.memory_space<vmem>>, vector<16xf32>,
      tpu.vector_store %arg37[%swap3A_19], %broadcast_in_dim3A_3 {strides = array<i32>} : memref<16384xf32, #tpu.memory_space<vmem>>, vector<16xf32>,
      %swap3A_21 = arith.index_cast %mul3A_17 : i32 to index
      %swap3A_22 = tpu.vector_load %arg38[%swap3A_21] {strides = array<i32>} : memref<16384xf32, #tpu.memory_space<vmem>>, vector<16xf32>,
      tpu.vector_store %arg38[%swap3A_21], %broadcast_in_dim3A_3 {strides = array<i32>} : memref<16384xf32, #tpu.memory_space<vmem>>, vector<16xf32>,
    }
    %scan3A_8 = arith.constant 1024 : i32
    %iota3A = tpu.iota {dimensions = array<i32: 0>} : vector<16xi32>
    %scan3A_9 = arith.constant 0 : i32
    %scan3A_10 = arith.constant 0 : i32
    %scan3A_11 = arith.constant 36 : i32
    %scan3A_12 = arith.addi %scan3A_10, %scan3A_11 : i32
    %scan3A_13 = arith.constant 1 : i32
    scf.for %scan3A_15 = %scan3A_10 to %scan3A_12 step %scan3A_13  : i32 {
      %mul3A_16 = arith.constant 16 : i32
      %mul3A_17 = arith.muli %scan3A_15, %mul3A_16 : i32
      %get3A = arith.index_cast %mul3A_17 : i32 to index
      %get3A_18 = tpu.vector_load %arg22[%get3A] {strides = array<i32>} : memref<576xf32, #tpu.memory_space<vmem>>, vector<16xf32>,
      %get3A_19 = arith.index_cast %mul3A_17 : i32 to index
      %get3A_20 = tpu.vector_load %arg23[%get3A_19] {strides = array<i32>} : memref<576xf32, #tpu.memory_space<vmem>>, vector<16xf32>,
      %get3A_21 = arith.index_cast %mul3A_17 : i32 to index
      %get3A_22 = tpu.vector_load %arg24[%get3A_21] {strides = array<i32>} : memref<576xf32, #tpu.memory_space<vmem>>, vector<16xf32>,
      %get3A_23 = arith.index_cast %mul3A_17 : i32 to index
      %get3A_24 = tpu.vector_load %arg25[%get3A_23] {strides = array<i32>} : memref<576xf32, #tpu.memory_space<vmem>>, vector<16xf32>,
      %get3A_25 = arith.index_cast %mul3A_17 : i32 to index
      %get3A_26 = tpu.vector_load %arg26[%get3A_25] {strides = array<i32>} : memref<576xf32, #tpu.memory_space<vmem>>, vector<16xf32>,
      %get3A_27 = arith.index_cast %mul3A_17 : i32 to index
      %get3A_28 = tpu.vector_load %arg27[%get3A_27] {strides = array<i32>} : memref<576xf32, #tpu.memory_space<vmem>>, vector<16xf32>,
      %get3A_29 = arith.index_cast %mul3A_17 : i32 to index
      %get3A_30 = tpu.vector_load %arg28[%get3A_29] {strides = array<i32>} : memref<576xf32, #tpu.memory_space<vmem>>, vector<16xf32>,
      %get3A_31 = arith.index_cast %mul3A_17 : i32 to index
      %get3A_32 = tpu.vector_load %arg29[%get3A_31] {strides = array<i32>} : memref<576xf32, #tpu.memory_space<vmem>>, vector<16xf32>,
      %get3A_33 = arith.index_cast %mul3A_17 : i32 to index
      %get3A_34 = tpu.vector_load %arg34[%get3A_33] {strides = array<i32>} : memref<576xf32, #tpu.memory_space<vmem>>, vector<16xf32>,
      %get3A_35 = arith.index_cast %mul3A_17 : i32 to index
      %get3A_36 = tpu.vector_load %arg35[%get3A_35] {strides = array<i32>} : memref<576xi32, #tpu.memory_space<vmem>>, vector<16xi32>,
      %mul3A_37 = arith.constant 16 : i32
      %mul3A_38 = arith.muli %scan3A_15, %mul3A_37 : i32
      %add3A_39 = arith.addi %mul3A_2, %mul3A_38 : i32
      %add3A_40 = vector.broadcast %add3A_39 : i32 to vector<16xi32>
      %add3A_41 = arith.addi %add3A_40, %iota3A : vector<16xi32>
      %lt3A = arith.constant 18000 : i32
      %lt3A_42 = vector.broadcast %lt3A : i32 to vector<16xi32>
      %lt3A_43 = arith.cmpi slt, %add3A_41, %lt3A_42 : vector<16xi32>
      %get3A_44 = arith.index_cast %mul3A_17 : i32 to index
      %get3A_45 = tpu.vector_load %arg30[%get3A_44] {strides = array<i32>} : memref<576xf32, #tpu.memory_space<vmem>>, vector<16xf32>,
      %bitcast_convert_type3A = tpu.bitcast %get3A_45 : vector<16xf32> -> vector<16xi32>
      %add3A_46 = arith.constant 32767 : i32
      %add3A_47 = vector.broadcast %add3A_46 : i32 to vector<16xi32>
      %add3A_48 = arith.addi %bitcast_convert_type3A, %add3A_47 : vector<16xi32>
      %shift_right_arithmetic3A = arith.constant 16 : i32
      %shift_right_arithmetic3A_49 = vector.broadcast %shift_right_arithmetic3A : i32 to vector<16xi32>
      %shift_right_arithmetic3A_50 = arith.shrsi %bitcast_convert_type3A, %shift_right_arithmetic3A_49 : vector<16xi32>
      %and3A = arith.constant 1 : i32
      %and3A_51 = vector.broadcast %and3A : i32 to vector<16xi32>
      %and3A_52 = arith.andi %shift_right_arithmetic3A_50, %and3A_51 : vector<16xi32>
      %add3A_53 = arith.addi %add3A_48, %and3A_52 : vector<16xi32>
      %and3A_54 = arith.constant -65536 : i32
      %and3A_55 = vector.broadcast %and3A_54 : i32 to vector<16xi32>
      %and3A_56 = arith.andi %add3A_53, %and3A_55 : vector<16xi32>
      %bitcast_convert_type3A_57 = tpu.bitcast %and3A_56 : vector<16xi32> -> vector<16xf32>
      %get3A_58 = arith.index_cast %mul3A_17 : i32 to index
      %get3A_59 = tpu.vector_load %arg31[%get3A_58] {strides = array<i32>} : memref<576xf32, #tpu.memory_space<vmem>>, vector<16xf32>,
      %bitcast_convert_type3A_60 = tpu.bitcast %get3A_59 : vector<16xf32> -> vector<16xi32>
      %add3A_61 = arith.constant 32767 : i32
      %add3A_62 = vector.broadcast %add3A_61 : i32 to vector<16xi32>
      %add3A_63 = arith.addi %bitcast_convert_type3A_60, %add3A_62 : vector<16xi32>
      %shift_right_arithmetic3A_64 = arith.constant 16 : i32
      %shift_right_arithmetic3A_65 = vector.broadcast %shift_right_arithmetic3A_64 : i32 to vector<16xi32>
      %shift_right_arithmetic3A_66 = arith.shrsi %bitcast_convert_type3A_60, %shift_right_arithmetic3A_65 : vector<16xi32>
      %and3A_67 = arith.constant 1 : i32
      %and3A_68 = vector.broadcast %and3A_67 : i32 to vector<16xi32>
      %and3A_69 = arith.andi %shift_right_arithmetic3A_66, %and3A_68 : vector<16xi32>
      %add3A_70 = arith.addi %add3A_63, %and3A_69 : vector<16xi32>
      %and3A_71 = arith.constant -65536 : i32
      %and3A_72 = vector.broadcast %and3A_71 : i32 to vector<16xi32>
      %and3A_73 = arith.andi %add3A_70, %and3A_72 : vector<16xi32>
      %bitcast_convert_type3A_74 = tpu.bitcast %and3A_73 : vector<16xi32> -> vector<16xf32>
      %get3A_75 = arith.index_cast %mul3A_17 : i32 to index
      %get3A_76 = tpu.vector_load %arg32[%get3A_75] {strides = array<i32>} : memref<576xf32, #tpu.memory_space<vmem>>, vector<16xf32>,
      %bitcast_convert_type3A_77 = tpu.bitcast %get3A_76 : vector<16xf32> -> vector<16xi32>
      %add3A_78 = arith.constant 32767 : i32
      %add3A_79 = vector.broadcast %add3A_78 : i32 to vector<16xi32>
      %add3A_80 = arith.addi %bitcast_convert_type3A_77, %add3A_79 : vector<16xi32>
      %shift_right_arithmetic3A_81 = arith.constant 16 : i32
      %shift_right_arithmetic3A_82 = vector.broadcast %shift_right_arithmetic3A_81 : i32 to vector<16xi32>
      %shift_right_arithmetic3A_83 = arith.shrsi %bitcast_convert_type3A_77, %shift_right_arithmetic3A_82 : vector<16xi32>
      %and3A_84 = arith.constant 1 : i32
      %and3A_85 = vector.broadcast %and3A_84 : i32 to vector<16xi32>
      %and3A_86 = arith.andi %shift_right_arithmetic3A_83, %and3A_85 : vector<16xi32>
      %add3A_87 = arith.addi %add3A_80, %and3A_86 : vector<16xi32>
      %and3A_88 = arith.constant -65536 : i32
      %and3A_89 = vector.broadcast %and3A_88 : i32 to vector<16xi32>
      %and3A_90 = arith.andi %add3A_87, %and3A_89 : vector<16xi32>
      %bitcast_convert_type3A_91 = tpu.bitcast %and3A_90 : vector<16xi32> -> vector<16xf32>
      %get3A_92 = arith.index_cast %mul3A_17 : i32 to index
      %get3A_93 = tpu.vector_load %arg33[%get3A_92] {strides = array<i32>} : memref<576xf32, #tpu.memory_space<vmem>>, vector<16xf32>,
      %bitcast_convert_type3A_94 = tpu.bitcast %get3A_93 : vector<16xf32> -> vector<16xi32>
      %add3A_95 = arith.constant 32767 : i32
      %add3A_96 = vector.broadcast %add3A_95 : i32 to vector<16xi32>
      %add3A_97 = arith.addi %bitcast_convert_type3A_94, %add3A_96 : vector<16xi32>
      %shift_right_arithmetic3A_98 = arith.constant 16 : i32
      %shift_right_arithmetic3A_99 = vector.broadcast %shift_right_arithmetic3A_98 : i32 to vector<16xi32>
      %shift_right_arithmetic3A_100 = arith.shrsi %bitcast_convert_type3A_94, %shift_right_arithmetic3A_99 : vector<16xi32>
      %and3A_101 = arith.constant 1 : i32
      %and3A_102 = vector.broadcast %and3A_101 : i32 to vector<16xi32>
      %and3A_103 = arith.andi %shift_right_arithmetic3A_100, %and3A_102 : vector<16xi32>
      %add3A_104 = arith.addi %add3A_97, %and3A_103 : vector<16xi32>
      %and3A_105 = arith.constant -65536 : i32
      %and3A_106 = vector.broadcast %and3A_105 : i32 to vector<16xi32>
      %and3A_107 = arith.andi %add3A_104, %and3A_106 : vector<16xi32>
      %bitcast_convert_type3A_108 = tpu.bitcast %and3A_107 : vector<16xi32> -> vector<16xf32>
      %mul3A_109 = arith.constant 9.99999974E-5 : f32
      %mul3A_110 = vector.broadcast %mul3A_109 : f32 to vector<16xf32>
      %mul3A_111 = arith.mulf %mul3A_110, %get3A_26 : vector<16xf32>
      %add3A_112 = arith.constant 1.000000e+00 : f32
      %add3A_113 = vector.broadcast %add3A_112 : f32 to vector<16xf32>
      %add3A_114 = arith.addf %add3A_113, %mul3A_111 : vector<16xf32>
      %bitcast_convert_type3A_115 = tpu.bitcast %add3A_114 : vector<16xf32> -> vector<16xi32>
      %add3A_116 = arith.constant 32767 : i32
      %add3A_117 = vector.broadcast %add3A_116 : i32 to vector<16xi32>
      %add3A_118 = arith.addi %bitcast_convert_type3A_115, %add3A_117 : vector<16xi32>
      %shift_right_arithmetic3A_119 = arith.constant 16 : i32
      %shift_right_arithmetic3A_120 = vector.broadcast %shift_right_arithmetic3A_119 : i32 to vector<16xi32>
      %shift_right_arithmetic3A_121 = arith.shrsi %bitcast_convert_type3A_115, %shift_right_arithmetic3A_120 : vector<16xi32>
      %and3A_122 = arith.constant 1 : i32
      %and3A_123 = vector.broadcast %and3A_122 : i32 to vector<16xi32>
      %and3A_124 = arith.andi %shift_right_arithmetic3A_121, %and3A_123 : vector<16xi32>
      %add3A_125 = arith.addi %add3A_118, %and3A_124 : vector<16xi32>
      %and3A_126 = arith.constant -65536 : i32
      %and3A_127 = vector.broadcast %and3A_126 : i32 to vector<16xi32>
      %and3A_128 = arith.andi %add3A_125, %and3A_127 : vector<16xi32>
      %bitcast_convert_type3A_129 = tpu.bitcast %and3A_128 : vector<16xi32> -> vector<16xf32>
      %mul3A_130 = arith.constant 9.99999974E-5 : f32
      %mul3A_131 = vector.broadcast %mul3A_130 : f32 to vector<16xf32>
      %mul3A_132 = arith.mulf %mul3A_131, %get3A_28 : vector<16xf32>
      %bitcast_convert_type3A_133 = tpu.bitcast %mul3A_132 : vector<16xf32> -> vector<16xi32>
      %add3A_134 = arith.constant 32767 : i32
      %add3A_135 = vector.broadcast %add3A_134 : i32 to vector<16xi32>
      %add3A_136 = arith.addi %bitcast_convert_type3A_133, %add3A_135 : vector<16xi32>
      %shift_right_arithmetic3A_137 = arith.constant 16 : i32
      %shift_right_arithmetic3A_138 = vector.broadcast %shift_right_arithmetic3A_137 : i32 to vector<16xi32>
      %shift_right_arithmetic3A_139 = arith.shrsi %bitcast_convert_type3A_133, %shift_right_arithmetic3A_138 : vector<16xi32>
      %and3A_140 = arith.constant 1 : i32
      %and3A_141 = vector.broadcast %and3A_140 : i32 to vector<16xi32>
      %and3A_142 = arith.andi %shift_right_arithmetic3A_139, %and3A_141 : vector<16xi32>
      %add3A_143 = arith.addi %add3A_136, %and3A_142 : vector<16xi32>
      %and3A_144 = arith.constant -65536 : i32
      %and3A_145 = vector.broadcast %and3A_144 : i32 to vector<16xi32>
      %and3A_146 = arith.andi %add3A_143, %and3A_145 : vector<16xi32>
      %bitcast_convert_type3A_147 = tpu.bitcast %and3A_146 : vector<16xi32> -> vector<16xf32>
      %mul3A_148 = arith.constant 9.99999974E-5 : f32
      %mul3A_149 = vector.broadcast %mul3A_148 : f32 to vector<16xf32>
      %mul3A_150 = arith.mulf %mul3A_149, %get3A_30 : vector<16xf32>
      %bitcast_convert_type3A_151 = tpu.bitcast %mul3A_150 : vector<16xf32> -> vector<16xi32>
      %add3A_152 = arith.constant 32767 : i32
      %add3A_153 = vector.broadcast %add3A_152 : i32 to vector<16xi32>
      %add3A_154 = arith.addi %bitcast_convert_type3A_151, %add3A_153 : vector<16xi32>
      %shift_right_arithmetic3A_155 = arith.constant 16 : i32
      %shift_right_arithmetic3A_156 = vector.broadcast %shift_right_arithmetic3A_155 : i32 to vector<16xi32>
      %shift_right_arithmetic3A_157 = arith.shrsi %bitcast_convert_type3A_151, %shift_right_arithmetic3A_156 : vector<16xi32>
      %and3A_158 = arith.constant 1 : i32
      %and3A_159 = vector.broadcast %and3A_158 : i32 to vector<16xi32>
      %and3A_160 = arith.andi %shift_right_arithmetic3A_157, %and3A_159 : vector<16xi32>
      %add3A_161 = arith.addi %add3A_154, %and3A_160 : vector<16xi32>
      %and3A_162 = arith.constant -65536 : i32
      %and3A_163 = vector.broadcast %and3A_162 : i32 to vector<16xi32>
      %and3A_164 = arith.andi %add3A_161, %and3A_163 : vector<16xi32>
      %bitcast_convert_type3A_165 = tpu.bitcast %and3A_164 : vector<16xi32> -> vector<16xf32>
      %mul3A_166 = arith.constant 9.99999974E-5 : f32
      %mul3A_167 = vector.broadcast %mul3A_166 : f32 to vector<16xf32>
      %mul3A_168 = arith.mulf %mul3A_167, %get3A_32 : vector<16xf32>
      %add3A_169 = arith.constant 1.000000e+00 : f32
      %add3A_170 = vector.broadcast %add3A_169 : f32 to vector<16xf32>
      %add3A_171 = arith.addf %add3A_170, %mul3A_168 : vector<16xf32>
      %bitcast_convert_type3A_172 = tpu.bitcast %add3A_171 : vector<16xf32> -> vector<16xi32>
      %add3A_173 = arith.constant 32767 : i32
      %add3A_174 = vector.broadcast %add3A_173 : i32 to vector<16xi32>
      %add3A_175 = arith.addi %bitcast_convert_type3A_172, %add3A_174 : vector<16xi32>
      %shift_right_arithmetic3A_176 = arith.constant 16 : i32
      %shift_right_arithmetic3A_177 = vector.broadcast %shift_right_arithmetic3A_176 : i32 to vector<16xi32>
      %shift_right_arithmetic3A_178 = arith.shrsi %bitcast_convert_type3A_172, %shift_right_arithmetic3A_177 : vector<16xi32>
      %and3A_179 = arith.constant 1 : i32
      %and3A_180 = vector.broadcast %and3A_179 : i32 to vector<16xi32>
      %and3A_181 = arith.andi %shift_right_arithmetic3A_178, %and3A_180 : vector<16xi32>
      %add3A_182 = arith.addi %add3A_175, %and3A_181 : vector<16xi32>
      %and3A_183 = arith.constant -65536 : i32
      %and3A_184 = vector.broadcast %and3A_183 : i32 to vector<16xi32>
      %and3A_185 = arith.andi %add3A_182, %and3A_184 : vector<16xi32>
      %bitcast_convert_type3A_186 = tpu.bitcast %and3A_185 : vector<16xi32> -> vector<16xf32>
      %mul3A_187 = arith.mulf %bitcast_convert_type3A_129, %bitcast_convert_type3A_57 : vector<16xf32>
      %mul3A_188 = arith.mulf %bitcast_convert_type3A_147, %bitcast_convert_type3A_91 : vector<16xf32>
      %add3A_189 = arith.addf %mul3A_187, %mul3A_188 : vector<16xf32>
      %mul3A_190 = arith.mulf %bitcast_convert_type3A_129, %bitcast_convert_type3A_74 : vector<16xf32>
      %mul3A_191 = arith.mulf %bitcast_convert_type3A_147, %bitcast_convert_type3A_108 : vector<16xf32>
      %add3A_192 = arith.addf %mul3A_190, %mul3A_191 : vector<16xf32>
      %mul3A_193 = arith.mulf %bitcast_convert_type3A_165, %bitcast_convert_type3A_57 : vector<16xf32>
      %mul3A_194 = arith.mulf %bitcast_convert_type3A_186, %bitcast_convert_type3A_91 : vector<16xf32>
      %add3A_195 = arith.addf %mul3A_193, %mul3A_194 : vector<16xf32>
      %mul3A_196 = arith.mulf %bitcast_convert_type3A_165, %bitcast_convert_type3A_74 : vector<16xf32>
      %mul3A_197 = arith.mulf %bitcast_convert_type3A_186, %bitcast_convert_type3A_108 : vector<16xf32>
      %add3A_198 = arith.addf %mul3A_196, %mul3A_197 : vector<16xf32>
      %eq3A = arith.constant 0 : i32
      %eq3A_199 = vector.broadcast %eq3A : i32 to vector<16xi32>
      %eq3A_200 = arith.cmpi eq, %get3A_36, %eq3A_199 : vector<16xi32>
      %eq3A_201 = arith.constant 1 : i32
      %eq3A_202 = vector.broadcast %eq3A_201 : i32 to vector<16xi32>
      %eq3A_203 = arith.cmpi eq, %get3A_36, %eq3A_202 : vector<16xi32>
      %eq3A_204 = arith.constant 2 : i32
      %eq3A_205 = vector.broadcast %eq3A_204 : i32 to vector<16xi32>
      %eq3A_206 = arith.cmpi eq, %get3A_36, %eq3A_205 : vector<16xi32>
      %sub3A = arith.constant 1.000000e+00 : f32
      %sub3A_207 = vector.broadcast %sub3A : f32 to vector<16xf32>
      %sub3A_208 = arith.subf %sub3A_207, %get3A_34 : vector<16xf32>
      %mul3A_209 = arith.constant 1.000000e+01 : f32
      %mul3A_210 = vector.broadcast %mul3A_209 : f32 to vector<16xf32>
      %mul3A_211 = arith.mulf %mul3A_210, %sub3A_208 : vector<16xf32>
      %exp3A = math.exp %mul3A_211 : vector<16xf32>
      %jit3A = arith.constant 1.000000e-01 : f32
      %jit3A_212 = arith.constant 5.000000e+00 : f32
      %max3A = vector.broadcast %jit3A : f32 to vector<16xf32>
      %max3A_213 = arith.maximumf %max3A, %exp3A : vector<16xf32>
      %min3A = vector.broadcast %jit3A_212 : f32 to vector<16xf32>
      %min3A_214 = arith.minimumf %min3A, %max3A_213 : vector<16xf32>
      %jit3A_215 = arith.constant 3.000000e-01 : f32
      %broadcast_in_dim3A_216 = vector.broadcast %jit3A_215 : f32 to vector<16xf32>
      %select_n3A = arith.select %eq3A_203, %broadcast_in_dim3A_216, %min3A_214 : vector<16xi1>, vector<16xf32>
      %mul3A_217 = arith.constant 2083.33325 : f32
      %mul3A_218 = vector.broadcast %mul3A_217 : f32 to vector<16xf32>
      %mul3A_219 = arith.mulf %mul3A_218, %select_n3A : vector<16xf32>
      %jit3A_220 = arith.constant 0.000000e+00 : f32
      %broadcast_in_dim3A_221 = vector.broadcast %jit3A_220 : f32 to vector<16xf32>
      %select_n3A_222 = arith.select %eq3A_200, %broadcast_in_dim3A_221, %mul3A_219 : vector<16xi1>, vector<16xf32>
      %mul3A_223 = arith.constant 1388.88892 : f32
      %mul3A_224 = vector.broadcast %mul3A_223 : f32 to vector<16xf32>
      %mul3A_225 = arith.mulf %mul3A_224, %select_n3A : vector<16xf32>
      %add3A_226 = arith.addf %add3A_189, %add3A_198 : vector<16xf32>
      %add3A_227 = arith.addf %add3A_189, %add3A_198 : vector<16xf32>
      %mul3A_228 = arith.mulf %add3A_226, %add3A_227 : vector<16xf32>
      %sub3A_229 = arith.subf %add3A_195, %add3A_192 : vector<16xf32>
      %sub3A_230 = arith.subf %add3A_195, %add3A_192 : vector<16xf32>
      %mul3A_231 = arith.mulf %sub3A_229, %sub3A_230 : vector<16xf32>
      %add3A_232 = arith.addf %mul3A_228, %mul3A_231 : vector<16xf32>
      %max3A_233 = arith.constant 1.000000e-30 : f32
      %max3A_234 = vector.broadcast %max3A_233 : f32 to vector<16xf32>
      %max3A_235 = arith.maximumf %add3A_232, %max3A_234 : vector<16xf32>
      %bitcast_convert_type3A_236 = tpu.bitcast %max3A_235 : vector<16xf32> -> vector<16xi32>
      %shift_right_arithmetic3A_237 = arith.constant 1 : i32
      %shift_right_arithmetic3A_238 = vector.broadcast %shift_right_arithmetic3A_237 : i32 to vector<16xi32>
      %shift_right_arithmetic3A_239 = arith.shrsi %bitcast_convert_type3A_236, %shift_right_arithmetic3A_238 : vector<16xi32>
      %sub3A_240 = arith.constant 1597463007 : i32
      %sub3A_241 = vector.broadcast %sub3A_240 : i32 to vector<16xi32>
      %sub3A_242 = arith.subi %sub3A_241, %shift_right_arithmetic3A_239 : vector<16xi32>
      %bitcast_convert_type3A_243 = tpu.bitcast %sub3A_242 : vector<16xi32> -> vector<16xf32>
      %mul3A_244 = arith.constant 5.000000e-01 : f32
      %mul3A_245 = vector.broadcast %mul3A_244 : f32 to vector<16xf32>
      %mul3A_246 = arith.mulf %mul3A_245, %max3A_235 : vector<16xf32>
      %mul3A_247 = arith.mulf %mul3A_246, %bitcast_convert_type3A_243 : vector<16xf32>
      %mul3A_248 = arith.mulf %mul3A_247, %bitcast_convert_type3A_243 : vector<16xf32>
      %sub3A_249 = arith.constant 1.500000e+00 : f32
      %sub3A_250 = vector.broadcast %sub3A_249 : f32 to vector<16xf32>
      %sub3A_251 = arith.subf %sub3A_250, %mul3A_248 : vector<16xf32>
      %mul3A_252 = arith.mulf %bitcast_convert_type3A_243, %sub3A_251 : vector<16xf32>
      %mul3A_253 = arith.constant 5.000000e-01 : f32
      %mul3A_254 = vector.broadcast %mul3A_253 : f32 to vector<16xf32>
      %mul3A_255 = arith.mulf %mul3A_254, %max3A_235 : vector<16xf32>
      %mul3A_256 = arith.mulf %mul3A_255, %mul3A_252 : vector<16xf32>
      %mul3A_257 = arith.mulf %mul3A_256, %mul3A_252 : vector<16xf32>
      %sub3A_258 = arith.constant 1.500000e+00 : f32
      %sub3A_259 = vector.broadcast %sub3A_258 : f32 to vector<16xf32>
      %sub3A_260 = arith.subf %sub3A_259, %mul3A_257 : vector<16xf32>
      %mul3A_261 = arith.mulf %mul3A_252, %sub3A_260 : vector<16xf32>
      %mul3A_262 = arith.constant 5.000000e-01 : f32
      %mul3A_263 = vector.broadcast %mul3A_262 : f32 to vector<16xf32>
      %mul3A_264 = arith.mulf %mul3A_263, %max3A_235 : vector<16xf32>
      %mul3A_265 = arith.mulf %mul3A_264, %mul3A_261 : vector<16xf32>
      %mul3A_266 = arith.mulf %mul3A_265, %mul3A_261 : vector<16xf32>
      %sub3A_267 = arith.constant 1.500000e+00 : f32
      %sub3A_268 = vector.broadcast %sub3A_267 : f32 to vector<16xf32>
      %sub3A_269 = arith.subf %sub3A_268, %mul3A_266 : vector<16xf32>
      %mul3A_270 = arith.mulf %mul3A_261, %sub3A_269 : vector<16xf32>
      %add3A_271 = arith.addf %add3A_189, %add3A_198 : vector<16xf32>
      %mul3A_272 = arith.mulf %add3A_271, %mul3A_270 : vector<16xf32>
      %sub3A_273 = arith.subf %add3A_195, %add3A_192 : vector<16xf32>
      %mul3A_274 = arith.mulf %sub3A_273, %mul3A_270 : vector<16xf32>
      %mul3A_275 = arith.mulf %mul3A_272, %add3A_192 : vector<16xf32>
      %mul3A_276 = arith.mulf %mul3A_274, %add3A_198 : vector<16xf32>
      %add3A_277 = arith.addf %mul3A_275, %mul3A_276 : vector<16xf32>
      %add3A_278 = arith.addf %add3A_189, %add3A_198 : vector<16xf32>
      %mul3A_279 = arith.mulf %mul3A_272, %add3A_278 : vector<16xf32>
      %sub3A_280 = arith.subf %add3A_195, %add3A_192 : vector<16xf32>
      %mul3A_281 = arith.mulf %mul3A_274, %sub3A_280 : vector<16xf32>
      %add3A_282 = arith.addf %mul3A_279, %mul3A_281 : vector<16xf32>
      %mul3A_283 = arith.constant 5.000000e-01 : f32
      %mul3A_284 = vector.broadcast %mul3A_283 : f32 to vector<16xf32>
      %mul3A_285 = arith.mulf %mul3A_284, %add3A_282 : vector<16xf32>
      %sub3A_286 = arith.subf %add3A_189, %add3A_198 : vector<16xf32>
      %mul3A_287 = arith.mulf %mul3A_272, %sub3A_286 : vector<16xf32>
      %add3A_288 = arith.addf %add3A_195, %add3A_192 : vector<16xf32>
      %mul3A_289 = arith.mulf %mul3A_274, %add3A_288 : vector<16xf32>
      %add3A_290 = arith.addf %mul3A_287, %mul3A_289 : vector<16xf32>
      %mul3A_291 = arith.constant 5.000000e-01 : f32
      %mul3A_292 = vector.broadcast %mul3A_291 : f32 to vector<16xf32>
      %mul3A_293 = arith.mulf %mul3A_292, %add3A_290 : vector<16xf32>
      %mul3A_294 = arith.mulf %mul3A_293, %mul3A_293 : vector<16xf32>
      %mul3A_295 = arith.mulf %add3A_277, %add3A_277 : vector<16xf32>
      %add3A_296 = arith.addf %mul3A_294, %mul3A_295 : vector<16xf32>
      %max3A_297 = arith.constant 1.000000e-30 : f32
      %max3A_298 = vector.broadcast %max3A_297 : f32 to vector<16xf32>
      %max3A_299 = arith.maximumf %add3A_296, %max3A_298 : vector<16xf32>
      %bitcast_convert_type3A_300 = tpu.bitcast %max3A_299 : vector<16xf32> -> vector<16xi32>
      %shift_right_arithmetic3A_301 = arith.constant 1 : i32
      %shift_right_arithmetic3A_302 = vector.broadcast %shift_right_arithmetic3A_301 : i32 to vector<16xi32>
      %shift_right_arithmetic3A_303 = arith.shrsi %bitcast_convert_type3A_300, %shift_right_arithmetic3A_302 : vector<16xi32>
      %sub3A_304 = arith.constant 1597463007 : i32
      %sub3A_305 = vector.broadcast %sub3A_304 : i32 to vector<16xi32>
      %sub3A_306 = arith.subi %sub3A_305, %shift_right_arithmetic3A_303 : vector<16xi32>
      %bitcast_convert_type3A_307 = tpu.bitcast %sub3A_306 : vector<16xi32> -> vector<16xf32>
      %mul3A_308 = arith.constant 5.000000e-01 : f32
      %mul3A_309 = vector.broadcast %mul3A_308 : f32 to vector<16xf32>
      %mul3A_310 = arith.mulf %mul3A_309, %max3A_299 : vector<16xf32>
      %mul3A_311 = arith.mulf %mul3A_310, %bitcast_convert_type3A_307 : vector<16xf32>
      %mul3A_312 = arith.mulf %mul3A_311, %bitcast_convert_type3A_307 : vector<16xf32>
      %sub3A_313 = arith.constant 1.500000e+00 : f32
      %sub3A_314 = vector.broadcast %sub3A_313 : f32 to vector<16xf32>
      %sub3A_315 = arith.subf %sub3A_314, %mul3A_312 : vector<16xf32>
      %mul3A_316 = arith.mulf %bitcast_convert_type3A_307, %sub3A_315 : vector<16xf32>
      %mul3A_317 = arith.constant 5.000000e-01 : f32
      %mul3A_318 = vector.broadcast %mul3A_317 : f32 to vector<16xf32>
      %mul3A_319 = arith.mulf %mul3A_318, %max3A_299 : vector<16xf32>
      %mul3A_320 = arith.mulf %mul3A_319, %mul3A_316 : vector<16xf32>
      %mul3A_321 = arith.mulf %mul3A_320, %mul3A_316 : vector<16xf32>
      %sub3A_322 = arith.constant 1.500000e+00 : f32
      %sub3A_323 = vector.broadcast %sub3A_322 : f32 to vector<16xf32>
      %sub3A_324 = arith.subf %sub3A_323, %mul3A_321 : vector<16xf32>
      %mul3A_325 = arith.mulf %mul3A_316, %sub3A_324 : vector<16xf32>
      %mul3A_326 = arith.constant 5.000000e-01 : f32
      %mul3A_327 = vector.broadcast %mul3A_326 : f32 to vector<16xf32>
      %mul3A_328 = arith.mulf %mul3A_327, %max3A_299 : vector<16xf32>
      %mul3A_329 = arith.mulf %mul3A_328, %mul3A_325 : vector<16xf32>
      %mul3A_330 = arith.mulf %mul3A_329, %mul3A_325 : vector<16xf32>
      %sub3A_331 = arith.constant 1.500000e+00 : f32
      %sub3A_332 = vector.broadcast %sub3A_331 : f32 to vector<16xf32>
      %sub3A_333 = arith.subf %sub3A_332, %mul3A_330 : vector<16xf32>
      %mul3A_334 = arith.mulf %mul3A_325, %sub3A_333 : vector<16xf32>
      %mul3A_335 = arith.mulf %add3A_296, %mul3A_334 : vector<16xf32>
      %add3A_336 = arith.addf %mul3A_285, %mul3A_335 : vector<16xf32>
      %sub3A_337 = arith.subf %mul3A_285, %mul3A_335 : vector<16xf32>
      %sub3A_338 = arith.subf %mul3A_335, %mul3A_293 : vector<16xf32>
      %add3A_339 = arith.addf %mul3A_335, %mul3A_293 : vector<16xf32>
      %mul3A_340 = arith.mulf %add3A_277, %add3A_277 : vector<16xf32>
      %mul3A_341 = arith.mulf %sub3A_338, %sub3A_338 : vector<16xf32>
      %add3A_342 = arith.addf %mul3A_340, %mul3A_341 : vector<16xf32>
      %mul3A_343 = arith.mulf %add3A_339, %add3A_339 : vector<16xf32>
      %mul3A_344 = arith.mulf %add3A_277, %add3A_277 : vector<16xf32>
      %add3A_345 = arith.addf %mul3A_343, %mul3A_344 : vector<16xf32>
      %ge3A = arith.cmpf oge, %add3A_342, %add3A_345 : vector<16xf32>
      %select_n3A_346 = arith.select %ge3A, %add3A_277, %add3A_339 : vector<16xi1>, vector<16xf32>
      %select_n3A_347 = arith.select %ge3A, %sub3A_338, %add3A_277 : vector<16xi1>, vector<16xf32>
      %mul3A_348 = arith.mulf %select_n3A_346, %select_n3A_346 : vector<16xf32>
      %mul3A_349 = arith.mulf %select_n3A_347, %select_n3A_347 : vector<16xf32>
      %add3A_350 = arith.addf %mul3A_348, %mul3A_349 : vector<16xf32>
      %lt3A_351 = arith.constant 1.000000e-30 : f32
      %lt3A_352 = vector.broadcast %lt3A_351 : f32 to vector<16xf32>
      %lt3A_353 = arith.cmpf olt, %add3A_350, %lt3A_352 : vector<16xf32>
      %jit3A_354 = arith.constant 1.000000e+00 : f32
      %broadcast_in_dim3A_355 = vector.broadcast %jit3A_354 : f32 to vector<16xf32>
      %select_n3A_356 = arith.select %lt3A_353, %broadcast_in_dim3A_355, %select_n3A_346 : vector<16xi1>, vector<16xf32>
      %jit3A_357 = arith.constant 0.000000e+00 : f32
      %broadcast_in_dim3A_358 = vector.broadcast %jit3A_357 : f32 to vector<16xf32>
      %select_n3A_359 = arith.select %lt3A_353, %broadcast_in_dim3A_358, %select_n3A_347 : vector<16xi1>, vector<16xf32>
      %jit3A_360 = arith.constant 1.000000e+00 : f32
      %broadcast_in_dim3A_361 = vector.broadcast %jit3A_360 : f32 to vector<16xf32>
      %select_n3A_362 = arith.select %lt3A_353, %broadcast_in_dim3A_361, %add3A_350 : vector<16xi1>, vector<16xf32>
      %bitcast_convert_type3A_363 = tpu.bitcast %select_n3A_362 : vector<16xf32> -> vector<16xi32>
      %shift_right_arithmetic3A_364 = arith.constant 1 : i32
      %shift_right_arithmetic3A_365 = vector.broadcast %shift_right_arithmetic3A_364 : i32 to vector<16xi32>
      %shift_right_arithmetic3A_366 = arith.shrsi %bitcast_convert_type3A_363, %shift_right_arithmetic3A_365 : vector<16xi32>
      %sub3A_367 = arith.constant 1597463007 : i32
      %sub3A_368 = vector.broadcast %sub3A_367 : i32 to vector<16xi32>
      %sub3A_369 = arith.subi %sub3A_368, %shift_right_arithmetic3A_366 : vector<16xi32>
      %bitcast_convert_type3A_370 = tpu.bitcast %sub3A_369 : vector<16xi32> -> vector<16xf32>
      %mul3A_371 = arith.constant 5.000000e-01 : f32
      %mul3A_372 = vector.broadcast %mul3A_371 : f32 to vector<16xf32>
      %mul3A_373 = arith.mulf %mul3A_372, %select_n3A_362 : vector<16xf32>
      %mul3A_374 = arith.mulf %mul3A_373, %bitcast_convert_type3A_370 : vector<16xf32>
      %mul3A_375 = arith.mulf %mul3A_374, %bitcast_convert_type3A_370 : vector<16xf32>
      %sub3A_376 = arith.constant 1.500000e+00 : f32
      %sub3A_377 = vector.broadcast %sub3A_376 : f32 to vector<16xf32>
      %sub3A_378 = arith.subf %sub3A_377, %mul3A_375 : vector<16xf32>
      %mul3A_379 = arith.mulf %bitcast_convert_type3A_370, %sub3A_378 : vector<16xf32>
      %mul3A_380 = arith.constant 5.000000e-01 : f32
      %mul3A_381 = vector.broadcast %mul3A_380 : f32 to vector<16xf32>
      %mul3A_382 = arith.mulf %mul3A_381, %select_n3A_362 : vector<16xf32>
      %mul3A_383 = arith.mulf %mul3A_382, %mul3A_379 : vector<16xf32>
      %mul3A_384 = arith.mulf %mul3A_383, %mul3A_379 : vector<16xf32>
      %sub3A_385 = arith.constant 1.500000e+00 : f32
      %sub3A_386 = vector.broadcast %sub3A_385 : f32 to vector<16xf32>
      %sub3A_387 = arith.subf %sub3A_386, %mul3A_384 : vector<16xf32>
      %mul3A_388 = arith.mulf %mul3A_379, %sub3A_387 : vector<16xf32>
      %mul3A_389 = arith.constant 5.000000e-01 : f32
      %mul3A_390 = vector.broadcast %mul3A_389 : f32 to vector<16xf32>
      %mul3A_391 = arith.mulf %mul3A_390, %select_n3A_362 : vector<16xf32>
      %mul3A_392 = arith.mulf %mul3A_391, %mul3A_388 : vector<16xf32>
      %mul3A_393 = arith.mulf %mul3A_392, %mul3A_388 : vector<16xf32>
      %sub3A_394 = arith.constant 1.500000e+00 : f32
      %sub3A_395 = vector.broadcast %sub3A_394 : f32 to vector<16xf32>
      %sub3A_396 = arith.subf %sub3A_395, %mul3A_393 : vector<16xf32>
      %mul3A_397 = arith.mulf %mul3A_388, %sub3A_396 : vector<16xf32>
      %mul3A_398 = arith.mulf %select_n3A_356, %mul3A_397 : vector<16xf32>
      %mul3A_399 = arith.mulf %select_n3A_359, %mul3A_397 : vector<16xf32>
      %jit3A_400 = arith.constant 9.750000e-01 : f32
      %jit3A_401 = arith.constant 1.004500e+00 : f32
      %max3A_402 = vector.broadcast %jit3A_400 : f32 to vector<16xf32>
      %max3A_403 = arith.maximumf %max3A_402, %add3A_336 : vector<16xf32>
      %min3A_404 = vector.broadcast %jit3A_401 : f32 to vector<16xf32>
      %min3A_405 = arith.minimumf %min3A_404, %max3A_403 : vector<16xf32>
      %select_n3A_406 = arith.select %eq3A_206, %min3A_405, %add3A_336 : vector<16xi1>, vector<16xf32>
      %jit3A_407 = arith.constant 9.750000e-01 : f32
      %jit3A_408 = arith.constant 1.004500e+00 : f32
      %max3A_409 = vector.broadcast %jit3A_407 : f32 to vector<16xf32>
      %max3A_410 = arith.maximumf %max3A_409, %sub3A_337 : vector<16xf32>
      %min3A_411 = vector.broadcast %jit3A_408 : f32 to vector<16xf32>
      %min3A_412 = arith.minimumf %min3A_411, %max3A_410 : vector<16xf32>
      %select_n3A_413 = arith.select %eq3A_206, %min3A_412, %sub3A_337 : vector<16xi1>, vector<16xf32>
      %max3A_414 = arith.constant 1.000000e-30 : f32
      %max3A_415 = vector.broadcast %max3A_414 : f32 to vector<16xf32>
      %max3A_416 = arith.maximumf %select_n3A_406, %max3A_415 : vector<16xf32>
      %bitcast_convert_type3A_417 = tpu.bitcast %max3A_416 : vector<16xf32> -> vector<16xi32>
      %shift_right_arithmetic3A_418 = arith.constant 1 : i32
      %shift_right_arithmetic3A_419 = vector.broadcast %shift_right_arithmetic3A_418 : i32 to vector<16xi32>
      %shift_right_arithmetic3A_420 = arith.shrsi %bitcast_convert_type3A_417, %shift_right_arithmetic3A_419 : vector<16xi32>
      %sub3A_421 = arith.constant 1597463007 : i32
      %sub3A_422 = vector.broadcast %sub3A_421 : i32 to vector<16xi32>
      %sub3A_423 = arith.subi %sub3A_422, %shift_right_arithmetic3A_420 : vector<16xi32>
      %bitcast_convert_type3A_424 = tpu.bitcast %sub3A_423 : vector<16xi32> -> vector<16xf32>
      %mul3A_425 = arith.constant 5.000000e-01 : f32
      %mul3A_426 = vector.broadcast %mul3A_425 : f32 to vector<16xf32>
      %mul3A_427 = arith.mulf %mul3A_426, %max3A_416 : vector<16xf32>
      %mul3A_428 = arith.mulf %mul3A_427, %bitcast_convert_type3A_424 : vector<16xf32>
      %mul3A_429 = arith.mulf %mul3A_428, %bitcast_convert_type3A_424 : vector<16xf32>
      %sub3A_430 = arith.constant 1.500000e+00 : f32
      %sub3A_431 = vector.broadcast %sub3A_430 : f32 to vector<16xf32>
      %sub3A_432 = arith.subf %sub3A_431, %mul3A_429 : vector<16xf32>
      %mul3A_433 = arith.mulf %bitcast_convert_type3A_424, %sub3A_432 : vector<16xf32>
      %mul3A_434 = arith.constant 5.000000e-01 : f32
      %mul3A_435 = vector.broadcast %mul3A_434 : f32 to vector<16xf32>
      %mul3A_436 = arith.mulf %mul3A_435, %max3A_416 : vector<16xf32>
      %mul3A_437 = arith.mulf %mul3A_436, %mul3A_433 : vector<16xf32>
      %mul3A_438 = arith.mulf %mul3A_437, %mul3A_433 : vector<16xf32>
      %sub3A_439 = arith.constant 1.500000e+00 : f32
      %sub3A_440 = vector.broadcast %sub3A_439 : f32 to vector<16xf32>
      %sub3A_441 = arith.subf %sub3A_440, %mul3A_438 : vector<16xf32>
      %mul3A_442 = arith.mulf %mul3A_433, %sub3A_441 : vector<16xf32>
      %mul3A_443 = arith.constant 5.000000e-01 : f32
      %mul3A_444 = vector.broadcast %mul3A_443 : f32 to vector<16xf32>
      %mul3A_445 = arith.mulf %mul3A_444, %max3A_416 : vector<16xf32>
      %mul3A_446 = arith.mulf %mul3A_445, %mul3A_442 : vector<16xf32>
      %mul3A_447 = arith.mulf %mul3A_446, %mul3A_442 : vector<16xf32>
      %sub3A_448 = arith.constant 1.500000e+00 : f32
      %sub3A_449 = vector.broadcast %sub3A_448 : f32 to vector<16xf32>
      %sub3A_450 = arith.subf %sub3A_449, %mul3A_447 : vector<16xf32>
      %mul3A_451 = arith.mulf %mul3A_442, %sub3A_450 : vector<16xf32>
      %mul3A_452 = arith.mulf %mul3A_451, %mul3A_451 : vector<16xf32>
      %mul3A_453 = arith.mulf %add3A_336, %mul3A_452 : vector<16xf32>
      %mul3A_454 = arith.mulf %get3A_34, %mul3A_453 : vector<16xf32>
      %max3A_455 = arith.constant 1.000000e-30 : f32
      %max3A_456 = vector.broadcast %max3A_455 : f32 to vector<16xf32>
      %max3A_457 = arith.maximumf %select_n3A_413, %max3A_456 : vector<16xf32>
      %bitcast_convert_type3A_458 = tpu.bitcast %max3A_457 : vector<16xf32> -> vector<16xi32>
      %shift_right_arithmetic3A_459 = arith.constant 1 : i32
      %shift_right_arithmetic3A_460 = vector.broadcast %shift_right_arithmetic3A_459 : i32 to vector<16xi32>
      %shift_right_arithmetic3A_461 = arith.shrsi %bitcast_convert_type3A_458, %shift_right_arithmetic3A_460 : vector<16xi32>
      %sub3A_462 = arith.constant 1597463007 : i32
      %sub3A_463 = vector.broadcast %sub3A_462 : i32 to vector<16xi32>
      %sub3A_464 = arith.subi %sub3A_463, %shift_right_arithmetic3A_461 : vector<16xi32>
      %bitcast_convert_type3A_465 = tpu.bitcast %sub3A_464 : vector<16xi32> -> vector<16xf32>
      %mul3A_466 = arith.constant 5.000000e-01 : f32
      %mul3A_467 = vector.broadcast %mul3A_466 : f32 to vector<16xf32>
      %mul3A_468 = arith.mulf %mul3A_467, %max3A_457 : vector<16xf32>
      %mul3A_469 = arith.mulf %mul3A_468, %bitcast_convert_type3A_465 : vector<16xf32>
      %mul3A_470 = arith.mulf %mul3A_469, %bitcast_convert_type3A_465 : vector<16xf32>
      %sub3A_471 = arith.constant 1.500000e+00 : f32
      %sub3A_472 = vector.broadcast %sub3A_471 : f32 to vector<16xf32>
      %sub3A_473 = arith.subf %sub3A_472, %mul3A_470 : vector<16xf32>
      %mul3A_474 = arith.mulf %bitcast_convert_type3A_465, %sub3A_473 : vector<16xf32>
      %mul3A_475 = arith.constant 5.000000e-01 : f32
      %mul3A_476 = vector.broadcast %mul3A_475 : f32 to vector<16xf32>
      %mul3A_477 = arith.mulf %mul3A_476, %max3A_457 : vector<16xf32>
      %mul3A_478 = arith.mulf %mul3A_477, %mul3A_474 : vector<16xf32>
      %mul3A_479 = arith.mulf %mul3A_478, %mul3A_474 : vector<16xf32>
      %sub3A_480 = arith.constant 1.500000e+00 : f32
      %sub3A_481 = vector.broadcast %sub3A_480 : f32 to vector<16xf32>
      %sub3A_482 = arith.subf %sub3A_481, %mul3A_479 : vector<16xf32>
      %mul3A_483 = arith.mulf %mul3A_474, %sub3A_482 : vector<16xf32>
      %mul3A_484 = arith.constant 5.000000e-01 : f32
      %mul3A_485 = vector.broadcast %mul3A_484 : f32 to vector<16xf32>
      %mul3A_486 = arith.mulf %mul3A_485, %max3A_457 : vector<16xf32>
      %mul3A_487 = arith.mulf %mul3A_486, %mul3A_483 : vector<16xf32>
      %mul3A_488 = arith.mulf %mul3A_487, %mul3A_483 : vector<16xf32>
      %sub3A_489 = arith.constant 1.500000e+00 : f32
      %sub3A_490 = vector.broadcast %sub3A_489 : f32 to vector<16xf32>
      %sub3A_491 = arith.subf %sub3A_490, %mul3A_488 : vector<16xf32>
      %mul3A_492 = arith.mulf %mul3A_483, %sub3A_491 : vector<16xf32>
      %mul3A_493 = arith.mulf %mul3A_492, %mul3A_492 : vector<16xf32>
      %mul3A_494 = arith.mulf %sub3A_337, %mul3A_493 : vector<16xf32>
      %mul3A_495 = arith.mulf %mul3A_454, %mul3A_494 : vector<16xf32>
      %mul3A_496 = arith.mulf %select_n3A_406, %select_n3A_413 : vector<16xf32>
      %mul3A_497 = arith.mulf %mul3A_272, %mul3A_398 : vector<16xf32>
      %mul3A_498 = arith.mulf %mul3A_274, %mul3A_399 : vector<16xf32>
      %sub3A_499 = arith.subf %mul3A_497, %mul3A_498 : vector<16xf32>
      %mul3A_500 = arith.mulf %mul3A_274, %mul3A_398 : vector<16xf32>
      %mul3A_501 = arith.mulf %mul3A_272, %mul3A_399 : vector<16xf32>
      %add3A_502 = arith.addf %mul3A_500, %mul3A_501 : vector<16xf32>
      %max3A_503 = arith.constant 1.000000e-07 : f32
      %max3A_504 = vector.broadcast %max3A_503 : f32 to vector<16xf32>
      %max3A_505 = arith.maximumf %mul3A_335, %max3A_504 : vector<16xf32>
      %bitcast_convert_type3A_506 = tpu.bitcast %max3A_505 : vector<16xf32> -> vector<16xi32>
      %shift_right_arithmetic3A_507 = arith.constant 1 : i32
      %shift_right_arithmetic3A_508 = vector.broadcast %shift_right_arithmetic3A_507 : i32 to vector<16xi32>
      %shift_right_arithmetic3A_509 = arith.shrsi %bitcast_convert_type3A_506, %shift_right_arithmetic3A_508 : vector<16xi32>
      %sub3A_510 = arith.constant 1597463007 : i32
      %sub3A_511 = vector.broadcast %sub3A_510 : i32 to vector<16xi32>
      %sub3A_512 = arith.subi %sub3A_511, %shift_right_arithmetic3A_509 : vector<16xi32>
      %bitcast_convert_type3A_513 = tpu.bitcast %sub3A_512 : vector<16xi32> -> vector<16xf32>
      %mul3A_514 = arith.constant 5.000000e-01 : f32
      %mul3A_515 = vector.broadcast %mul3A_514 : f32 to vector<16xf32>
      %mul3A_516 = arith.mulf %mul3A_515, %max3A_505 : vector<16xf32>
      %mul3A_517 = arith.mulf %mul3A_516, %bitcast_convert_type3A_513 : vector<16xf32>
      %mul3A_518 = arith.mulf %mul3A_517, %bitcast_convert_type3A_513 : vector<16xf32>
      %sub3A_519 = arith.constant 1.500000e+00 : f32
      %sub3A_520 = vector.broadcast %sub3A_519 : f32 to vector<16xf32>
      %sub3A_521 = arith.subf %sub3A_520, %mul3A_518 : vector<16xf32>
      %mul3A_522 = arith.mulf %bitcast_convert_type3A_513, %sub3A_521 : vector<16xf32>
      %mul3A_523 = arith.constant 5.000000e-01 : f32
      %mul3A_524 = vector.broadcast %mul3A_523 : f32 to vector<16xf32>
      %mul3A_525 = arith.mulf %mul3A_524, %max3A_505 : vector<16xf32>
      %mul3A_526 = arith.mulf %mul3A_525, %mul3A_522 : vector<16xf32>
      %mul3A_527 = arith.mulf %mul3A_526, %mul3A_522 : vector<16xf32>
      %sub3A_528 = arith.constant 1.500000e+00 : f32
      %sub3A_529 = vector.broadcast %sub3A_528 : f32 to vector<16xf32>
      %sub3A_530 = arith.subf %sub3A_529, %mul3A_527 : vector<16xf32>
      %mul3A_531 = arith.mulf %mul3A_522, %sub3A_530 : vector<16xf32>
      %mul3A_532 = arith.constant 5.000000e-01 : f32
      %mul3A_533 = vector.broadcast %mul3A_532 : f32 to vector<16xf32>
      %mul3A_534 = arith.mulf %mul3A_533, %max3A_505 : vector<16xf32>
      %mul3A_535 = arith.mulf %mul3A_534, %mul3A_531 : vector<16xf32>
      %mul3A_536 = arith.mulf %mul3A_535, %mul3A_531 : vector<16xf32>
      %sub3A_537 = arith.constant 1.500000e+00 : f32
      %sub3A_538 = vector.broadcast %sub3A_537 : f32 to vector<16xf32>
      %sub3A_539 = arith.subf %sub3A_538, %mul3A_536 : vector<16xf32>
      %mul3A_540 = arith.mulf %mul3A_531, %sub3A_539 : vector<16xf32>
      %mul3A_541 = arith.mulf %mul3A_540, %mul3A_540 : vector<16xf32>
      %mul3A_542 = arith.constant 1.300000e-08 : f32
      %mul3A_543 = vector.broadcast %mul3A_542 : f32 to vector<16xf32>
      %mul3A_544 = arith.mulf %mul3A_543, %mul3A_541 : vector<16xf32>
      %abs3A = math.absf %sub3A_499 : vector<16xf32>
      %abs3A_545 = math.absf %add3A_502 : vector<16xf32>
      %abs3A_546 = math.absf %mul3A_398 : vector<16xf32>
      %abs3A_547 = math.absf %mul3A_399 : vector<16xf32>
      %mul3A_548 = arith.mulf %mul3A_544, %abs3A_545 : vector<16xf32>
      %bitcast_convert_type3A_549 = tpu.bitcast %sub3A_499 : vector<16xf32> -> vector<16xi32>
      %add3A_550 = arith.constant 32767 : i32
      %add3A_551 = vector.broadcast %add3A_550 : i32 to vector<16xi32>
      %add3A_552 = arith.addi %bitcast_convert_type3A_549, %add3A_551 : vector<16xi32>
      %shift_right_arithmetic3A_553 = arith.constant 16 : i32
      %shift_right_arithmetic3A_554 = vector.broadcast %shift_right_arithmetic3A_553 : i32 to vector<16xi32>
      %shift_right_arithmetic3A_555 = arith.shrsi %bitcast_convert_type3A_549, %shift_right_arithmetic3A_554 : vector<16xi32>
      %and3A_556 = arith.constant 1 : i32
      %and3A_557 = vector.broadcast %and3A_556 : i32 to vector<16xi32>
      %and3A_558 = arith.andi %shift_right_arithmetic3A_555, %and3A_557 : vector<16xi32>
      %add3A_559 = arith.addi %add3A_552, %and3A_558 : vector<16xi32>
      %and3A_560 = arith.constant -65536 : i32
      %and3A_561 = vector.broadcast %and3A_560 : i32 to vector<16xi32>
      %and3A_562 = arith.andi %add3A_559, %and3A_561 : vector<16xi32>
      %bitcast_convert_type3A_563 = tpu.bitcast %and3A_562 : vector<16xi32> -> vector<16xf32>
      %bitcast_convert_type3A_564 = tpu.bitcast %bitcast_convert_type3A_563 : vector<16xf32> -> vector<16xi32>
      %and3A_565 = arith.constant 2139095040 : i32
      %and3A_566 = vector.broadcast %and3A_565 : i32 to vector<16xi32>
      %and3A_567 = arith.andi %bitcast_convert_type3A_564, %and3A_566 : vector<16xi32>
      %bitcast_convert_type3A_568 = tpu.bitcast %and3A_567 : vector<16xi32> -> vector<16xf32>
      %mul3A_569 = arith.constant 7.812500e-03 : f32
      %mul3A_570 = vector.broadcast %mul3A_569 : f32 to vector<16xf32>
      %mul3A_571 = arith.mulf %bitcast_convert_type3A_568, %mul3A_570 : vector<16xf32>
      %max3A_572 = arith.constant 9.99999996E-13 : f32
      %max3A_573 = vector.broadcast %max3A_572 : f32 to vector<16xf32>
      %max3A_574 = arith.maximumf %mul3A_571, %max3A_573 : vector<16xf32>
      %sub3A_575 = arith.subf %sub3A_499, %bitcast_convert_type3A_563 : vector<16xf32>
      %mul3A_576 = arith.constant 5.000000e-01 : f32
      %mul3A_577 = vector.broadcast %mul3A_576 : f32 to vector<16xf32>
      %mul3A_578 = arith.mulf %mul3A_577, %max3A_574 : vector<16xf32>
      %abs3A_579 = math.absf %sub3A_575 : vector<16xf32>
      %sub3A_580 = arith.subf %mul3A_578, %abs3A_579 : vector<16xf32>
      %max3A_581 = arith.constant 0.000000e+00 : f32
      %max3A_582 = vector.broadcast %max3A_581 : f32 to vector<16xf32>
      %max3A_583 = arith.maximumf %sub3A_580, %max3A_582 : vector<16xf32>
      %neg3A = arith.constant 0.000000e+00 : f32
      %neg3A_584 = vector.broadcast %neg3A : f32 to vector<16xf32>
      %neg3A_585 = arith.subf %neg3A_584, %max3A_583 : vector<16xf32>
      %max3A_586 = arith.constant 9.99999996E-13 : f32
      %max3A_587 = vector.broadcast %max3A_586 : f32 to vector<16xf32>
      %max3A_588 = arith.maximumf %mul3A_548, %max3A_587 : vector<16xf32>
      %bitcast_convert_type3A_589 = tpu.bitcast %max3A_588 : vector<16xf32> -> vector<16xi32>
      %shift_right_arithmetic3A_590 = arith.constant 1 : i32
      %shift_right_arithmetic3A_591 = vector.broadcast %shift_right_arithmetic3A_590 : i32 to vector<16xi32>
      %shift_right_arithmetic3A_592 = arith.shrsi %bitcast_convert_type3A_589, %shift_right_arithmetic3A_591 : vector<16xi32>
      %sub3A_593 = arith.constant 1597463007 : i32
      %sub3A_594 = vector.broadcast %sub3A_593 : i32 to vector<16xi32>
      %sub3A_595 = arith.subi %sub3A_594, %shift_right_arithmetic3A_592 : vector<16xi32>
      %bitcast_convert_type3A_596 = tpu.bitcast %sub3A_595 : vector<16xi32> -> vector<16xf32>
      %mul3A_597 = arith.constant 5.000000e-01 : f32
      %mul3A_598 = vector.broadcast %mul3A_597 : f32 to vector<16xf32>
      %mul3A_599 = arith.mulf %mul3A_598, %max3A_588 : vector<16xf32>
      %mul3A_600 = arith.mulf %mul3A_599, %bitcast_convert_type3A_596 : vector<16xf32>
      %mul3A_601 = arith.mulf %mul3A_600, %bitcast_convert_type3A_596 : vector<16xf32>
      %sub3A_602 = arith.constant 1.500000e+00 : f32
      %sub3A_603 = vector.broadcast %sub3A_602 : f32 to vector<16xf32>
      %sub3A_604 = arith.subf %sub3A_603, %mul3A_601 : vector<16xf32>
      %mul3A_605 = arith.mulf %bitcast_convert_type3A_596, %sub3A_604 : vector<16xf32>
      %mul3A_606 = arith.constant 5.000000e-01 : f32
      %mul3A_607 = vector.broadcast %mul3A_606 : f32 to vector<16xf32>
      %mul3A_608 = arith.mulf %mul3A_607, %max3A_588 : vector<16xf32>
      %mul3A_609 = arith.mulf %mul3A_608, %mul3A_605 : vector<16xf32>
      %mul3A_610 = arith.mulf %mul3A_609, %mul3A_605 : vector<16xf32>
      %sub3A_611 = arith.constant 1.500000e+00 : f32
      %sub3A_612 = vector.broadcast %sub3A_611 : f32 to vector<16xf32>
      %sub3A_613 = arith.subf %sub3A_612, %mul3A_610 : vector<16xf32>
      %mul3A_614 = arith.mulf %mul3A_605, %sub3A_613 : vector<16xf32>
      %mul3A_615 = arith.constant 5.000000e-01 : f32
      %mul3A_616 = vector.broadcast %mul3A_615 : f32 to vector<16xf32>
      %mul3A_617 = arith.mulf %mul3A_616, %max3A_588 : vector<16xf32>
      %mul3A_618 = arith.mulf %mul3A_617, %mul3A_614 : vector<16xf32>
      %mul3A_619 = arith.mulf %mul3A_618, %mul3A_614 : vector<16xf32>
      %sub3A_620 = arith.constant 1.500000e+00 : f32
      %sub3A_621 = vector.broadcast %sub3A_620 : f32 to vector<16xf32>
      %sub3A_622 = arith.subf %sub3A_621, %mul3A_619 : vector<16xf32>
      %mul3A_623 = arith.mulf %mul3A_614, %sub3A_622 : vector<16xf32>
      %mul3A_624 = arith.mulf %mul3A_623, %mul3A_623 : vector<16xf32>
      %mul3A_625 = arith.mulf %neg3A_585, %mul3A_624 : vector<16xf32>
      %exp3A_626 = math.exp %mul3A_625 : vector<16xf32>
      %mul3A_627 = arith.constant 5.000000e-01 : f32
      %mul3A_628 = vector.broadcast %mul3A_627 : f32 to vector<16xf32>
      %mul3A_629 = arith.mulf %mul3A_628, %exp3A_626 : vector<16xf32>
      %sign3A = tpu.bitcast %sub3A_575 : vector<16xf32> -> vector<16xi32>
      %sign3A_630 = arith.constant -2147483648 : i32
      %sign3A_631 = vector.broadcast %sign3A_630 : i32 to vector<16xi32>
      %sign3A_632 = arith.andi %sign3A, %sign3A_631 : vector<16xi32>
      %sign3A_633 = arith.constant 1065353216 : i32
      %sign3A_634 = vector.broadcast %sign3A_633 : i32 to vector<16xi32>
      %sign3A_635 = arith.ori %sign3A_634, %sign3A_632 : vector<16xi32>
      %sign3A_636 = tpu.bitcast %sign3A_635 : vector<16xi32> -> vector<16xf32>
      %sign3A_637 = math.absf %sub3A_575 : vector<16xf32>
      %sign3A_638 = arith.constant 0.000000e+00 : f32
      %sign3A_639 = vector.broadcast %sign3A_638 : f32 to vector<16xf32>
      %sign3A_640 = arith.cmpf ogt, %sign3A_637, %sign3A_639 : vector<16xf32>
      %sign3A_641 = arith.select %sign3A_640, %sign3A_636, %sub3A_575 : vector<16xi1>, vector<16xf32>
      %mul3A_642 = arith.mulf %max3A_574, %mul3A_629 : vector<16xf32>
      %mul3A_643 = arith.mulf %sign3A_641, %mul3A_642 : vector<16xf32>
      %add3A_644 = arith.addf %bitcast_convert_type3A_563, %mul3A_643 : vector<16xf32>
      %mul3A_645 = arith.mulf %mul3A_544, %abs3A : vector<16xf32>
      %bitcast_convert_type3A_646 = tpu.bitcast %add3A_502 : vector<16xf32> -> vector<16xi32>
      %add3A_647 = arith.constant 32767 : i32
      %add3A_648 = vector.broadcast %add3A_647 : i32 to vector<16xi32>
      %add3A_649 = arith.addi %bitcast_convert_type3A_646, %add3A_648 : vector<16xi32>
      %shift_right_arithmetic3A_650 = arith.constant 16 : i32
      %shift_right_arithmetic3A_651 = vector.broadcast %shift_right_arithmetic3A_650 : i32 to vector<16xi32>
      %shift_right_arithmetic3A_652 = arith.shrsi %bitcast_convert_type3A_646, %shift_right_arithmetic3A_651 : vector<16xi32>
      %and3A_653 = arith.constant 1 : i32
      %and3A_654 = vector.broadcast %and3A_653 : i32 to vector<16xi32>
      %and3A_655 = arith.andi %shift_right_arithmetic3A_652, %and3A_654 : vector<16xi32>
      %add3A_656 = arith.addi %add3A_649, %and3A_655 : vector<16xi32>
      %and3A_657 = arith.constant -65536 : i32
      %and3A_658 = vector.broadcast %and3A_657 : i32 to vector<16xi32>
      %and3A_659 = arith.andi %add3A_656, %and3A_658 : vector<16xi32>
      %bitcast_convert_type3A_660 = tpu.bitcast %and3A_659 : vector<16xi32> -> vector<16xf32>
      %bitcast_convert_type3A_661 = tpu.bitcast %bitcast_convert_type3A_660 : vector<16xf32> -> vector<16xi32>
      %and3A_662 = arith.constant 2139095040 : i32
      %and3A_663 = vector.broadcast %and3A_662 : i32 to vector<16xi32>
      %and3A_664 = arith.andi %bitcast_convert_type3A_661, %and3A_663 : vector<16xi32>
      %bitcast_convert_type3A_665 = tpu.bitcast %and3A_664 : vector<16xi32> -> vector<16xf32>
      %mul3A_666 = arith.constant 7.812500e-03 : f32
      %mul3A_667 = vector.broadcast %mul3A_666 : f32 to vector<16xf32>
      %mul3A_668 = arith.mulf %bitcast_convert_type3A_665, %mul3A_667 : vector<16xf32>
      %max3A_669 = arith.constant 9.99999996E-13 : f32
      %max3A_670 = vector.broadcast %max3A_669 : f32 to vector<16xf32>
      %max3A_671 = arith.maximumf %mul3A_668, %max3A_670 : vector<16xf32>
      %sub3A_672 = arith.subf %add3A_502, %bitcast_convert_type3A_660 : vector<16xf32>
      %mul3A_673 = arith.constant 5.000000e-01 : f32
      %mul3A_674 = vector.broadcast %mul3A_673 : f32 to vector<16xf32>
      %mul3A_675 = arith.mulf %mul3A_674, %max3A_671 : vector<16xf32>
      %abs3A_676 = math.absf %sub3A_672 : vector<16xf32>
      %sub3A_677 = arith.subf %mul3A_675, %abs3A_676 : vector<16xf32>
      %max3A_678 = arith.constant 0.000000e+00 : f32
      %max3A_679 = vector.broadcast %max3A_678 : f32 to vector<16xf32>
      %max3A_680 = arith.maximumf %sub3A_677, %max3A_679 : vector<16xf32>
      %neg3A_681 = arith.constant 0.000000e+00 : f32
      %neg3A_682 = vector.broadcast %neg3A_681 : f32 to vector<16xf32>
      %neg3A_683 = arith.subf %neg3A_682, %max3A_680 : vector<16xf32>
      %max3A_684 = arith.constant 9.99999996E-13 : f32
      %max3A_685 = vector.broadcast %max3A_684 : f32 to vector<16xf32>
      %max3A_686 = arith.maximumf %mul3A_645, %max3A_685 : vector<16xf32>
      %bitcast_convert_type3A_687 = tpu.bitcast %max3A_686 : vector<16xf32> -> vector<16xi32>
      %shift_right_arithmetic3A_688 = arith.constant 1 : i32
      %shift_right_arithmetic3A_689 = vector.broadcast %shift_right_arithmetic3A_688 : i32 to vector<16xi32>
      %shift_right_arithmetic3A_690 = arith.shrsi %bitcast_convert_type3A_687, %shift_right_arithmetic3A_689 : vector<16xi32>
      %sub3A_691 = arith.constant 1597463007 : i32
      %sub3A_692 = vector.broadcast %sub3A_691 : i32 to vector<16xi32>
      %sub3A_693 = arith.subi %sub3A_692, %shift_right_arithmetic3A_690 : vector<16xi32>
      %bitcast_convert_type3A_694 = tpu.bitcast %sub3A_693 : vector<16xi32> -> vector<16xf32>
      %mul3A_695 = arith.constant 5.000000e-01 : f32
      %mul3A_696 = vector.broadcast %mul3A_695 : f32 to vector<16xf32>
      %mul3A_697 = arith.mulf %mul3A_696, %max3A_686 : vector<16xf32>
      %mul3A_698 = arith.mulf %mul3A_697, %bitcast_convert_type3A_694 : vector<16xf32>
      %mul3A_699 = arith.mulf %mul3A_698, %bitcast_convert_type3A_694 : vector<16xf32>
      %sub3A_700 = arith.constant 1.500000e+00 : f32
      %sub3A_701 = vector.broadcast %sub3A_700 : f32 to vector<16xf32>
      %sub3A_702 = arith.subf %sub3A_701, %mul3A_699 : vector<16xf32>
      %mul3A_703 = arith.mulf %bitcast_convert_type3A_694, %sub3A_702 : vector<16xf32>
      %mul3A_704 = arith.constant 5.000000e-01 : f32
      %mul3A_705 = vector.broadcast %mul3A_704 : f32 to vector<16xf32>
      %mul3A_706 = arith.mulf %mul3A_705, %max3A_686 : vector<16xf32>
      %mul3A_707 = arith.mulf %mul3A_706, %mul3A_703 : vector<16xf32>
      %mul3A_708 = arith.mulf %mul3A_707, %mul3A_703 : vector<16xf32>
      %sub3A_709 = arith.constant 1.500000e+00 : f32
      %sub3A_710 = vector.broadcast %sub3A_709 : f32 to vector<16xf32>
      %sub3A_711 = arith.subf %sub3A_710, %mul3A_708 : vector<16xf32>
      %mul3A_712 = arith.mulf %mul3A_703, %sub3A_711 : vector<16xf32>
      %mul3A_713 = arith.constant 5.000000e-01 : f32
      %mul3A_714 = vector.broadcast %mul3A_713 : f32 to vector<16xf32>
      %mul3A_715 = arith.mulf %mul3A_714, %max3A_686 : vector<16xf32>
      %mul3A_716 = arith.mulf %mul3A_715, %mul3A_712 : vector<16xf32>
      %mul3A_717 = arith.mulf %mul3A_716, %mul3A_712 : vector<16xf32>
      %sub3A_718 = arith.constant 1.500000e+00 : f32
      %sub3A_719 = vector.broadcast %sub3A_718 : f32 to vector<16xf32>
      %sub3A_720 = arith.subf %sub3A_719, %mul3A_717 : vector<16xf32>
      %mul3A_721 = arith.mulf %mul3A_712, %sub3A_720 : vector<16xf32>
      %mul3A_722 = arith.mulf %mul3A_721, %mul3A_721 : vector<16xf32>
      %mul3A_723 = arith.mulf %neg3A_683, %mul3A_722 : vector<16xf32>
      %exp3A_724 = math.exp %mul3A_723 : vector<16xf32>
      %mul3A_725 = arith.constant 5.000000e-01 : f32
      %mul3A_726 = vector.broadcast %mul3A_725 : f32 to vector<16xf32>
      %mul3A_727 = arith.mulf %mul3A_726, %exp3A_724 : vector<16xf32>
      %sign3A_728 = tpu.bitcast %sub3A_672 : vector<16xf32> -> vector<16xi32>
      %sign3A_729 = arith.constant -2147483648 : i32
      %sign3A_730 = vector.broadcast %sign3A_729 : i32 to vector<16xi32>
      %sign3A_731 = arith.andi %sign3A_728, %sign3A_730 : vector<16xi32>
      %sign3A_732 = arith.constant 1065353216 : i32
      %sign3A_733 = vector.broadcast %sign3A_732 : i32 to vector<16xi32>
      %sign3A_734 = arith.ori %sign3A_733, %sign3A_731 : vector<16xi32>
      %sign3A_735 = tpu.bitcast %sign3A_734 : vector<16xi32> -> vector<16xf32>
      %sign3A_736 = math.absf %sub3A_672 : vector<16xf32>
      %sign3A_737 = arith.constant 0.000000e+00 : f32
      %sign3A_738 = vector.broadcast %sign3A_737 : f32 to vector<16xf32>
      %sign3A_739 = arith.cmpf ogt, %sign3A_736, %sign3A_738 : vector<16xf32>
      %sign3A_740 = arith.select %sign3A_739, %sign3A_735, %sub3A_672 : vector<16xi1>, vector<16xf32>
      %mul3A_741 = arith.mulf %max3A_671, %mul3A_727 : vector<16xf32>
      %mul3A_742 = arith.mulf %sign3A_740, %mul3A_741 : vector<16xf32>
      %add3A_743 = arith.addf %bitcast_convert_type3A_660, %mul3A_742 : vector<16xf32>
      %mul3A_744 = arith.mulf %mul3A_544, %abs3A_547 : vector<16xf32>
      %bitcast_convert_type3A_745 = tpu.bitcast %mul3A_398 : vector<16xf32> -> vector<16xi32>
      %add3A_746 = arith.constant 32767 : i32
      %add3A_747 = vector.broadcast %add3A_746 : i32 to vector<16xi32>
      %add3A_748 = arith.addi %bitcast_convert_type3A_745, %add3A_747 : vector<16xi32>
      %shift_right_arithmetic3A_749 = arith.constant 16 : i32
      %shift_right_arithmetic3A_750 = vector.broadcast %shift_right_arithmetic3A_749 : i32 to vector<16xi32>
      %shift_right_arithmetic3A_751 = arith.shrsi %bitcast_convert_type3A_745, %shift_right_arithmetic3A_750 : vector<16xi32>
      %and3A_752 = arith.constant 1 : i32
      %and3A_753 = vector.broadcast %and3A_752 : i32 to vector<16xi32>
      %and3A_754 = arith.andi %shift_right_arithmetic3A_751, %and3A_753 : vector<16xi32>
      %add3A_755 = arith.addi %add3A_748, %and3A_754 : vector<16xi32>
      %and3A_756 = arith.constant -65536 : i32
      %and3A_757 = vector.broadcast %and3A_756 : i32 to vector<16xi32>
      %and3A_758 = arith.andi %add3A_755, %and3A_757 : vector<16xi32>
      %bitcast_convert_type3A_759 = tpu.bitcast %and3A_758 : vector<16xi32> -> vector<16xf32>
      %bitcast_convert_type3A_760 = tpu.bitcast %bitcast_convert_type3A_759 : vector<16xf32> -> vector<16xi32>
      %and3A_761 = arith.constant 2139095040 : i32
      %and3A_762 = vector.broadcast %and3A_761 : i32 to vector<16xi32>
      %and3A_763 = arith.andi %bitcast_convert_type3A_760, %and3A_762 : vector<16xi32>
      %bitcast_convert_type3A_764 = tpu.bitcast %and3A_763 : vector<16xi32> -> vector<16xf32>
      %mul3A_765 = arith.constant 7.812500e-03 : f32
      %mul3A_766 = vector.broadcast %mul3A_765 : f32 to vector<16xf32>
      %mul3A_767 = arith.mulf %bitcast_convert_type3A_764, %mul3A_766 : vector<16xf32>
      %max3A_768 = arith.constant 9.99999996E-13 : f32
      %max3A_769 = vector.broadcast %max3A_768 : f32 to vector<16xf32>
      %max3A_770 = arith.maximumf %mul3A_767, %max3A_769 : vector<16xf32>
      %sub3A_771 = arith.subf %mul3A_398, %bitcast_convert_type3A_759 : vector<16xf32>
      %mul3A_772 = arith.constant 5.000000e-01 : f32
      %mul3A_773 = vector.broadcast %mul3A_772 : f32 to vector<16xf32>
      %mul3A_774 = arith.mulf %mul3A_773, %max3A_770 : vector<16xf32>
      %abs3A_775 = math.absf %sub3A_771 : vector<16xf32>
      %sub3A_776 = arith.subf %mul3A_774, %abs3A_775 : vector<16xf32>
      %max3A_777 = arith.constant 0.000000e+00 : f32
      %max3A_778 = vector.broadcast %max3A_777 : f32 to vector<16xf32>
      %max3A_779 = arith.maximumf %sub3A_776, %max3A_778 : vector<16xf32>
      %neg3A_780 = arith.constant 0.000000e+00 : f32
      %neg3A_781 = vector.broadcast %neg3A_780 : f32 to vector<16xf32>
      %neg3A_782 = arith.subf %neg3A_781, %max3A_779 : vector<16xf32>
      %max3A_783 = arith.constant 9.99999996E-13 : f32
      %max3A_784 = vector.broadcast %max3A_783 : f32 to vector<16xf32>
      %max3A_785 = arith.maximumf %mul3A_744, %max3A_784 : vector<16xf32>
      %bitcast_convert_type3A_786 = tpu.bitcast %max3A_785 : vector<16xf32> -> vector<16xi32>
      %shift_right_arithmetic3A_787 = arith.constant 1 : i32
      %shift_right_arithmetic3A_788 = vector.broadcast %shift_right_arithmetic3A_787 : i32 to vector<16xi32>
      %shift_right_arithmetic3A_789 = arith.shrsi %bitcast_convert_type3A_786, %shift_right_arithmetic3A_788 : vector<16xi32>
      %sub3A_790 = arith.constant 1597463007 : i32
      %sub3A_791 = vector.broadcast %sub3A_790 : i32 to vector<16xi32>
      %sub3A_792 = arith.subi %sub3A_791, %shift_right_arithmetic3A_789 : vector<16xi32>
      %bitcast_convert_type3A_793 = tpu.bitcast %sub3A_792 : vector<16xi32> -> vector<16xf32>
      %mul3A_794 = arith.constant 5.000000e-01 : f32
      %mul3A_795 = vector.broadcast %mul3A_794 : f32 to vector<16xf32>
      %mul3A_796 = arith.mulf %mul3A_795, %max3A_785 : vector<16xf32>
      %mul3A_797 = arith.mulf %mul3A_796, %bitcast_convert_type3A_793 : vector<16xf32>
      %mul3A_798 = arith.mulf %mul3A_797, %bitcast_convert_type3A_793 : vector<16xf32>
      %sub3A_799 = arith.constant 1.500000e+00 : f32
      %sub3A_800 = vector.broadcast %sub3A_799 : f32 to vector<16xf32>
      %sub3A_801 = arith.subf %sub3A_800, %mul3A_798 : vector<16xf32>
      %mul3A_802 = arith.mulf %bitcast_convert_type3A_793, %sub3A_801 : vector<16xf32>
      %mul3A_803 = arith.constant 5.000000e-01 : f32
      %mul3A_804 = vector.broadcast %mul3A_803 : f32 to vector<16xf32>
      %mul3A_805 = arith.mulf %mul3A_804, %max3A_785 : vector<16xf32>
      %mul3A_806 = arith.mulf %mul3A_805, %mul3A_802 : vector<16xf32>
      %mul3A_807 = arith.mulf %mul3A_806, %mul3A_802 : vector<16xf32>
      %sub3A_808 = arith.constant 1.500000e+00 : f32
      %sub3A_809 = vector.broadcast %sub3A_808 : f32 to vector<16xf32>
      %sub3A_810 = arith.subf %sub3A_809, %mul3A_807 : vector<16xf32>
      %mul3A_811 = arith.mulf %mul3A_802, %sub3A_810 : vector<16xf32>
      %mul3A_812 = arith.constant 5.000000e-01 : f32
      %mul3A_813 = vector.broadcast %mul3A_812 : f32 to vector<16xf32>
      %mul3A_814 = arith.mulf %mul3A_813, %max3A_785 : vector<16xf32>
      %mul3A_815 = arith.mulf %mul3A_814, %mul3A_811 : vector<16xf32>
      %mul3A_816 = arith.mulf %mul3A_815, %mul3A_811 : vector<16xf32>
      %sub3A_817 = arith.constant 1.500000e+00 : f32
      %sub3A_818 = vector.broadcast %sub3A_817 : f32 to vector<16xf32>
      %sub3A_819 = arith.subf %sub3A_818, %mul3A_816 : vector<16xf32>
      %mul3A_820 = arith.mulf %mul3A_811, %sub3A_819 : vector<16xf32>
      %mul3A_821 = arith.mulf %mul3A_820, %mul3A_820 : vector<16xf32>
      %mul3A_822 = arith.mulf %neg3A_782, %mul3A_821 : vector<16xf32>
      %exp3A_823 = math.exp %mul3A_822 : vector<16xf32>
      %mul3A_824 = arith.constant 5.000000e-01 : f32
      %mul3A_825 = vector.broadcast %mul3A_824 : f32 to vector<16xf32>
      %mul3A_826 = arith.mulf %mul3A_825, %exp3A_823 : vector<16xf32>
      %sign3A_827 = tpu.bitcast %sub3A_771 : vector<16xf32> -> vector<16xi32>
      %sign3A_828 = arith.constant -2147483648 : i32
      %sign3A_829 = vector.broadcast %sign3A_828 : i32 to vector<16xi32>
      %sign3A_830 = arith.andi %sign3A_827, %sign3A_829 : vector<16xi32>
      %sign3A_831 = arith.constant 1065353216 : i32
      %sign3A_832 = vector.broadcast %sign3A_831 : i32 to vector<16xi32>
      %sign3A_833 = arith.ori %sign3A_832, %sign3A_830 : vector<16xi32>
      %sign3A_834 = tpu.bitcast %sign3A_833 : vector<16xi32> -> vector<16xf32>
      %sign3A_835 = math.absf %sub3A_771 : vector<16xf32>
      %sign3A_836 = arith.constant 0.000000e+00 : f32
      %sign3A_837 = vector.broadcast %sign3A_836 : f32 to vector<16xf32>
      %sign3A_838 = arith.cmpf ogt, %sign3A_835, %sign3A_837 : vector<16xf32>
      %sign3A_839 = arith.select %sign3A_838, %sign3A_834, %sub3A_771 : vector<16xi1>, vector<16xf32>
      %mul3A_840 = arith.mulf %max3A_770, %mul3A_826 : vector<16xf32>
      %mul3A_841 = arith.mulf %sign3A_839, %mul3A_840 : vector<16xf32>
      %add3A_842 = arith.addf %bitcast_convert_type3A_759, %mul3A_841 : vector<16xf32>
      %mul3A_843 = arith.mulf %mul3A_544, %abs3A_546 : vector<16xf32>
      %bitcast_convert_type3A_844 = tpu.bitcast %mul3A_399 : vector<16xf32> -> vector<16xi32>
      %add3A_845 = arith.constant 32767 : i32
      %add3A_846 = vector.broadcast %add3A_845 : i32 to vector<16xi32>
      %add3A_847 = arith.addi %bitcast_convert_type3A_844, %add3A_846 : vector<16xi32>
      %shift_right_arithmetic3A_848 = arith.constant 16 : i32
      %shift_right_arithmetic3A_849 = vector.broadcast %shift_right_arithmetic3A_848 : i32 to vector<16xi32>
      %shift_right_arithmetic3A_850 = arith.shrsi %bitcast_convert_type3A_844, %shift_right_arithmetic3A_849 : vector<16xi32>
      %and3A_851 = arith.constant 1 : i32
      %and3A_852 = vector.broadcast %and3A_851 : i32 to vector<16xi32>
      %and3A_853 = arith.andi %shift_right_arithmetic3A_850, %and3A_852 : vector<16xi32>
      %add3A_854 = arith.addi %add3A_847, %and3A_853 : vector<16xi32>
      %and3A_855 = arith.constant -65536 : i32
      %and3A_856 = vector.broadcast %and3A_855 : i32 to vector<16xi32>
      %and3A_857 = arith.andi %add3A_854, %and3A_856 : vector<16xi32>
      %bitcast_convert_type3A_858 = tpu.bitcast %and3A_857 : vector<16xi32> -> vector<16xf32>
      %bitcast_convert_type3A_859 = tpu.bitcast %bitcast_convert_type3A_858 : vector<16xf32> -> vector<16xi32>
      %and3A_860 = arith.constant 2139095040 : i32
      %and3A_861 = vector.broadcast %and3A_860 : i32 to vector<16xi32>
      %and3A_862 = arith.andi %bitcast_convert_type3A_859, %and3A_861 : vector<16xi32>
      %bitcast_convert_type3A_863 = tpu.bitcast %and3A_862 : vector<16xi32> -> vector<16xf32>
      %mul3A_864 = arith.constant 7.812500e-03 : f32
      %mul3A_865 = vector.broadcast %mul3A_864 : f32 to vector<16xf32>
      %mul3A_866 = arith.mulf %bitcast_convert_type3A_863, %mul3A_865 : vector<16xf32>
      %max3A_867 = arith.constant 9.99999996E-13 : f32
      %max3A_868 = vector.broadcast %max3A_867 : f32 to vector<16xf32>
      %max3A_869 = arith.maximumf %mul3A_866, %max3A_868 : vector<16xf32>
      %sub3A_870 = arith.subf %mul3A_399, %bitcast_convert_type3A_858 : vector<16xf32>
      %mul3A_871 = arith.constant 5.000000e-01 : f32
      %mul3A_872 = vector.broadcast %mul3A_871 : f32 to vector<16xf32>
      %mul3A_873 = arith.mulf %mul3A_872, %max3A_869 : vector<16xf32>
      %abs3A_874 = math.absf %sub3A_870 : vector<16xf32>
      %sub3A_875 = arith.subf %mul3A_873, %abs3A_874 : vector<16xf32>
      %max3A_876 = arith.constant 0.000000e+00 : f32
      %max3A_877 = vector.broadcast %max3A_876 : f32 to vector<16xf32>
      %max3A_878 = arith.maximumf %sub3A_875, %max3A_877 : vector<16xf32>
      %neg3A_879 = arith.constant 0.000000e+00 : f32
      %neg3A_880 = vector.broadcast %neg3A_879 : f32 to vector<16xf32>
      %neg3A_881 = arith.subf %neg3A_880, %max3A_878 : vector<16xf32>
      %max3A_882 = arith.constant 9.99999996E-13 : f32
      %max3A_883 = vector.broadcast %max3A_882 : f32 to vector<16xf32>
      %max3A_884 = arith.maximumf %mul3A_843, %max3A_883 : vector<16xf32>
      %bitcast_convert_type3A_885 = tpu.bitcast %max3A_884 : vector<16xf32> -> vector<16xi32>
      %shift_right_arithmetic3A_886 = arith.constant 1 : i32
      %shift_right_arithmetic3A_887 = vector.broadcast %shift_right_arithmetic3A_886 : i32 to vector<16xi32>
      %shift_right_arithmetic3A_888 = arith.shrsi %bitcast_convert_type3A_885, %shift_right_arithmetic3A_887 : vector<16xi32>
      %sub3A_889 = arith.constant 1597463007 : i32
      %sub3A_890 = vector.broadcast %sub3A_889 : i32 to vector<16xi32>
      %sub3A_891 = arith.subi %sub3A_890, %shift_right_arithmetic3A_888 : vector<16xi32>
      %bitcast_convert_type3A_892 = tpu.bitcast %sub3A_891 : vector<16xi32> -> vector<16xf32>
      %mul3A_893 = arith.constant 5.000000e-01 : f32
      %mul3A_894 = vector.broadcast %mul3A_893 : f32 to vector<16xf32>
      %mul3A_895 = arith.mulf %mul3A_894, %max3A_884 : vector<16xf32>
      %mul3A_896 = arith.mulf %mul3A_895, %bitcast_convert_type3A_892 : vector<16xf32>
      %mul3A_897 = arith.mulf %mul3A_896, %bitcast_convert_type3A_892 : vector<16xf32>
      %sub3A_898 = arith.constant 1.500000e+00 : f32
      %sub3A_899 = vector.broadcast %sub3A_898 : f32 to vector<16xf32>
      %sub3A_900 = arith.subf %sub3A_899, %mul3A_897 : vector<16xf32>
      %mul3A_901 = arith.mulf %bitcast_convert_type3A_892, %sub3A_900 : vector<16xf32>
      %mul3A_902 = arith.constant 5.000000e-01 : f32
      %mul3A_903 = vector.broadcast %mul3A_902 : f32 to vector<16xf32>
      %mul3A_904 = arith.mulf %mul3A_903, %max3A_884 : vector<16xf32>
      %mul3A_905 = arith.mulf %mul3A_904, %mul3A_901 : vector<16xf32>
      %mul3A_906 = arith.mulf %mul3A_905, %mul3A_901 : vector<16xf32>
      %sub3A_907 = arith.constant 1.500000e+00 : f32
      %sub3A_908 = vector.broadcast %sub3A_907 : f32 to vector<16xf32>
      %sub3A_909 = arith.subf %sub3A_908, %mul3A_906 : vector<16xf32>
      %mul3A_910 = arith.mulf %mul3A_901, %sub3A_909 : vector<16xf32>
      %mul3A_911 = arith.constant 5.000000e-01 : f32
      %mul3A_912 = vector.broadcast %mul3A_911 : f32 to vector<16xf32>
      %mul3A_913 = arith.mulf %mul3A_912, %max3A_884 : vector<16xf32>
      %mul3A_914 = arith.mulf %mul3A_913, %mul3A_910 : vector<16xf32>
      %mul3A_915 = arith.mulf %mul3A_914, %mul3A_910 : vector<16xf32>
      %sub3A_916 = arith.constant 1.500000e+00 : f32
      %sub3A_917 = vector.broadcast %sub3A_916 : f32 to vector<16xf32>
      %sub3A_918 = arith.subf %sub3A_917, %mul3A_915 : vector<16xf32>
      %mul3A_919 = arith.mulf %mul3A_910, %sub3A_918 : vector<16xf32>
      %mul3A_920 = arith.mulf %mul3A_919, %mul3A_919 : vector<16xf32>
      %mul3A_921 = arith.mulf %neg3A_881, %mul3A_920 : vector<16xf32>
      %exp3A_922 = math.exp %mul3A_921 : vector<16xf32>
      %mul3A_923 = arith.constant 5.000000e-01 : f32
      %mul3A_924 = vector.broadcast %mul3A_923 : f32 to vector<16xf32>
      %mul3A_925 = arith.mulf %mul3A_924, %exp3A_922 : vector<16xf32>
      %sign3A_926 = tpu.bitcast %sub3A_870 : vector<16xf32> -> vector<16xi32>
      %sign3A_927 = arith.constant -2147483648 : i32
      %sign3A_928 = vector.broadcast %sign3A_927 : i32 to vector<16xi32>
      %sign3A_929 = arith.andi %sign3A_926, %sign3A_928 : vector<16xi32>
      %sign3A_930 = arith.constant 1065353216 : i32
      %sign3A_931 = vector.broadcast %sign3A_930 : i32 to vector<16xi32>
      %sign3A_932 = arith.ori %sign3A_931, %sign3A_929 : vector<16xi32>
      %sign3A_933 = tpu.bitcast %sign3A_932 : vector<16xi32> -> vector<16xf32>
      %sign3A_934 = math.absf %sub3A_870 : vector<16xf32>
      %sign3A_935 = arith.constant 0.000000e+00 : f32
      %sign3A_936 = vector.broadcast %sign3A_935 : f32 to vector<16xf32>
      %sign3A_937 = arith.cmpf ogt, %sign3A_934, %sign3A_936 : vector<16xf32>
      %sign3A_938 = arith.select %sign3A_937, %sign3A_933, %sub3A_870 : vector<16xi1>, vector<16xf32>
      %mul3A_939 = arith.mulf %max3A_869, %mul3A_925 : vector<16xf32>
      %mul3A_940 = arith.mulf %sign3A_938, %mul3A_939 : vector<16xf32>
      %add3A_941 = arith.addf %bitcast_convert_type3A_858, %mul3A_940 : vector<16xf32>
      %mul3A_942 = arith.mulf %add3A_644, %add3A_842 : vector<16xf32>
      %mul3A_943 = arith.mulf %add3A_743, %add3A_941 : vector<16xf32>
      %add3A_944 = arith.addf %mul3A_942, %mul3A_943 : vector<16xf32>
      %mul3A_945 = arith.mulf %add3A_644, %add3A_941 : vector<16xf32>
      %mul3A_946 = arith.mulf %add3A_743, %add3A_842 : vector<16xf32>
      %sub3A_947 = arith.subf %mul3A_945, %mul3A_946 : vector<16xf32>
      %mul3A_948 = arith.mulf %add3A_743, %add3A_842 : vector<16xf32>
      %mul3A_949 = arith.mulf %add3A_644, %add3A_941 : vector<16xf32>
      %sub3A_950 = arith.subf %mul3A_948, %mul3A_949 : vector<16xf32>
      %mul3A_951 = arith.mulf %add3A_743, %add3A_941 : vector<16xf32>
      %mul3A_952 = arith.mulf %add3A_644, %add3A_842 : vector<16xf32>
      %add3A_953 = arith.addf %mul3A_951, %mul3A_952 : vector<16xf32>
      %mul3A_954 = arith.mulf %select_n3A_406, %mul3A_398 : vector<16xf32>
      %mul3A_955 = arith.mulf %mul3A_544, %select_n3A_406 : vector<16xf32>
      %mul3A_956 = arith.mulf %mul3A_955, %abs3A_547 : vector<16xf32>
      %bitcast_convert_type3A_957 = tpu.bitcast %mul3A_954 : vector<16xf32> -> vector<16xi32>
      %add3A_958 = arith.constant 32767 : i32
      %add3A_959 = vector.broadcast %add3A_958 : i32 to vector<16xi32>
      %add3A_960 = arith.addi %bitcast_convert_type3A_957, %add3A_959 : vector<16xi32>
      %shift_right_arithmetic3A_961 = arith.constant 16 : i32
      %shift_right_arithmetic3A_962 = vector.broadcast %shift_right_arithmetic3A_961 : i32 to vector<16xi32>
      %shift_right_arithmetic3A_963 = arith.shrsi %bitcast_convert_type3A_957, %shift_right_arithmetic3A_962 : vector<16xi32>
      %and3A_964 = arith.constant 1 : i32
      %and3A_965 = vector.broadcast %and3A_964 : i32 to vector<16xi32>
      %and3A_966 = arith.andi %shift_right_arithmetic3A_963, %and3A_965 : vector<16xi32>
      %add3A_967 = arith.addi %add3A_960, %and3A_966 : vector<16xi32>
      %and3A_968 = arith.constant -65536 : i32
      %and3A_969 = vector.broadcast %and3A_968 : i32 to vector<16xi32>
      %and3A_970 = arith.andi %add3A_967, %and3A_969 : vector<16xi32>
      %bitcast_convert_type3A_971 = tpu.bitcast %and3A_970 : vector<16xi32> -> vector<16xf32>
      %bitcast_convert_type3A_972 = tpu.bitcast %bitcast_convert_type3A_971 : vector<16xf32> -> vector<16xi32>
      %and3A_973 = arith.constant 2139095040 : i32
      %and3A_974 = vector.broadcast %and3A_973 : i32 to vector<16xi32>
      %and3A_975 = arith.andi %bitcast_convert_type3A_972, %and3A_974 : vector<16xi32>
      %bitcast_convert_type3A_976 = tpu.bitcast %and3A_975 : vector<16xi32> -> vector<16xf32>
      %mul3A_977 = arith.constant 7.812500e-03 : f32
      %mul3A_978 = vector.broadcast %mul3A_977 : f32 to vector<16xf32>
      %mul3A_979 = arith.mulf %bitcast_convert_type3A_976, %mul3A_978 : vector<16xf32>
      %max3A_980 = arith.constant 9.99999996E-13 : f32
      %max3A_981 = vector.broadcast %max3A_980 : f32 to vector<16xf32>
      %max3A_982 = arith.maximumf %mul3A_979, %max3A_981 : vector<16xf32>
      %sub3A_983 = arith.subf %mul3A_954, %bitcast_convert_type3A_971 : vector<16xf32>
      %mul3A_984 = arith.constant 5.000000e-01 : f32
      %mul3A_985 = vector.broadcast %mul3A_984 : f32 to vector<16xf32>
      %mul3A_986 = arith.mulf %mul3A_985, %max3A_982 : vector<16xf32>
      %abs3A_987 = math.absf %sub3A_983 : vector<16xf32>
      %sub3A_988 = arith.subf %mul3A_986, %abs3A_987 : vector<16xf32>
      %max3A_989 = arith.constant 0.000000e+00 : f32
      %max3A_990 = vector.broadcast %max3A_989 : f32 to vector<16xf32>
      %max3A_991 = arith.maximumf %sub3A_988, %max3A_990 : vector<16xf32>
      %neg3A_992 = arith.constant 0.000000e+00 : f32
      %neg3A_993 = vector.broadcast %neg3A_992 : f32 to vector<16xf32>
      %neg3A_994 = arith.subf %neg3A_993, %max3A_991 : vector<16xf32>
      %max3A_995 = arith.constant 9.99999996E-13 : f32
      %max3A_996 = vector.broadcast %max3A_995 : f32 to vector<16xf32>
      %max3A_997 = arith.maximumf %mul3A_956, %max3A_996 : vector<16xf32>
      %bitcast_convert_type3A_998 = tpu.bitcast %max3A_997 : vector<16xf32> -> vector<16xi32>
      %shift_right_arithmetic3A_999 = arith.constant 1 : i32
      %shift_right_arithmetic3A_1000 = vector.broadcast %shift_right_arithmetic3A_999 : i32 to vector<16xi32>
      %shift_right_arithmetic3A_1001 = arith.shrsi %bitcast_convert_type3A_998, %shift_right_arithmetic3A_1000 : vector<16xi32>
      %sub3A_1002 = arith.constant 1597463007 : i32
      %sub3A_1003 = vector.broadcast %sub3A_1002 : i32 to vector<16xi32>
      %sub3A_1004 = arith.subi %sub3A_1003, %shift_right_arithmetic3A_1001 : vector<16xi32>
      %bitcast_convert_type3A_1005 = tpu.bitcast %sub3A_1004 : vector<16xi32> -> vector<16xf32>
      %mul3A_1006 = arith.constant 5.000000e-01 : f32
      %mul3A_1007 = vector.broadcast %mul3A_1006 : f32 to vector<16xf32>
      %mul3A_1008 = arith.mulf %mul3A_1007, %max3A_997 : vector<16xf32>
      %mul3A_1009 = arith.mulf %mul3A_1008, %bitcast_convert_type3A_1005 : vector<16xf32>
      %mul3A_1010 = arith.mulf %mul3A_1009, %bitcast_convert_type3A_1005 : vector<16xf32>
      %sub3A_1011 = arith.constant 1.500000e+00 : f32
      %sub3A_1012 = vector.broadcast %sub3A_1011 : f32 to vector<16xf32>
      %sub3A_1013 = arith.subf %sub3A_1012, %mul3A_1010 : vector<16xf32>
      %mul3A_1014 = arith.mulf %bitcast_convert_type3A_1005, %sub3A_1013 : vector<16xf32>
      %mul3A_1015 = arith.constant 5.000000e-01 : f32
      %mul3A_1016 = vector.broadcast %mul3A_1015 : f32 to vector<16xf32>
      %mul3A_1017 = arith.mulf %mul3A_1016, %max3A_997 : vector<16xf32>
      %mul3A_1018 = arith.mulf %mul3A_1017, %mul3A_1014 : vector<16xf32>
      %mul3A_1019 = arith.mulf %mul3A_1018, %mul3A_1014 : vector<16xf32>
      %sub3A_1020 = arith.constant 1.500000e+00 : f32
      %sub3A_1021 = vector.broadcast %sub3A_1020 : f32 to vector<16xf32>
      %sub3A_1022 = arith.subf %sub3A_1021, %mul3A_1019 : vector<16xf32>
      %mul3A_1023 = arith.mulf %mul3A_1014, %sub3A_1022 : vector<16xf32>
      %mul3A_1024 = arith.constant 5.000000e-01 : f32
      %mul3A_1025 = vector.broadcast %mul3A_1024 : f32 to vector<16xf32>
      %mul3A_1026 = arith.mulf %mul3A_1025, %max3A_997 : vector<16xf32>
      %mul3A_1027 = arith.mulf %mul3A_1026, %mul3A_1023 : vector<16xf32>
      %mul3A_1028 = arith.mulf %mul3A_1027, %mul3A_1023 : vector<16xf32>
      %sub3A_1029 = arith.constant 1.500000e+00 : f32
      %sub3A_1030 = vector.broadcast %sub3A_1029 : f32 to vector<16xf32>
      %sub3A_1031 = arith.subf %sub3A_1030, %mul3A_1028 : vector<16xf32>
      %mul3A_1032 = arith.mulf %mul3A_1023, %sub3A_1031 : vector<16xf32>
      %mul3A_1033 = arith.mulf %mul3A_1032, %mul3A_1032 : vector<16xf32>
      %mul3A_1034 = arith.mulf %neg3A_994, %mul3A_1033 : vector<16xf32>
      %exp3A_1035 = math.exp %mul3A_1034 : vector<16xf32>
      %mul3A_1036 = arith.constant 5.000000e-01 : f32
      %mul3A_1037 = vector.broadcast %mul3A_1036 : f32 to vector<16xf32>
      %mul3A_1038 = arith.mulf %mul3A_1037, %exp3A_1035 : vector<16xf32>
      %sign3A_1039 = tpu.bitcast %sub3A_983 : vector<16xf32> -> vector<16xi32>
      %sign3A_1040 = arith.constant -2147483648 : i32
      %sign3A_1041 = vector.broadcast %sign3A_1040 : i32 to vector<16xi32>
      %sign3A_1042 = arith.andi %sign3A_1039, %sign3A_1041 : vector<16xi32>
      %sign3A_1043 = arith.constant 1065353216 : i32
      %sign3A_1044 = vector.broadcast %sign3A_1043 : i32 to vector<16xi32>
      %sign3A_1045 = arith.ori %sign3A_1044, %sign3A_1042 : vector<16xi32>
      %sign3A_1046 = tpu.bitcast %sign3A_1045 : vector<16xi32> -> vector<16xf32>
      %sign3A_1047 = math.absf %sub3A_983 : vector<16xf32>
      %sign3A_1048 = arith.constant 0.000000e+00 : f32
      %sign3A_1049 = vector.broadcast %sign3A_1048 : f32 to vector<16xf32>
      %sign3A_1050 = arith.cmpf ogt, %sign3A_1047, %sign3A_1049 : vector<16xf32>
      %sign3A_1051 = arith.select %sign3A_1050, %sign3A_1046, %sub3A_983 : vector<16xi1>, vector<16xf32>
      %mul3A_1052 = arith.mulf %max3A_982, %mul3A_1038 : vector<16xf32>
      %mul3A_1053 = arith.mulf %sign3A_1051, %mul3A_1052 : vector<16xf32>
      %add3A_1054 = arith.addf %bitcast_convert_type3A_971, %mul3A_1053 : vector<16xf32>
      %mul3A_1055 = arith.mulf %select_n3A_406, %mul3A_399 : vector<16xf32>
      %mul3A_1056 = arith.mulf %mul3A_544, %select_n3A_406 : vector<16xf32>
      %mul3A_1057 = arith.mulf %mul3A_1056, %abs3A_546 : vector<16xf32>
      %bitcast_convert_type3A_1058 = tpu.bitcast %mul3A_1055 : vector<16xf32> -> vector<16xi32>
      %add3A_1059 = arith.constant 32767 : i32
      %add3A_1060 = vector.broadcast %add3A_1059 : i32 to vector<16xi32>
      %add3A_1061 = arith.addi %bitcast_convert_type3A_1058, %add3A_1060 : vector<16xi32>
      %shift_right_arithmetic3A_1062 = arith.constant 16 : i32
      %shift_right_arithmetic3A_1063 = vector.broadcast %shift_right_arithmetic3A_1062 : i32 to vector<16xi32>
      %shift_right_arithmetic3A_1064 = arith.shrsi %bitcast_convert_type3A_1058, %shift_right_arithmetic3A_1063 : vector<16xi32>
      %and3A_1065 = arith.constant 1 : i32
      %and3A_1066 = vector.broadcast %and3A_1065 : i32 to vector<16xi32>
      %and3A_1067 = arith.andi %shift_right_arithmetic3A_1064, %and3A_1066 : vector<16xi32>
      %add3A_1068 = arith.addi %add3A_1061, %and3A_1067 : vector<16xi32>
      %and3A_1069 = arith.constant -65536 : i32
      %and3A_1070 = vector.broadcast %and3A_1069 : i32 to vector<16xi32>
      %and3A_1071 = arith.andi %add3A_1068, %and3A_1070 : vector<16xi32>
      %bitcast_convert_type3A_1072 = tpu.bitcast %and3A_1071 : vector<16xi32> -> vector<16xf32>
      %bitcast_convert_type3A_1073 = tpu.bitcast %bitcast_convert_type3A_1072 : vector<16xf32> -> vector<16xi32>
      %and3A_1074 = arith.constant 2139095040 : i32
      %and3A_1075 = vector.broadcast %and3A_1074 : i32 to vector<16xi32>
      %and3A_1076 = arith.andi %bitcast_convert_type3A_1073, %and3A_1075 : vector<16xi32>
      %bitcast_convert_type3A_1077 = tpu.bitcast %and3A_1076 : vector<16xi32> -> vector<16xf32>
      %mul3A_1078 = arith.constant 7.812500e-03 : f32
      %mul3A_1079 = vector.broadcast %mul3A_1078 : f32 to vector<16xf32>
      %mul3A_1080 = arith.mulf %bitcast_convert_type3A_1077, %mul3A_1079 : vector<16xf32>
      %max3A_1081 = arith.constant 9.99999996E-13 : f32
      %max3A_1082 = vector.broadcast %max3A_1081 : f32 to vector<16xf32>
      %max3A_1083 = arith.maximumf %mul3A_1080, %max3A_1082 : vector<16xf32>
      %sub3A_1084 = arith.subf %mul3A_1055, %bitcast_convert_type3A_1072 : vector<16xf32>
      %mul3A_1085 = arith.constant 5.000000e-01 : f32
      %mul3A_1086 = vector.broadcast %mul3A_1085 : f32 to vector<16xf32>
      %mul3A_1087 = arith.mulf %mul3A_1086, %max3A_1083 : vector<16xf32>
      %abs3A_1088 = math.absf %sub3A_1084 : vector<16xf32>
      %sub3A_1089 = arith.subf %mul3A_1087, %abs3A_1088 : vector<16xf32>
      %max3A_1090 = arith.constant 0.000000e+00 : f32
      %max3A_1091 = vector.broadcast %max3A_1090 : f32 to vector<16xf32>
      %max3A_1092 = arith.maximumf %sub3A_1089, %max3A_1091 : vector<16xf32>
      %neg3A_1093 = arith.constant 0.000000e+00 : f32
      %neg3A_1094 = vector.broadcast %neg3A_1093 : f32 to vector<16xf32>
      %neg3A_1095 = arith.subf %neg3A_1094, %max3A_1092 : vector<16xf32>
      %max3A_1096 = arith.constant 9.99999996E-13 : f32
      %max3A_1097 = vector.broadcast %max3A_1096 : f32 to vector<16xf32>
      %max3A_1098 = arith.maximumf %mul3A_1057, %max3A_1097 : vector<16xf32>
      %bitcast_convert_type3A_1099 = tpu.bitcast %max3A_1098 : vector<16xf32> -> vector<16xi32>
      %shift_right_arithmetic3A_1100 = arith.constant 1 : i32
      %shift_right_arithmetic3A_1101 = vector.broadcast %shift_right_arithmetic3A_1100 : i32 to vector<16xi32>
      %shift_right_arithmetic3A_1102 = arith.shrsi %bitcast_convert_type3A_1099, %shift_right_arithmetic3A_1101 : vector<16xi32>
      %sub3A_1103 = arith.constant 1597463007 : i32
      %sub3A_1104 = vector.broadcast %sub3A_1103 : i32 to vector<16xi32>
      %sub3A_1105 = arith.subi %sub3A_1104, %shift_right_arithmetic3A_1102 : vector<16xi32>
      %bitcast_convert_type3A_1106 = tpu.bitcast %sub3A_1105 : vector<16xi32> -> vector<16xf32>
      %mul3A_1107 = arith.constant 5.000000e-01 : f32
      %mul3A_1108 = vector.broadcast %mul3A_1107 : f32 to vector<16xf32>
      %mul3A_1109 = arith.mulf %mul3A_1108, %max3A_1098 : vector<16xf32>
      %mul3A_1110 = arith.mulf %mul3A_1109, %bitcast_convert_type3A_1106 : vector<16xf32>
      %mul3A_1111 = arith.mulf %mul3A_1110, %bitcast_convert_type3A_1106 : vector<16xf32>
      %sub3A_1112 = arith.constant 1.500000e+00 : f32
      %sub3A_1113 = vector.broadcast %sub3A_1112 : f32 to vector<16xf32>
      %sub3A_1114 = arith.subf %sub3A_1113, %mul3A_1111 : vector<16xf32>
      %mul3A_1115 = arith.mulf %bitcast_convert_type3A_1106, %sub3A_1114 : vector<16xf32>
      %mul3A_1116 = arith.constant 5.000000e-01 : f32
      %mul3A_1117 = vector.broadcast %mul3A_1116 : f32 to vector<16xf32>
      %mul3A_1118 = arith.mulf %mul3A_1117, %max3A_1098 : vector<16xf32>
      %mul3A_1119 = arith.mulf %mul3A_1118, %mul3A_1115 : vector<16xf32>
      %mul3A_1120 = arith.mulf %mul3A_1119, %mul3A_1115 : vector<16xf32>
      %sub3A_1121 = arith.constant 1.500000e+00 : f32
      %sub3A_1122 = vector.broadcast %sub3A_1121 : f32 to vector<16xf32>
      %sub3A_1123 = arith.subf %sub3A_1122, %mul3A_1120 : vector<16xf32>
      %mul3A_1124 = arith.mulf %mul3A_1115, %sub3A_1123 : vector<16xf32>
      %mul3A_1125 = arith.constant 5.000000e-01 : f32
      %mul3A_1126 = vector.broadcast %mul3A_1125 : f32 to vector<16xf32>
      %mul3A_1127 = arith.mulf %mul3A_1126, %max3A_1098 : vector<16xf32>
      %mul3A_1128 = arith.mulf %mul3A_1127, %mul3A_1124 : vector<16xf32>
      %mul3A_1129 = arith.mulf %mul3A_1128, %mul3A_1124 : vector<16xf32>
      %sub3A_1130 = arith.constant 1.500000e+00 : f32
      %sub3A_1131 = vector.broadcast %sub3A_1130 : f32 to vector<16xf32>
      %sub3A_1132 = arith.subf %sub3A_1131, %mul3A_1129 : vector<16xf32>
      %mul3A_1133 = arith.mulf %mul3A_1124, %sub3A_1132 : vector<16xf32>
      %mul3A_1134 = arith.mulf %mul3A_1133, %mul3A_1133 : vector<16xf32>
      %mul3A_1135 = arith.mulf %neg3A_1095, %mul3A_1134 : vector<16xf32>
      %exp3A_1136 = math.exp %mul3A_1135 : vector<16xf32>
      %mul3A_1137 = arith.constant 5.000000e-01 : f32
      %mul3A_1138 = vector.broadcast %mul3A_1137 : f32 to vector<16xf32>
      %mul3A_1139 = arith.mulf %mul3A_1138, %exp3A_1136 : vector<16xf32>
      %sign3A_1140 = tpu.bitcast %sub3A_1084 : vector<16xf32> -> vector<16xi32>
      %sign3A_1141 = arith.constant -2147483648 : i32
      %sign3A_1142 = vector.broadcast %sign3A_1141 : i32 to vector<16xi32>
      %sign3A_1143 = arith.andi %sign3A_1140, %sign3A_1142 : vector<16xi32>
      %sign3A_1144 = arith.constant 1065353216 : i32
      %sign3A_1145 = vector.broadcast %sign3A_1144 : i32 to vector<16xi32>
      %sign3A_1146 = arith.ori %sign3A_1145, %sign3A_1143 : vector<16xi32>
      %sign3A_1147 = tpu.bitcast %sign3A_1146 : vector<16xi32> -> vector<16xf32>
      %sign3A_1148 = math.absf %sub3A_1084 : vector<16xf32>
      %sign3A_1149 = arith.constant 0.000000e+00 : f32
      %sign3A_1150 = vector.broadcast %sign3A_1149 : f32 to vector<16xf32>
      %sign3A_1151 = arith.cmpf ogt, %sign3A_1148, %sign3A_1150 : vector<16xf32>
      %sign3A_1152 = arith.select %sign3A_1151, %sign3A_1147, %sub3A_1084 : vector<16xi1>, vector<16xf32>
      %mul3A_1153 = arith.mulf %max3A_1083, %mul3A_1139 : vector<16xf32>
      %mul3A_1154 = arith.mulf %sign3A_1152, %mul3A_1153 : vector<16xf32>
      %add3A_1155 = arith.addf %bitcast_convert_type3A_1072, %mul3A_1154 : vector<16xf32>
      %mul3A_1156 = arith.mulf %select_n3A_413, %mul3A_399 : vector<16xf32>
      %neg3A_1157 = arith.constant 0.000000e+00 : f32
      %neg3A_1158 = vector.broadcast %neg3A_1157 : f32 to vector<16xf32>
      %neg3A_1159 = arith.subf %neg3A_1158, %mul3A_1156 : vector<16xf32>
      %mul3A_1160 = arith.mulf %mul3A_544, %select_n3A_413 : vector<16xf32>
      %mul3A_1161 = arith.mulf %mul3A_1160, %abs3A_546 : vector<16xf32>
      %bitcast_convert_type3A_1162 = tpu.bitcast %neg3A_1159 : vector<16xf32> -> vector<16xi32>
      %add3A_1163 = arith.constant 32767 : i32
      %add3A_1164 = vector.broadcast %add3A_1163 : i32 to vector<16xi32>
      %add3A_1165 = arith.addi %bitcast_convert_type3A_1162, %add3A_1164 : vector<16xi32>
      %shift_right_arithmetic3A_1166 = arith.constant 16 : i32
      %shift_right_arithmetic3A_1167 = vector.broadcast %shift_right_arithmetic3A_1166 : i32 to vector<16xi32>
      %shift_right_arithmetic3A_1168 = arith.shrsi %bitcast_convert_type3A_1162, %shift_right_arithmetic3A_1167 : vector<16xi32>
      %and3A_1169 = arith.constant 1 : i32
      %and3A_1170 = vector.broadcast %and3A_1169 : i32 to vector<16xi32>
      %and3A_1171 = arith.andi %shift_right_arithmetic3A_1168, %and3A_1170 : vector<16xi32>
      %add3A_1172 = arith.addi %add3A_1165, %and3A_1171 : vector<16xi32>
      %and3A_1173 = arith.constant -65536 : i32
      %and3A_1174 = vector.broadcast %and3A_1173 : i32 to vector<16xi32>
      %and3A_1175 = arith.andi %add3A_1172, %and3A_1174 : vector<16xi32>
      %bitcast_convert_type3A_1176 = tpu.bitcast %and3A_1175 : vector<16xi32> -> vector<16xf32>
      %bitcast_convert_type3A_1177 = tpu.bitcast %bitcast_convert_type3A_1176 : vector<16xf32> -> vector<16xi32>
      %and3A_1178 = arith.constant 2139095040 : i32
      %and3A_1179 = vector.broadcast %and3A_1178 : i32 to vector<16xi32>
      %and3A_1180 = arith.andi %bitcast_convert_type3A_1177, %and3A_1179 : vector<16xi32>
      %bitcast_convert_type3A_1181 = tpu.bitcast %and3A_1180 : vector<16xi32> -> vector<16xf32>
      %mul3A_1182 = arith.constant 7.812500e-03 : f32
      %mul3A_1183 = vector.broadcast %mul3A_1182 : f32 to vector<16xf32>
      %mul3A_1184 = arith.mulf %bitcast_convert_type3A_1181, %mul3A_1183 : vector<16xf32>
      %max3A_1185 = arith.constant 9.99999996E-13 : f32
      %max3A_1186 = vector.broadcast %max3A_1185 : f32 to vector<16xf32>
      %max3A_1187 = arith.maximumf %mul3A_1184, %max3A_1186 : vector<16xf32>
      %sub3A_1188 = arith.subf %neg3A_1159, %bitcast_convert_type3A_1176 : vector<16xf32>
      %mul3A_1189 = arith.constant 5.000000e-01 : f32
      %mul3A_1190 = vector.broadcast %mul3A_1189 : f32 to vector<16xf32>
      %mul3A_1191 = arith.mulf %mul3A_1190, %max3A_1187 : vector<16xf32>
      %abs3A_1192 = math.absf %sub3A_1188 : vector<16xf32>
      %sub3A_1193 = arith.subf %mul3A_1191, %abs3A_1192 : vector<16xf32>
      %max3A_1194 = arith.constant 0.000000e+00 : f32
      %max3A_1195 = vector.broadcast %max3A_1194 : f32 to vector<16xf32>
      %max3A_1196 = arith.maximumf %sub3A_1193, %max3A_1195 : vector<16xf32>
      %neg3A_1197 = arith.constant 0.000000e+00 : f32
      %neg3A_1198 = vector.broadcast %neg3A_1197 : f32 to vector<16xf32>
      %neg3A_1199 = arith.subf %neg3A_1198, %max3A_1196 : vector<16xf32>
      %max3A_1200 = arith.constant 9.99999996E-13 : f32
      %max3A_1201 = vector.broadcast %max3A_1200 : f32 to vector<16xf32>
      %max3A_1202 = arith.maximumf %mul3A_1161, %max3A_1201 : vector<16xf32>
      %bitcast_convert_type3A_1203 = tpu.bitcast %max3A_1202 : vector<16xf32> -> vector<16xi32>
      %shift_right_arithmetic3A_1204 = arith.constant 1 : i32
      %shift_right_arithmetic3A_1205 = vector.broadcast %shift_right_arithmetic3A_1204 : i32 to vector<16xi32>
      %shift_right_arithmetic3A_1206 = arith.shrsi %bitcast_convert_type3A_1203, %shift_right_arithmetic3A_1205 : vector<16xi32>
      %sub3A_1207 = arith.constant 1597463007 : i32
      %sub3A_1208 = vector.broadcast %sub3A_1207 : i32 to vector<16xi32>
      %sub3A_1209 = arith.subi %sub3A_1208, %shift_right_arithmetic3A_1206 : vector<16xi32>
      %bitcast_convert_type3A_1210 = tpu.bitcast %sub3A_1209 : vector<16xi32> -> vector<16xf32>
      %mul3A_1211 = arith.constant 5.000000e-01 : f32
      %mul3A_1212 = vector.broadcast %mul3A_1211 : f32 to vector<16xf32>
      %mul3A_1213 = arith.mulf %mul3A_1212, %max3A_1202 : vector<16xf32>
      %mul3A_1214 = arith.mulf %mul3A_1213, %bitcast_convert_type3A_1210 : vector<16xf32>
      %mul3A_1215 = arith.mulf %mul3A_1214, %bitcast_convert_type3A_1210 : vector<16xf32>
      %sub3A_1216 = arith.constant 1.500000e+00 : f32
      %sub3A_1217 = vector.broadcast %sub3A_1216 : f32 to vector<16xf32>
      %sub3A_1218 = arith.subf %sub3A_1217, %mul3A_1215 : vector<16xf32>
      %mul3A_1219 = arith.mulf %bitcast_convert_type3A_1210, %sub3A_1218 : vector<16xf32>
      %mul3A_1220 = arith.constant 5.000000e-01 : f32
      %mul3A_1221 = vector.broadcast %mul3A_1220 : f32 to vector<16xf32>
      %mul3A_1222 = arith.mulf %mul3A_1221, %max3A_1202 : vector<16xf32>
      %mul3A_1223 = arith.mulf %mul3A_1222, %mul3A_1219 : vector<16xf32>
      %mul3A_1224 = arith.mulf %mul3A_1223, %mul3A_1219 : vector<16xf32>
      %sub3A_1225 = arith.constant 1.500000e+00 : f32
      %sub3A_1226 = vector.broadcast %sub3A_1225 : f32 to vector<16xf32>
      %sub3A_1227 = arith.subf %sub3A_1226, %mul3A_1224 : vector<16xf32>
      %mul3A_1228 = arith.mulf %mul3A_1219, %sub3A_1227 : vector<16xf32>
      %mul3A_1229 = arith.constant 5.000000e-01 : f32
      %mul3A_1230 = vector.broadcast %mul3A_1229 : f32 to vector<16xf32>
      %mul3A_1231 = arith.mulf %mul3A_1230, %max3A_1202 : vector<16xf32>
      %mul3A_1232 = arith.mulf %mul3A_1231, %mul3A_1228 : vector<16xf32>
      %mul3A_1233 = arith.mulf %mul3A_1232, %mul3A_1228 : vector<16xf32>
      %sub3A_1234 = arith.constant 1.500000e+00 : f32
      %sub3A_1235 = vector.broadcast %sub3A_1234 : f32 to vector<16xf32>
      %sub3A_1236 = arith.subf %sub3A_1235, %mul3A_1233 : vector<16xf32>
      %mul3A_1237 = arith.mulf %mul3A_1228, %sub3A_1236 : vector<16xf32>
      %mul3A_1238 = arith.mulf %mul3A_1237, %mul3A_1237 : vector<16xf32>
      %mul3A_1239 = arith.mulf %neg3A_1199, %mul3A_1238 : vector<16xf32>
      %exp3A_1240 = math.exp %mul3A_1239 : vector<16xf32>
      %mul3A_1241 = arith.constant 5.000000e-01 : f32
      %mul3A_1242 = vector.broadcast %mul3A_1241 : f32 to vector<16xf32>
      %mul3A_1243 = arith.mulf %mul3A_1242, %exp3A_1240 : vector<16xf32>
      %sign3A_1244 = tpu.bitcast %sub3A_1188 : vector<16xf32> -> vector<16xi32>
      %sign3A_1245 = arith.constant -2147483648 : i32
      %sign3A_1246 = vector.broadcast %sign3A_1245 : i32 to vector<16xi32>
      %sign3A_1247 = arith.andi %sign3A_1244, %sign3A_1246 : vector<16xi32>
      %sign3A_1248 = arith.constant 1065353216 : i32
      %sign3A_1249 = vector.broadcast %sign3A_1248 : i32 to vector<16xi32>
      %sign3A_1250 = arith.ori %sign3A_1249, %sign3A_1247 : vector<16xi32>
      %sign3A_1251 = tpu.bitcast %sign3A_1250 : vector<16xi32> -> vector<16xf32>
      %sign3A_1252 = math.absf %sub3A_1188 : vector<16xf32>
      %sign3A_1253 = arith.constant 0.000000e+00 : f32
      %sign3A_1254 = vector.broadcast %sign3A_1253 : f32 to vector<16xf32>
      %sign3A_1255 = arith.cmpf ogt, %sign3A_1252, %sign3A_1254 : vector<16xf32>
      %sign3A_1256 = arith.select %sign3A_1255, %sign3A_1251, %sub3A_1188 : vector<16xi1>, vector<16xf32>
      %mul3A_1257 = arith.mulf %max3A_1187, %mul3A_1243 : vector<16xf32>
      %mul3A_1258 = arith.mulf %sign3A_1256, %mul3A_1257 : vector<16xf32>
      %add3A_1259 = arith.addf %bitcast_convert_type3A_1176, %mul3A_1258 : vector<16xf32>
      %mul3A_1260 = arith.mulf %select_n3A_413, %mul3A_398 : vector<16xf32>
      %mul3A_1261 = arith.mulf %mul3A_544, %select_n3A_413 : vector<16xf32>
      %mul3A_1262 = arith.mulf %mul3A_1261, %abs3A_547 : vector<16xf32>
      %bitcast_convert_type3A_1263 = tpu.bitcast %mul3A_1260 : vector<16xf32> -> vector<16xi32>
      %add3A_1264 = arith.constant 32767 : i32
      %add3A_1265 = vector.broadcast %add3A_1264 : i32 to vector<16xi32>
      %add3A_1266 = arith.addi %bitcast_convert_type3A_1263, %add3A_1265 : vector<16xi32>
      %shift_right_arithmetic3A_1267 = arith.constant 16 : i32
      %shift_right_arithmetic3A_1268 = vector.broadcast %shift_right_arithmetic3A_1267 : i32 to vector<16xi32>
      %shift_right_arithmetic3A_1269 = arith.shrsi %bitcast_convert_type3A_1263, %shift_right_arithmetic3A_1268 : vector<16xi32>
      %and3A_1270 = arith.constant 1 : i32
      %and3A_1271 = vector.broadcast %and3A_1270 : i32 to vector<16xi32>
      %and3A_1272 = arith.andi %shift_right_arithmetic3A_1269, %and3A_1271 : vector<16xi32>
      %add3A_1273 = arith.addi %add3A_1266, %and3A_1272 : vector<16xi32>
      %and3A_1274 = arith.constant -65536 : i32
      %and3A_1275 = vector.broadcast %and3A_1274 : i32 to vector<16xi32>
      %and3A_1276 = arith.andi %add3A_1273, %and3A_1275 : vector<16xi32>
      %bitcast_convert_type3A_1277 = tpu.bitcast %and3A_1276 : vector<16xi32> -> vector<16xf32>
      %bitcast_convert_type3A_1278 = tpu.bitcast %bitcast_convert_type3A_1277 : vector<16xf32> -> vector<16xi32>
      %and3A_1279 = arith.constant 2139095040 : i32
      %and3A_1280 = vector.broadcast %and3A_1279 : i32 to vector<16xi32>
      %and3A_1281 = arith.andi %bitcast_convert_type3A_1278, %and3A_1280 : vector<16xi32>
      %bitcast_convert_type3A_1282 = tpu.bitcast %and3A_1281 : vector<16xi32> -> vector<16xf32>
      %mul3A_1283 = arith.constant 7.812500e-03 : f32
      %mul3A_1284 = vector.broadcast %mul3A_1283 : f32 to vector<16xf32>
      %mul3A_1285 = arith.mulf %bitcast_convert_type3A_1282, %mul3A_1284 : vector<16xf32>
      %max3A_1286 = arith.constant 9.99999996E-13 : f32
      %max3A_1287 = vector.broadcast %max3A_1286 : f32 to vector<16xf32>
      %max3A_1288 = arith.maximumf %mul3A_1285, %max3A_1287 : vector<16xf32>
      %sub3A_1289 = arith.subf %mul3A_1260, %bitcast_convert_type3A_1277 : vector<16xf32>
      %mul3A_1290 = arith.constant 5.000000e-01 : f32
      %mul3A_1291 = vector.broadcast %mul3A_1290 : f32 to vector<16xf32>
      %mul3A_1292 = arith.mulf %mul3A_1291, %max3A_1288 : vector<16xf32>
      %abs3A_1293 = math.absf %sub3A_1289 : vector<16xf32>
      %sub3A_1294 = arith.subf %mul3A_1292, %abs3A_1293 : vector<16xf32>
      %max3A_1295 = arith.constant 0.000000e+00 : f32
      %max3A_1296 = vector.broadcast %max3A_1295 : f32 to vector<16xf32>
      %max3A_1297 = arith.maximumf %sub3A_1294, %max3A_1296 : vector<16xf32>
      %neg3A_1298 = arith.constant 0.000000e+00 : f32
      %neg3A_1299 = vector.broadcast %neg3A_1298 : f32 to vector<16xf32>
      %neg3A_1300 = arith.subf %neg3A_1299, %max3A_1297 : vector<16xf32>
      %max3A_1301 = arith.constant 9.99999996E-13 : f32
      %max3A_1302 = vector.broadcast %max3A_1301 : f32 to vector<16xf32>
      %max3A_1303 = arith.maximumf %mul3A_1262, %max3A_1302 : vector<16xf32>
      %bitcast_convert_type3A_1304 = tpu.bitcast %max3A_1303 : vector<16xf32> -> vector<16xi32>
      %shift_right_arithmetic3A_1305 = arith.constant 1 : i32
      %shift_right_arithmetic3A_1306 = vector.broadcast %shift_right_arithmetic3A_1305 : i32 to vector<16xi32>
      %shift_right_arithmetic3A_1307 = arith.shrsi %bitcast_convert_type3A_1304, %shift_right_arithmetic3A_1306 : vector<16xi32>
      %sub3A_1308 = arith.constant 1597463007 : i32
      %sub3A_1309 = vector.broadcast %sub3A_1308 : i32 to vector<16xi32>
      %sub3A_1310 = arith.subi %sub3A_1309, %shift_right_arithmetic3A_1307 : vector<16xi32>
      %bitcast_convert_type3A_1311 = tpu.bitcast %sub3A_1310 : vector<16xi32> -> vector<16xf32>
      %mul3A_1312 = arith.constant 5.000000e-01 : f32
      %mul3A_1313 = vector.broadcast %mul3A_1312 : f32 to vector<16xf32>
      %mul3A_1314 = arith.mulf %mul3A_1313, %max3A_1303 : vector<16xf32>
      %mul3A_1315 = arith.mulf %mul3A_1314, %bitcast_convert_type3A_1311 : vector<16xf32>
      %mul3A_1316 = arith.mulf %mul3A_1315, %bitcast_convert_type3A_1311 : vector<16xf32>
      %sub3A_1317 = arith.constant 1.500000e+00 : f32
      %sub3A_1318 = vector.broadcast %sub3A_1317 : f32 to vector<16xf32>
      %sub3A_1319 = arith.subf %sub3A_1318, %mul3A_1316 : vector<16xf32>
      %mul3A_1320 = arith.mulf %bitcast_convert_type3A_1311, %sub3A_1319 : vector<16xf32>
      %mul3A_1321 = arith.constant 5.000000e-01 : f32
      %mul3A_1322 = vector.broadcast %mul3A_1321 : f32 to vector<16xf32>
      %mul3A_1323 = arith.mulf %mul3A_1322, %max3A_1303 : vector<16xf32>
      %mul3A_1324 = arith.mulf %mul3A_1323, %mul3A_1320 : vector<16xf32>
      %mul3A_1325 = arith.mulf %mul3A_1324, %mul3A_1320 : vector<16xf32>
      %sub3A_1326 = arith.constant 1.500000e+00 : f32
      %sub3A_1327 = vector.broadcast %sub3A_1326 : f32 to vector<16xf32>
      %sub3A_1328 = arith.subf %sub3A_1327, %mul3A_1325 : vector<16xf32>
      %mul3A_1329 = arith.mulf %mul3A_1320, %sub3A_1328 : vector<16xf32>
      %mul3A_1330 = arith.constant 5.000000e-01 : f32
      %mul3A_1331 = vector.broadcast %mul3A_1330 : f32 to vector<16xf32>
      %mul3A_1332 = arith.mulf %mul3A_1331, %max3A_1303 : vector<16xf32>
      %mul3A_1333 = arith.mulf %mul3A_1332, %mul3A_1329 : vector<16xf32>
      %mul3A_1334 = arith.mulf %mul3A_1333, %mul3A_1329 : vector<16xf32>
      %sub3A_1335 = arith.constant 1.500000e+00 : f32
      %sub3A_1336 = vector.broadcast %sub3A_1335 : f32 to vector<16xf32>
      %sub3A_1337 = arith.subf %sub3A_1336, %mul3A_1334 : vector<16xf32>
      %mul3A_1338 = arith.mulf %mul3A_1329, %sub3A_1337 : vector<16xf32>
      %mul3A_1339 = arith.mulf %mul3A_1338, %mul3A_1338 : vector<16xf32>
      %mul3A_1340 = arith.mulf %neg3A_1300, %mul3A_1339 : vector<16xf32>
      %exp3A_1341 = math.exp %mul3A_1340 : vector<16xf32>
      %mul3A_1342 = arith.constant 5.000000e-01 : f32
      %mul3A_1343 = vector.broadcast %mul3A_1342 : f32 to vector<16xf32>
      %mul3A_1344 = arith.mulf %mul3A_1343, %exp3A_1341 : vector<16xf32>
      %sign3A_1345 = tpu.bitcast %sub3A_1289 : vector<16xf32> -> vector<16xi32>
      %sign3A_1346 = arith.constant -2147483648 : i32
      %sign3A_1347 = vector.broadcast %sign3A_1346 : i32 to vector<16xi32>
      %sign3A_1348 = arith.andi %sign3A_1345, %sign3A_1347 : vector<16xi32>
      %sign3A_1349 = arith.constant 1065353216 : i32
      %sign3A_1350 = vector.broadcast %sign3A_1349 : i32 to vector<16xi32>
      %sign3A_1351 = arith.ori %sign3A_1350, %sign3A_1348 : vector<16xi32>
      %sign3A_1352 = tpu.bitcast %sign3A_1351 : vector<16xi32> -> vector<16xf32>
      %sign3A_1353 = math.absf %sub3A_1289 : vector<16xf32>
      %sign3A_1354 = arith.constant 0.000000e+00 : f32
      %sign3A_1355 = vector.broadcast %sign3A_1354 : f32 to vector<16xf32>
      %sign3A_1356 = arith.cmpf ogt, %sign3A_1353, %sign3A_1355 : vector<16xf32>
      %sign3A_1357 = arith.select %sign3A_1356, %sign3A_1352, %sub3A_1289 : vector<16xi1>, vector<16xf32>
      %mul3A_1358 = arith.mulf %max3A_1288, %mul3A_1344 : vector<16xf32>
      %mul3A_1359 = arith.mulf %sign3A_1357, %mul3A_1358 : vector<16xf32>
      %add3A_1360 = arith.addf %bitcast_convert_type3A_1277, %mul3A_1359 : vector<16xf32>
      %mul3A_1361 = arith.mulf %add3A_644, %add3A_1054 : vector<16xf32>
      %mul3A_1362 = arith.mulf %add3A_743, %add3A_1259 : vector<16xf32>
      %sub3A_1363 = arith.subf %mul3A_1361, %mul3A_1362 : vector<16xf32>
      %mul3A_1364 = arith.mulf %add3A_644, %add3A_1155 : vector<16xf32>
      %mul3A_1365 = arith.mulf %add3A_743, %add3A_1360 : vector<16xf32>
      %sub3A_1366 = arith.subf %mul3A_1364, %mul3A_1365 : vector<16xf32>
      %mul3A_1367 = arith.mulf %add3A_743, %add3A_1054 : vector<16xf32>
      %mul3A_1368 = arith.mulf %add3A_644, %add3A_1259 : vector<16xf32>
      %add3A_1369 = arith.addf %mul3A_1367, %mul3A_1368 : vector<16xf32>
      %mul3A_1370 = arith.mulf %add3A_743, %add3A_1155 : vector<16xf32>
      %mul3A_1371 = arith.mulf %add3A_644, %add3A_1360 : vector<16xf32>
      %add3A_1372 = arith.addf %mul3A_1370, %mul3A_1371 : vector<16xf32>
      %max3A_1373 = arith.constant 1.000000e-30 : f32
      %max3A_1374 = vector.broadcast %max3A_1373 : f32 to vector<16xf32>
      %max3A_1375 = arith.maximumf %mul3A_496, %max3A_1374 : vector<16xf32>
      %bitcast_convert_type3A_1376 = tpu.bitcast %max3A_1375 : vector<16xf32> -> vector<16xi32>
      %shift_right_arithmetic3A_1377 = arith.constant 1 : i32
      %shift_right_arithmetic3A_1378 = vector.broadcast %shift_right_arithmetic3A_1377 : i32 to vector<16xi32>
      %shift_right_arithmetic3A_1379 = arith.shrsi %bitcast_convert_type3A_1376, %shift_right_arithmetic3A_1378 : vector<16xi32>
      %sub3A_1380 = arith.constant 1597463007 : i32
      %sub3A_1381 = vector.broadcast %sub3A_1380 : i32 to vector<16xi32>
      %sub3A_1382 = arith.subi %sub3A_1381, %shift_right_arithmetic3A_1379 : vector<16xi32>
      %bitcast_convert_type3A_1383 = tpu.bitcast %sub3A_1382 : vector<16xi32> -> vector<16xf32>
      %mul3A_1384 = arith.constant 5.000000e-01 : f32
      %mul3A_1385 = vector.broadcast %mul3A_1384 : f32 to vector<16xf32>
      %mul3A_1386 = arith.mulf %mul3A_1385, %max3A_1375 : vector<16xf32>
      %mul3A_1387 = arith.mulf %mul3A_1386, %bitcast_convert_type3A_1383 : vector<16xf32>
      %mul3A_1388 = arith.mulf %mul3A_1387, %bitcast_convert_type3A_1383 : vector<16xf32>
      %sub3A_1389 = arith.constant 1.500000e+00 : f32
      %sub3A_1390 = vector.broadcast %sub3A_1389 : f32 to vector<16xf32>
      %sub3A_1391 = arith.subf %sub3A_1390, %mul3A_1388 : vector<16xf32>
      %mul3A_1392 = arith.mulf %bitcast_convert_type3A_1383, %sub3A_1391 : vector<16xf32>
      %mul3A_1393 = arith.constant 5.000000e-01 : f32
      %mul3A_1394 = vector.broadcast %mul3A_1393 : f32 to vector<16xf32>
      %mul3A_1395 = arith.mulf %mul3A_1394, %max3A_1375 : vector<16xf32>
      %mul3A_1396 = arith.mulf %mul3A_1395, %mul3A_1392 : vector<16xf32>
      %mul3A_1397 = arith.mulf %mul3A_1396, %mul3A_1392 : vector<16xf32>
      %sub3A_1398 = arith.constant 1.500000e+00 : f32
      %sub3A_1399 = vector.broadcast %sub3A_1398 : f32 to vector<16xf32>
      %sub3A_1400 = arith.subf %sub3A_1399, %mul3A_1397 : vector<16xf32>
      %mul3A_1401 = arith.mulf %mul3A_1392, %sub3A_1400 : vector<16xf32>
      %mul3A_1402 = arith.constant 5.000000e-01 : f32
      %mul3A_1403 = vector.broadcast %mul3A_1402 : f32 to vector<16xf32>
      %mul3A_1404 = arith.mulf %mul3A_1403, %max3A_1375 : vector<16xf32>
      %mul3A_1405 = arith.mulf %mul3A_1404, %mul3A_1401 : vector<16xf32>
      %mul3A_1406 = arith.mulf %mul3A_1405, %mul3A_1401 : vector<16xf32>
      %sub3A_1407 = arith.constant 1.500000e+00 : f32
      %sub3A_1408 = vector.broadcast %sub3A_1407 : f32 to vector<16xf32>
      %sub3A_1409 = arith.subf %sub3A_1408, %mul3A_1406 : vector<16xf32>
      %mul3A_1410 = arith.mulf %mul3A_1401, %sub3A_1409 : vector<16xf32>
      %mul3A_1411 = arith.mulf %mul3A_496, %mul3A_1410 : vector<16xf32>
      %select_n3A_1412 = arith.select %eq3A_206, %sub3A_1363, %add3A_189 : vector<16xi1>, vector<16xf32>
      %select_n3A_1413 = arith.select %eq3A_200, %mul3A_1411, %select_n3A_1412 : vector<16xi1>, vector<16xf32>
      %select_n3A_1414 = arith.select %eq3A_206, %sub3A_1366, %add3A_192 : vector<16xi1>, vector<16xf32>
      %jit3A_1415 = arith.constant 0.000000e+00 : f32
      %broadcast_in_dim3A_1416 = vector.broadcast %jit3A_1415 : f32 to vector<16xf32>
      %select_n3A_1417 = arith.select %eq3A_200, %broadcast_in_dim3A_1416, %select_n3A_1414 : vector<16xi1>, vector<16xf32>
      %select_n3A_1418 = arith.select %eq3A_206, %add3A_1369, %add3A_195 : vector<16xi1>, vector<16xf32>
      %jit3A_1419 = arith.constant 0.000000e+00 : f32
      %broadcast_in_dim3A_1420 = vector.broadcast %jit3A_1419 : f32 to vector<16xf32>
      %select_n3A_1421 = arith.select %eq3A_200, %broadcast_in_dim3A_1420, %select_n3A_1418 : vector<16xi1>, vector<16xf32>
      %select_n3A_1422 = arith.select %eq3A_206, %add3A_1372, %add3A_198 : vector<16xi1>, vector<16xf32>
      %select_n3A_1423 = arith.select %eq3A_200, %mul3A_1411, %select_n3A_1422 : vector<16xi1>, vector<16xf32>
      %mul3A_1424 = arith.constant 2.000000e+00 : f32
      %mul3A_1425 = vector.broadcast %mul3A_1424 : f32 to vector<16xf32>
      %mul3A_1426 = arith.mulf %mul3A_1425, %select_n3A_222 : vector<16xf32>
      %mul3A_1427 = arith.mulf %mul3A_225, %mul3A_496 : vector<16xf32>
      %sub3A_1428 = arith.constant 1.000000e+00 : f32
      %sub3A_1429 = vector.broadcast %sub3A_1428 : f32 to vector<16xf32>
      %sub3A_1430 = arith.subf %mul3A_496, %sub3A_1429 : vector<16xf32>
      %mul3A_1431 = arith.mulf %mul3A_1427, %sub3A_1430 : vector<16xf32>
      %sub3A_1432 = arith.subf %select_n3A_1413, %add3A_944 : vector<16xf32>
      %bitcast_convert_type3A_1433 = tpu.bitcast %sub3A_1432 : vector<16xf32> -> vector<16xi32>
      %add3A_1434 = arith.constant 32767 : i32
      %add3A_1435 = vector.broadcast %add3A_1434 : i32 to vector<16xi32>
      %add3A_1436 = arith.addi %bitcast_convert_type3A_1433, %add3A_1435 : vector<16xi32>
      %shift_right_arithmetic3A_1437 = arith.constant 16 : i32
      %shift_right_arithmetic3A_1438 = vector.broadcast %shift_right_arithmetic3A_1437 : i32 to vector<16xi32>
      %shift_right_arithmetic3A_1439 = arith.shrsi %bitcast_convert_type3A_1433, %shift_right_arithmetic3A_1438 : vector<16xi32>
      %and3A_1440 = arith.constant 1 : i32
      %and3A_1441 = vector.broadcast %and3A_1440 : i32 to vector<16xi32>
      %and3A_1442 = arith.andi %shift_right_arithmetic3A_1439, %and3A_1441 : vector<16xi32>
      %add3A_1443 = arith.addi %add3A_1436, %and3A_1442 : vector<16xi32>
      %and3A_1444 = arith.constant -65536 : i32
      %and3A_1445 = vector.broadcast %and3A_1444 : i32 to vector<16xi32>
      %and3A_1446 = arith.andi %add3A_1443, %and3A_1445 : vector<16xi32>
      %bitcast_convert_type3A_1447 = tpu.bitcast %and3A_1446 : vector<16xi32> -> vector<16xf32>
      %sub3A_1448 = arith.subf %select_n3A_1417, %sub3A_947 : vector<16xf32>
      %bitcast_convert_type3A_1449 = tpu.bitcast %sub3A_1448 : vector<16xf32> -> vector<16xi32>
      %add3A_1450 = arith.constant 32767 : i32
      %add3A_1451 = vector.broadcast %add3A_1450 : i32 to vector<16xi32>
      %add3A_1452 = arith.addi %bitcast_convert_type3A_1449, %add3A_1451 : vector<16xi32>
      %shift_right_arithmetic3A_1453 = arith.constant 16 : i32
      %shift_right_arithmetic3A_1454 = vector.broadcast %shift_right_arithmetic3A_1453 : i32 to vector<16xi32>
      %shift_right_arithmetic3A_1455 = arith.shrsi %bitcast_convert_type3A_1449, %shift_right_arithmetic3A_1454 : vector<16xi32>
      %and3A_1456 = arith.constant 1 : i32
      %and3A_1457 = vector.broadcast %and3A_1456 : i32 to vector<16xi32>
      %and3A_1458 = arith.andi %shift_right_arithmetic3A_1455, %and3A_1457 : vector<16xi32>
      %add3A_1459 = arith.addi %add3A_1452, %and3A_1458 : vector<16xi32>
      %and3A_1460 = arith.constant -65536 : i32
      %and3A_1461 = vector.broadcast %and3A_1460 : i32 to vector<16xi32>
      %and3A_1462 = arith.andi %add3A_1459, %and3A_1461 : vector<16xi32>
      %bitcast_convert_type3A_1463 = tpu.bitcast %and3A_1462 : vector<16xi32> -> vector<16xf32>
      %sub3A_1464 = arith.subf %select_n3A_1421, %sub3A_950 : vector<16xf32>
      %bitcast_convert_type3A_1465 = tpu.bitcast %sub3A_1464 : vector<16xf32> -> vector<16xi32>
      %add3A_1466 = arith.constant 32767 : i32
      %add3A_1467 = vector.broadcast %add3A_1466 : i32 to vector<16xi32>
      %add3A_1468 = arith.addi %bitcast_convert_type3A_1465, %add3A_1467 : vector<16xi32>
      %shift_right_arithmetic3A_1469 = arith.constant 16 : i32
      %shift_right_arithmetic3A_1470 = vector.broadcast %shift_right_arithmetic3A_1469 : i32 to vector<16xi32>
      %shift_right_arithmetic3A_1471 = arith.shrsi %bitcast_convert_type3A_1465, %shift_right_arithmetic3A_1470 : vector<16xi32>
      %and3A_1472 = arith.constant 1 : i32
      %and3A_1473 = vector.broadcast %and3A_1472 : i32 to vector<16xi32>
      %and3A_1474 = arith.andi %shift_right_arithmetic3A_1471, %and3A_1473 : vector<16xi32>
      %add3A_1475 = arith.addi %add3A_1468, %and3A_1474 : vector<16xi32>
      %and3A_1476 = arith.constant -65536 : i32
      %and3A_1477 = vector.broadcast %and3A_1476 : i32 to vector<16xi32>
      %and3A_1478 = arith.andi %add3A_1475, %and3A_1477 : vector<16xi32>
      %bitcast_convert_type3A_1479 = tpu.bitcast %and3A_1478 : vector<16xi32> -> vector<16xf32>
      %sub3A_1480 = arith.subf %select_n3A_1423, %add3A_953 : vector<16xf32>
      %bitcast_convert_type3A_1481 = tpu.bitcast %sub3A_1480 : vector<16xf32> -> vector<16xi32>
      %add3A_1482 = arith.constant 32767 : i32
      %add3A_1483 = vector.broadcast %add3A_1482 : i32 to vector<16xi32>
      %add3A_1484 = arith.addi %bitcast_convert_type3A_1481, %add3A_1483 : vector<16xi32>
      %shift_right_arithmetic3A_1485 = arith.constant 16 : i32
      %shift_right_arithmetic3A_1486 = vector.broadcast %shift_right_arithmetic3A_1485 : i32 to vector<16xi32>
      %shift_right_arithmetic3A_1487 = arith.shrsi %bitcast_convert_type3A_1481, %shift_right_arithmetic3A_1486 : vector<16xi32>
      %and3A_1488 = arith.constant 1 : i32
      %and3A_1489 = vector.broadcast %and3A_1488 : i32 to vector<16xi32>
      %and3A_1490 = arith.andi %shift_right_arithmetic3A_1487, %and3A_1489 : vector<16xi32>
      %add3A_1491 = arith.addi %add3A_1484, %and3A_1490 : vector<16xi32>
      %and3A_1492 = arith.constant -65536 : i32
      %and3A_1493 = vector.broadcast %and3A_1492 : i32 to vector<16xi32>
      %and3A_1494 = arith.andi %add3A_1491, %and3A_1493 : vector<16xi32>
      %bitcast_convert_type3A_1495 = tpu.bitcast %and3A_1494 : vector<16xi32> -> vector<16xf32>
      %bitcast_convert_type3A_1496 = tpu.bitcast %select_n3A_1413 : vector<16xf32> -> vector<16xi32>
      %add3A_1497 = arith.constant 32767 : i32
      %add3A_1498 = vector.broadcast %add3A_1497 : i32 to vector<16xi32>
      %add3A_1499 = arith.addi %bitcast_convert_type3A_1496, %add3A_1498 : vector<16xi32>
      %shift_right_arithmetic3A_1500 = arith.constant 16 : i32
      %shift_right_arithmetic3A_1501 = vector.broadcast %shift_right_arithmetic3A_1500 : i32 to vector<16xi32>
      %shift_right_arithmetic3A_1502 = arith.shrsi %bitcast_convert_type3A_1496, %shift_right_arithmetic3A_1501 : vector<16xi32>
      %and3A_1503 = arith.constant 1 : i32
      %and3A_1504 = vector.broadcast %and3A_1503 : i32 to vector<16xi32>
      %and3A_1505 = arith.andi %shift_right_arithmetic3A_1502, %and3A_1504 : vector<16xi32>
      %add3A_1506 = arith.addi %add3A_1499, %and3A_1505 : vector<16xi32>
      %and3A_1507 = arith.constant -65536 : i32
      %and3A_1508 = vector.broadcast %and3A_1507 : i32 to vector<16xi32>
      %and3A_1509 = arith.andi %add3A_1506, %and3A_1508 : vector<16xi32>
      %bitcast_convert_type3A_1510 = tpu.bitcast %and3A_1509 : vector<16xi32> -> vector<16xf32>
      %bitcast_convert_type3A_1511 = tpu.bitcast %select_n3A_1417 : vector<16xf32> -> vector<16xi32>
      %add3A_1512 = arith.constant 32767 : i32
      %add3A_1513 = vector.broadcast %add3A_1512 : i32 to vector<16xi32>
      %add3A_1514 = arith.addi %bitcast_convert_type3A_1511, %add3A_1513 : vector<16xi32>
      %shift_right_arithmetic3A_1515 = arith.constant 16 : i32
      %shift_right_arithmetic3A_1516 = vector.broadcast %shift_right_arithmetic3A_1515 : i32 to vector<16xi32>
      %shift_right_arithmetic3A_1517 = arith.shrsi %bitcast_convert_type3A_1511, %shift_right_arithmetic3A_1516 : vector<16xi32>
      %and3A_1518 = arith.constant 1 : i32
      %and3A_1519 = vector.broadcast %and3A_1518 : i32 to vector<16xi32>
      %and3A_1520 = arith.andi %shift_right_arithmetic3A_1517, %and3A_1519 : vector<16xi32>
      %add3A_1521 = arith.addi %add3A_1514, %and3A_1520 : vector<16xi32>
      %and3A_1522 = arith.constant -65536 : i32
      %and3A_1523 = vector.broadcast %and3A_1522 : i32 to vector<16xi32>
      %and3A_1524 = arith.andi %add3A_1521, %and3A_1523 : vector<16xi32>
      %bitcast_convert_type3A_1525 = tpu.bitcast %and3A_1524 : vector<16xi32> -> vector<16xf32>
      %bitcast_convert_type3A_1526 = tpu.bitcast %select_n3A_1421 : vector<16xf32> -> vector<16xi32>
      %add3A_1527 = arith.constant 32767 : i32
      %add3A_1528 = vector.broadcast %add3A_1527 : i32 to vector<16xi32>
      %add3A_1529 = arith.addi %bitcast_convert_type3A_1526, %add3A_1528 : vector<16xi32>
      %shift_right_arithmetic3A_1530 = arith.constant 16 : i32
      %shift_right_arithmetic3A_1531 = vector.broadcast %shift_right_arithmetic3A_1530 : i32 to vector<16xi32>
      %shift_right_arithmetic3A_1532 = arith.shrsi %bitcast_convert_type3A_1526, %shift_right_arithmetic3A_1531 : vector<16xi32>
      %and3A_1533 = arith.constant 1 : i32
      %and3A_1534 = vector.broadcast %and3A_1533 : i32 to vector<16xi32>
      %and3A_1535 = arith.andi %shift_right_arithmetic3A_1532, %and3A_1534 : vector<16xi32>
      %add3A_1536 = arith.addi %add3A_1529, %and3A_1535 : vector<16xi32>
      %and3A_1537 = arith.constant -65536 : i32
      %and3A_1538 = vector.broadcast %and3A_1537 : i32 to vector<16xi32>
      %and3A_1539 = arith.andi %add3A_1536, %and3A_1538 : vector<16xi32>
      %bitcast_convert_type3A_1540 = tpu.bitcast %and3A_1539 : vector<16xi32> -> vector<16xf32>
      %bitcast_convert_type3A_1541 = tpu.bitcast %select_n3A_1423 : vector<16xf32> -> vector<16xi32>
      %add3A_1542 = arith.constant 32767 : i32
      %add3A_1543 = vector.broadcast %add3A_1542 : i32 to vector<16xi32>
      %add3A_1544 = arith.addi %bitcast_convert_type3A_1541, %add3A_1543 : vector<16xi32>
      %shift_right_arithmetic3A_1545 = arith.constant 16 : i32
      %shift_right_arithmetic3A_1546 = vector.broadcast %shift_right_arithmetic3A_1545 : i32 to vector<16xi32>
      %shift_right_arithmetic3A_1547 = arith.shrsi %bitcast_convert_type3A_1541, %shift_right_arithmetic3A_1546 : vector<16xi32>
      %and3A_1548 = arith.constant 1 : i32
      %and3A_1549 = vector.broadcast %and3A_1548 : i32 to vector<16xi32>
      %and3A_1550 = arith.andi %shift_right_arithmetic3A_1547, %and3A_1549 : vector<16xi32>
      %add3A_1551 = arith.addi %add3A_1544, %and3A_1550 : vector<16xi32>
      %and3A_1552 = arith.constant -65536 : i32
      %and3A_1553 = vector.broadcast %and3A_1552 : i32 to vector<16xi32>
      %and3A_1554 = arith.andi %add3A_1551, %and3A_1553 : vector<16xi32>
      %bitcast_convert_type3A_1555 = tpu.bitcast %and3A_1554 : vector<16xi32> -> vector<16xf32>
      %mul3A_1556 = arith.mulf %bitcast_convert_type3A_1447, %bitcast_convert_type3A_1510 : vector<16xf32>
      %mul3A_1557 = arith.mulf %bitcast_convert_type3A_1463, %bitcast_convert_type3A_1525 : vector<16xf32>
      %add3A_1558 = arith.addf %mul3A_1556, %mul3A_1557 : vector<16xf32>
      %mul3A_1559 = arith.mulf %mul3A_1426, %add3A_1558 : vector<16xf32>
      %add3A_1560 = arith.addf %mul3A_1559, %mul3A_1431 : vector<16xf32>
      %mul3A_1561 = arith.constant -9.99999974E-5 : f32
      %mul3A_1562 = vector.broadcast %mul3A_1561 : f32 to vector<16xf32>
      %mul3A_1563 = arith.mulf %mul3A_1562, %add3A_1560 : vector<16xf32>
      %mul3A_1564 = arith.constant 1.52587891E-5 : f32
      %mul3A_1565 = vector.broadcast %mul3A_1564 : f32 to vector<16xf32>
      %mul3A_1566 = arith.mulf %mul3A_1565, %get3A_26 : vector<16xf32>
      %add3A_1567 = arith.addf %mul3A_1563, %mul3A_1566 : vector<16xf32>
      %mul3A_1568 = arith.mulf %bitcast_convert_type3A_1447, %bitcast_convert_type3A_1540 : vector<16xf32>
      %mul3A_1569 = arith.mulf %bitcast_convert_type3A_1463, %bitcast_convert_type3A_1555 : vector<16xf32>
      %add3A_1570 = arith.addf %mul3A_1568, %mul3A_1569 : vector<16xf32>
      %mul3A_1571 = arith.mulf %mul3A_1426, %add3A_1570 : vector<16xf32>
      %mul3A_1572 = arith.constant -9.99999974E-5 : f32
      %mul3A_1573 = vector.broadcast %mul3A_1572 : f32 to vector<16xf32>
      %mul3A_1574 = arith.mulf %mul3A_1573, %mul3A_1571 : vector<16xf32>
      %mul3A_1575 = arith.constant 1.52587891E-5 : f32
      %mul3A_1576 = vector.broadcast %mul3A_1575 : f32 to vector<16xf32>
      %mul3A_1577 = arith.mulf %mul3A_1576, %get3A_28 : vector<16xf32>
      %add3A_1578 = arith.addf %mul3A_1574, %mul3A_1577 : vector<16xf32>
      %mul3A_1579 = arith.mulf %bitcast_convert_type3A_1479, %bitcast_convert_type3A_1510 : vector<16xf32>
      %mul3A_1580 = arith.mulf %bitcast_convert_type3A_1495, %bitcast_convert_type3A_1525 : vector<16xf32>
      %add3A_1581 = arith.addf %mul3A_1579, %mul3A_1580 : vector<16xf32>
      %mul3A_1582 = arith.mulf %mul3A_1426, %add3A_1581 : vector<16xf32>
      %mul3A_1583 = arith.constant -9.99999974E-5 : f32
      %mul3A_1584 = vector.broadcast %mul3A_1583 : f32 to vector<16xf32>
      %mul3A_1585 = arith.mulf %mul3A_1584, %mul3A_1582 : vector<16xf32>
      %mul3A_1586 = arith.constant 1.52587891E-5 : f32
      %mul3A_1587 = vector.broadcast %mul3A_1586 : f32 to vector<16xf32>
      %mul3A_1588 = arith.mulf %mul3A_1587, %get3A_30 : vector<16xf32>
      %add3A_1589 = arith.addf %mul3A_1585, %mul3A_1588 : vector<16xf32>
      %mul3A_1590 = arith.mulf %bitcast_convert_type3A_1479, %bitcast_convert_type3A_1540 : vector<16xf32>
      %mul3A_1591 = arith.mulf %bitcast_convert_type3A_1495, %bitcast_convert_type3A_1555 : vector<16xf32>
      %add3A_1592 = arith.addf %mul3A_1590, %mul3A_1591 : vector<16xf32>
      %mul3A_1593 = arith.mulf %mul3A_1426, %add3A_1592 : vector<16xf32>
      %add3A_1594 = arith.addf %mul3A_1593, %mul3A_1431 : vector<16xf32>
      %mul3A_1595 = arith.constant -9.99999974E-5 : f32
      %mul3A_1596 = vector.broadcast %mul3A_1595 : f32 to vector<16xf32>
      %mul3A_1597 = arith.mulf %mul3A_1596, %add3A_1594 : vector<16xf32>
      %mul3A_1598 = arith.constant 1.52587891E-5 : f32
      %mul3A_1599 = vector.broadcast %mul3A_1598 : f32 to vector<16xf32>
      %mul3A_1600 = arith.mulf %mul3A_1599, %get3A_32 : vector<16xf32>
      %add3A_1601 = arith.addf %mul3A_1597, %mul3A_1600 : vector<16xf32>
      %bitcast_convert_type3A_1602 = tpu.bitcast %add3A_1567 : vector<16xf32> -> vector<16xi32>
      %add3A_1603 = arith.constant 32767 : i32
      %add3A_1604 = vector.broadcast %add3A_1603 : i32 to vector<16xi32>
      %add3A_1605 = arith.addi %bitcast_convert_type3A_1602, %add3A_1604 : vector<16xi32>
      %shift_right_arithmetic3A_1606 = arith.constant 16 : i32
      %shift_right_arithmetic3A_1607 = vector.broadcast %shift_right_arithmetic3A_1606 : i32 to vector<16xi32>
      %shift_right_arithmetic3A_1608 = arith.shrsi %bitcast_convert_type3A_1602, %shift_right_arithmetic3A_1607 : vector<16xi32>
      %and3A_1609 = arith.constant 1 : i32
      %and3A_1610 = vector.broadcast %and3A_1609 : i32 to vector<16xi32>
      %and3A_1611 = arith.andi %shift_right_arithmetic3A_1608, %and3A_1610 : vector<16xi32>
      %add3A_1612 = arith.addi %add3A_1605, %and3A_1611 : vector<16xi32>
      %and3A_1613 = arith.constant -65536 : i32
      %and3A_1614 = vector.broadcast %and3A_1613 : i32 to vector<16xi32>
      %and3A_1615 = arith.andi %add3A_1612, %and3A_1614 : vector<16xi32>
      %bitcast_convert_type3A_1616 = tpu.bitcast %and3A_1615 : vector<16xi32> -> vector<16xf32>
      %bitcast_convert_type3A_1617 = tpu.bitcast %add3A_1578 : vector<16xf32> -> vector<16xi32>
      %add3A_1618 = arith.constant 32767 : i32
      %add3A_1619 = vector.broadcast %add3A_1618 : i32 to vector<16xi32>
      %add3A_1620 = arith.addi %bitcast_convert_type3A_1617, %add3A_1619 : vector<16xi32>
      %shift_right_arithmetic3A_1621 = arith.constant 16 : i32
      %shift_right_arithmetic3A_1622 = vector.broadcast %shift_right_arithmetic3A_1621 : i32 to vector<16xi32>
      %shift_right_arithmetic3A_1623 = arith.shrsi %bitcast_convert_type3A_1617, %shift_right_arithmetic3A_1622 : vector<16xi32>
      %and3A_1624 = arith.constant 1 : i32
      %and3A_1625 = vector.broadcast %and3A_1624 : i32 to vector<16xi32>
      %and3A_1626 = arith.andi %shift_right_arithmetic3A_1623, %and3A_1625 : vector<16xi32>
      %add3A_1627 = arith.addi %add3A_1620, %and3A_1626 : vector<16xi32>
      %and3A_1628 = arith.constant -65536 : i32
      %and3A_1629 = vector.broadcast %and3A_1628 : i32 to vector<16xi32>
      %and3A_1630 = arith.andi %add3A_1627, %and3A_1629 : vector<16xi32>
      %bitcast_convert_type3A_1631 = tpu.bitcast %and3A_1630 : vector<16xi32> -> vector<16xf32>
      %bitcast_convert_type3A_1632 = tpu.bitcast %add3A_1589 : vector<16xf32> -> vector<16xi32>
      %add3A_1633 = arith.constant 32767 : i32
      %add3A_1634 = vector.broadcast %add3A_1633 : i32 to vector<16xi32>
      %add3A_1635 = arith.addi %bitcast_convert_type3A_1632, %add3A_1634 : vector<16xi32>
      %shift_right_arithmetic3A_1636 = arith.constant 16 : i32
      %shift_right_arithmetic3A_1637 = vector.broadcast %shift_right_arithmetic3A_1636 : i32 to vector<16xi32>
      %shift_right_arithmetic3A_1638 = arith.shrsi %bitcast_convert_type3A_1632, %shift_right_arithmetic3A_1637 : vector<16xi32>
      %and3A_1639 = arith.constant 1 : i32
      %and3A_1640 = vector.broadcast %and3A_1639 : i32 to vector<16xi32>
      %and3A_1641 = arith.andi %shift_right_arithmetic3A_1638, %and3A_1640 : vector<16xi32>
      %add3A_1642 = arith.addi %add3A_1635, %and3A_1641 : vector<16xi32>
      %and3A_1643 = arith.constant -65536 : i32
      %and3A_1644 = vector.broadcast %and3A_1643 : i32 to vector<16xi32>
      %and3A_1645 = arith.andi %add3A_1642, %and3A_1644 : vector<16xi32>
      %bitcast_convert_type3A_1646 = tpu.bitcast %and3A_1645 : vector<16xi32> -> vector<16xf32>
      %bitcast_convert_type3A_1647 = tpu.bitcast %add3A_1601 : vector<16xf32> -> vector<16xi32>
      %add3A_1648 = arith.constant 32767 : i32
      %add3A_1649 = vector.broadcast %add3A_1648 : i32 to vector<16xi32>
      %add3A_1650 = arith.addi %bitcast_convert_type3A_1647, %add3A_1649 : vector<16xi32>
      %shift_right_arithmetic3A_1651 = arith.constant 16 : i32
      %shift_right_arithmetic3A_1652 = vector.broadcast %shift_right_arithmetic3A_1651 : i32 to vector<16xi32>
      %shift_right_arithmetic3A_1653 = arith.shrsi %bitcast_convert_type3A_1647, %shift_right_arithmetic3A_1652 : vector<16xi32>
      %and3A_1654 = arith.constant 1 : i32
      %and3A_1655 = vector.broadcast %and3A_1654 : i32 to vector<16xi32>
      %and3A_1656 = arith.andi %shift_right_arithmetic3A_1653, %and3A_1655 : vector<16xi32>
      %add3A_1657 = arith.addi %add3A_1650, %and3A_1656 : vector<16xi32>
      %and3A_1658 = arith.constant -65536 : i32
      %and3A_1659 = vector.broadcast %and3A_1658 : i32 to vector<16xi32>
      %and3A_1660 = arith.andi %add3A_1657, %and3A_1659 : vector<16xi32>
      %bitcast_convert_type3A_1661 = tpu.bitcast %and3A_1660 : vector<16xi32> -> vector<16xf32>
      %swap3A = arith.index_cast %mul3A_17 : i32 to index
      %swap3A_1662 = tpu.vector_load %arg39[%swap3A] {strides = array<i32>} : memref<576xf32, #tpu.memory_space<vmem>>, vector<16xf32>,
      tpu.vector_store %arg39[%swap3A], %select_n3A_1413 {strides = array<i32>} : memref<576xf32, #tpu.memory_space<vmem>>, vector<16xf32>,
      %swap3A_1663 = arith.index_cast %mul3A_17 : i32 to index
      %swap3A_1664 = tpu.vector_load %arg40[%swap3A_1663] {strides = array<i32>} : memref<576xf32, #tpu.memory_space<vmem>>, vector<16xf32>,
      tpu.vector_store %arg40[%swap3A_1663], %select_n3A_1417 {strides = array<i32>} : memref<576xf32, #tpu.memory_space<vmem>>, vector<16xf32>,
      %swap3A_1665 = arith.index_cast %mul3A_17 : i32 to index
      %swap3A_1666 = tpu.vector_load %arg41[%swap3A_1665] {strides = array<i32>} : memref<576xf32, #tpu.memory_space<vmem>>, vector<16xf32>,
      tpu.vector_store %arg41[%swap3A_1665], %select_n3A_1421 {strides = array<i32>} : memref<576xf32, #tpu.memory_space<vmem>>, vector<16xf32>,
      %swap3A_1667 = arith.index_cast %mul3A_17 : i32 to index
      %swap3A_1668 = tpu.vector_load %arg42[%swap3A_1667] {strides = array<i32>} : memref<576xf32, #tpu.memory_space<vmem>>, vector<16xf32>,
      tpu.vector_store %arg42[%swap3A_1667], %select_n3A_1423 {strides = array<i32>} : memref<576xf32, #tpu.memory_space<vmem>>, vector<16xf32>,
      %swap3A_1669 = arith.index_cast %mul3A_17 : i32 to index
      %swap3A_1670 = tpu.vector_load %arg43[%swap3A_1669] {strides = array<i32>} : memref<576xf32, #tpu.memory_space<vmem>>, vector<16xf32>,
      tpu.vector_store %arg43[%swap3A_1669], %mul3A_495 {strides = array<i32>} : memref<576xf32, #tpu.memory_space<vmem>>, vector<16xf32>,
      %mul3A_1671 = arith.constant 1.280000e+02 : f32
      %mul3A_1672 = vector.broadcast %mul3A_1671 : f32 to vector<16xf32>
      %mul3A_1673 = arith.mulf %get3A_18, %mul3A_1672 : vector<16xf32>
      %sub3A_1674 = arith.constant 5.000000e-01 : f32
      %sub3A_1675 = vector.broadcast %sub3A_1674 : f32 to vector<16xf32>
      %sub3A_1676 = arith.subf %mul3A_1673, %sub3A_1675 : vector<16xf32>
      %convert_element_type3A = arith.fptosi %sub3A_1676 : vector<16xf32> to vector<16xi32>
      %mul3A_1677 = arith.constant 1.280000e+02 : f32
      %mul3A_1678 = vector.broadcast %mul3A_1677 : f32 to vector<16xf32>
      %mul3A_1679 = arith.mulf %get3A_20, %mul3A_1678 : vector<16xf32>
      %sub3A_1680 = arith.constant 5.000000e-01 : f32
      %sub3A_1681 = vector.broadcast %sub3A_1680 : f32 to vector<16xf32>
      %sub3A_1682 = arith.subf %mul3A_1679, %sub3A_1681 : vector<16xf32>
      %convert_element_type3A_1683 = arith.fptosi %sub3A_1682 : vector<16xf32> to vector<16xi32>
      %mul3A_1684 = arith.constant 1.280000e+02 : f32
      %mul3A_1685 = vector.broadcast %mul3A_1684 : f32 to vector<16xf32>
      %mul3A_1686 = arith.mulf %get3A_18, %mul3A_1685 : vector<16xf32>
      %convert_element_type3A_1687 = arith.sitofp %convert_element_type3A : vector<16xi32> to vector<16xf32>
      %sub3A_1688 = arith.subf %mul3A_1686, %convert_element_type3A_1687 : vector<16xf32>
      %mul3A_1689 = arith.constant 1.280000e+02 : f32
      %mul3A_1690 = vector.broadcast %mul3A_1689 : f32 to vector<16xf32>
      %mul3A_1691 = arith.mulf %get3A_20, %mul3A_1690 : vector<16xf32>
      %convert_element_type3A_1692 = arith.sitofp %convert_element_type3A_1683 : vector<16xi32> to vector<16xf32>
      %sub3A_1693 = arith.subf %mul3A_1691, %convert_element_type3A_1692 : vector<16xf32>
      %sub3A_1694 = arith.constant 1.500000e+00 : f32
      %sub3A_1695 = vector.broadcast %sub3A_1694 : f32 to vector<16xf32>
      %sub3A_1696 = arith.subf %sub3A_1695, %sub3A_1688 : vector<16xf32>
      %sub3A_1697 = arith.constant 1.000000e+00 : f32
      %sub3A_1698 = vector.broadcast %sub3A_1697 : f32 to vector<16xf32>
      %sub3A_1699 = arith.subf %sub3A_1688, %sub3A_1698 : vector<16xf32>
      %sub3A_1700 = arith.constant 5.000000e-01 : f32
      %sub3A_1701 = vector.broadcast %sub3A_1700 : f32 to vector<16xf32>
      %sub3A_1702 = arith.subf %sub3A_1688, %sub3A_1701 : vector<16xf32>
      %mul3A_1703 = arith.constant 5.000000e-01 : f32
      %mul3A_1704 = vector.broadcast %mul3A_1703 : f32 to vector<16xf32>
      %mul3A_1705 = arith.mulf %mul3A_1704, %sub3A_1696 : vector<16xf32>
      %mul3A_1706 = arith.mulf %mul3A_1705, %sub3A_1696 : vector<16xf32>
      %mul3A_1707 = arith.mulf %sub3A_1699, %sub3A_1699 : vector<16xf32>
      %sub3A_1708 = arith.constant 7.500000e-01 : f32
      %sub3A_1709 = vector.broadcast %sub3A_1708 : f32 to vector<16xf32>
      %sub3A_1710 = arith.subf %sub3A_1709, %mul3A_1707 : vector<16xf32>
      %mul3A_1711 = arith.constant 5.000000e-01 : f32
      %mul3A_1712 = vector.broadcast %mul3A_1711 : f32 to vector<16xf32>
      %mul3A_1713 = arith.mulf %mul3A_1712, %sub3A_1702 : vector<16xf32>
      %mul3A_1714 = arith.mulf %mul3A_1713, %sub3A_1702 : vector<16xf32>
      %sub3A_1715 = arith.constant 1.500000e+00 : f32
      %sub3A_1716 = vector.broadcast %sub3A_1715 : f32 to vector<16xf32>
      %sub3A_1717 = arith.subf %sub3A_1716, %sub3A_1693 : vector<16xf32>
      %sub3A_1718 = arith.constant 1.000000e+00 : f32
      %sub3A_1719 = vector.broadcast %sub3A_1718 : f32 to vector<16xf32>
      %sub3A_1720 = arith.subf %sub3A_1693, %sub3A_1719 : vector<16xf32>
      %sub3A_1721 = arith.constant 5.000000e-01 : f32
      %sub3A_1722 = vector.broadcast %sub3A_1721 : f32 to vector<16xf32>
      %sub3A_1723 = arith.subf %sub3A_1693, %sub3A_1722 : vector<16xf32>
      %mul3A_1724 = arith.constant 5.000000e-01 : f32
      %mul3A_1725 = vector.broadcast %mul3A_1724 : f32 to vector<16xf32>
      %mul3A_1726 = arith.mulf %mul3A_1725, %sub3A_1717 : vector<16xf32>
      %mul3A_1727 = arith.mulf %mul3A_1726, %sub3A_1717 : vector<16xf32>
      %mul3A_1728 = arith.mulf %sub3A_1720, %sub3A_1720 : vector<16xf32>
      %sub3A_1729 = arith.constant 7.500000e-01 : f32
      %sub3A_1730 = vector.broadcast %sub3A_1729 : f32 to vector<16xf32>
      %sub3A_1731 = arith.subf %sub3A_1730, %mul3A_1728 : vector<16xf32>
      %mul3A_1732 = arith.constant 5.000000e-01 : f32
      %mul3A_1733 = vector.broadcast %mul3A_1732 : f32 to vector<16xf32>
      %mul3A_1734 = arith.mulf %mul3A_1733, %sub3A_1723 : vector<16xf32>
      %mul3A_1735 = arith.mulf %mul3A_1734, %sub3A_1723 : vector<16xf32>
      %mul3A_1736 = arith.constant 1.52587891E-5 : f32
      %mul3A_1737 = vector.broadcast %mul3A_1736 : f32 to vector<16xf32>
      %mul3A_1738 = arith.mulf %mul3A_1737, %get3A_22 : vector<16xf32>
      %mul3A_1739 = arith.constant 1.52587891E-5 : f32
      %mul3A_1740 = vector.broadcast %mul3A_1739 : f32 to vector<16xf32>
      %mul3A_1741 = arith.mulf %mul3A_1740, %get3A_24 : vector<16xf32>
      %sub3A_1742 = arith.constant 0.000000e+00 : f32
      %sub3A_1743 = vector.broadcast %sub3A_1742 : f32 to vector<16xf32>
      %sub3A_1744 = arith.subf %sub3A_1743, %sub3A_1688 : vector<16xf32>
      %mul3A_1745 = arith.constant 7.812500e-03 : f32
      %mul3A_1746 = vector.broadcast %mul3A_1745 : f32 to vector<16xf32>
      %mul3A_1747 = arith.mulf %sub3A_1744, %mul3A_1746 : vector<16xf32>
      %bitcast_convert_type3A_1748 = tpu.bitcast %mul3A_1747 : vector<16xf32> -> vector<16xi32>
      %add3A_1749 = arith.constant 32767 : i32
      %add3A_1750 = vector.broadcast %add3A_1749 : i32 to vector<16xi32>
      %add3A_1751 = arith.addi %bitcast_convert_type3A_1748, %add3A_1750 : vector<16xi32>
      %shift_right_arithmetic3A_1752 = arith.constant 16 : i32
      %shift_right_arithmetic3A_1753 = vector.broadcast %shift_right_arithmetic3A_1752 : i32 to vector<16xi32>
      %shift_right_arithmetic3A_1754 = arith.shrsi %bitcast_convert_type3A_1748, %shift_right_arithmetic3A_1753 : vector<16xi32>
      %and3A_1755 = arith.constant 1 : i32
      %and3A_1756 = vector.broadcast %and3A_1755 : i32 to vector<16xi32>
      %and3A_1757 = arith.andi %shift_right_arithmetic3A_1754, %and3A_1756 : vector<16xi32>
      %add3A_1758 = arith.addi %add3A_1751, %and3A_1757 : vector<16xi32>
      %and3A_1759 = arith.constant -65536 : i32
      %and3A_1760 = vector.broadcast %and3A_1759 : i32 to vector<16xi32>
      %and3A_1761 = arith.andi %add3A_1758, %and3A_1760 : vector<16xi32>
      %bitcast_convert_type3A_1762 = tpu.bitcast %and3A_1761 : vector<16xi32> -> vector<16xf32>
      %add3A_1763 = arith.constant 0 : i32
      %add3A_1764 = vector.broadcast %add3A_1763 : i32 to vector<16xi32>
      %add3A_1765 = arith.addi %convert_element_type3A, %add3A_1764 : vector<16xi32>
      %mul3A_1766 = arith.constant 128 : i32
      %mul3A_1767 = vector.broadcast %mul3A_1766 : i32 to vector<16xi32>
      %mul3A_1768 = arith.muli %add3A_1765, %mul3A_1767 : vector<16xi32>
      %sub3A_1769 = arith.constant 0.000000e+00 : f32
      %sub3A_1770 = vector.broadcast %sub3A_1769 : f32 to vector<16xf32>
      %sub3A_1771 = arith.subf %sub3A_1770, %sub3A_1693 : vector<16xf32>
      %mul3A_1772 = arith.constant 7.812500e-03 : f32
      %mul3A_1773 = vector.broadcast %mul3A_1772 : f32 to vector<16xf32>
      %mul3A_1774 = arith.mulf %sub3A_1771, %mul3A_1773 : vector<16xf32>
      %bitcast_convert_type3A_1775 = tpu.bitcast %mul3A_1774 : vector<16xf32> -> vector<16xi32>
      %add3A_1776 = arith.constant 32767 : i32
      %add3A_1777 = vector.broadcast %add3A_1776 : i32 to vector<16xi32>
      %add3A_1778 = arith.addi %bitcast_convert_type3A_1775, %add3A_1777 : vector<16xi32>
      %shift_right_arithmetic3A_1779 = arith.constant 16 : i32
      %shift_right_arithmetic3A_1780 = vector.broadcast %shift_right_arithmetic3A_1779 : i32 to vector<16xi32>
      %shift_right_arithmetic3A_1781 = arith.shrsi %bitcast_convert_type3A_1775, %shift_right_arithmetic3A_1780 : vector<16xi32>
      %and3A_1782 = arith.constant 1 : i32
      %and3A_1783 = vector.broadcast %and3A_1782 : i32 to vector<16xi32>
      %and3A_1784 = arith.andi %shift_right_arithmetic3A_1781, %and3A_1783 : vector<16xi32>
      %add3A_1785 = arith.addi %add3A_1778, %and3A_1784 : vector<16xi32>
      %and3A_1786 = arith.constant -65536 : i32
      %and3A_1787 = vector.broadcast %and3A_1786 : i32 to vector<16xi32>
      %and3A_1788 = arith.andi %add3A_1785, %and3A_1787 : vector<16xi32>
      %bitcast_convert_type3A_1789 = tpu.bitcast %and3A_1788 : vector<16xi32> -> vector<16xf32>
      %mul3A_1790 = arith.mulf %mul3A_1706, %mul3A_1727 : vector<16xf32>
      %add3A_1791 = arith.addi %mul3A_1768, %convert_element_type3A_1683 : vector<16xi32>
      %add3A_1792 = arith.constant 0 : i32
      %add3A_1793 = vector.broadcast %add3A_1792 : i32 to vector<16xi32>
      %add3A_1794 = arith.addi %add3A_1791, %add3A_1793 : vector<16xi32>
      %mul3A_1795 = arith.mulf %bitcast_convert_type3A_1616, %bitcast_convert_type3A_1762 : vector<16xf32>
      %mul3A_1796 = arith.mulf %bitcast_convert_type3A_1631, %bitcast_convert_type3A_1789 : vector<16xf32>
      %add3A_1797 = arith.addf %mul3A_1795, %mul3A_1796 : vector<16xf32>
      %add3A_1798 = arith.addf %mul3A_1738, %add3A_1797 : vector<16xf32>
      %mul3A_1799 = arith.mulf %mul3A_1790, %add3A_1798 : vector<16xf32>
      %mul3A_1800 = arith.mulf %bitcast_convert_type3A_1646, %bitcast_convert_type3A_1762 : vector<16xf32>
      %mul3A_1801 = arith.mulf %bitcast_convert_type3A_1661, %bitcast_convert_type3A_1789 : vector<16xf32>
      %add3A_1802 = arith.addf %mul3A_1800, %mul3A_1801 : vector<16xf32>
      %add3A_1803 = arith.addf %mul3A_1741, %add3A_1802 : vector<16xf32>
      %mul3A_1804 = arith.mulf %mul3A_1790, %add3A_1803 : vector<16xf32>
      tpu.vector_store_idx %arg36[%add3A_1794], %mul3A_1799 masked %lt3A_43 {add = true} : memref<16384xf32, #tpu.memory_space<vmem>>[vector<16xi32>], vector<16xf32>, vector<16xi1>
      tpu.vector_store_idx %arg37[%add3A_1794], %mul3A_1804 masked %lt3A_43 {add = true} : memref<16384xf32, #tpu.memory_space<vmem>>[vector<16xi32>], vector<16xf32>, vector<16xi1>
      %mul3A_1805 = arith.constant 1.52587891E-5 : f32
      %mul3A_1806 = vector.broadcast %mul3A_1805 : f32 to vector<16xf32>
      %mul3A_1807 = arith.mulf %mul3A_1790, %mul3A_1806 : vector<16xf32>
      tpu.vector_store_idx %arg38[%add3A_1794], %mul3A_1807 masked %lt3A_43 {add = true} : memref<16384xf32, #tpu.memory_space<vmem>>[vector<16xi32>], vector<16xf32>, vector<16xi1>
      %sub3A_1808 = arith.constant 1.000000e+00 : f32
      %sub3A_1809 = vector.broadcast %sub3A_1808 : f32 to vector<16xf32>
      %sub3A_1810 = arith.subf %sub3A_1809, %sub3A_1693 : vector<16xf32>
      %mul3A_1811 = arith.constant 7.812500e-03 : f32
      %mul3A_1812 = vector.broadcast %mul3A_1811 : f32 to vector<16xf32>
      %mul3A_1813 = arith.mulf %sub3A_1810, %mul3A_1812 : vector<16xf32>
      %bitcast_convert_type3A_1814 = tpu.bitcast %mul3A_1813 : vector<16xf32> -> vector<16xi32>
      %add3A_1815 = arith.constant 32767 : i32
      %add3A_1816 = vector.broadcast %add3A_1815 : i32 to vector<16xi32>
      %add3A_1817 = arith.addi %bitcast_convert_type3A_1814, %add3A_1816 : vector<16xi32>
      %shift_right_arithmetic3A_1818 = arith.constant 16 : i32
      %shift_right_arithmetic3A_1819 = vector.broadcast %shift_right_arithmetic3A_1818 : i32 to vector<16xi32>
      %shift_right_arithmetic3A_1820 = arith.shrsi %bitcast_convert_type3A_1814, %shift_right_arithmetic3A_1819 : vector<16xi32>
      %and3A_1821 = arith.constant 1 : i32
      %and3A_1822 = vector.broadcast %and3A_1821 : i32 to vector<16xi32>
      %and3A_1823 = arith.andi %shift_right_arithmetic3A_1820, %and3A_1822 : vector<16xi32>
      %add3A_1824 = arith.addi %add3A_1817, %and3A_1823 : vector<16xi32>
      %and3A_1825 = arith.constant -65536 : i32
      %and3A_1826 = vector.broadcast %and3A_1825 : i32 to vector<16xi32>
      %and3A_1827 = arith.andi %add3A_1824, %and3A_1826 : vector<16xi32>
      %bitcast_convert_type3A_1828 = tpu.bitcast %and3A_1827 : vector<16xi32> -> vector<16xf32>
      %mul3A_1829 = arith.mulf %mul3A_1706, %sub3A_1731 : vector<16xf32>
      %add3A_1830 = arith.addi %mul3A_1768, %convert_element_type3A_1683 : vector<16xi32>
      %add3A_1831 = arith.constant 1 : i32
      %add3A_1832 = vector.broadcast %add3A_1831 : i32 to vector<16xi32>
      %add3A_1833 = arith.addi %add3A_1830, %add3A_1832 : vector<16xi32>
      %mul3A_1834 = arith.mulf %bitcast_convert_type3A_1616, %bitcast_convert_type3A_1762 : vector<16xf32>
      %mul3A_1835 = arith.mulf %bitcast_convert_type3A_1631, %bitcast_convert_type3A_1828 : vector<16xf32>
      %add3A_1836 = arith.addf %mul3A_1834, %mul3A_1835 : vector<16xf32>
      %add3A_1837 = arith.addf %mul3A_1738, %add3A_1836 : vector<16xf32>
      %mul3A_1838 = arith.mulf %mul3A_1829, %add3A_1837 : vector<16xf32>
      %mul3A_1839 = arith.mulf %bitcast_convert_type3A_1646, %bitcast_convert_type3A_1762 : vector<16xf32>
      %mul3A_1840 = arith.mulf %bitcast_convert_type3A_1661, %bitcast_convert_type3A_1828 : vector<16xf32>
      %add3A_1841 = arith.addf %mul3A_1839, %mul3A_1840 : vector<16xf32>
      %add3A_1842 = arith.addf %mul3A_1741, %add3A_1841 : vector<16xf32>
      %mul3A_1843 = arith.mulf %mul3A_1829, %add3A_1842 : vector<16xf32>
      tpu.vector_store_idx %arg36[%add3A_1833], %mul3A_1838 masked %lt3A_43 {add = true} : memref<16384xf32, #tpu.memory_space<vmem>>[vector<16xi32>], vector<16xf32>, vector<16xi1>
      tpu.vector_store_idx %arg37[%add3A_1833], %mul3A_1843 masked %lt3A_43 {add = true} : memref<16384xf32, #tpu.memory_space<vmem>>[vector<16xi32>], vector<16xf32>, vector<16xi1>
      %mul3A_1844 = arith.constant 1.52587891E-5 : f32
      %mul3A_1845 = vector.broadcast %mul3A_1844 : f32 to vector<16xf32>
      %mul3A_1846 = arith.mulf %mul3A_1829, %mul3A_1845 : vector<16xf32>
      tpu.vector_store_idx %arg38[%add3A_1833], %mul3A_1846 masked %lt3A_43 {add = true} : memref<16384xf32, #tpu.memory_space<vmem>>[vector<16xi32>], vector<16xf32>, vector<16xi1>
      %sub3A_1847 = arith.constant 2.000000e+00 : f32
      %sub3A_1848 = vector.broadcast %sub3A_1847 : f32 to vector<16xf32>
      %sub3A_1849 = arith.subf %sub3A_1848, %sub3A_1693 : vector<16xf32>
      %mul3A_1850 = arith.constant 7.812500e-03 : f32
      %mul3A_1851 = vector.broadcast %mul3A_1850 : f32 to vector<16xf32>
      %mul3A_1852 = arith.mulf %sub3A_1849, %mul3A_1851 : vector<16xf32>
      %bitcast_convert_type3A_1853 = tpu.bitcast %mul3A_1852 : vector<16xf32> -> vector<16xi32>
      %add3A_1854 = arith.constant 32767 : i32
      %add3A_1855 = vector.broadcast %add3A_1854 : i32 to vector<16xi32>
      %add3A_1856 = arith.addi %bitcast_convert_type3A_1853, %add3A_1855 : vector<16xi32>
      %shift_right_arithmetic3A_1857 = arith.constant 16 : i32
      %shift_right_arithmetic3A_1858 = vector.broadcast %shift_right_arithmetic3A_1857 : i32 to vector<16xi32>
      %shift_right_arithmetic3A_1859 = arith.shrsi %bitcast_convert_type3A_1853, %shift_right_arithmetic3A_1858 : vector<16xi32>
      %and3A_1860 = arith.constant 1 : i32
      %and3A_1861 = vector.broadcast %and3A_1860 : i32 to vector<16xi32>
      %and3A_1862 = arith.andi %shift_right_arithmetic3A_1859, %and3A_1861 : vector<16xi32>
      %add3A_1863 = arith.addi %add3A_1856, %and3A_1862 : vector<16xi32>
      %and3A_1864 = arith.constant -65536 : i32
      %and3A_1865 = vector.broadcast %and3A_1864 : i32 to vector<16xi32>
      %and3A_1866 = arith.andi %add3A_1863, %and3A_1865 : vector<16xi32>
      %bitcast_convert_type3A_1867 = tpu.bitcast %and3A_1866 : vector<16xi32> -> vector<16xf32>
      %mul3A_1868 = arith.mulf %mul3A_1706, %mul3A_1735 : vector<16xf32>
      %add3A_1869 = arith.addi %mul3A_1768, %convert_element_type3A_1683 : vector<16xi32>
      %add3A_1870 = arith.constant 2 : i32
      %add3A_1871 = vector.broadcast %add3A_1870 : i32 to vector<16xi32>
      %add3A_1872 = arith.addi %add3A_1869, %add3A_1871 : vector<16xi32>
      %mul3A_1873 = arith.mulf %bitcast_convert_type3A_1616, %bitcast_convert_type3A_1762 : vector<16xf32>
      %mul3A_1874 = arith.mulf %bitcast_convert_type3A_1631, %bitcast_convert_type3A_1867 : vector<16xf32>
      %add3A_1875 = arith.addf %mul3A_1873, %mul3A_1874 : vector<16xf32>
      %add3A_1876 = arith.addf %mul3A_1738, %add3A_1875 : vector<16xf32>
      %mul3A_1877 = arith.mulf %mul3A_1868, %add3A_1876 : vector<16xf32>
      %mul3A_1878 = arith.mulf %bitcast_convert_type3A_1646, %bitcast_convert_type3A_1762 : vector<16xf32>
      %mul3A_1879 = arith.mulf %bitcast_convert_type3A_1661, %bitcast_convert_type3A_1867 : vector<16xf32>
      %add3A_1880 = arith.addf %mul3A_1878, %mul3A_1879 : vector<16xf32>
      %add3A_1881 = arith.addf %mul3A_1741, %add3A_1880 : vector<16xf32>
      %mul3A_1882 = arith.mulf %mul3A_1868, %add3A_1881 : vector<16xf32>
      tpu.vector_store_idx %arg36[%add3A_1872], %mul3A_1877 masked %lt3A_43 {add = true} : memref<16384xf32, #tpu.memory_space<vmem>>[vector<16xi32>], vector<16xf32>, vector<16xi1>
      tpu.vector_store_idx %arg37[%add3A_1872], %mul3A_1882 masked %lt3A_43 {add = true} : memref<16384xf32, #tpu.memory_space<vmem>>[vector<16xi32>], vector<16xf32>, vector<16xi1>
      %mul3A_1883 = arith.constant 1.52587891E-5 : f32
      %mul3A_1884 = vector.broadcast %mul3A_1883 : f32 to vector<16xf32>
      %mul3A_1885 = arith.mulf %mul3A_1868, %mul3A_1884 : vector<16xf32>
      tpu.vector_store_idx %arg38[%add3A_1872], %mul3A_1885 masked %lt3A_43 {add = true} : memref<16384xf32, #tpu.memory_space<vmem>>[vector<16xi32>], vector<16xf32>, vector<16xi1>
      %sub3A_1886 = arith.constant 1.000000e+00 : f32
      %sub3A_1887 = vector.broadcast %sub3A_1886 : f32 to vector<16xf32>
      %sub3A_1888 = arith.subf %sub3A_1887, %sub3A_1688 : vector<16xf32>
      %mul3A_1889 = arith.constant 7.812500e-03 : f32
      %mul3A_1890 = vector.broadcast %mul3A_1889 : f32 to vector<16xf32>
      %mul3A_1891 = arith.mulf %sub3A_1888, %mul3A_1890 : vector<16xf32>
      %bitcast_convert_type3A_1892 = tpu.bitcast %mul3A_1891 : vector<16xf32> -> vector<16xi32>
      %add3A_1893 = arith.constant 32767 : i32
      %add3A_1894 = vector.broadcast %add3A_1893 : i32 to vector<16xi32>
      %add3A_1895 = arith.addi %bitcast_convert_type3A_1892, %add3A_1894 : vector<16xi32>
      %shift_right_arithmetic3A_1896 = arith.constant 16 : i32
      %shift_right_arithmetic3A_1897 = vector.broadcast %shift_right_arithmetic3A_1896 : i32 to vector<16xi32>
      %shift_right_arithmetic3A_1898 = arith.shrsi %bitcast_convert_type3A_1892, %shift_right_arithmetic3A_1897 : vector<16xi32>
      %and3A_1899 = arith.constant 1 : i32
      %and3A_1900 = vector.broadcast %and3A_1899 : i32 to vector<16xi32>
      %and3A_1901 = arith.andi %shift_right_arithmetic3A_1898, %and3A_1900 : vector<16xi32>
      %add3A_1902 = arith.addi %add3A_1895, %and3A_1901 : vector<16xi32>
      %and3A_1903 = arith.constant -65536 : i32
      %and3A_1904 = vector.broadcast %and3A_1903 : i32 to vector<16xi32>
      %and3A_1905 = arith.andi %add3A_1902, %and3A_1904 : vector<16xi32>
      %bitcast_convert_type3A_1906 = tpu.bitcast %and3A_1905 : vector<16xi32> -> vector<16xf32>
      %add3A_1907 = arith.constant 1 : i32
      %add3A_1908 = vector.broadcast %add3A_1907 : i32 to vector<16xi32>
      %add3A_1909 = arith.addi %convert_element_type3A, %add3A_1908 : vector<16xi32>
      %mul3A_1910 = arith.constant 128 : i32
      %mul3A_1911 = vector.broadcast %mul3A_1910 : i32 to vector<16xi32>
      %mul3A_1912 = arith.muli %add3A_1909, %mul3A_1911 : vector<16xi32>
      %sub3A_1913 = arith.constant 0.000000e+00 : f32
      %sub3A_1914 = vector.broadcast %sub3A_1913 : f32 to vector<16xf32>
      %sub3A_1915 = arith.subf %sub3A_1914, %sub3A_1693 : vector<16xf32>
      %mul3A_1916 = arith.constant 7.812500e-03 : f32
      %mul3A_1917 = vector.broadcast %mul3A_1916 : f32 to vector<16xf32>
      %mul3A_1918 = arith.mulf %sub3A_1915, %mul3A_1917 : vector<16xf32>
      %bitcast_convert_type3A_1919 = tpu.bitcast %mul3A_1918 : vector<16xf32> -> vector<16xi32>
      %add3A_1920 = arith.constant 32767 : i32
      %add3A_1921 = vector.broadcast %add3A_1920 : i32 to vector<16xi32>
      %add3A_1922 = arith.addi %bitcast_convert_type3A_1919, %add3A_1921 : vector<16xi32>
      %shift_right_arithmetic3A_1923 = arith.constant 16 : i32
      %shift_right_arithmetic3A_1924 = vector.broadcast %shift_right_arithmetic3A_1923 : i32 to vector<16xi32>
      %shift_right_arithmetic3A_1925 = arith.shrsi %bitcast_convert_type3A_1919, %shift_right_arithmetic3A_1924 : vector<16xi32>
      %and3A_1926 = arith.constant 1 : i32
      %and3A_1927 = vector.broadcast %and3A_1926 : i32 to vector<16xi32>
      %and3A_1928 = arith.andi %shift_right_arithmetic3A_1925, %and3A_1927 : vector<16xi32>
      %add3A_1929 = arith.addi %add3A_1922, %and3A_1928 : vector<16xi32>
      %and3A_1930 = arith.constant -65536 : i32
      %and3A_1931 = vector.broadcast %and3A_1930 : i32 to vector<16xi32>
      %and3A_1932 = arith.andi %add3A_1929, %and3A_1931 : vector<16xi32>
      %bitcast_convert_type3A_1933 = tpu.bitcast %and3A_1932 : vector<16xi32> -> vector<16xf32>
      %mul3A_1934 = arith.mulf %sub3A_1710, %mul3A_1727 : vector<16xf32>
      %add3A_1935 = arith.addi %mul3A_1912, %convert_element_type3A_1683 : vector<16xi32>
      %add3A_1936 = arith.constant 0 : i32
      %add3A_1937 = vector.broadcast %add3A_1936 : i32 to vector<16xi32>
      %add3A_1938 = arith.addi %add3A_1935, %add3A_1937 : vector<16xi32>
      %mul3A_1939 = arith.mulf %bitcast_convert_type3A_1616, %bitcast_convert_type3A_1906 : vector<16xf32>
      %mul3A_1940 = arith.mulf %bitcast_convert_type3A_1631, %bitcast_convert_type3A_1933 : vector<16xf32>
      %add3A_1941 = arith.addf %mul3A_1939, %mul3A_1940 : vector<16xf32>
      %add3A_1942 = arith.addf %mul3A_1738, %add3A_1941 : vector<16xf32>
      %mul3A_1943 = arith.mulf %mul3A_1934, %add3A_1942 : vector<16xf32>
      %mul3A_1944 = arith.mulf %bitcast_convert_type3A_1646, %bitcast_convert_type3A_1906 : vector<16xf32>
      %mul3A_1945 = arith.mulf %bitcast_convert_type3A_1661, %bitcast_convert_type3A_1933 : vector<16xf32>
      %add3A_1946 = arith.addf %mul3A_1944, %mul3A_1945 : vector<16xf32>
      %add3A_1947 = arith.addf %mul3A_1741, %add3A_1946 : vector<16xf32>
      %mul3A_1948 = arith.mulf %mul3A_1934, %add3A_1947 : vector<16xf32>
      tpu.vector_store_idx %arg36[%add3A_1938], %mul3A_1943 masked %lt3A_43 {add = true} : memref<16384xf32, #tpu.memory_space<vmem>>[vector<16xi32>], vector<16xf32>, vector<16xi1>
      tpu.vector_store_idx %arg37[%add3A_1938], %mul3A_1948 masked %lt3A_43 {add = true} : memref<16384xf32, #tpu.memory_space<vmem>>[vector<16xi32>], vector<16xf32>, vector<16xi1>
      %mul3A_1949 = arith.constant 1.52587891E-5 : f32
      %mul3A_1950 = vector.broadcast %mul3A_1949 : f32 to vector<16xf32>
      %mul3A_1951 = arith.mulf %mul3A_1934, %mul3A_1950 : vector<16xf32>
      tpu.vector_store_idx %arg38[%add3A_1938], %mul3A_1951 masked %lt3A_43 {add = true} : memref<16384xf32, #tpu.memory_space<vmem>>[vector<16xi32>], vector<16xf32>, vector<16xi1>
      %sub3A_1952 = arith.constant 1.000000e+00 : f32
      %sub3A_1953 = vector.broadcast %sub3A_1952 : f32 to vector<16xf32>
      %sub3A_1954 = arith.subf %sub3A_1953, %sub3A_1693 : vector<16xf32>
      %mul3A_1955 = arith.constant 7.812500e-03 : f32
      %mul3A_1956 = vector.broadcast %mul3A_1955 : f32 to vector<16xf32>
      %mul3A_1957 = arith.mulf %sub3A_1954, %mul3A_1956 : vector<16xf32>
      %bitcast_convert_type3A_1958 = tpu.bitcast %mul3A_1957 : vector<16xf32> -> vector<16xi32>
      %add3A_1959 = arith.constant 32767 : i32
      %add3A_1960 = vector.broadcast %add3A_1959 : i32 to vector<16xi32>
      %add3A_1961 = arith.addi %bitcast_convert_type3A_1958, %add3A_1960 : vector<16xi32>
      %shift_right_arithmetic3A_1962 = arith.constant 16 : i32
      %shift_right_arithmetic3A_1963 = vector.broadcast %shift_right_arithmetic3A_1962 : i32 to vector<16xi32>
      %shift_right_arithmetic3A_1964 = arith.shrsi %bitcast_convert_type3A_1958, %shift_right_arithmetic3A_1963 : vector<16xi32>
      %and3A_1965 = arith.constant 1 : i32
      %and3A_1966 = vector.broadcast %and3A_1965 : i32 to vector<16xi32>
      %and3A_1967 = arith.andi %shift_right_arithmetic3A_1964, %and3A_1966 : vector<16xi32>
      %add3A_1968 = arith.addi %add3A_1961, %and3A_1967 : vector<16xi32>
      %and3A_1969 = arith.constant -65536 : i32
      %and3A_1970 = vector.broadcast %and3A_1969 : i32 to vector<16xi32>
      %and3A_1971 = arith.andi %add3A_1968, %and3A_1970 : vector<16xi32>
      %bitcast_convert_type3A_1972 = tpu.bitcast %and3A_1971 : vector<16xi32> -> vector<16xf32>
      %mul3A_1973 = arith.mulf %sub3A_1710, %sub3A_1731 : vector<16xf32>
      %add3A_1974 = arith.addi %mul3A_1912, %convert_element_type3A_1683 : vector<16xi32>
      %add3A_1975 = arith.constant 1 : i32
      %add3A_1976 = vector.broadcast %add3A_1975 : i32 to vector<16xi32>
      %add3A_1977 = arith.addi %add3A_1974, %add3A_1976 : vector<16xi32>
      %mul3A_1978 = arith.mulf %bitcast_convert_type3A_1616, %bitcast_convert_type3A_1906 : vector<16xf32>
      %mul3A_1979 = arith.mulf %bitcast_convert_type3A_1631, %bitcast_convert_type3A_1972 : vector<16xf32>
      %add3A_1980 = arith.addf %mul3A_1978, %mul3A_1979 : vector<16xf32>
      %add3A_1981 = arith.addf %mul3A_1738, %add3A_1980 : vector<16xf32>
      %mul3A_1982 = arith.mulf %mul3A_1973, %add3A_1981 : vector<16xf32>
      %mul3A_1983 = arith.mulf %bitcast_convert_type3A_1646, %bitcast_convert_type3A_1906 : vector<16xf32>
      %mul3A_1984 = arith.mulf %bitcast_convert_type3A_1661, %bitcast_convert_type3A_1972 : vector<16xf32>
      %add3A_1985 = arith.addf %mul3A_1983, %mul3A_1984 : vector<16xf32>
      %add3A_1986 = arith.addf %mul3A_1741, %add3A_1985 : vector<16xf32>
      %mul3A_1987 = arith.mulf %mul3A_1973, %add3A_1986 : vector<16xf32>
      tpu.vector_store_idx %arg36[%add3A_1977], %mul3A_1982 masked %lt3A_43 {add = true} : memref<16384xf32, #tpu.memory_space<vmem>>[vector<16xi32>], vector<16xf32>, vector<16xi1>
      tpu.vector_store_idx %arg37[%add3A_1977], %mul3A_1987 masked %lt3A_43 {add = true} : memref<16384xf32, #tpu.memory_space<vmem>>[vector<16xi32>], vector<16xf32>, vector<16xi1>
      %mul3A_1988 = arith.constant 1.52587891E-5 : f32
      %mul3A_1989 = vector.broadcast %mul3A_1988 : f32 to vector<16xf32>
      %mul3A_1990 = arith.mulf %mul3A_1973, %mul3A_1989 : vector<16xf32>
      tpu.vector_store_idx %arg38[%add3A_1977], %mul3A_1990 masked %lt3A_43 {add = true} : memref<16384xf32, #tpu.memory_space<vmem>>[vector<16xi32>], vector<16xf32>, vector<16xi1>
      %sub3A_1991 = arith.constant 2.000000e+00 : f32
      %sub3A_1992 = vector.broadcast %sub3A_1991 : f32 to vector<16xf32>
      %sub3A_1993 = arith.subf %sub3A_1992, %sub3A_1693 : vector<16xf32>
      %mul3A_1994 = arith.constant 7.812500e-03 : f32
      %mul3A_1995 = vector.broadcast %mul3A_1994 : f32 to vector<16xf32>
      %mul3A_1996 = arith.mulf %sub3A_1993, %mul3A_1995 : vector<16xf32>
      %bitcast_convert_type3A_1997 = tpu.bitcast %mul3A_1996 : vector<16xf32> -> vector<16xi32>
      %add3A_1998 = arith.constant 32767 : i32
      %add3A_1999 = vector.broadcast %add3A_1998 : i32 to vector<16xi32>
      %add3A_2000 = arith.addi %bitcast_convert_type3A_1997, %add3A_1999 : vector<16xi32>
      %shift_right_arithmetic3A_2001 = arith.constant 16 : i32
      %shift_right_arithmetic3A_2002 = vector.broadcast %shift_right_arithmetic3A_2001 : i32 to vector<16xi32>
      %shift_right_arithmetic3A_2003 = arith.shrsi %bitcast_convert_type3A_1997, %shift_right_arithmetic3A_2002 : vector<16xi32>
      %and3A_2004 = arith.constant 1 : i32
      %and3A_2005 = vector.broadcast %and3A_2004 : i32 to vector<16xi32>
      %and3A_2006 = arith.andi %shift_right_arithmetic3A_2003, %and3A_2005 : vector<16xi32>
      %add3A_2007 = arith.addi %add3A_2000, %and3A_2006 : vector<16xi32>
      %and3A_2008 = arith.constant -65536 : i32
      %and3A_2009 = vector.broadcast %and3A_2008 : i32 to vector<16xi32>
      %and3A_2010 = arith.andi %add3A_2007, %and3A_2009 : vector<16xi32>
      %bitcast_convert_type3A_2011 = tpu.bitcast %and3A_2010 : vector<16xi32> -> vector<16xf32>
      %mul3A_2012 = arith.mulf %sub3A_1710, %mul3A_1735 : vector<16xf32>
      %add3A_2013 = arith.addi %mul3A_1912, %convert_element_type3A_1683 : vector<16xi32>
      %add3A_2014 = arith.constant 2 : i32
      %add3A_2015 = vector.broadcast %add3A_2014 : i32 to vector<16xi32>
      %add3A_2016 = arith.addi %add3A_2013, %add3A_2015 : vector<16xi32>
      %mul3A_2017 = arith.mulf %bitcast_convert_type3A_1616, %bitcast_convert_type3A_1906 : vector<16xf32>
      %mul3A_2018 = arith.mulf %bitcast_convert_type3A_1631, %bitcast_convert_type3A_2011 : vector<16xf32>
      %add3A_2019 = arith.addf %mul3A_2017, %mul3A_2018 : vector<16xf32>
      %add3A_2020 = arith.addf %mul3A_1738, %add3A_2019 : vector<16xf32>
      %mul3A_2021 = arith.mulf %mul3A_2012, %add3A_2020 : vector<16xf32>
      %mul3A_2022 = arith.mulf %bitcast_convert_type3A_1646, %bitcast_convert_type3A_1906 : vector<16xf32>
      %mul3A_2023 = arith.mulf %bitcast_convert_type3A_1661, %bitcast_convert_type3A_2011 : vector<16xf32>
      %add3A_2024 = arith.addf %mul3A_2022, %mul3A_2023 : vector<16xf32>
      %add3A_2025 = arith.addf %mul3A_1741, %add3A_2024 : vector<16xf32>
      %mul3A_2026 = arith.mulf %mul3A_2012, %add3A_2025 : vector<16xf32>
      tpu.vector_store_idx %arg36[%add3A_2016], %mul3A_2021 masked %lt3A_43 {add = true} : memref<16384xf32, #tpu.memory_space<vmem>>[vector<16xi32>], vector<16xf32>, vector<16xi1>
      tpu.vector_store_idx %arg37[%add3A_2016], %mul3A_2026 masked %lt3A_43 {add = true} : memref<16384xf32, #tpu.memory_space<vmem>>[vector<16xi32>], vector<16xf32>, vector<16xi1>
      %mul3A_2027 = arith.constant 1.52587891E-5 : f32
      %mul3A_2028 = vector.broadcast %mul3A_2027 : f32 to vector<16xf32>
      %mul3A_2029 = arith.mulf %mul3A_2012, %mul3A_2028 : vector<16xf32>
      tpu.vector_store_idx %arg38[%add3A_2016], %mul3A_2029 masked %lt3A_43 {add = true} : memref<16384xf32, #tpu.memory_space<vmem>>[vector<16xi32>], vector<16xf32>, vector<16xi1>
      %sub3A_2030 = arith.constant 2.000000e+00 : f32
      %sub3A_2031 = vector.broadcast %sub3A_2030 : f32 to vector<16xf32>
      %sub3A_2032 = arith.subf %sub3A_2031, %sub3A_1688 : vector<16xf32>
      %mul3A_2033 = arith.constant 7.812500e-03 : f32
      %mul3A_2034 = vector.broadcast %mul3A_2033 : f32 to vector<16xf32>
      %mul3A_2035 = arith.mulf %sub3A_2032, %mul3A_2034 : vector<16xf32>
      %bitcast_convert_type3A_2036 = tpu.bitcast %mul3A_2035 : vector<16xf32> -> vector<16xi32>
      %add3A_2037 = arith.constant 32767 : i32
      %add3A_2038 = vector.broadcast %add3A_2037 : i32 to vector<16xi32>
      %add3A_2039 = arith.addi %bitcast_convert_type3A_2036, %add3A_2038 : vector<16xi32>
      %shift_right_arithmetic3A_2040 = arith.constant 16 : i32
      %shift_right_arithmetic3A_2041 = vector.broadcast %shift_right_arithmetic3A_2040 : i32 to vector<16xi32>
      %shift_right_arithmetic3A_2042 = arith.shrsi %bitcast_convert_type3A_2036, %shift_right_arithmetic3A_2041 : vector<16xi32>
      %and3A_2043 = arith.constant 1 : i32
      %and3A_2044 = vector.broadcast %and3A_2043 : i32 to vector<16xi32>
      %and3A_2045 = arith.andi %shift_right_arithmetic3A_2042, %and3A_2044 : vector<16xi32>
      %add3A_2046 = arith.addi %add3A_2039, %and3A_2045 : vector<16xi32>
      %and3A_2047 = arith.constant -65536 : i32
      %and3A_2048 = vector.broadcast %and3A_2047 : i32 to vector<16xi32>
      %and3A_2049 = arith.andi %add3A_2046, %and3A_2048 : vector<16xi32>
      %bitcast_convert_type3A_2050 = tpu.bitcast %and3A_2049 : vector<16xi32> -> vector<16xf32>
      %add3A_2051 = arith.constant 2 : i32
      %add3A_2052 = vector.broadcast %add3A_2051 : i32 to vector<16xi32>
      %add3A_2053 = arith.addi %convert_element_type3A, %add3A_2052 : vector<16xi32>
      %mul3A_2054 = arith.constant 128 : i32
      %mul3A_2055 = vector.broadcast %mul3A_2054 : i32 to vector<16xi32>
      %mul3A_2056 = arith.muli %add3A_2053, %mul3A_2055 : vector<16xi32>
      %sub3A_2057 = arith.constant 0.000000e+00 : f32
      %sub3A_2058 = vector.broadcast %sub3A_2057 : f32 to vector<16xf32>
      %sub3A_2059 = arith.subf %sub3A_2058, %sub3A_1693 : vector<16xf32>
      %mul3A_2060 = arith.constant 7.812500e-03 : f32
      %mul3A_2061 = vector.broadcast %mul3A_2060 : f32 to vector<16xf32>
      %mul3A_2062 = arith.mulf %sub3A_2059, %mul3A_2061 : vector<16xf32>
      %bitcast_convert_type3A_2063 = tpu.bitcast %mul3A_2062 : vector<16xf32> -> vector<16xi32>
      %add3A_2064 = arith.constant 32767 : i32
      %add3A_2065 = vector.broadcast %add3A_2064 : i32 to vector<16xi32>
      %add3A_2066 = arith.addi %bitcast_convert_type3A_2063, %add3A_2065 : vector<16xi32>
      %shift_right_arithmetic3A_2067 = arith.constant 16 : i32
      %shift_right_arithmetic3A_2068 = vector.broadcast %shift_right_arithmetic3A_2067 : i32 to vector<16xi32>
      %shift_right_arithmetic3A_2069 = arith.shrsi %bitcast_convert_type3A_2063, %shift_right_arithmetic3A_2068 : vector<16xi32>
      %and3A_2070 = arith.constant 1 : i32
      %and3A_2071 = vector.broadcast %and3A_2070 : i32 to vector<16xi32>
      %and3A_2072 = arith.andi %shift_right_arithmetic3A_2069, %and3A_2071 : vector<16xi32>
      %add3A_2073 = arith.addi %add3A_2066, %and3A_2072 : vector<16xi32>
      %and3A_2074 = arith.constant -65536 : i32
      %and3A_2075 = vector.broadcast %and3A_2074 : i32 to vector<16xi32>
      %and3A_2076 = arith.andi %add3A_2073, %and3A_2075 : vector<16xi32>
      %bitcast_convert_type3A_2077 = tpu.bitcast %and3A_2076 : vector<16xi32> -> vector<16xf32>
      %mul3A_2078 = arith.mulf %mul3A_1714, %mul3A_1727 : vector<16xf32>
      %add3A_2079 = arith.addi %mul3A_2056, %convert_element_type3A_1683 : vector<16xi32>
      %add3A_2080 = arith.constant 0 : i32
      %add3A_2081 = vector.broadcast %add3A_2080 : i32 to vector<16xi32>
      %add3A_2082 = arith.addi %add3A_2079, %add3A_2081 : vector<16xi32>
      %mul3A_2083 = arith.mulf %bitcast_convert_type3A_1616, %bitcast_convert_type3A_2050 : vector<16xf32>
      %mul3A_2084 = arith.mulf %bitcast_convert_type3A_1631, %bitcast_convert_type3A_2077 : vector<16xf32>
      %add3A_2085 = arith.addf %mul3A_2083, %mul3A_2084 : vector<16xf32>
      %add3A_2086 = arith.addf %mul3A_1738, %add3A_2085 : vector<16xf32>
      %mul3A_2087 = arith.mulf %mul3A_2078, %add3A_2086 : vector<16xf32>
      %mul3A_2088 = arith.mulf %bitcast_convert_type3A_1646, %bitcast_convert_type3A_2050 : vector<16xf32>
      %mul3A_2089 = arith.mulf %bitcast_convert_type3A_1661, %bitcast_convert_type3A_2077 : vector<16xf32>
      %add3A_2090 = arith.addf %mul3A_2088, %mul3A_2089 : vector<16xf32>
      %add3A_2091 = arith.addf %mul3A_1741, %add3A_2090 : vector<16xf32>
      %mul3A_2092 = arith.mulf %mul3A_2078, %add3A_2091 : vector<16xf32>
      tpu.vector_store_idx %arg36[%add3A_2082], %mul3A_2087 masked %lt3A_43 {add = true} : memref<16384xf32, #tpu.memory_space<vmem>>[vector<16xi32>], vector<16xf32>, vector<16xi1>
      tpu.vector_store_idx %arg37[%add3A_2082], %mul3A_2092 masked %lt3A_43 {add = true} : memref<16384xf32, #tpu.memory_space<vmem>>[vector<16xi32>], vector<16xf32>, vector<16xi1>
      %mul3A_2093 = arith.constant 1.52587891E-5 : f32
      %mul3A_2094 = vector.broadcast %mul3A_2093 : f32 to vector<16xf32>
      %mul3A_2095 = arith.mulf %mul3A_2078, %mul3A_2094 : vector<16xf32>
      tpu.vector_store_idx %arg38[%add3A_2082], %mul3A_2095 masked %lt3A_43 {add = true} : memref<16384xf32, #tpu.memory_space<vmem>>[vector<16xi32>], vector<16xf32>, vector<16xi1>
      %sub3A_2096 = arith.constant 1.000000e+00 : f32
      %sub3A_2097 = vector.broadcast %sub3A_2096 : f32 to vector<16xf32>
      %sub3A_2098 = arith.subf %sub3A_2097, %sub3A_1693 : vector<16xf32>
      %mul3A_2099 = arith.constant 7.812500e-03 : f32
      %mul3A_2100 = vector.broadcast %mul3A_2099 : f32 to vector<16xf32>
      %mul3A_2101 = arith.mulf %sub3A_2098, %mul3A_2100 : vector<16xf32>
      %bitcast_convert_type3A_2102 = tpu.bitcast %mul3A_2101 : vector<16xf32> -> vector<16xi32>
      %add3A_2103 = arith.constant 32767 : i32
      %add3A_2104 = vector.broadcast %add3A_2103 : i32 to vector<16xi32>
      %add3A_2105 = arith.addi %bitcast_convert_type3A_2102, %add3A_2104 : vector<16xi32>
      %shift_right_arithmetic3A_2106 = arith.constant 16 : i32
      %shift_right_arithmetic3A_2107 = vector.broadcast %shift_right_arithmetic3A_2106 : i32 to vector<16xi32>
      %shift_right_arithmetic3A_2108 = arith.shrsi %bitcast_convert_type3A_2102, %shift_right_arithmetic3A_2107 : vector<16xi32>
      %and3A_2109 = arith.constant 1 : i32
      %and3A_2110 = vector.broadcast %and3A_2109 : i32 to vector<16xi32>
      %and3A_2111 = arith.andi %shift_right_arithmetic3A_2108, %and3A_2110 : vector<16xi32>
      %add3A_2112 = arith.addi %add3A_2105, %and3A_2111 : vector<16xi32>
      %and3A_2113 = arith.constant -65536 : i32
      %and3A_2114 = vector.broadcast %and3A_2113 : i32 to vector<16xi32>
      %and3A_2115 = arith.andi %add3A_2112, %and3A_2114 : vector<16xi32>
      %bitcast_convert_type3A_2116 = tpu.bitcast %and3A_2115 : vector<16xi32> -> vector<16xf32>
      %mul3A_2117 = arith.mulf %mul3A_1714, %sub3A_1731 : vector<16xf32>
      %add3A_2118 = arith.addi %mul3A_2056, %convert_element_type3A_1683 : vector<16xi32>
      %add3A_2119 = arith.constant 1 : i32
      %add3A_2120 = vector.broadcast %add3A_2119 : i32 to vector<16xi32>
      %add3A_2121 = arith.addi %add3A_2118, %add3A_2120 : vector<16xi32>
      %mul3A_2122 = arith.mulf %bitcast_convert_type3A_1616, %bitcast_convert_type3A_2050 : vector<16xf32>
      %mul3A_2123 = arith.mulf %bitcast_convert_type3A_1631, %bitcast_convert_type3A_2116 : vector<16xf32>
      %add3A_2124 = arith.addf %mul3A_2122, %mul3A_2123 : vector<16xf32>
      %add3A_2125 = arith.addf %mul3A_1738, %add3A_2124 : vector<16xf32>
      %mul3A_2126 = arith.mulf %mul3A_2117, %add3A_2125 : vector<16xf32>
      %mul3A_2127 = arith.mulf %bitcast_convert_type3A_1646, %bitcast_convert_type3A_2050 : vector<16xf32>
      %mul3A_2128 = arith.mulf %bitcast_convert_type3A_1661, %bitcast_convert_type3A_2116 : vector<16xf32>
      %add3A_2129 = arith.addf %mul3A_2127, %mul3A_2128 : vector<16xf32>
      %add3A_2130 = arith.addf %mul3A_1741, %add3A_2129 : vector<16xf32>
      %mul3A_2131 = arith.mulf %mul3A_2117, %add3A_2130 : vector<16xf32>
      tpu.vector_store_idx %arg36[%add3A_2121], %mul3A_2126 masked %lt3A_43 {add = true} : memref<16384xf32, #tpu.memory_space<vmem>>[vector<16xi32>], vector<16xf32>, vector<16xi1>
      tpu.vector_store_idx %arg37[%add3A_2121], %mul3A_2131 masked %lt3A_43 {add = true} : memref<16384xf32, #tpu.memory_space<vmem>>[vector<16xi32>], vector<16xf32>, vector<16xi1>
      %mul3A_2132 = arith.constant 1.52587891E-5 : f32
      %mul3A_2133 = vector.broadcast %mul3A_2132 : f32 to vector<16xf32>
      %mul3A_2134 = arith.mulf %mul3A_2117, %mul3A_2133 : vector<16xf32>
      tpu.vector_store_idx %arg38[%add3A_2121], %mul3A_2134 masked %lt3A_43 {add = true} : memref<16384xf32, #tpu.memory_space<vmem>>[vector<16xi32>], vector<16xf32>, vector<16xi1>
      %sub3A_2135 = arith.constant 2.000000e+00 : f32
      %sub3A_2136 = vector.broadcast %sub3A_2135 : f32 to vector<16xf32>
      %sub3A_2137 = arith.subf %sub3A_2136, %sub3A_1693 : vector<16xf32>
      %mul3A_2138 = arith.constant 7.812500e-03 : f32
      %mul3A_2139 = vector.broadcast %mul3A_2138 : f32 to vector<16xf32>
      %mul3A_2140 = arith.mulf %sub3A_2137, %mul3A_2139 : vector<16xf32>
      %bitcast_convert_type3A_2141 = tpu.bitcast %mul3A_2140 : vector<16xf32> -> vector<16xi32>
      %add3A_2142 = arith.constant 32767 : i32
      %add3A_2143 = vector.broadcast %add3A_2142 : i32 to vector<16xi32>
      %add3A_2144 = arith.addi %bitcast_convert_type3A_2141, %add3A_2143 : vector<16xi32>
      %shift_right_arithmetic3A_2145 = arith.constant 16 : i32
      %shift_right_arithmetic3A_2146 = vector.broadcast %shift_right_arithmetic3A_2145 : i32 to vector<16xi32>
      %shift_right_arithmetic3A_2147 = arith.shrsi %bitcast_convert_type3A_2141, %shift_right_arithmetic3A_2146 : vector<16xi32>
      %and3A_2148 = arith.constant 1 : i32
      %and3A_2149 = vector.broadcast %and3A_2148 : i32 to vector<16xi32>
      %and3A_2150 = arith.andi %shift_right_arithmetic3A_2147, %and3A_2149 : vector<16xi32>
      %add3A_2151 = arith.addi %add3A_2144, %and3A_2150 : vector<16xi32>
      %and3A_2152 = arith.constant -65536 : i32
      %and3A_2153 = vector.broadcast %and3A_2152 : i32 to vector<16xi32>
      %and3A_2154 = arith.andi %add3A_2151, %and3A_2153 : vector<16xi32>
      %bitcast_convert_type3A_2155 = tpu.bitcast %and3A_2154 : vector<16xi32> -> vector<16xf32>
      %mul3A_2156 = arith.mulf %mul3A_1714, %mul3A_1735 : vector<16xf32>
      %add3A_2157 = arith.addi %mul3A_2056, %convert_element_type3A_1683 : vector<16xi32>
      %add3A_2158 = arith.constant 2 : i32
      %add3A_2159 = vector.broadcast %add3A_2158 : i32 to vector<16xi32>
      %add3A_2160 = arith.addi %add3A_2157, %add3A_2159 : vector<16xi32>
      %mul3A_2161 = arith.mulf %bitcast_convert_type3A_1616, %bitcast_convert_type3A_2050 : vector<16xf32>
      %mul3A_2162 = arith.mulf %bitcast_convert_type3A_1631, %bitcast_convert_type3A_2155 : vector<16xf32>
      %add3A_2163 = arith.addf %mul3A_2161, %mul3A_2162 : vector<16xf32>
      %add3A_2164 = arith.addf %mul3A_1738, %add3A_2163 : vector<16xf32>
      %mul3A_2165 = arith.mulf %mul3A_2156, %add3A_2164 : vector<16xf32>
      %mul3A_2166 = arith.mulf %bitcast_convert_type3A_1646, %bitcast_convert_type3A_2050 : vector<16xf32>
      %mul3A_2167 = arith.mulf %bitcast_convert_type3A_1661, %bitcast_convert_type3A_2155 : vector<16xf32>
      %add3A_2168 = arith.addf %mul3A_2166, %mul3A_2167 : vector<16xf32>
      %add3A_2169 = arith.addf %mul3A_1741, %add3A_2168 : vector<16xf32>
      %mul3A_2170 = arith.mulf %mul3A_2156, %add3A_2169 : vector<16xf32>
      tpu.vector_store_idx %arg36[%add3A_2160], %mul3A_2165 masked %lt3A_43 {add = true} : memref<16384xf32, #tpu.memory_space<vmem>>[vector<16xi32>], vector<16xf32>, vector<16xi1>
      tpu.vector_store_idx %arg37[%add3A_2160], %mul3A_2170 masked %lt3A_43 {add = true} : memref<16384xf32, #tpu.memory_space<vmem>>[vector<16xi32>], vector<16xf32>, vector<16xi1>
      %mul3A_2171 = arith.constant 1.52587891E-5 : f32
      %mul3A_2172 = vector.broadcast %mul3A_2171 : f32 to vector<16xf32>
      %mul3A_2173 = arith.mulf %mul3A_2156, %mul3A_2172 : vector<16xf32>
      tpu.vector_store_idx %arg38[%add3A_2160], %mul3A_2173 masked %lt3A_43 {add = true} : memref<16384xf32, #tpu.memory_space<vmem>>[vector<16xi32>], vector<16xf32>, vector<16xi1>
    }
    %scan3A_14 = arith.constant 36 : i32
    "tpu.region"() ({
      %run_scoped3A = tpu.sem_alloc : memref<!tpu.dma_semaphore, #tpu.memory_space<semaphore_mem>>
      %dma_start3A = arith.constant 0 : i32
      %dma_start3A_15 = tpu.memref_slice %arg16[%add3A, %dma_start3A] : memref<32x49152xf32, #tpu.memory_space<hbm>> -> memref<1x16384xf32, #tpu.memory_space<hbm>>
      %dma_start3A_16 = tpu.memref_squeeze %dma_start3A_15 : memref<1x16384xf32, #tpu.memory_space<hbm>> -> memref<16384xf32, #tpu.memory_space<hbm>>
      %dma_start3A_17 = arith.constant 0 : i32
      %dma_start3A_18 = tpu.memref_slice %arg16[%add3A, %dma_start3A_17] : memref<32x49152xf32, #tpu.memory_space<hbm>> -> memref<1x16384xf32, #tpu.memory_space<hbm>>
      %dma_start3A_19 = tpu.memref_squeeze %dma_start3A_18 : memref<1x16384xf32, #tpu.memory_space<hbm>> -> memref<16384xf32, #tpu.memory_space<hbm>>
      tpu.enqueue_dma source(%arg36 : memref<16384xf32, #tpu.memory_space<vmem>>) target(%dma_start3A_19 : memref<16384xf32, #tpu.memory_space<hbm>>) target_semaphore(%run_scoped3A : memref<!tpu.dma_semaphore, #tpu.memory_space<semaphore_mem>>)
      %dma_wait3A = arith.constant 0 : i32
      %dma_wait3A_20 = tpu.memref_slice %arg16[%add3A, %dma_wait3A] : memref<32x49152xf32, #tpu.memory_space<hbm>> -> memref<1x16384xf32, #tpu.memory_space<hbm>>
      %dma_wait3A_21 = tpu.memref_squeeze %dma_wait3A_20 : memref<1x16384xf32, #tpu.memory_space<hbm>> -> memref<16384xf32, #tpu.memory_space<hbm>>
      %dma_wait3A_22 = arith.constant 0 : i32
      %dma_wait3A_23 = tpu.memref_slice %arg16[%add3A, %dma_wait3A_22] : memref<32x49152xf32, #tpu.memory_space<hbm>> -> memref<1x16384xf32, #tpu.memory_space<hbm>>
      %dma_wait3A_24 = tpu.memref_squeeze %dma_wait3A_23 : memref<1x16384xf32, #tpu.memory_space<hbm>> -> memref<16384xf32, #tpu.memory_space<hbm>>
      tpu.wait_dma2 semaphore(%run_scoped3A : memref<!tpu.dma_semaphore, #tpu.memory_space<semaphore_mem>>) src(%arg36 : memref<16384xf32, #tpu.memory_space<vmem>>) dst(%dma_wait3A_24 : memref<16384xf32, #tpu.memory_space<hbm>>)
      tpu.yield
    }) : () -> ()
    "tpu.region"() ({
      %run_scoped3A = tpu.sem_alloc : memref<!tpu.dma_semaphore, #tpu.memory_space<semaphore_mem>>
      %dma_start3A = arith.constant 16384 : i32
      %dma_start3A_15 = tpu.memref_slice %arg16[%add3A, %dma_start3A] : memref<32x49152xf32, #tpu.memory_space<hbm>> -> memref<1x16384xf32, #tpu.memory_space<hbm>>
      %dma_start3A_16 = tpu.memref_squeeze %dma_start3A_15 : memref<1x16384xf32, #tpu.memory_space<hbm>> -> memref<16384xf32, #tpu.memory_space<hbm>>
      %dma_start3A_17 = arith.constant 16384 : i32
      %dma_start3A_18 = tpu.memref_slice %arg16[%add3A, %dma_start3A_17] : memref<32x49152xf32, #tpu.memory_space<hbm>> -> memref<1x16384xf32, #tpu.memory_space<hbm>>
      %dma_start3A_19 = tpu.memref_squeeze %dma_start3A_18 : memref<1x16384xf32, #tpu.memory_space<hbm>> -> memref<16384xf32, #tpu.memory_space<hbm>>
      tpu.enqueue_dma source(%arg37 : memref<16384xf32, #tpu.memory_space<vmem>>) target(%dma_start3A_19 : memref<16384xf32, #tpu.memory_space<hbm>>) target_semaphore(%run_scoped3A : memref<!tpu.dma_semaphore, #tpu.memory_space<semaphore_mem>>)
      %dma_wait3A = arith.constant 16384 : i32
      %dma_wait3A_20 = tpu.memref_slice %arg16[%add3A, %dma_wait3A] : memref<32x49152xf32, #tpu.memory_space<hbm>> -> memref<1x16384xf32, #tpu.memory_space<hbm>>
      %dma_wait3A_21 = tpu.memref_squeeze %dma_wait3A_20 : memref<1x16384xf32, #tpu.memory_space<hbm>> -> memref<16384xf32, #tpu.memory_space<hbm>>
      %dma_wait3A_22 = arith.constant 16384 : i32
      %dma_wait3A_23 = tpu.memref_slice %arg16[%add3A, %dma_wait3A_22] : memref<32x49152xf32, #tpu.memory_space<hbm>> -> memref<1x16384xf32, #tpu.memory_space<hbm>>
      %dma_wait3A_24 = tpu.memref_squeeze %dma_wait3A_23 : memref<1x16384xf32, #tpu.memory_space<hbm>> -> memref<16384xf32, #tpu.memory_space<hbm>>
      tpu.wait_dma2 semaphore(%run_scoped3A : memref<!tpu.dma_semaphore, #tpu.memory_space<semaphore_mem>>) src(%arg37 : memref<16384xf32, #tpu.memory_space<vmem>>) dst(%dma_wait3A_24 : memref<16384xf32, #tpu.memory_space<hbm>>)
      tpu.yield
    }) : () -> ()
    "tpu.region"() ({
      %run_scoped3A = tpu.sem_alloc : memref<!tpu.dma_semaphore, #tpu.memory_space<semaphore_mem>>
      %dma_start3A = arith.constant 32768 : i32
      %dma_start3A_15 = tpu.memref_slice %arg16[%add3A, %dma_start3A] : memref<32x49152xf32, #tpu.memory_space<hbm>> -> memref<1x16384xf32, #tpu.memory_space<hbm>>
      %dma_start3A_16 = tpu.memref_squeeze %dma_start3A_15 : memref<1x16384xf32, #tpu.memory_space<hbm>> -> memref<16384xf32, #tpu.memory_space<hbm>>
      %dma_start3A_17 = arith.constant 32768 : i32
      %dma_start3A_18 = tpu.memref_slice %arg16[%add3A, %dma_start3A_17] : memref<32x49152xf32, #tpu.memory_space<hbm>> -> memref<1x16384xf32, #tpu.memory_space<hbm>>
      %dma_start3A_19 = tpu.memref_squeeze %dma_start3A_18 : memref<1x16384xf32, #tpu.memory_space<hbm>> -> memref<16384xf32, #tpu.memory_space<hbm>>
      tpu.enqueue_dma source(%arg38 : memref<16384xf32, #tpu.memory_space<vmem>>) target(%dma_start3A_19 : memref<16384xf32, #tpu.memory_space<hbm>>) target_semaphore(%run_scoped3A : memref<!tpu.dma_semaphore, #tpu.memory_space<semaphore_mem>>)
      %dma_wait3A = arith.constant 32768 : i32
      %dma_wait3A_20 = tpu.memref_slice %arg16[%add3A, %dma_wait3A] : memref<32x49152xf32, #tpu.memory_space<hbm>> -> memref<1x16384xf32, #tpu.memory_space<hbm>>
      %dma_wait3A_21 = tpu.memref_squeeze %dma_wait3A_20 : memref<1x16384xf32, #tpu.memory_space<hbm>> -> memref<16384xf32, #tpu.memory_space<hbm>>
      %dma_wait3A_22 = arith.constant 32768 : i32
      %dma_wait3A_23 = tpu.memref_slice %arg16[%add3A, %dma_wait3A_22] : memref<32x49152xf32, #tpu.memory_space<hbm>> -> memref<1x16384xf32, #tpu.memory_space<hbm>>
      %dma_wait3A_24 = tpu.memref_squeeze %dma_wait3A_23 : memref<1x16384xf32, #tpu.memory_space<hbm>> -> memref<16384xf32, #tpu.memory_space<hbm>>
      tpu.wait_dma2 semaphore(%run_scoped3A : memref<!tpu.dma_semaphore, #tpu.memory_space<semaphore_mem>>) src(%arg38 : memref<16384xf32, #tpu.memory_space<vmem>>) dst(%dma_wait3A_24 : memref<16384xf32, #tpu.memory_space<hbm>>)
      tpu.yield
    }) : () -> ()
    "tpu.region"() ({
      %run_scoped3A = tpu.sem_alloc : memref<!tpu.dma_semaphore, #tpu.memory_space<semaphore_mem>>
      %dma_start3A = tpu.memref_slice %arg17[%mul3A_2] : memref<18432xf32, #tpu.memory_space<hbm>> -> memref<576xf32, #tpu.memory_space<hbm>>
      %dma_start3A_15 = tpu.memref_slice %arg17[%mul3A_2] : memref<18432xf32, #tpu.memory_space<hbm>> -> memref<576xf32, #tpu.memory_space<hbm>>
      tpu.enqueue_dma source(%arg39 : memref<576xf32, #tpu.memory_space<vmem>>) target(%dma_start3A_15 : memref<576xf32, #tpu.memory_space<hbm>>) target_semaphore(%run_scoped3A : memref<!tpu.dma_semaphore, #tpu.memory_space<semaphore_mem>>)
      %dma_wait3A = tpu.memref_slice %arg17[%mul3A_2] : memref<18432xf32, #tpu.memory_space<hbm>> -> memref<576xf32, #tpu.memory_space<hbm>>
      %dma_wait3A_16 = tpu.memref_slice %arg17[%mul3A_2] : memref<18432xf32, #tpu.memory_space<hbm>> -> memref<576xf32, #tpu.memory_space<hbm>>
      tpu.wait_dma2 semaphore(%run_scoped3A : memref<!tpu.dma_semaphore, #tpu.memory_space<semaphore_mem>>) src(%arg39 : memref<576xf32, #tpu.memory_space<vmem>>) dst(%dma_wait3A_16 : memref<576xf32, #tpu.memory_space<hbm>>)
      tpu.yield
    }) : () -> ()
    "tpu.region"() ({
      %run_scoped3A = tpu.sem_alloc : memref<!tpu.dma_semaphore, #tpu.memory_space<semaphore_mem>>
      %dma_start3A = tpu.memref_slice %arg18[%mul3A_2] : memref<18432xf32, #tpu.memory_space<hbm>> -> memref<576xf32, #tpu.memory_space<hbm>>
      %dma_start3A_15 = tpu.memref_slice %arg18[%mul3A_2] : memref<18432xf32, #tpu.memory_space<hbm>> -> memref<576xf32, #tpu.memory_space<hbm>>
      tpu.enqueue_dma source(%arg40 : memref<576xf32, #tpu.memory_space<vmem>>) target(%dma_start3A_15 : memref<576xf32, #tpu.memory_space<hbm>>) target_semaphore(%run_scoped3A : memref<!tpu.dma_semaphore, #tpu.memory_space<semaphore_mem>>)
      %dma_wait3A = tpu.memref_slice %arg18[%mul3A_2] : memref<18432xf32, #tpu.memory_space<hbm>> -> memref<576xf32, #tpu.memory_space<hbm>>
      %dma_wait3A_16 = tpu.memref_slice %arg18[%mul3A_2] : memref<18432xf32, #tpu.memory_space<hbm>> -> memref<576xf32, #tpu.memory_space<hbm>>
      tpu.wait_dma2 semaphore(%run_scoped3A : memref<!tpu.dma_semaphore, #tpu.memory_space<semaphore_mem>>) src(%arg40 : memref<576xf32, #tpu.memory_space<vmem>>) dst(%dma_wait3A_16 : memref<576xf32, #tpu.memory_space<hbm>>)
      tpu.yield
    }) : () -> ()
    "tpu.region"() ({
      %run_scoped3A = tpu.sem_alloc : memref<!tpu.dma_semaphore, #tpu.memory_space<semaphore_mem>>
      %dma_start3A = tpu.memref_slice %arg19[%mul3A_2] : memref<18432xf32, #tpu.memory_space<hbm>> -> memref<576xf32, #tpu.memory_space<hbm>>
      %dma_start3A_15 = tpu.memref_slice %arg19[%mul3A_2] : memref<18432xf32, #tpu.memory_space<hbm>> -> memref<576xf32, #tpu.memory_space<hbm>>
      tpu.enqueue_dma source(%arg41 : memref<576xf32, #tpu.memory_space<vmem>>) target(%dma_start3A_15 : memref<576xf32, #tpu.memory_space<hbm>>) target_semaphore(%run_scoped3A : memref<!tpu.dma_semaphore, #tpu.memory_space<semaphore_mem>>)
      %dma_wait3A = tpu.memref_slice %arg19[%mul3A_2] : memref<18432xf32, #tpu.memory_space<hbm>> -> memref<576xf32, #tpu.memory_space<hbm>>
      %dma_wait3A_16 = tpu.memref_slice %arg19[%mul3A_2] : memref<18432xf32, #tpu.memory_space<hbm>> -> memref<576xf32, #tpu.memory_space<hbm>>
      tpu.wait_dma2 semaphore(%run_scoped3A : memref<!tpu.dma_semaphore, #tpu.memory_space<semaphore_mem>>) src(%arg41 : memref<576xf32, #tpu.memory_space<vmem>>) dst(%dma_wait3A_16 : memref<576xf32, #tpu.memory_space<hbm>>)
      tpu.yield
    }) : () -> ()
    "tpu.region"() ({
      %run_scoped3A = tpu.sem_alloc : memref<!tpu.dma_semaphore, #tpu.memory_space<semaphore_mem>>
      %dma_start3A = tpu.memref_slice %arg20[%mul3A_2] : memref<18432xf32, #tpu.memory_space<hbm>> -> memref<576xf32, #tpu.memory_space<hbm>>
      %dma_start3A_15 = tpu.memref_slice %arg20[%mul3A_2] : memref<18432xf32, #tpu.memory_space<hbm>> -> memref<576xf32, #tpu.memory_space<hbm>>
      tpu.enqueue_dma source(%arg42 : memref<576xf32, #tpu.memory_space<vmem>>) target(%dma_start3A_15 : memref<576xf32, #tpu.memory_space<hbm>>) target_semaphore(%run_scoped3A : memref<!tpu.dma_semaphore, #tpu.memory_space<semaphore_mem>>)
      %dma_wait3A = tpu.memref_slice %arg20[%mul3A_2] : memref<18432xf32, #tpu.memory_space<hbm>> -> memref<576xf32, #tpu.memory_space<hbm>>
      %dma_wait3A_16 = tpu.memref_slice %arg20[%mul3A_2] : memref<18432xf32, #tpu.memory_space<hbm>> -> memref<576xf32, #tpu.memory_space<hbm>>
      tpu.wait_dma2 semaphore(%run_scoped3A : memref<!tpu.dma_semaphore, #tpu.memory_space<semaphore_mem>>) src(%arg42 : memref<576xf32, #tpu.memory_space<vmem>>) dst(%dma_wait3A_16 : memref<576xf32, #tpu.memory_space<hbm>>)
      tpu.yield
    }) : () -> ()
    "tpu.region"() ({
      %run_scoped3A = tpu.sem_alloc : memref<!tpu.dma_semaphore, #tpu.memory_space<semaphore_mem>>
      %dma_start3A = tpu.memref_slice %arg21[%mul3A_2] : memref<18432xf32, #tpu.memory_space<hbm>> -> memref<576xf32, #tpu.memory_space<hbm>>
      %dma_start3A_15 = tpu.memref_slice %arg21[%mul3A_2] : memref<18432xf32, #tpu.memory_space<hbm>> -> memref<576xf32, #tpu.memory_space<hbm>>
      tpu.enqueue_dma source(%arg43 : memref<576xf32, #tpu.memory_space<vmem>>) target(%dma_start3A_15 : memref<576xf32, #tpu.memory_space<hbm>>) target_semaphore(%run_scoped3A : memref<!tpu.dma_semaphore, #tpu.memory_space<semaphore_mem>>)
      %dma_wait3A = tpu.memref_slice %arg21[%mul3A_2] : memref<18432xf32, #tpu.memory_space<hbm>> -> memref<576xf32, #tpu.memory_space<hbm>>
      %dma_wait3A_16 = tpu.memref_slice %arg21[%mul3A_2] : memref<18432xf32, #tpu.memory_space<hbm>> -> memref<576xf32, #tpu.memory_space<hbm>>
      tpu.wait_dma2 semaphore(%run_scoped3A : memref<!tpu.dma_semaphore, #tpu.memory_space<semaphore_mem>>) src(%arg43 : memref<576xf32, #tpu.memory_space<vmem>>) dst(%dma_wait3A_16 : memref<576xf32, #tpu.memory_space<hbm>>)
      tpu.yield
    }) : () -> ()
    return
  }
}

#map = affine_map<(d0, d1) -> (0, 0)>
#map1 = affine_map<(d0, d1) -> (0)>
module attributes {stable_mosaic.version = 14 : i64} {
  func.func @_g2p(%arg0: i32, %arg1: i32, %arg2: memref<32x49152xf32, #tpu.memory_space<hbm>>, %arg3: memref<18432xf32, #tpu.memory_space<hbm>>, %arg4: memref<18432xf32, #tpu.memory_space<hbm>>, %arg5: memref<8x16xf32, #tpu.memory_space<hbm>>, %arg6: memref<18432xf32, #tpu.memory_space<hbm>>, %arg7: memref<18432xf32, #tpu.memory_space<hbm>>, %arg8: memref<18432xf32, #tpu.memory_space<hbm>>, %arg9: memref<18432xf32, #tpu.memory_space<hbm>>, %arg10: memref<18432xf32, #tpu.memory_space<hbm>>, %arg11: memref<18432xf32, #tpu.memory_space<hbm>>, %arg12: memref<18432xf32, #tpu.memory_space<hbm>>, %arg13: memref<18432xf32, #tpu.memory_space<hbm>>, %arg14: memref<32x1024xf32, #tpu.memory_space<vmem>>, %arg15: memref<1024xf32, #tpu.memory_space<vmem>>, %arg16: memref<1024xf32, #tpu.memory_space<vmem>>, %arg17: memref<1024xf32, #tpu.memory_space<vmem>>, %arg18: memref<16384xf32, #tpu.memory_space<vmem_shared>>, %arg19: memref<16384xf32, #tpu.memory_space<vmem_shared>>, %arg20: memref<16384xf32, #tpu.memory_space<vmem>>, %arg21: memref<16384xf32, #tpu.memory_space<vmem>>, %arg22: memref<576xf32, #tpu.memory_space<vmem>>, %arg23: memref<576xf32, #tpu.memory_space<vmem>>, %arg24: memref<8x16xf32, #tpu.memory_space<vmem>>, %arg25: memref<576xf32, #tpu.memory_space<vmem>>, %arg26: memref<576xf32, #tpu.memory_space<vmem>>, %arg27: memref<576xf32, #tpu.memory_space<vmem>>, %arg28: memref<576xf32, #tpu.memory_space<vmem>>, %arg29: memref<576xf32, #tpu.memory_space<vmem>>, %arg30: memref<576xf32, #tpu.memory_space<vmem>>, %arg31: memref<576xf32, #tpu.memory_space<vmem>>, %arg32: memref<576xf32, #tpu.memory_space<vmem>>) attributes {dimension_semantics = [#tpu.dimension_semantics<core_parallel>, #tpu.dimension_semantics<subcore_parallel>], iteration_bounds = array<i64: 2, 16>, scalar_prefetch = 0 : i64, scratch_operands = 19 : i64, tpu.core_type = #tpu.core_type<sc_vector_subcore>, window_params = [{transform_indices = #map}, {transform_indices = #map1}, {transform_indices = #map1}, {transform_indices = #map}, {transform_indices = #map1}, {transform_indices = #map1}, {transform_indices = #map1}, {transform_indices = #map1}, {transform_indices = #map1}, {transform_indices = #map1}, {transform_indices = #map1}, {transform_indices = #map1}]} {
    %mul3A = arith.constant 16 : i32
    %mul3A_0 = arith.muli %arg0, %mul3A : i32
    %add3A = arith.addi %mul3A_0, %arg1 : i32
    %mul3A_1 = arith.constant 576 : i32
    %mul3A_2 = arith.muli %add3A, %mul3A_1 : i32
    %mul3A_3 = arith.constant 1024 : i32
    %mul3A_4 = arith.muli %arg1, %mul3A_3 : i32
    "tpu.region"() ({
      %run_scoped3A = tpu.sem_alloc : memref<!tpu.dma_semaphore, #tpu.memory_space<semaphore_mem>>
      tpu.enqueue_dma source(%arg5 : memref<8x16xf32, #tpu.memory_space<hbm>>) target(%arg24 : memref<8x16xf32, #tpu.memory_space<vmem>>) target_semaphore(%run_scoped3A : memref<!tpu.dma_semaphore, #tpu.memory_space<semaphore_mem>>)
      tpu.wait_dma2 semaphore(%run_scoped3A : memref<!tpu.dma_semaphore, #tpu.memory_space<semaphore_mem>>) src(%arg5 : memref<8x16xf32, #tpu.memory_space<hbm>>) dst(%arg24 : memref<8x16xf32, #tpu.memory_space<vmem>>)
      tpu.yield
    }) : () -> ()
    "tpu.region"() ({
      %run_scoped3A = tpu.sem_alloc : memref<!tpu.dma_semaphore, #tpu.memory_space<semaphore_mem>>
      %dma_start3A = tpu.memref_slice %arg3[%mul3A_2] : memref<18432xf32, #tpu.memory_space<hbm>> -> memref<576xf32, #tpu.memory_space<hbm>>
      %dma_start3A_40 = tpu.memref_slice %arg3[%mul3A_2] : memref<18432xf32, #tpu.memory_space<hbm>> -> memref<576xf32, #tpu.memory_space<hbm>>
      tpu.enqueue_dma source(%dma_start3A_40 : memref<576xf32, #tpu.memory_space<hbm>>) target(%arg22 : memref<576xf32, #tpu.memory_space<vmem>>) target_semaphore(%run_scoped3A : memref<!tpu.dma_semaphore, #tpu.memory_space<semaphore_mem>>)
      %dma_wait3A = tpu.memref_slice %arg3[%mul3A_2] : memref<18432xf32, #tpu.memory_space<hbm>> -> memref<576xf32, #tpu.memory_space<hbm>>
      %dma_wait3A_41 = tpu.memref_slice %arg3[%mul3A_2] : memref<18432xf32, #tpu.memory_space<hbm>> -> memref<576xf32, #tpu.memory_space<hbm>>
      tpu.wait_dma2 semaphore(%run_scoped3A : memref<!tpu.dma_semaphore, #tpu.memory_space<semaphore_mem>>) src(%dma_wait3A_41 : memref<576xf32, #tpu.memory_space<hbm>>) dst(%arg22 : memref<576xf32, #tpu.memory_space<vmem>>)
      tpu.yield
    }) : () -> ()
    "tpu.region"() ({
      %run_scoped3A = tpu.sem_alloc : memref<!tpu.dma_semaphore, #tpu.memory_space<semaphore_mem>>
      %dma_start3A = tpu.memref_slice %arg4[%mul3A_2] : memref<18432xf32, #tpu.memory_space<hbm>> -> memref<576xf32, #tpu.memory_space<hbm>>
      %dma_start3A_40 = tpu.memref_slice %arg4[%mul3A_2] : memref<18432xf32, #tpu.memory_space<hbm>> -> memref<576xf32, #tpu.memory_space<hbm>>
      tpu.enqueue_dma source(%dma_start3A_40 : memref<576xf32, #tpu.memory_space<hbm>>) target(%arg23 : memref<576xf32, #tpu.memory_space<vmem>>) target_semaphore(%run_scoped3A : memref<!tpu.dma_semaphore, #tpu.memory_space<semaphore_mem>>)
      %dma_wait3A = tpu.memref_slice %arg4[%mul3A_2] : memref<18432xf32, #tpu.memory_space<hbm>> -> memref<576xf32, #tpu.memory_space<hbm>>
      %dma_wait3A_41 = tpu.memref_slice %arg4[%mul3A_2] : memref<18432xf32, #tpu.memory_space<hbm>> -> memref<576xf32, #tpu.memory_space<hbm>>
      tpu.wait_dma2 semaphore(%run_scoped3A : memref<!tpu.dma_semaphore, #tpu.memory_space<semaphore_mem>>) src(%dma_wait3A_41 : memref<576xf32, #tpu.memory_space<hbm>>) dst(%arg23 : memref<576xf32, #tpu.memory_space<vmem>>)
      tpu.yield
    }) : () -> ()
    %add3A_5 = arith.constant 0 : i32
    %add3A_6 = arith.addi %add3A_5, %mul3A_4 : i32
    "tpu.region"() ({
      %run_scoped3A = tpu.sem_alloc : memref<!tpu.dma_semaphore, #tpu.memory_space<semaphore_mem>>
      %dma_start3A = arith.constant 0 : i32
      %dma_start3A_40 = tpu.memref_slice %arg2[%dma_start3A, %add3A_6] : memref<32x49152xf32, #tpu.memory_space<hbm>> -> memref<32x1024xf32, #tpu.memory_space<hbm>>
      %dma_start3A_41 = arith.constant 0 : i32
      %dma_start3A_42 = tpu.memref_slice %arg2[%dma_start3A_41, %add3A_6] : memref<32x49152xf32, #tpu.memory_space<hbm>> -> memref<32x1024xf32, #tpu.memory_space<hbm>>
      tpu.enqueue_dma source(%dma_start3A_42 : memref<32x1024xf32, #tpu.memory_space<hbm>>) target(%arg14 : memref<32x1024xf32, #tpu.memory_space<vmem>>) target_semaphore(%run_scoped3A : memref<!tpu.dma_semaphore, #tpu.memory_space<semaphore_mem>>)
      %dma_wait3A = arith.constant 0 : i32
      %dma_wait3A_43 = tpu.memref_slice %arg2[%dma_wait3A, %add3A_6] : memref<32x49152xf32, #tpu.memory_space<hbm>> -> memref<32x1024xf32, #tpu.memory_space<hbm>>
      %dma_wait3A_44 = arith.constant 0 : i32
      %dma_wait3A_45 = tpu.memref_slice %arg2[%dma_wait3A_44, %add3A_6] : memref<32x49152xf32, #tpu.memory_space<hbm>> -> memref<32x1024xf32, #tpu.memory_space<hbm>>
      tpu.wait_dma2 semaphore(%run_scoped3A : memref<!tpu.dma_semaphore, #tpu.memory_space<semaphore_mem>>) src(%dma_wait3A_45 : memref<32x1024xf32, #tpu.memory_space<hbm>>) dst(%arg14 : memref<32x1024xf32, #tpu.memory_space<vmem>>)
      tpu.yield
    }) : () -> ()
    %scan3A = arith.constant 0 : i32
    %scan3A_7 = arith.constant 0 : i32
    %scan3A_8 = arith.constant 64 : i32
    %scan3A_9 = arith.addi %scan3A_7, %scan3A_8 : i32
    %scan3A_10 = arith.constant 1 : i32
    scf.for %scan3A_40 = %scan3A_7 to %scan3A_9 step %scan3A_10  : i32 {
      %mul3A_41 = arith.constant 16 : i32
      %mul3A_42 = arith.muli %scan3A_40, %mul3A_41 : i32
      %get3A = arith.constant 0 : i32
      %get3A_43 = arith.index_cast %get3A : i32 to index
      %get3A_44 = arith.index_cast %mul3A_42 : i32 to index
      %get3A_45 = tpu.vector_load %arg14[%get3A_43, %get3A_44] {strides = array<i32>} : memref<32x1024xf32, #tpu.memory_space<vmem>>, vector<16xf32>,
      %get3A_46 = arith.constant 1 : i32
      %get3A_47 = arith.index_cast %get3A_46 : i32 to index
      %get3A_48 = arith.index_cast %mul3A_42 : i32 to index
      %get3A_49 = tpu.vector_load %arg14[%get3A_47, %get3A_48] {strides = array<i32>} : memref<32x1024xf32, #tpu.memory_space<vmem>>, vector<16xf32>,
      %add3A_50 = arith.addf %get3A_45, %get3A_49 : vector<16xf32>
      %get3A_51 = arith.constant 2 : i32
      %get3A_52 = arith.index_cast %get3A_51 : i32 to index
      %get3A_53 = arith.index_cast %mul3A_42 : i32 to index
      %get3A_54 = tpu.vector_load %arg14[%get3A_52, %get3A_53] {strides = array<i32>} : memref<32x1024xf32, #tpu.memory_space<vmem>>, vector<16xf32>,
      %add3A_55 = arith.addf %add3A_50, %get3A_54 : vector<16xf32>
      %get3A_56 = arith.constant 3 : i32
      %get3A_57 = arith.index_cast %get3A_56 : i32 to index
      %get3A_58 = arith.index_cast %mul3A_42 : i32 to index
      %get3A_59 = tpu.vector_load %arg14[%get3A_57, %get3A_58] {strides = array<i32>} : memref<32x1024xf32, #tpu.memory_space<vmem>>, vector<16xf32>,
      %add3A_60 = arith.addf %add3A_55, %get3A_59 : vector<16xf32>
      %get3A_61 = arith.constant 4 : i32
      %get3A_62 = arith.index_cast %get3A_61 : i32 to index
      %get3A_63 = arith.index_cast %mul3A_42 : i32 to index
      %get3A_64 = tpu.vector_load %arg14[%get3A_62, %get3A_63] {strides = array<i32>} : memref<32x1024xf32, #tpu.memory_space<vmem>>, vector<16xf32>,
      %add3A_65 = arith.addf %add3A_60, %get3A_64 : vector<16xf32>
      %get3A_66 = arith.constant 5 : i32
      %get3A_67 = arith.index_cast %get3A_66 : i32 to index
      %get3A_68 = arith.index_cast %mul3A_42 : i32 to index
      %get3A_69 = tpu.vector_load %arg14[%get3A_67, %get3A_68] {strides = array<i32>} : memref<32x1024xf32, #tpu.memory_space<vmem>>, vector<16xf32>,
      %add3A_70 = arith.addf %add3A_65, %get3A_69 : vector<16xf32>
      %get3A_71 = arith.constant 6 : i32
      %get3A_72 = arith.index_cast %get3A_71 : i32 to index
      %get3A_73 = arith.index_cast %mul3A_42 : i32 to index
      %get3A_74 = tpu.vector_load %arg14[%get3A_72, %get3A_73] {strides = array<i32>} : memref<32x1024xf32, #tpu.memory_space<vmem>>, vector<16xf32>,
      %add3A_75 = arith.addf %add3A_70, %get3A_74 : vector<16xf32>
      %get3A_76 = arith.constant 7 : i32
      %get3A_77 = arith.index_cast %get3A_76 : i32 to index
      %get3A_78 = arith.index_cast %mul3A_42 : i32 to index
      %get3A_79 = tpu.vector_load %arg14[%get3A_77, %get3A_78] {strides = array<i32>} : memref<32x1024xf32, #tpu.memory_space<vmem>>, vector<16xf32>,
      %add3A_80 = arith.addf %add3A_75, %get3A_79 : vector<16xf32>
      %get3A_81 = arith.constant 8 : i32
      %get3A_82 = arith.index_cast %get3A_81 : i32 to index
      %get3A_83 = arith.index_cast %mul3A_42 : i32 to index
      %get3A_84 = tpu.vector_load %arg14[%get3A_82, %get3A_83] {strides = array<i32>} : memref<32x1024xf32, #tpu.memory_space<vmem>>, vector<16xf32>,
      %add3A_85 = arith.addf %add3A_80, %get3A_84 : vector<16xf32>
      %get3A_86 = arith.constant 9 : i32
      %get3A_87 = arith.index_cast %get3A_86 : i32 to index
      %get3A_88 = arith.index_cast %mul3A_42 : i32 to index
      %get3A_89 = tpu.vector_load %arg14[%get3A_87, %get3A_88] {strides = array<i32>} : memref<32x1024xf32, #tpu.memory_space<vmem>>, vector<16xf32>,
      %add3A_90 = arith.addf %add3A_85, %get3A_89 : vector<16xf32>
      %get3A_91 = arith.constant 10 : i32
      %get3A_92 = arith.index_cast %get3A_91 : i32 to index
      %get3A_93 = arith.index_cast %mul3A_42 : i32 to index
      %get3A_94 = tpu.vector_load %arg14[%get3A_92, %get3A_93] {strides = array<i32>} : memref<32x1024xf32, #tpu.memory_space<vmem>>, vector<16xf32>,
      %add3A_95 = arith.addf %add3A_90, %get3A_94 : vector<16xf32>
      %get3A_96 = arith.constant 11 : i32
      %get3A_97 = arith.index_cast %get3A_96 : i32 to index
      %get3A_98 = arith.index_cast %mul3A_42 : i32 to index
      %get3A_99 = tpu.vector_load %arg14[%get3A_97, %get3A_98] {strides = array<i32>} : memref<32x1024xf32, #tpu.memory_space<vmem>>, vector<16xf32>,
      %add3A_100 = arith.addf %add3A_95, %get3A_99 : vector<16xf32>
      %get3A_101 = arith.constant 12 : i32
      %get3A_102 = arith.index_cast %get3A_101 : i32 to index
      %get3A_103 = arith.index_cast %mul3A_42 : i32 to index
      %get3A_104 = tpu.vector_load %arg14[%get3A_102, %get3A_103] {strides = array<i32>} : memref<32x1024xf32, #tpu.memory_space<vmem>>, vector<16xf32>,
      %add3A_105 = arith.addf %add3A_100, %get3A_104 : vector<16xf32>
      %get3A_106 = arith.constant 13 : i32
      %get3A_107 = arith.index_cast %get3A_106 : i32 to index
      %get3A_108 = arith.index_cast %mul3A_42 : i32 to index
      %get3A_109 = tpu.vector_load %arg14[%get3A_107, %get3A_108] {strides = array<i32>} : memref<32x1024xf32, #tpu.memory_space<vmem>>, vector<16xf32>,
      %add3A_110 = arith.addf %add3A_105, %get3A_109 : vector<16xf32>
      %get3A_111 = arith.constant 14 : i32
      %get3A_112 = arith.index_cast %get3A_111 : i32 to index
      %get3A_113 = arith.index_cast %mul3A_42 : i32 to index
      %get3A_114 = tpu.vector_load %arg14[%get3A_112, %get3A_113] {strides = array<i32>} : memref<32x1024xf32, #tpu.memory_space<vmem>>, vector<16xf32>,
      %add3A_115 = arith.addf %add3A_110, %get3A_114 : vector<16xf32>
      %get3A_116 = arith.constant 15 : i32
      %get3A_117 = arith.index_cast %get3A_116 : i32 to index
      %get3A_118 = arith.index_cast %mul3A_42 : i32 to index
      %get3A_119 = tpu.vector_load %arg14[%get3A_117, %get3A_118] {strides = array<i32>} : memref<32x1024xf32, #tpu.memory_space<vmem>>, vector<16xf32>,
      %add3A_120 = arith.addf %add3A_115, %get3A_119 : vector<16xf32>
      %get3A_121 = arith.constant 16 : i32
      %get3A_122 = arith.index_cast %get3A_121 : i32 to index
      %get3A_123 = arith.index_cast %mul3A_42 : i32 to index
      %get3A_124 = tpu.vector_load %arg14[%get3A_122, %get3A_123] {strides = array<i32>} : memref<32x1024xf32, #tpu.memory_space<vmem>>, vector<16xf32>,
      %add3A_125 = arith.addf %add3A_120, %get3A_124 : vector<16xf32>
      %get3A_126 = arith.constant 17 : i32
      %get3A_127 = arith.index_cast %get3A_126 : i32 to index
      %get3A_128 = arith.index_cast %mul3A_42 : i32 to index
      %get3A_129 = tpu.vector_load %arg14[%get3A_127, %get3A_128] {strides = array<i32>} : memref<32x1024xf32, #tpu.memory_space<vmem>>, vector<16xf32>,
      %add3A_130 = arith.addf %add3A_125, %get3A_129 : vector<16xf32>
      %get3A_131 = arith.constant 18 : i32
      %get3A_132 = arith.index_cast %get3A_131 : i32 to index
      %get3A_133 = arith.index_cast %mul3A_42 : i32 to index
      %get3A_134 = tpu.vector_load %arg14[%get3A_132, %get3A_133] {strides = array<i32>} : memref<32x1024xf32, #tpu.memory_space<vmem>>, vector<16xf32>,
      %add3A_135 = arith.addf %add3A_130, %get3A_134 : vector<16xf32>
      %get3A_136 = arith.constant 19 : i32
      %get3A_137 = arith.index_cast %get3A_136 : i32 to index
      %get3A_138 = arith.index_cast %mul3A_42 : i32 to index
      %get3A_139 = tpu.vector_load %arg14[%get3A_137, %get3A_138] {strides = array<i32>} : memref<32x1024xf32, #tpu.memory_space<vmem>>, vector<16xf32>,
      %add3A_140 = arith.addf %add3A_135, %get3A_139 : vector<16xf32>
      %get3A_141 = arith.constant 20 : i32
      %get3A_142 = arith.index_cast %get3A_141 : i32 to index
      %get3A_143 = arith.index_cast %mul3A_42 : i32 to index
      %get3A_144 = tpu.vector_load %arg14[%get3A_142, %get3A_143] {strides = array<i32>} : memref<32x1024xf32, #tpu.memory_space<vmem>>, vector<16xf32>,
      %add3A_145 = arith.addf %add3A_140, %get3A_144 : vector<16xf32>
      %get3A_146 = arith.constant 21 : i32
      %get3A_147 = arith.index_cast %get3A_146 : i32 to index
      %get3A_148 = arith.index_cast %mul3A_42 : i32 to index
      %get3A_149 = tpu.vector_load %arg14[%get3A_147, %get3A_148] {strides = array<i32>} : memref<32x1024xf32, #tpu.memory_space<vmem>>, vector<16xf32>,
      %add3A_150 = arith.addf %add3A_145, %get3A_149 : vector<16xf32>
      %get3A_151 = arith.constant 22 : i32
      %get3A_152 = arith.index_cast %get3A_151 : i32 to index
      %get3A_153 = arith.index_cast %mul3A_42 : i32 to index
      %get3A_154 = tpu.vector_load %arg14[%get3A_152, %get3A_153] {strides = array<i32>} : memref<32x1024xf32, #tpu.memory_space<vmem>>, vector<16xf32>,
      %add3A_155 = arith.addf %add3A_150, %get3A_154 : vector<16xf32>
      %get3A_156 = arith.constant 23 : i32
      %get3A_157 = arith.index_cast %get3A_156 : i32 to index
      %get3A_158 = arith.index_cast %mul3A_42 : i32 to index
      %get3A_159 = tpu.vector_load %arg14[%get3A_157, %get3A_158] {strides = array<i32>} : memref<32x1024xf32, #tpu.memory_space<vmem>>, vector<16xf32>,
      %add3A_160 = arith.addf %add3A_155, %get3A_159 : vector<16xf32>
      %get3A_161 = arith.constant 24 : i32
      %get3A_162 = arith.index_cast %get3A_161 : i32 to index
      %get3A_163 = arith.index_cast %mul3A_42 : i32 to index
      %get3A_164 = tpu.vector_load %arg14[%get3A_162, %get3A_163] {strides = array<i32>} : memref<32x1024xf32, #tpu.memory_space<vmem>>, vector<16xf32>,
      %add3A_165 = arith.addf %add3A_160, %get3A_164 : vector<16xf32>
      %get3A_166 = arith.constant 25 : i32
      %get3A_167 = arith.index_cast %get3A_166 : i32 to index
      %get3A_168 = arith.index_cast %mul3A_42 : i32 to index
      %get3A_169 = tpu.vector_load %arg14[%get3A_167, %get3A_168] {strides = array<i32>} : memref<32x1024xf32, #tpu.memory_space<vmem>>, vector<16xf32>,
      %add3A_170 = arith.addf %add3A_165, %get3A_169 : vector<16xf32>
      %get3A_171 = arith.constant 26 : i32
      %get3A_172 = arith.index_cast %get3A_171 : i32 to index
      %get3A_173 = arith.index_cast %mul3A_42 : i32 to index
      %get3A_174 = tpu.vector_load %arg14[%get3A_172, %get3A_173] {strides = array<i32>} : memref<32x1024xf32, #tpu.memory_space<vmem>>, vector<16xf32>,
      %add3A_175 = arith.addf %add3A_170, %get3A_174 : vector<16xf32>
      %get3A_176 = arith.constant 27 : i32
      %get3A_177 = arith.index_cast %get3A_176 : i32 to index
      %get3A_178 = arith.index_cast %mul3A_42 : i32 to index
      %get3A_179 = tpu.vector_load %arg14[%get3A_177, %get3A_178] {strides = array<i32>} : memref<32x1024xf32, #tpu.memory_space<vmem>>, vector<16xf32>,
      %add3A_180 = arith.addf %add3A_175, %get3A_179 : vector<16xf32>
      %get3A_181 = arith.constant 28 : i32
      %get3A_182 = arith.index_cast %get3A_181 : i32 to index
      %get3A_183 = arith.index_cast %mul3A_42 : i32 to index
      %get3A_184 = tpu.vector_load %arg14[%get3A_182, %get3A_183] {strides = array<i32>} : memref<32x1024xf32, #tpu.memory_space<vmem>>, vector<16xf32>,
      %add3A_185 = arith.addf %add3A_180, %get3A_184 : vector<16xf32>
      %get3A_186 = arith.constant 29 : i32
      %get3A_187 = arith.index_cast %get3A_186 : i32 to index
      %get3A_188 = arith.index_cast %mul3A_42 : i32 to index
      %get3A_189 = tpu.vector_load %arg14[%get3A_187, %get3A_188] {strides = array<i32>} : memref<32x1024xf32, #tpu.memory_space<vmem>>, vector<16xf32>,
      %add3A_190 = arith.addf %add3A_185, %get3A_189 : vector<16xf32>
      %get3A_191 = arith.constant 30 : i32
      %get3A_192 = arith.index_cast %get3A_191 : i32 to index
      %get3A_193 = arith.index_cast %mul3A_42 : i32 to index
      %get3A_194 = tpu.vector_load %arg14[%get3A_192, %get3A_193] {strides = array<i32>} : memref<32x1024xf32, #tpu.memory_space<vmem>>, vector<16xf32>,
      %add3A_195 = arith.addf %add3A_190, %get3A_194 : vector<16xf32>
      %get3A_196 = arith.constant 31 : i32
      %get3A_197 = arith.index_cast %get3A_196 : i32 to index
      %get3A_198 = arith.index_cast %mul3A_42 : i32 to index
      %get3A_199 = tpu.vector_load %arg14[%get3A_197, %get3A_198] {strides = array<i32>} : memref<32x1024xf32, #tpu.memory_space<vmem>>, vector<16xf32>,
      %add3A_200 = arith.addf %add3A_195, %get3A_199 : vector<16xf32>
      %swap3A = arith.index_cast %mul3A_42 : i32 to index
      %swap3A_201 = tpu.vector_load %arg15[%swap3A] {strides = array<i32>} : memref<1024xf32, #tpu.memory_space<vmem>>, vector<16xf32>,
      tpu.vector_store %arg15[%swap3A], %add3A_200 {strides = array<i32>} : memref<1024xf32, #tpu.memory_space<vmem>>, vector<16xf32>,
    }
    %scan3A_11 = arith.constant 64 : i32
    %add3A_12 = arith.constant 16384 : i32
    %add3A_13 = arith.addi %add3A_12, %mul3A_4 : i32
    "tpu.region"() ({
      %run_scoped3A = tpu.sem_alloc : memref<!tpu.dma_semaphore, #tpu.memory_space<semaphore_mem>>
      %dma_start3A = arith.constant 0 : i32
      %dma_start3A_40 = tpu.memref_slice %arg2[%dma_start3A, %add3A_13] : memref<32x49152xf32, #tpu.memory_space<hbm>> -> memref<32x1024xf32, #tpu.memory_space<hbm>>
      %dma_start3A_41 = arith.constant 0 : i32
      %dma_start3A_42 = tpu.memref_slice %arg2[%dma_start3A_41, %add3A_13] : memref<32x49152xf32, #tpu.memory_space<hbm>> -> memref<32x1024xf32, #tpu.memory_space<hbm>>
      tpu.enqueue_dma source(%dma_start3A_42 : memref<32x1024xf32, #tpu.memory_space<hbm>>) target(%arg14 : memref<32x1024xf32, #tpu.memory_space<vmem>>) target_semaphore(%run_scoped3A : memref<!tpu.dma_semaphore, #tpu.memory_space<semaphore_mem>>)
      %dma_wait3A = arith.constant 0 : i32
      %dma_wait3A_43 = tpu.memref_slice %arg2[%dma_wait3A, %add3A_13] : memref<32x49152xf32, #tpu.memory_space<hbm>> -> memref<32x1024xf32, #tpu.memory_space<hbm>>
      %dma_wait3A_44 = arith.constant 0 : i32
      %dma_wait3A_45 = tpu.memref_slice %arg2[%dma_wait3A_44, %add3A_13] : memref<32x49152xf32, #tpu.memory_space<hbm>> -> memref<32x1024xf32, #tpu.memory_space<hbm>>
      tpu.wait_dma2 semaphore(%run_scoped3A : memref<!tpu.dma_semaphore, #tpu.memory_space<semaphore_mem>>) src(%dma_wait3A_45 : memref<32x1024xf32, #tpu.memory_space<hbm>>) dst(%arg14 : memref<32x1024xf32, #tpu.memory_space<vmem>>)
      tpu.yield
    }) : () -> ()
    %scan3A_14 = arith.constant 0 : i32
    %scan3A_15 = arith.constant 0 : i32
    %scan3A_16 = arith.constant 64 : i32
    %scan3A_17 = arith.addi %scan3A_15, %scan3A_16 : i32
    %scan3A_18 = arith.constant 1 : i32
    scf.for %scan3A_40 = %scan3A_15 to %scan3A_17 step %scan3A_18  : i32 {
      %mul3A_41 = arith.constant 16 : i32
      %mul3A_42 = arith.muli %scan3A_40, %mul3A_41 : i32
      %get3A = arith.constant 0 : i32
      %get3A_43 = arith.index_cast %get3A : i32 to index
      %get3A_44 = arith.index_cast %mul3A_42 : i32 to index
      %get3A_45 = tpu.vector_load %arg14[%get3A_43, %get3A_44] {strides = array<i32>} : memref<32x1024xf32, #tpu.memory_space<vmem>>, vector<16xf32>,
      %get3A_46 = arith.constant 1 : i32
      %get3A_47 = arith.index_cast %get3A_46 : i32 to index
      %get3A_48 = arith.index_cast %mul3A_42 : i32 to index
      %get3A_49 = tpu.vector_load %arg14[%get3A_47, %get3A_48] {strides = array<i32>} : memref<32x1024xf32, #tpu.memory_space<vmem>>, vector<16xf32>,
      %add3A_50 = arith.addf %get3A_45, %get3A_49 : vector<16xf32>
      %get3A_51 = arith.constant 2 : i32
      %get3A_52 = arith.index_cast %get3A_51 : i32 to index
      %get3A_53 = arith.index_cast %mul3A_42 : i32 to index
      %get3A_54 = tpu.vector_load %arg14[%get3A_52, %get3A_53] {strides = array<i32>} : memref<32x1024xf32, #tpu.memory_space<vmem>>, vector<16xf32>,
      %add3A_55 = arith.addf %add3A_50, %get3A_54 : vector<16xf32>
      %get3A_56 = arith.constant 3 : i32
      %get3A_57 = arith.index_cast %get3A_56 : i32 to index
      %get3A_58 = arith.index_cast %mul3A_42 : i32 to index
      %get3A_59 = tpu.vector_load %arg14[%get3A_57, %get3A_58] {strides = array<i32>} : memref<32x1024xf32, #tpu.memory_space<vmem>>, vector<16xf32>,
      %add3A_60 = arith.addf %add3A_55, %get3A_59 : vector<16xf32>
      %get3A_61 = arith.constant 4 : i32
      %get3A_62 = arith.index_cast %get3A_61 : i32 to index
      %get3A_63 = arith.index_cast %mul3A_42 : i32 to index
      %get3A_64 = tpu.vector_load %arg14[%get3A_62, %get3A_63] {strides = array<i32>} : memref<32x1024xf32, #tpu.memory_space<vmem>>, vector<16xf32>,
      %add3A_65 = arith.addf %add3A_60, %get3A_64 : vector<16xf32>
      %get3A_66 = arith.constant 5 : i32
      %get3A_67 = arith.index_cast %get3A_66 : i32 to index
      %get3A_68 = arith.index_cast %mul3A_42 : i32 to index
      %get3A_69 = tpu.vector_load %arg14[%get3A_67, %get3A_68] {strides = array<i32>} : memref<32x1024xf32, #tpu.memory_space<vmem>>, vector<16xf32>,
      %add3A_70 = arith.addf %add3A_65, %get3A_69 : vector<16xf32>
      %get3A_71 = arith.constant 6 : i32
      %get3A_72 = arith.index_cast %get3A_71 : i32 to index
      %get3A_73 = arith.index_cast %mul3A_42 : i32 to index
      %get3A_74 = tpu.vector_load %arg14[%get3A_72, %get3A_73] {strides = array<i32>} : memref<32x1024xf32, #tpu.memory_space<vmem>>, vector<16xf32>,
      %add3A_75 = arith.addf %add3A_70, %get3A_74 : vector<16xf32>
      %get3A_76 = arith.constant 7 : i32
      %get3A_77 = arith.index_cast %get3A_76 : i32 to index
      %get3A_78 = arith.index_cast %mul3A_42 : i32 to index
      %get3A_79 = tpu.vector_load %arg14[%get3A_77, %get3A_78] {strides = array<i32>} : memref<32x1024xf32, #tpu.memory_space<vmem>>, vector<16xf32>,
      %add3A_80 = arith.addf %add3A_75, %get3A_79 : vector<16xf32>
      %get3A_81 = arith.constant 8 : i32
      %get3A_82 = arith.index_cast %get3A_81 : i32 to index
      %get3A_83 = arith.index_cast %mul3A_42 : i32 to index
      %get3A_84 = tpu.vector_load %arg14[%get3A_82, %get3A_83] {strides = array<i32>} : memref<32x1024xf32, #tpu.memory_space<vmem>>, vector<16xf32>,
      %add3A_85 = arith.addf %add3A_80, %get3A_84 : vector<16xf32>
      %get3A_86 = arith.constant 9 : i32
      %get3A_87 = arith.index_cast %get3A_86 : i32 to index
      %get3A_88 = arith.index_cast %mul3A_42 : i32 to index
      %get3A_89 = tpu.vector_load %arg14[%get3A_87, %get3A_88] {strides = array<i32>} : memref<32x1024xf32, #tpu.memory_space<vmem>>, vector<16xf32>,
      %add3A_90 = arith.addf %add3A_85, %get3A_89 : vector<16xf32>
      %get3A_91 = arith.constant 10 : i32
      %get3A_92 = arith.index_cast %get3A_91 : i32 to index
      %get3A_93 = arith.index_cast %mul3A_42 : i32 to index
      %get3A_94 = tpu.vector_load %arg14[%get3A_92, %get3A_93] {strides = array<i32>} : memref<32x1024xf32, #tpu.memory_space<vmem>>, vector<16xf32>,
      %add3A_95 = arith.addf %add3A_90, %get3A_94 : vector<16xf32>
      %get3A_96 = arith.constant 11 : i32
      %get3A_97 = arith.index_cast %get3A_96 : i32 to index
      %get3A_98 = arith.index_cast %mul3A_42 : i32 to index
      %get3A_99 = tpu.vector_load %arg14[%get3A_97, %get3A_98] {strides = array<i32>} : memref<32x1024xf32, #tpu.memory_space<vmem>>, vector<16xf32>,
      %add3A_100 = arith.addf %add3A_95, %get3A_99 : vector<16xf32>
      %get3A_101 = arith.constant 12 : i32
      %get3A_102 = arith.index_cast %get3A_101 : i32 to index
      %get3A_103 = arith.index_cast %mul3A_42 : i32 to index
      %get3A_104 = tpu.vector_load %arg14[%get3A_102, %get3A_103] {strides = array<i32>} : memref<32x1024xf32, #tpu.memory_space<vmem>>, vector<16xf32>,
      %add3A_105 = arith.addf %add3A_100, %get3A_104 : vector<16xf32>
      %get3A_106 = arith.constant 13 : i32
      %get3A_107 = arith.index_cast %get3A_106 : i32 to index
      %get3A_108 = arith.index_cast %mul3A_42 : i32 to index
      %get3A_109 = tpu.vector_load %arg14[%get3A_107, %get3A_108] {strides = array<i32>} : memref<32x1024xf32, #tpu.memory_space<vmem>>, vector<16xf32>,
      %add3A_110 = arith.addf %add3A_105, %get3A_109 : vector<16xf32>
      %get3A_111 = arith.constant 14 : i32
      %get3A_112 = arith.index_cast %get3A_111 : i32 to index
      %get3A_113 = arith.index_cast %mul3A_42 : i32 to index
      %get3A_114 = tpu.vector_load %arg14[%get3A_112, %get3A_113] {strides = array<i32>} : memref<32x1024xf32, #tpu.memory_space<vmem>>, vector<16xf32>,
      %add3A_115 = arith.addf %add3A_110, %get3A_114 : vector<16xf32>
      %get3A_116 = arith.constant 15 : i32
      %get3A_117 = arith.index_cast %get3A_116 : i32 to index
      %get3A_118 = arith.index_cast %mul3A_42 : i32 to index
      %get3A_119 = tpu.vector_load %arg14[%get3A_117, %get3A_118] {strides = array<i32>} : memref<32x1024xf32, #tpu.memory_space<vmem>>, vector<16xf32>,
      %add3A_120 = arith.addf %add3A_115, %get3A_119 : vector<16xf32>
      %get3A_121 = arith.constant 16 : i32
      %get3A_122 = arith.index_cast %get3A_121 : i32 to index
      %get3A_123 = arith.index_cast %mul3A_42 : i32 to index
      %get3A_124 = tpu.vector_load %arg14[%get3A_122, %get3A_123] {strides = array<i32>} : memref<32x1024xf32, #tpu.memory_space<vmem>>, vector<16xf32>,
      %add3A_125 = arith.addf %add3A_120, %get3A_124 : vector<16xf32>
      %get3A_126 = arith.constant 17 : i32
      %get3A_127 = arith.index_cast %get3A_126 : i32 to index
      %get3A_128 = arith.index_cast %mul3A_42 : i32 to index
      %get3A_129 = tpu.vector_load %arg14[%get3A_127, %get3A_128] {strides = array<i32>} : memref<32x1024xf32, #tpu.memory_space<vmem>>, vector<16xf32>,
      %add3A_130 = arith.addf %add3A_125, %get3A_129 : vector<16xf32>
      %get3A_131 = arith.constant 18 : i32
      %get3A_132 = arith.index_cast %get3A_131 : i32 to index
      %get3A_133 = arith.index_cast %mul3A_42 : i32 to index
      %get3A_134 = tpu.vector_load %arg14[%get3A_132, %get3A_133] {strides = array<i32>} : memref<32x1024xf32, #tpu.memory_space<vmem>>, vector<16xf32>,
      %add3A_135 = arith.addf %add3A_130, %get3A_134 : vector<16xf32>
      %get3A_136 = arith.constant 19 : i32
      %get3A_137 = arith.index_cast %get3A_136 : i32 to index
      %get3A_138 = arith.index_cast %mul3A_42 : i32 to index
      %get3A_139 = tpu.vector_load %arg14[%get3A_137, %get3A_138] {strides = array<i32>} : memref<32x1024xf32, #tpu.memory_space<vmem>>, vector<16xf32>,
      %add3A_140 = arith.addf %add3A_135, %get3A_139 : vector<16xf32>
      %get3A_141 = arith.constant 20 : i32
      %get3A_142 = arith.index_cast %get3A_141 : i32 to index
      %get3A_143 = arith.index_cast %mul3A_42 : i32 to index
      %get3A_144 = tpu.vector_load %arg14[%get3A_142, %get3A_143] {strides = array<i32>} : memref<32x1024xf32, #tpu.memory_space<vmem>>, vector<16xf32>,
      %add3A_145 = arith.addf %add3A_140, %get3A_144 : vector<16xf32>
      %get3A_146 = arith.constant 21 : i32
      %get3A_147 = arith.index_cast %get3A_146 : i32 to index
      %get3A_148 = arith.index_cast %mul3A_42 : i32 to index
      %get3A_149 = tpu.vector_load %arg14[%get3A_147, %get3A_148] {strides = array<i32>} : memref<32x1024xf32, #tpu.memory_space<vmem>>, vector<16xf32>,
      %add3A_150 = arith.addf %add3A_145, %get3A_149 : vector<16xf32>
      %get3A_151 = arith.constant 22 : i32
      %get3A_152 = arith.index_cast %get3A_151 : i32 to index
      %get3A_153 = arith.index_cast %mul3A_42 : i32 to index
      %get3A_154 = tpu.vector_load %arg14[%get3A_152, %get3A_153] {strides = array<i32>} : memref<32x1024xf32, #tpu.memory_space<vmem>>, vector<16xf32>,
      %add3A_155 = arith.addf %add3A_150, %get3A_154 : vector<16xf32>
      %get3A_156 = arith.constant 23 : i32
      %get3A_157 = arith.index_cast %get3A_156 : i32 to index
      %get3A_158 = arith.index_cast %mul3A_42 : i32 to index
      %get3A_159 = tpu.vector_load %arg14[%get3A_157, %get3A_158] {strides = array<i32>} : memref<32x1024xf32, #tpu.memory_space<vmem>>, vector<16xf32>,
      %add3A_160 = arith.addf %add3A_155, %get3A_159 : vector<16xf32>
      %get3A_161 = arith.constant 24 : i32
      %get3A_162 = arith.index_cast %get3A_161 : i32 to index
      %get3A_163 = arith.index_cast %mul3A_42 : i32 to index
      %get3A_164 = tpu.vector_load %arg14[%get3A_162, %get3A_163] {strides = array<i32>} : memref<32x1024xf32, #tpu.memory_space<vmem>>, vector<16xf32>,
      %add3A_165 = arith.addf %add3A_160, %get3A_164 : vector<16xf32>
      %get3A_166 = arith.constant 25 : i32
      %get3A_167 = arith.index_cast %get3A_166 : i32 to index
      %get3A_168 = arith.index_cast %mul3A_42 : i32 to index
      %get3A_169 = tpu.vector_load %arg14[%get3A_167, %get3A_168] {strides = array<i32>} : memref<32x1024xf32, #tpu.memory_space<vmem>>, vector<16xf32>,
      %add3A_170 = arith.addf %add3A_165, %get3A_169 : vector<16xf32>
      %get3A_171 = arith.constant 26 : i32
      %get3A_172 = arith.index_cast %get3A_171 : i32 to index
      %get3A_173 = arith.index_cast %mul3A_42 : i32 to index
      %get3A_174 = tpu.vector_load %arg14[%get3A_172, %get3A_173] {strides = array<i32>} : memref<32x1024xf32, #tpu.memory_space<vmem>>, vector<16xf32>,
      %add3A_175 = arith.addf %add3A_170, %get3A_174 : vector<16xf32>
      %get3A_176 = arith.constant 27 : i32
      %get3A_177 = arith.index_cast %get3A_176 : i32 to index
      %get3A_178 = arith.index_cast %mul3A_42 : i32 to index
      %get3A_179 = tpu.vector_load %arg14[%get3A_177, %get3A_178] {strides = array<i32>} : memref<32x1024xf32, #tpu.memory_space<vmem>>, vector<16xf32>,
      %add3A_180 = arith.addf %add3A_175, %get3A_179 : vector<16xf32>
      %get3A_181 = arith.constant 28 : i32
      %get3A_182 = arith.index_cast %get3A_181 : i32 to index
      %get3A_183 = arith.index_cast %mul3A_42 : i32 to index
      %get3A_184 = tpu.vector_load %arg14[%get3A_182, %get3A_183] {strides = array<i32>} : memref<32x1024xf32, #tpu.memory_space<vmem>>, vector<16xf32>,
      %add3A_185 = arith.addf %add3A_180, %get3A_184 : vector<16xf32>
      %get3A_186 = arith.constant 29 : i32
      %get3A_187 = arith.index_cast %get3A_186 : i32 to index
      %get3A_188 = arith.index_cast %mul3A_42 : i32 to index
      %get3A_189 = tpu.vector_load %arg14[%get3A_187, %get3A_188] {strides = array<i32>} : memref<32x1024xf32, #tpu.memory_space<vmem>>, vector<16xf32>,
      %add3A_190 = arith.addf %add3A_185, %get3A_189 : vector<16xf32>
      %get3A_191 = arith.constant 30 : i32
      %get3A_192 = arith.index_cast %get3A_191 : i32 to index
      %get3A_193 = arith.index_cast %mul3A_42 : i32 to index
      %get3A_194 = tpu.vector_load %arg14[%get3A_192, %get3A_193] {strides = array<i32>} : memref<32x1024xf32, #tpu.memory_space<vmem>>, vector<16xf32>,
      %add3A_195 = arith.addf %add3A_190, %get3A_194 : vector<16xf32>
      %get3A_196 = arith.constant 31 : i32
      %get3A_197 = arith.index_cast %get3A_196 : i32 to index
      %get3A_198 = arith.index_cast %mul3A_42 : i32 to index
      %get3A_199 = tpu.vector_load %arg14[%get3A_197, %get3A_198] {strides = array<i32>} : memref<32x1024xf32, #tpu.memory_space<vmem>>, vector<16xf32>,
      %add3A_200 = arith.addf %add3A_195, %get3A_199 : vector<16xf32>
      %swap3A = arith.index_cast %mul3A_42 : i32 to index
      %swap3A_201 = tpu.vector_load %arg16[%swap3A] {strides = array<i32>} : memref<1024xf32, #tpu.memory_space<vmem>>, vector<16xf32>,
      tpu.vector_store %arg16[%swap3A], %add3A_200 {strides = array<i32>} : memref<1024xf32, #tpu.memory_space<vmem>>, vector<16xf32>,
    }
    %scan3A_19 = arith.constant 64 : i32
    %add3A_20 = arith.constant 32768 : i32
    %add3A_21 = arith.addi %add3A_20, %mul3A_4 : i32
    "tpu.region"() ({
      %run_scoped3A = tpu.sem_alloc : memref<!tpu.dma_semaphore, #tpu.memory_space<semaphore_mem>>
      %dma_start3A = arith.constant 0 : i32
      %dma_start3A_40 = tpu.memref_slice %arg2[%dma_start3A, %add3A_21] : memref<32x49152xf32, #tpu.memory_space<hbm>> -> memref<32x1024xf32, #tpu.memory_space<hbm>>
      %dma_start3A_41 = arith.constant 0 : i32
      %dma_start3A_42 = tpu.memref_slice %arg2[%dma_start3A_41, %add3A_21] : memref<32x49152xf32, #tpu.memory_space<hbm>> -> memref<32x1024xf32, #tpu.memory_space<hbm>>
      tpu.enqueue_dma source(%dma_start3A_42 : memref<32x1024xf32, #tpu.memory_space<hbm>>) target(%arg14 : memref<32x1024xf32, #tpu.memory_space<vmem>>) target_semaphore(%run_scoped3A : memref<!tpu.dma_semaphore, #tpu.memory_space<semaphore_mem>>)
      %dma_wait3A = arith.constant 0 : i32
      %dma_wait3A_43 = tpu.memref_slice %arg2[%dma_wait3A, %add3A_21] : memref<32x49152xf32, #tpu.memory_space<hbm>> -> memref<32x1024xf32, #tpu.memory_space<hbm>>
      %dma_wait3A_44 = arith.constant 0 : i32
      %dma_wait3A_45 = tpu.memref_slice %arg2[%dma_wait3A_44, %add3A_21] : memref<32x49152xf32, #tpu.memory_space<hbm>> -> memref<32x1024xf32, #tpu.memory_space<hbm>>
      tpu.wait_dma2 semaphore(%run_scoped3A : memref<!tpu.dma_semaphore, #tpu.memory_space<semaphore_mem>>) src(%dma_wait3A_45 : memref<32x1024xf32, #tpu.memory_space<hbm>>) dst(%arg14 : memref<32x1024xf32, #tpu.memory_space<vmem>>)
      tpu.yield
    }) : () -> ()
    %scan3A_22 = arith.constant 0 : i32
    %scan3A_23 = arith.constant 0 : i32
    %scan3A_24 = arith.constant 64 : i32
    %scan3A_25 = arith.addi %scan3A_23, %scan3A_24 : i32
    %scan3A_26 = arith.constant 1 : i32
    scf.for %scan3A_40 = %scan3A_23 to %scan3A_25 step %scan3A_26  : i32 {
      %mul3A_41 = arith.constant 16 : i32
      %mul3A_42 = arith.muli %scan3A_40, %mul3A_41 : i32
      %get3A = arith.constant 0 : i32
      %get3A_43 = arith.index_cast %get3A : i32 to index
      %get3A_44 = arith.index_cast %mul3A_42 : i32 to index
      %get3A_45 = tpu.vector_load %arg14[%get3A_43, %get3A_44] {strides = array<i32>} : memref<32x1024xf32, #tpu.memory_space<vmem>>, vector<16xf32>,
      %get3A_46 = arith.constant 1 : i32
      %get3A_47 = arith.index_cast %get3A_46 : i32 to index
      %get3A_48 = arith.index_cast %mul3A_42 : i32 to index
      %get3A_49 = tpu.vector_load %arg14[%get3A_47, %get3A_48] {strides = array<i32>} : memref<32x1024xf32, #tpu.memory_space<vmem>>, vector<16xf32>,
      %add3A_50 = arith.addf %get3A_45, %get3A_49 : vector<16xf32>
      %get3A_51 = arith.constant 2 : i32
      %get3A_52 = arith.index_cast %get3A_51 : i32 to index
      %get3A_53 = arith.index_cast %mul3A_42 : i32 to index
      %get3A_54 = tpu.vector_load %arg14[%get3A_52, %get3A_53] {strides = array<i32>} : memref<32x1024xf32, #tpu.memory_space<vmem>>, vector<16xf32>,
      %add3A_55 = arith.addf %add3A_50, %get3A_54 : vector<16xf32>
      %get3A_56 = arith.constant 3 : i32
      %get3A_57 = arith.index_cast %get3A_56 : i32 to index
      %get3A_58 = arith.index_cast %mul3A_42 : i32 to index
      %get3A_59 = tpu.vector_load %arg14[%get3A_57, %get3A_58] {strides = array<i32>} : memref<32x1024xf32, #tpu.memory_space<vmem>>, vector<16xf32>,
      %add3A_60 = arith.addf %add3A_55, %get3A_59 : vector<16xf32>
      %get3A_61 = arith.constant 4 : i32
      %get3A_62 = arith.index_cast %get3A_61 : i32 to index
      %get3A_63 = arith.index_cast %mul3A_42 : i32 to index
      %get3A_64 = tpu.vector_load %arg14[%get3A_62, %get3A_63] {strides = array<i32>} : memref<32x1024xf32, #tpu.memory_space<vmem>>, vector<16xf32>,
      %add3A_65 = arith.addf %add3A_60, %get3A_64 : vector<16xf32>
      %get3A_66 = arith.constant 5 : i32
      %get3A_67 = arith.index_cast %get3A_66 : i32 to index
      %get3A_68 = arith.index_cast %mul3A_42 : i32 to index
      %get3A_69 = tpu.vector_load %arg14[%get3A_67, %get3A_68] {strides = array<i32>} : memref<32x1024xf32, #tpu.memory_space<vmem>>, vector<16xf32>,
      %add3A_70 = arith.addf %add3A_65, %get3A_69 : vector<16xf32>
      %get3A_71 = arith.constant 6 : i32
      %get3A_72 = arith.index_cast %get3A_71 : i32 to index
      %get3A_73 = arith.index_cast %mul3A_42 : i32 to index
      %get3A_74 = tpu.vector_load %arg14[%get3A_72, %get3A_73] {strides = array<i32>} : memref<32x1024xf32, #tpu.memory_space<vmem>>, vector<16xf32>,
      %add3A_75 = arith.addf %add3A_70, %get3A_74 : vector<16xf32>
      %get3A_76 = arith.constant 7 : i32
      %get3A_77 = arith.index_cast %get3A_76 : i32 to index
      %get3A_78 = arith.index_cast %mul3A_42 : i32 to index
      %get3A_79 = tpu.vector_load %arg14[%get3A_77, %get3A_78] {strides = array<i32>} : memref<32x1024xf32, #tpu.memory_space<vmem>>, vector<16xf32>,
      %add3A_80 = arith.addf %add3A_75, %get3A_79 : vector<16xf32>
      %get3A_81 = arith.constant 8 : i32
      %get3A_82 = arith.index_cast %get3A_81 : i32 to index
      %get3A_83 = arith.index_cast %mul3A_42 : i32 to index
      %get3A_84 = tpu.vector_load %arg14[%get3A_82, %get3A_83] {strides = array<i32>} : memref<32x1024xf32, #tpu.memory_space<vmem>>, vector<16xf32>,
      %add3A_85 = arith.addf %add3A_80, %get3A_84 : vector<16xf32>
      %get3A_86 = arith.constant 9 : i32
      %get3A_87 = arith.index_cast %get3A_86 : i32 to index
      %get3A_88 = arith.index_cast %mul3A_42 : i32 to index
      %get3A_89 = tpu.vector_load %arg14[%get3A_87, %get3A_88] {strides = array<i32>} : memref<32x1024xf32, #tpu.memory_space<vmem>>, vector<16xf32>,
      %add3A_90 = arith.addf %add3A_85, %get3A_89 : vector<16xf32>
      %get3A_91 = arith.constant 10 : i32
      %get3A_92 = arith.index_cast %get3A_91 : i32 to index
      %get3A_93 = arith.index_cast %mul3A_42 : i32 to index
      %get3A_94 = tpu.vector_load %arg14[%get3A_92, %get3A_93] {strides = array<i32>} : memref<32x1024xf32, #tpu.memory_space<vmem>>, vector<16xf32>,
      %add3A_95 = arith.addf %add3A_90, %get3A_94 : vector<16xf32>
      %get3A_96 = arith.constant 11 : i32
      %get3A_97 = arith.index_cast %get3A_96 : i32 to index
      %get3A_98 = arith.index_cast %mul3A_42 : i32 to index
      %get3A_99 = tpu.vector_load %arg14[%get3A_97, %get3A_98] {strides = array<i32>} : memref<32x1024xf32, #tpu.memory_space<vmem>>, vector<16xf32>,
      %add3A_100 = arith.addf %add3A_95, %get3A_99 : vector<16xf32>
      %get3A_101 = arith.constant 12 : i32
      %get3A_102 = arith.index_cast %get3A_101 : i32 to index
      %get3A_103 = arith.index_cast %mul3A_42 : i32 to index
      %get3A_104 = tpu.vector_load %arg14[%get3A_102, %get3A_103] {strides = array<i32>} : memref<32x1024xf32, #tpu.memory_space<vmem>>, vector<16xf32>,
      %add3A_105 = arith.addf %add3A_100, %get3A_104 : vector<16xf32>
      %get3A_106 = arith.constant 13 : i32
      %get3A_107 = arith.index_cast %get3A_106 : i32 to index
      %get3A_108 = arith.index_cast %mul3A_42 : i32 to index
      %get3A_109 = tpu.vector_load %arg14[%get3A_107, %get3A_108] {strides = array<i32>} : memref<32x1024xf32, #tpu.memory_space<vmem>>, vector<16xf32>,
      %add3A_110 = arith.addf %add3A_105, %get3A_109 : vector<16xf32>
      %get3A_111 = arith.constant 14 : i32
      %get3A_112 = arith.index_cast %get3A_111 : i32 to index
      %get3A_113 = arith.index_cast %mul3A_42 : i32 to index
      %get3A_114 = tpu.vector_load %arg14[%get3A_112, %get3A_113] {strides = array<i32>} : memref<32x1024xf32, #tpu.memory_space<vmem>>, vector<16xf32>,
      %add3A_115 = arith.addf %add3A_110, %get3A_114 : vector<16xf32>
      %get3A_116 = arith.constant 15 : i32
      %get3A_117 = arith.index_cast %get3A_116 : i32 to index
      %get3A_118 = arith.index_cast %mul3A_42 : i32 to index
      %get3A_119 = tpu.vector_load %arg14[%get3A_117, %get3A_118] {strides = array<i32>} : memref<32x1024xf32, #tpu.memory_space<vmem>>, vector<16xf32>,
      %add3A_120 = arith.addf %add3A_115, %get3A_119 : vector<16xf32>
      %get3A_121 = arith.constant 16 : i32
      %get3A_122 = arith.index_cast %get3A_121 : i32 to index
      %get3A_123 = arith.index_cast %mul3A_42 : i32 to index
      %get3A_124 = tpu.vector_load %arg14[%get3A_122, %get3A_123] {strides = array<i32>} : memref<32x1024xf32, #tpu.memory_space<vmem>>, vector<16xf32>,
      %add3A_125 = arith.addf %add3A_120, %get3A_124 : vector<16xf32>
      %get3A_126 = arith.constant 17 : i32
      %get3A_127 = arith.index_cast %get3A_126 : i32 to index
      %get3A_128 = arith.index_cast %mul3A_42 : i32 to index
      %get3A_129 = tpu.vector_load %arg14[%get3A_127, %get3A_128] {strides = array<i32>} : memref<32x1024xf32, #tpu.memory_space<vmem>>, vector<16xf32>,
      %add3A_130 = arith.addf %add3A_125, %get3A_129 : vector<16xf32>
      %get3A_131 = arith.constant 18 : i32
      %get3A_132 = arith.index_cast %get3A_131 : i32 to index
      %get3A_133 = arith.index_cast %mul3A_42 : i32 to index
      %get3A_134 = tpu.vector_load %arg14[%get3A_132, %get3A_133] {strides = array<i32>} : memref<32x1024xf32, #tpu.memory_space<vmem>>, vector<16xf32>,
      %add3A_135 = arith.addf %add3A_130, %get3A_134 : vector<16xf32>
      %get3A_136 = arith.constant 19 : i32
      %get3A_137 = arith.index_cast %get3A_136 : i32 to index
      %get3A_138 = arith.index_cast %mul3A_42 : i32 to index
      %get3A_139 = tpu.vector_load %arg14[%get3A_137, %get3A_138] {strides = array<i32>} : memref<32x1024xf32, #tpu.memory_space<vmem>>, vector<16xf32>,
      %add3A_140 = arith.addf %add3A_135, %get3A_139 : vector<16xf32>
      %get3A_141 = arith.constant 20 : i32
      %get3A_142 = arith.index_cast %get3A_141 : i32 to index
      %get3A_143 = arith.index_cast %mul3A_42 : i32 to index
      %get3A_144 = tpu.vector_load %arg14[%get3A_142, %get3A_143] {strides = array<i32>} : memref<32x1024xf32, #tpu.memory_space<vmem>>, vector<16xf32>,
      %add3A_145 = arith.addf %add3A_140, %get3A_144 : vector<16xf32>
      %get3A_146 = arith.constant 21 : i32
      %get3A_147 = arith.index_cast %get3A_146 : i32 to index
      %get3A_148 = arith.index_cast %mul3A_42 : i32 to index
      %get3A_149 = tpu.vector_load %arg14[%get3A_147, %get3A_148] {strides = array<i32>} : memref<32x1024xf32, #tpu.memory_space<vmem>>, vector<16xf32>,
      %add3A_150 = arith.addf %add3A_145, %get3A_149 : vector<16xf32>
      %get3A_151 = arith.constant 22 : i32
      %get3A_152 = arith.index_cast %get3A_151 : i32 to index
      %get3A_153 = arith.index_cast %mul3A_42 : i32 to index
      %get3A_154 = tpu.vector_load %arg14[%get3A_152, %get3A_153] {strides = array<i32>} : memref<32x1024xf32, #tpu.memory_space<vmem>>, vector<16xf32>,
      %add3A_155 = arith.addf %add3A_150, %get3A_154 : vector<16xf32>
      %get3A_156 = arith.constant 23 : i32
      %get3A_157 = arith.index_cast %get3A_156 : i32 to index
      %get3A_158 = arith.index_cast %mul3A_42 : i32 to index
      %get3A_159 = tpu.vector_load %arg14[%get3A_157, %get3A_158] {strides = array<i32>} : memref<32x1024xf32, #tpu.memory_space<vmem>>, vector<16xf32>,
      %add3A_160 = arith.addf %add3A_155, %get3A_159 : vector<16xf32>
      %get3A_161 = arith.constant 24 : i32
      %get3A_162 = arith.index_cast %get3A_161 : i32 to index
      %get3A_163 = arith.index_cast %mul3A_42 : i32 to index
      %get3A_164 = tpu.vector_load %arg14[%get3A_162, %get3A_163] {strides = array<i32>} : memref<32x1024xf32, #tpu.memory_space<vmem>>, vector<16xf32>,
      %add3A_165 = arith.addf %add3A_160, %get3A_164 : vector<16xf32>
      %get3A_166 = arith.constant 25 : i32
      %get3A_167 = arith.index_cast %get3A_166 : i32 to index
      %get3A_168 = arith.index_cast %mul3A_42 : i32 to index
      %get3A_169 = tpu.vector_load %arg14[%get3A_167, %get3A_168] {strides = array<i32>} : memref<32x1024xf32, #tpu.memory_space<vmem>>, vector<16xf32>,
      %add3A_170 = arith.addf %add3A_165, %get3A_169 : vector<16xf32>
      %get3A_171 = arith.constant 26 : i32
      %get3A_172 = arith.index_cast %get3A_171 : i32 to index
      %get3A_173 = arith.index_cast %mul3A_42 : i32 to index
      %get3A_174 = tpu.vector_load %arg14[%get3A_172, %get3A_173] {strides = array<i32>} : memref<32x1024xf32, #tpu.memory_space<vmem>>, vector<16xf32>,
      %add3A_175 = arith.addf %add3A_170, %get3A_174 : vector<16xf32>
      %get3A_176 = arith.constant 27 : i32
      %get3A_177 = arith.index_cast %get3A_176 : i32 to index
      %get3A_178 = arith.index_cast %mul3A_42 : i32 to index
      %get3A_179 = tpu.vector_load %arg14[%get3A_177, %get3A_178] {strides = array<i32>} : memref<32x1024xf32, #tpu.memory_space<vmem>>, vector<16xf32>,
      %add3A_180 = arith.addf %add3A_175, %get3A_179 : vector<16xf32>
      %get3A_181 = arith.constant 28 : i32
      %get3A_182 = arith.index_cast %get3A_181 : i32 to index
      %get3A_183 = arith.index_cast %mul3A_42 : i32 to index
      %get3A_184 = tpu.vector_load %arg14[%get3A_182, %get3A_183] {strides = array<i32>} : memref<32x1024xf32, #tpu.memory_space<vmem>>, vector<16xf32>,
      %add3A_185 = arith.addf %add3A_180, %get3A_184 : vector<16xf32>
      %get3A_186 = arith.constant 29 : i32
      %get3A_187 = arith.index_cast %get3A_186 : i32 to index
      %get3A_188 = arith.index_cast %mul3A_42 : i32 to index
      %get3A_189 = tpu.vector_load %arg14[%get3A_187, %get3A_188] {strides = array<i32>} : memref<32x1024xf32, #tpu.memory_space<vmem>>, vector<16xf32>,
      %add3A_190 = arith.addf %add3A_185, %get3A_189 : vector<16xf32>
      %get3A_191 = arith.constant 30 : i32
      %get3A_192 = arith.index_cast %get3A_191 : i32 to index
      %get3A_193 = arith.index_cast %mul3A_42 : i32 to index
      %get3A_194 = tpu.vector_load %arg14[%get3A_192, %get3A_193] {strides = array<i32>} : memref<32x1024xf32, #tpu.memory_space<vmem>>, vector<16xf32>,
      %add3A_195 = arith.addf %add3A_190, %get3A_194 : vector<16xf32>
      %get3A_196 = arith.constant 31 : i32
      %get3A_197 = arith.index_cast %get3A_196 : i32 to index
      %get3A_198 = arith.index_cast %mul3A_42 : i32 to index
      %get3A_199 = tpu.vector_load %arg14[%get3A_197, %get3A_198] {strides = array<i32>} : memref<32x1024xf32, #tpu.memory_space<vmem>>, vector<16xf32>,
      %add3A_200 = arith.addf %add3A_195, %get3A_199 : vector<16xf32>
      %swap3A = arith.index_cast %mul3A_42 : i32 to index
      %swap3A_201 = tpu.vector_load %arg17[%swap3A] {strides = array<i32>} : memref<1024xf32, #tpu.memory_space<vmem>>, vector<16xf32>,
      tpu.vector_store %arg17[%swap3A], %add3A_200 {strides = array<i32>} : memref<1024xf32, #tpu.memory_space<vmem>>, vector<16xf32>,
    }
    %scan3A_27 = arith.constant 64 : i32
    %iota3A = tpu.iota {dimensions = array<i32: 0>} : vector<16xi32>
    %scan3A_28 = arith.constant 0 : i32
    %scan3A_29 = arith.constant 0 : i32
    %scan3A_30 = arith.constant 64 : i32
    %scan3A_31 = arith.addi %scan3A_29, %scan3A_30 : i32
    %scan3A_32 = arith.constant 1 : i32
    scf.for %scan3A_40 = %scan3A_29 to %scan3A_31 step %scan3A_32  : i32 {
      %mul3A_41 = arith.constant 16 : i32
      %mul3A_42 = arith.muli %scan3A_40, %mul3A_41 : i32
      %mul3A_43 = arith.constant 16 : i32
      %mul3A_44 = arith.muli %scan3A_40, %mul3A_43 : i32
      %add3A_45 = arith.addi %mul3A_4, %mul3A_44 : i32
      %add3A_46 = vector.broadcast %add3A_45 : i32 to vector<16xi32>
      %add3A_47 = arith.addi %add3A_46, %iota3A : vector<16xi32>
      %get3A = arith.index_cast %mul3A_42 : i32 to index
      %get3A_48 = tpu.vector_load %arg17[%get3A] {strides = array<i32>} : memref<1024xf32, #tpu.memory_space<vmem>>, vector<16xf32>,
      %gt3A = arith.constant 0.000000e+00 : f32
      %gt3A_49 = vector.broadcast %gt3A : f32 to vector<16xf32>
      %gt3A_50 = arith.cmpf ogt, %get3A_48, %gt3A_49 : vector<16xf32>
      %max3A = arith.constant 1.000000e-30 : f32
      %max3A_51 = vector.broadcast %max3A : f32 to vector<16xf32>
      %max3A_52 = arith.maximumf %get3A_48, %max3A_51 : vector<16xf32>
      %bitcast_convert_type3A = tpu.bitcast %max3A_52 : vector<16xf32> -> vector<16xi32>
      %shift_right_arithmetic3A = arith.constant 1 : i32
      %shift_right_arithmetic3A_53 = vector.broadcast %shift_right_arithmetic3A : i32 to vector<16xi32>
      %shift_right_arithmetic3A_54 = arith.shrsi %bitcast_convert_type3A, %shift_right_arithmetic3A_53 : vector<16xi32>
      %sub3A = arith.constant 1597463007 : i32
      %sub3A_55 = vector.broadcast %sub3A : i32 to vector<16xi32>
      %sub3A_56 = arith.subi %sub3A_55, %shift_right_arithmetic3A_54 : vector<16xi32>
      %bitcast_convert_type3A_57 = tpu.bitcast %sub3A_56 : vector<16xi32> -> vector<16xf32>
      %mul3A_58 = arith.constant 5.000000e-01 : f32
      %mul3A_59 = vector.broadcast %mul3A_58 : f32 to vector<16xf32>
      %mul3A_60 = arith.mulf %mul3A_59, %max3A_52 : vector<16xf32>
      %mul3A_61 = arith.mulf %mul3A_60, %bitcast_convert_type3A_57 : vector<16xf32>
      %mul3A_62 = arith.mulf %mul3A_61, %bitcast_convert_type3A_57 : vector<16xf32>
      %sub3A_63 = arith.constant 1.500000e+00 : f32
      %sub3A_64 = vector.broadcast %sub3A_63 : f32 to vector<16xf32>
      %sub3A_65 = arith.subf %sub3A_64, %mul3A_62 : vector<16xf32>
      %mul3A_66 = arith.mulf %bitcast_convert_type3A_57, %sub3A_65 : vector<16xf32>
      %mul3A_67 = arith.constant 5.000000e-01 : f32
      %mul3A_68 = vector.broadcast %mul3A_67 : f32 to vector<16xf32>
      %mul3A_69 = arith.mulf %mul3A_68, %max3A_52 : vector<16xf32>
      %mul3A_70 = arith.mulf %mul3A_69, %mul3A_66 : vector<16xf32>
      %mul3A_71 = arith.mulf %mul3A_70, %mul3A_66 : vector<16xf32>
      %sub3A_72 = arith.constant 1.500000e+00 : f32
      %sub3A_73 = vector.broadcast %sub3A_72 : f32 to vector<16xf32>
      %sub3A_74 = arith.subf %sub3A_73, %mul3A_71 : vector<16xf32>
      %mul3A_75 = arith.mulf %mul3A_66, %sub3A_74 : vector<16xf32>
      %mul3A_76 = arith.constant 5.000000e-01 : f32
      %mul3A_77 = vector.broadcast %mul3A_76 : f32 to vector<16xf32>
      %mul3A_78 = arith.mulf %mul3A_77, %max3A_52 : vector<16xf32>
      %mul3A_79 = arith.mulf %mul3A_78, %mul3A_75 : vector<16xf32>
      %mul3A_80 = arith.mulf %mul3A_79, %mul3A_75 : vector<16xf32>
      %sub3A_81 = arith.constant 1.500000e+00 : f32
      %sub3A_82 = vector.broadcast %sub3A_81 : f32 to vector<16xf32>
      %sub3A_83 = arith.subf %sub3A_82, %mul3A_80 : vector<16xf32>
      %mul3A_84 = arith.mulf %mul3A_75, %sub3A_83 : vector<16xf32>
      %mul3A_85 = arith.mulf %mul3A_84, %mul3A_84 : vector<16xf32>
      %get3A_86 = arith.index_cast %mul3A_42 : i32 to index
      %get3A_87 = tpu.vector_load %arg15[%get3A_86] {strides = array<i32>} : memref<1024xf32, #tpu.memory_space<vmem>>, vector<16xf32>,
      %mul3A_88 = arith.mulf %get3A_87, %mul3A_85 : vector<16xf32>
      %get3A_89 = arith.constant 3 : i32
      %get3A_90 = arith.index_cast %get3A_89 : i32 to index
      %get3A_91 = arith.constant 0 : index
      %get3A_92 = tpu.vector_load %arg24[%get3A_90, %get3A_91] {strides = array<i32>} : memref<8x16xf32, #tpu.memory_space<vmem>>, vector<16xf32>,
      %add3A_93 = arith.addf %mul3A_88, %get3A_92 : vector<16xf32>
      %get3A_94 = arith.index_cast %mul3A_42 : i32 to index
      %get3A_95 = tpu.vector_load %arg16[%get3A_94] {strides = array<i32>} : memref<1024xf32, #tpu.memory_space<vmem>>, vector<16xf32>,
      %mul3A_96 = arith.mulf %get3A_95, %mul3A_85 : vector<16xf32>
      %get3A_97 = arith.constant 4 : i32
      %get3A_98 = arith.index_cast %get3A_97 : i32 to index
      %get3A_99 = arith.constant 0 : index
      %get3A_100 = tpu.vector_load %arg24[%get3A_98, %get3A_99] {strides = array<i32>} : memref<8x16xf32, #tpu.memory_space<vmem>>, vector<16xf32>,
      %add3A_101 = arith.addf %mul3A_96, %get3A_100 : vector<16xf32>
      %shift_right_arithmetic3A_102 = arith.constant 7 : i32
      %shift_right_arithmetic3A_103 = vector.broadcast %shift_right_arithmetic3A_102 : i32 to vector<16xi32>
      %shift_right_arithmetic3A_104 = arith.shrsi %add3A_47, %shift_right_arithmetic3A_103 : vector<16xi32>
      %and3A = arith.constant 127 : i32
      %and3A_105 = vector.broadcast %and3A : i32 to vector<16xi32>
      %and3A_106 = arith.andi %add3A_47, %and3A_105 : vector<16xi32>
      %get3A_107 = arith.constant 0 : i32
      %get3A_108 = arith.index_cast %get3A_107 : i32 to index
      %get3A_109 = arith.constant 0 : index
      %get3A_110 = tpu.vector_load %arg24[%get3A_108, %get3A_109] {strides = array<i32>} : memref<8x16xf32, #tpu.memory_space<vmem>>, vector<16xf32>,
      %convert_element_type3A = arith.sitofp %shift_right_arithmetic3A_104 : vector<16xi32> to vector<16xf32>
      %mul3A_111 = arith.constant 7.812500e-03 : f32
      %mul3A_112 = vector.broadcast %mul3A_111 : f32 to vector<16xf32>
      %mul3A_113 = arith.mulf %mul3A_112, %convert_element_type3A : vector<16xf32>
      %sub3A_114 = arith.subf %get3A_110, %mul3A_113 : vector<16xf32>
      %get3A_115 = arith.constant 1 : i32
      %get3A_116 = arith.index_cast %get3A_115 : i32 to index
      %get3A_117 = arith.constant 0 : index
      %get3A_118 = tpu.vector_load %arg24[%get3A_116, %get3A_117] {strides = array<i32>} : memref<8x16xf32, #tpu.memory_space<vmem>>, vector<16xf32>,
      %convert_element_type3A_119 = arith.sitofp %and3A_106 : vector<16xi32> to vector<16xf32>
      %mul3A_120 = arith.constant 7.812500e-03 : f32
      %mul3A_121 = vector.broadcast %mul3A_120 : f32 to vector<16xf32>
      %mul3A_122 = arith.mulf %mul3A_121, %convert_element_type3A_119 : vector<16xf32>
      %sub3A_123 = arith.subf %get3A_118, %mul3A_122 : vector<16xf32>
      %mul3A_124 = arith.mulf %sub3A_114, %sub3A_114 : vector<16xf32>
      %mul3A_125 = arith.mulf %sub3A_123, %sub3A_123 : vector<16xf32>
      %add3A_126 = arith.addf %mul3A_124, %mul3A_125 : vector<16xf32>
      %max3A_127 = arith.constant 1.000000e-30 : f32
      %max3A_128 = vector.broadcast %max3A_127 : f32 to vector<16xf32>
      %max3A_129 = arith.maximumf %add3A_126, %max3A_128 : vector<16xf32>
      %bitcast_convert_type3A_130 = tpu.bitcast %max3A_129 : vector<16xf32> -> vector<16xi32>
      %shift_right_arithmetic3A_131 = arith.constant 1 : i32
      %shift_right_arithmetic3A_132 = vector.broadcast %shift_right_arithmetic3A_131 : i32 to vector<16xi32>
      %shift_right_arithmetic3A_133 = arith.shrsi %bitcast_convert_type3A_130, %shift_right_arithmetic3A_132 : vector<16xi32>
      %sub3A_134 = arith.constant 1597463007 : i32
      %sub3A_135 = vector.broadcast %sub3A_134 : i32 to vector<16xi32>
      %sub3A_136 = arith.subi %sub3A_135, %shift_right_arithmetic3A_133 : vector<16xi32>
      %bitcast_convert_type3A_137 = tpu.bitcast %sub3A_136 : vector<16xi32> -> vector<16xf32>
      %mul3A_138 = arith.constant 5.000000e-01 : f32
      %mul3A_139 = vector.broadcast %mul3A_138 : f32 to vector<16xf32>
      %mul3A_140 = arith.mulf %mul3A_139, %max3A_129 : vector<16xf32>
      %mul3A_141 = arith.mulf %mul3A_140, %bitcast_convert_type3A_137 : vector<16xf32>
      %mul3A_142 = arith.mulf %mul3A_141, %bitcast_convert_type3A_137 : vector<16xf32>
      %sub3A_143 = arith.constant 1.500000e+00 : f32
      %sub3A_144 = vector.broadcast %sub3A_143 : f32 to vector<16xf32>
      %sub3A_145 = arith.subf %sub3A_144, %mul3A_142 : vector<16xf32>
      %mul3A_146 = arith.mulf %bitcast_convert_type3A_137, %sub3A_145 : vector<16xf32>
      %mul3A_147 = arith.constant 5.000000e-01 : f32
      %mul3A_148 = vector.broadcast %mul3A_147 : f32 to vector<16xf32>
      %mul3A_149 = arith.mulf %mul3A_148, %max3A_129 : vector<16xf32>
      %mul3A_150 = arith.mulf %mul3A_149, %mul3A_146 : vector<16xf32>
      %mul3A_151 = arith.mulf %mul3A_150, %mul3A_146 : vector<16xf32>
      %sub3A_152 = arith.constant 1.500000e+00 : f32
      %sub3A_153 = vector.broadcast %sub3A_152 : f32 to vector<16xf32>
      %sub3A_154 = arith.subf %sub3A_153, %mul3A_151 : vector<16xf32>
      %mul3A_155 = arith.mulf %mul3A_146, %sub3A_154 : vector<16xf32>
      %mul3A_156 = arith.constant 5.000000e-01 : f32
      %mul3A_157 = vector.broadcast %mul3A_156 : f32 to vector<16xf32>
      %mul3A_158 = arith.mulf %mul3A_157, %max3A_129 : vector<16xf32>
      %mul3A_159 = arith.mulf %mul3A_158, %mul3A_155 : vector<16xf32>
      %mul3A_160 = arith.mulf %mul3A_159, %mul3A_155 : vector<16xf32>
      %sub3A_161 = arith.constant 1.500000e+00 : f32
      %sub3A_162 = vector.broadcast %sub3A_161 : f32 to vector<16xf32>
      %sub3A_163 = arith.subf %sub3A_162, %mul3A_160 : vector<16xf32>
      %mul3A_164 = arith.mulf %mul3A_155, %sub3A_163 : vector<16xf32>
      %mul3A_165 = arith.mulf %add3A_126, %mul3A_164 : vector<16xf32>
      %get3A_166 = arith.constant 2 : i32
      %get3A_167 = arith.index_cast %get3A_166 : i32 to index
      %get3A_168 = arith.constant 0 : index
      %get3A_169 = tpu.vector_load %arg24[%get3A_167, %get3A_168] {strides = array<i32>} : memref<8x16xf32, #tpu.memory_space<vmem>>, vector<16xf32>,
      %add3A_170 = arith.constant 0.00999999977 : f32
      %add3A_171 = vector.broadcast %add3A_170 : f32 to vector<16xf32>
      %add3A_172 = arith.addf %mul3A_165, %add3A_171 : vector<16xf32>
      %bitcast_convert_type3A_173 = tpu.bitcast %add3A_172 : vector<16xf32> -> vector<16xi32>
      %shift_right_arithmetic3A_174 = arith.constant 1 : i32
      %shift_right_arithmetic3A_175 = vector.broadcast %shift_right_arithmetic3A_174 : i32 to vector<16xi32>
      %shift_right_arithmetic3A_176 = arith.shrsi %bitcast_convert_type3A_173, %shift_right_arithmetic3A_175 : vector<16xi32>
      %sub3A_177 = arith.constant 1597463007 : i32
      %sub3A_178 = vector.broadcast %sub3A_177 : i32 to vector<16xi32>
      %sub3A_179 = arith.subi %sub3A_178, %shift_right_arithmetic3A_176 : vector<16xi32>
      %bitcast_convert_type3A_180 = tpu.bitcast %sub3A_179 : vector<16xi32> -> vector<16xf32>
      %mul3A_181 = arith.constant 5.000000e-01 : f32
      %mul3A_182 = vector.broadcast %mul3A_181 : f32 to vector<16xf32>
      %mul3A_183 = arith.mulf %mul3A_182, %add3A_172 : vector<16xf32>
      %mul3A_184 = arith.mulf %mul3A_183, %bitcast_convert_type3A_180 : vector<16xf32>
      %mul3A_185 = arith.mulf %mul3A_184, %bitcast_convert_type3A_180 : vector<16xf32>
      %sub3A_186 = arith.constant 1.500000e+00 : f32
      %sub3A_187 = vector.broadcast %sub3A_186 : f32 to vector<16xf32>
      %sub3A_188 = arith.subf %sub3A_187, %mul3A_185 : vector<16xf32>
      %mul3A_189 = arith.mulf %bitcast_convert_type3A_180, %sub3A_188 : vector<16xf32>
      %mul3A_190 = arith.constant 5.000000e-01 : f32
      %mul3A_191 = vector.broadcast %mul3A_190 : f32 to vector<16xf32>
      %mul3A_192 = arith.mulf %mul3A_191, %add3A_172 : vector<16xf32>
      %mul3A_193 = arith.mulf %mul3A_192, %mul3A_189 : vector<16xf32>
      %mul3A_194 = arith.mulf %mul3A_193, %mul3A_189 : vector<16xf32>
      %sub3A_195 = arith.constant 1.500000e+00 : f32
      %sub3A_196 = vector.broadcast %sub3A_195 : f32 to vector<16xf32>
      %sub3A_197 = arith.subf %sub3A_196, %mul3A_194 : vector<16xf32>
      %mul3A_198 = arith.mulf %mul3A_189, %sub3A_197 : vector<16xf32>
      %mul3A_199 = arith.constant 5.000000e-01 : f32
      %mul3A_200 = vector.broadcast %mul3A_199 : f32 to vector<16xf32>
      %mul3A_201 = arith.mulf %mul3A_200, %add3A_172 : vector<16xf32>
      %mul3A_202 = arith.mulf %mul3A_201, %mul3A_198 : vector<16xf32>
      %mul3A_203 = arith.mulf %mul3A_202, %mul3A_198 : vector<16xf32>
      %sub3A_204 = arith.constant 1.500000e+00 : f32
      %sub3A_205 = vector.broadcast %sub3A_204 : f32 to vector<16xf32>
      %sub3A_206 = arith.subf %sub3A_205, %mul3A_203 : vector<16xf32>
      %mul3A_207 = arith.mulf %mul3A_198, %sub3A_206 : vector<16xf32>
      %mul3A_208 = arith.mulf %mul3A_207, %mul3A_207 : vector<16xf32>
      %mul3A_209 = arith.mulf %get3A_169, %mul3A_208 : vector<16xf32>
      %mul3A_210 = arith.mulf %sub3A_114, %mul3A_209 : vector<16xf32>
      %add3A_211 = arith.addf %add3A_93, %mul3A_210 : vector<16xf32>
      %mul3A_212 = arith.mulf %sub3A_123, %mul3A_209 : vector<16xf32>
      %add3A_213 = arith.addf %add3A_101, %mul3A_212 : vector<16xf32>
      %lt3A = arith.constant 3 : i32
      %lt3A_214 = vector.broadcast %lt3A : i32 to vector<16xi32>
      %lt3A_215 = arith.cmpi slt, %shift_right_arithmetic3A_104, %lt3A_214 : vector<16xi32>
      %lt3A_216 = arith.constant 0.000000e+00 : f32
      %lt3A_217 = vector.broadcast %lt3A_216 : f32 to vector<16xf32>
      %lt3A_218 = arith.cmpf olt, %add3A_211, %lt3A_217 : vector<16xf32>
      %and3A_219 = arith.andi %lt3A_215, %lt3A_218 : vector<16xi1>
      %jit3A = arith.constant 0.000000e+00 : f32
      %broadcast_in_dim3A = vector.broadcast %jit3A : f32 to vector<16xf32>
      %select_n3A = arith.select %and3A_219, %broadcast_in_dim3A, %add3A_211 : vector<16xi1>, vector<16xf32>
      %gt3A_220 = arith.constant 125 : i32
      %gt3A_221 = vector.broadcast %gt3A_220 : i32 to vector<16xi32>
      %gt3A_222 = arith.cmpi sgt, %shift_right_arithmetic3A_104, %gt3A_221 : vector<16xi32>
      %gt3A_223 = arith.constant 0.000000e+00 : f32
      %gt3A_224 = vector.broadcast %gt3A_223 : f32 to vector<16xf32>
      %gt3A_225 = arith.cmpf ogt, %select_n3A, %gt3A_224 : vector<16xf32>
      %and3A_226 = arith.andi %gt3A_222, %gt3A_225 : vector<16xi1>
      %jit3A_227 = arith.constant 0.000000e+00 : f32
      %broadcast_in_dim3A_228 = vector.broadcast %jit3A_227 : f32 to vector<16xf32>
      %select_n3A_229 = arith.select %and3A_226, %broadcast_in_dim3A_228, %select_n3A : vector<16xi1>, vector<16xf32>
      %lt3A_230 = arith.constant 3 : i32
      %lt3A_231 = vector.broadcast %lt3A_230 : i32 to vector<16xi32>
      %lt3A_232 = arith.cmpi slt, %and3A_106, %lt3A_231 : vector<16xi32>
      %lt3A_233 = arith.constant 0.000000e+00 : f32
      %lt3A_234 = vector.broadcast %lt3A_233 : f32 to vector<16xf32>
      %lt3A_235 = arith.cmpf olt, %add3A_213, %lt3A_234 : vector<16xf32>
      %and3A_236 = arith.andi %lt3A_232, %lt3A_235 : vector<16xi1>
      %jit3A_237 = arith.constant 0.000000e+00 : f32
      %broadcast_in_dim3A_238 = vector.broadcast %jit3A_237 : f32 to vector<16xf32>
      %select_n3A_239 = arith.select %and3A_236, %broadcast_in_dim3A_238, %add3A_213 : vector<16xi1>, vector<16xf32>
      %gt3A_240 = arith.constant 125 : i32
      %gt3A_241 = vector.broadcast %gt3A_240 : i32 to vector<16xi32>
      %gt3A_242 = arith.cmpi sgt, %and3A_106, %gt3A_241 : vector<16xi32>
      %gt3A_243 = arith.constant 0.000000e+00 : f32
      %gt3A_244 = vector.broadcast %gt3A_243 : f32 to vector<16xf32>
      %gt3A_245 = arith.cmpf ogt, %select_n3A_239, %gt3A_244 : vector<16xf32>
      %and3A_246 = arith.andi %gt3A_242, %gt3A_245 : vector<16xi1>
      %jit3A_247 = arith.constant 0.000000e+00 : f32
      %broadcast_in_dim3A_248 = vector.broadcast %jit3A_247 : f32 to vector<16xf32>
      %select_n3A_249 = arith.select %and3A_246, %broadcast_in_dim3A_248, %select_n3A_239 : vector<16xi1>, vector<16xf32>
      %jit3A_250 = arith.constant 0.000000e+00 : f32
      %broadcast_in_dim3A_251 = vector.broadcast %jit3A_250 : f32 to vector<16xf32>
      %select_n3A_252 = arith.select %gt3A_50, %select_n3A_229, %broadcast_in_dim3A_251 : vector<16xi1>, vector<16xf32>
      %swap3A = arith.index_cast %mul3A_42 : i32 to index
      %swap3A_253 = tpu.vector_load %arg15[%swap3A] {strides = array<i32>} : memref<1024xf32, #tpu.memory_space<vmem>>, vector<16xf32>,
      tpu.vector_store %arg15[%swap3A], %select_n3A_252 {strides = array<i32>} : memref<1024xf32, #tpu.memory_space<vmem>>, vector<16xf32>,
      %jit3A_254 = arith.constant 0.000000e+00 : f32
      %broadcast_in_dim3A_255 = vector.broadcast %jit3A_254 : f32 to vector<16xf32>
      %select_n3A_256 = arith.select %gt3A_50, %select_n3A_249, %broadcast_in_dim3A_255 : vector<16xi1>, vector<16xf32>
      %swap3A_257 = arith.index_cast %mul3A_42 : i32 to index
      %swap3A_258 = tpu.vector_load %arg16[%swap3A_257] {strides = array<i32>} : memref<1024xf32, #tpu.memory_space<vmem>>, vector<16xf32>,
      tpu.vector_store %arg16[%swap3A_257], %select_n3A_256 {strides = array<i32>} : memref<1024xf32, #tpu.memory_space<vmem>>, vector<16xf32>,
    }
    %scan3A_33 = arith.constant 64 : i32
    "tpu.region"() ({
      %run_scoped3A = tpu.sem_alloc : memref<!tpu.dma_semaphore, #tpu.memory_space<semaphore_mem>>
      %dma_start3A = tpu.memref_slice %arg18[%mul3A_4] : memref<16384xf32, #tpu.memory_space<vmem_shared>> -> memref<1024xf32, #tpu.memory_space<vmem_shared>>
      %dma_start3A_40 = tpu.memref_slice %arg18[%mul3A_4] : memref<16384xf32, #tpu.memory_space<vmem_shared>> -> memref<1024xf32, #tpu.memory_space<vmem_shared>>
      tpu.enqueue_dma source(%arg15 : memref<1024xf32, #tpu.memory_space<vmem>>) target(%dma_start3A_40 : memref<1024xf32, #tpu.memory_space<vmem_shared>>) target_semaphore(%run_scoped3A : memref<!tpu.dma_semaphore, #tpu.memory_space<semaphore_mem>>)
      %dma_wait3A = tpu.memref_slice %arg18[%mul3A_4] : memref<16384xf32, #tpu.memory_space<vmem_shared>> -> memref<1024xf32, #tpu.memory_space<vmem_shared>>
      %dma_wait3A_41 = tpu.memref_slice %arg18[%mul3A_4] : memref<16384xf32, #tpu.memory_space<vmem_shared>> -> memref<1024xf32, #tpu.memory_space<vmem_shared>>
      tpu.wait_dma2 semaphore(%run_scoped3A : memref<!tpu.dma_semaphore, #tpu.memory_space<semaphore_mem>>) src(%arg15 : memref<1024xf32, #tpu.memory_space<vmem>>) dst(%dma_wait3A_41 : memref<1024xf32, #tpu.memory_space<vmem_shared>>)
      tpu.yield
    }) : () -> ()
    "tpu.region"() ({
      %run_scoped3A = tpu.sem_alloc : memref<!tpu.dma_semaphore, #tpu.memory_space<semaphore_mem>>
      %dma_start3A = tpu.memref_slice %arg19[%mul3A_4] : memref<16384xf32, #tpu.memory_space<vmem_shared>> -> memref<1024xf32, #tpu.memory_space<vmem_shared>>
      %dma_start3A_40 = tpu.memref_slice %arg19[%mul3A_4] : memref<16384xf32, #tpu.memory_space<vmem_shared>> -> memref<1024xf32, #tpu.memory_space<vmem_shared>>
      tpu.enqueue_dma source(%arg16 : memref<1024xf32, #tpu.memory_space<vmem>>) target(%dma_start3A_40 : memref<1024xf32, #tpu.memory_space<vmem_shared>>) target_semaphore(%run_scoped3A : memref<!tpu.dma_semaphore, #tpu.memory_space<semaphore_mem>>)
      %dma_wait3A = tpu.memref_slice %arg19[%mul3A_4] : memref<16384xf32, #tpu.memory_space<vmem_shared>> -> memref<1024xf32, #tpu.memory_space<vmem_shared>>
      %dma_wait3A_41 = tpu.memref_slice %arg19[%mul3A_4] : memref<16384xf32, #tpu.memory_space<vmem_shared>> -> memref<1024xf32, #tpu.memory_space<vmem_shared>>
      tpu.wait_dma2 semaphore(%run_scoped3A : memref<!tpu.dma_semaphore, #tpu.memory_space<semaphore_mem>>) src(%arg16 : memref<1024xf32, #tpu.memory_space<vmem>>) dst(%dma_wait3A_41 : memref<1024xf32, #tpu.memory_space<vmem_shared>>)
      tpu.yield
    }) : () -> ()
    %barrier3A = arith.constant 0 : index
    tpu.barrier barrier_id(%barrier3A)
    "tpu.region"() ({
      %run_scoped3A = tpu.sem_alloc : memref<!tpu.dma_semaphore, #tpu.memory_space<semaphore_mem>>
      tpu.enqueue_dma source(%arg18 : memref<16384xf32, #tpu.memory_space<vmem_shared>>) target(%arg20 : memref<16384xf32, #tpu.memory_space<vmem>>) target_semaphore(%run_scoped3A : memref<!tpu.dma_semaphore, #tpu.memory_space<semaphore_mem>>)
      tpu.wait_dma2 semaphore(%run_scoped3A : memref<!tpu.dma_semaphore, #tpu.memory_space<semaphore_mem>>) src(%arg18 : memref<16384xf32, #tpu.memory_space<vmem_shared>>) dst(%arg20 : memref<16384xf32, #tpu.memory_space<vmem>>)
      tpu.yield
    }) : () -> ()
    "tpu.region"() ({
      %run_scoped3A = tpu.sem_alloc : memref<!tpu.dma_semaphore, #tpu.memory_space<semaphore_mem>>
      tpu.enqueue_dma source(%arg19 : memref<16384xf32, #tpu.memory_space<vmem_shared>>) target(%arg21 : memref<16384xf32, #tpu.memory_space<vmem>>) target_semaphore(%run_scoped3A : memref<!tpu.dma_semaphore, #tpu.memory_space<semaphore_mem>>)
      tpu.wait_dma2 semaphore(%run_scoped3A : memref<!tpu.dma_semaphore, #tpu.memory_space<semaphore_mem>>) src(%arg19 : memref<16384xf32, #tpu.memory_space<vmem_shared>>) dst(%arg21 : memref<16384xf32, #tpu.memory_space<vmem>>)
      tpu.yield
    }) : () -> ()
    %scan3A_34 = arith.constant 0 : i32
    %scan3A_35 = arith.constant 0 : i32
    %scan3A_36 = arith.constant 36 : i32
    %scan3A_37 = arith.addi %scan3A_35, %scan3A_36 : i32
    %scan3A_38 = arith.constant 1 : i32
    scf.for %scan3A_40 = %scan3A_35 to %scan3A_37 step %scan3A_38  : i32 {
      %mul3A_41 = arith.constant 16 : i32
      %mul3A_42 = arith.muli %scan3A_40, %mul3A_41 : i32
      %get3A = arith.index_cast %mul3A_42 : i32 to index
      %get3A_43 = tpu.vector_load %arg22[%get3A] {strides = array<i32>} : memref<576xf32, #tpu.memory_space<vmem>>, vector<16xf32>,
      %get3A_44 = arith.index_cast %mul3A_42 : i32 to index
      %get3A_45 = tpu.vector_load %arg23[%get3A_44] {strides = array<i32>} : memref<576xf32, #tpu.memory_space<vmem>>, vector<16xf32>,
      %mul3A_46 = arith.constant 1.280000e+02 : f32
      %mul3A_47 = vector.broadcast %mul3A_46 : f32 to vector<16xf32>
      %mul3A_48 = arith.mulf %get3A_43, %mul3A_47 : vector<16xf32>
      %sub3A = arith.constant 5.000000e-01 : f32
      %sub3A_49 = vector.broadcast %sub3A : f32 to vector<16xf32>
      %sub3A_50 = arith.subf %mul3A_48, %sub3A_49 : vector<16xf32>
      %convert_element_type3A = arith.fptosi %sub3A_50 : vector<16xf32> to vector<16xi32>
      %mul3A_51 = arith.constant 1.280000e+02 : f32
      %mul3A_52 = vector.broadcast %mul3A_51 : f32 to vector<16xf32>
      %mul3A_53 = arith.mulf %get3A_45, %mul3A_52 : vector<16xf32>
      %sub3A_54 = arith.constant 5.000000e-01 : f32
      %sub3A_55 = vector.broadcast %sub3A_54 : f32 to vector<16xf32>
      %sub3A_56 = arith.subf %mul3A_53, %sub3A_55 : vector<16xf32>
      %convert_element_type3A_57 = arith.fptosi %sub3A_56 : vector<16xf32> to vector<16xi32>
      %mul3A_58 = arith.constant 1.280000e+02 : f32
      %mul3A_59 = vector.broadcast %mul3A_58 : f32 to vector<16xf32>
      %mul3A_60 = arith.mulf %get3A_43, %mul3A_59 : vector<16xf32>
      %convert_element_type3A_61 = arith.sitofp %convert_element_type3A : vector<16xi32> to vector<16xf32>
      %sub3A_62 = arith.subf %mul3A_60, %convert_element_type3A_61 : vector<16xf32>
      %mul3A_63 = arith.constant 1.280000e+02 : f32
      %mul3A_64 = vector.broadcast %mul3A_63 : f32 to vector<16xf32>
      %mul3A_65 = arith.mulf %get3A_45, %mul3A_64 : vector<16xf32>
      %convert_element_type3A_66 = arith.sitofp %convert_element_type3A_57 : vector<16xi32> to vector<16xf32>
      %sub3A_67 = arith.subf %mul3A_65, %convert_element_type3A_66 : vector<16xf32>
      %sub3A_68 = arith.constant 1.500000e+00 : f32
      %sub3A_69 = vector.broadcast %sub3A_68 : f32 to vector<16xf32>
      %sub3A_70 = arith.subf %sub3A_69, %sub3A_62 : vector<16xf32>
      %sub3A_71 = arith.constant 1.000000e+00 : f32
      %sub3A_72 = vector.broadcast %sub3A_71 : f32 to vector<16xf32>
      %sub3A_73 = arith.subf %sub3A_62, %sub3A_72 : vector<16xf32>
      %sub3A_74 = arith.constant 5.000000e-01 : f32
      %sub3A_75 = vector.broadcast %sub3A_74 : f32 to vector<16xf32>
      %sub3A_76 = arith.subf %sub3A_62, %sub3A_75 : vector<16xf32>
      %mul3A_77 = arith.constant 5.000000e-01 : f32
      %mul3A_78 = vector.broadcast %mul3A_77 : f32 to vector<16xf32>
      %mul3A_79 = arith.mulf %mul3A_78, %sub3A_70 : vector<16xf32>
      %mul3A_80 = arith.mulf %mul3A_79, %sub3A_70 : vector<16xf32>
      %mul3A_81 = arith.mulf %sub3A_73, %sub3A_73 : vector<16xf32>
      %sub3A_82 = arith.constant 7.500000e-01 : f32
      %sub3A_83 = vector.broadcast %sub3A_82 : f32 to vector<16xf32>
      %sub3A_84 = arith.subf %sub3A_83, %mul3A_81 : vector<16xf32>
      %mul3A_85 = arith.constant 5.000000e-01 : f32
      %mul3A_86 = vector.broadcast %mul3A_85 : f32 to vector<16xf32>
      %mul3A_87 = arith.mulf %mul3A_86, %sub3A_76 : vector<16xf32>
      %mul3A_88 = arith.mulf %mul3A_87, %sub3A_76 : vector<16xf32>
      %sub3A_89 = arith.constant 1.500000e+00 : f32
      %sub3A_90 = vector.broadcast %sub3A_89 : f32 to vector<16xf32>
      %sub3A_91 = arith.subf %sub3A_90, %sub3A_67 : vector<16xf32>
      %sub3A_92 = arith.constant 1.000000e+00 : f32
      %sub3A_93 = vector.broadcast %sub3A_92 : f32 to vector<16xf32>
      %sub3A_94 = arith.subf %sub3A_67, %sub3A_93 : vector<16xf32>
      %sub3A_95 = arith.constant 5.000000e-01 : f32
      %sub3A_96 = vector.broadcast %sub3A_95 : f32 to vector<16xf32>
      %sub3A_97 = arith.subf %sub3A_67, %sub3A_96 : vector<16xf32>
      %mul3A_98 = arith.constant 5.000000e-01 : f32
      %mul3A_99 = vector.broadcast %mul3A_98 : f32 to vector<16xf32>
      %mul3A_100 = arith.mulf %mul3A_99, %sub3A_91 : vector<16xf32>
      %mul3A_101 = arith.mulf %mul3A_100, %sub3A_91 : vector<16xf32>
      %mul3A_102 = arith.mulf %sub3A_94, %sub3A_94 : vector<16xf32>
      %sub3A_103 = arith.constant 7.500000e-01 : f32
      %sub3A_104 = vector.broadcast %sub3A_103 : f32 to vector<16xf32>
      %sub3A_105 = arith.subf %sub3A_104, %mul3A_102 : vector<16xf32>
      %mul3A_106 = arith.constant 5.000000e-01 : f32
      %mul3A_107 = vector.broadcast %mul3A_106 : f32 to vector<16xf32>
      %mul3A_108 = arith.mulf %mul3A_107, %sub3A_97 : vector<16xf32>
      %mul3A_109 = arith.mulf %mul3A_108, %sub3A_97 : vector<16xf32>
      %broadcast_in_dim3A = arith.constant 0.000000e+00 : f32
      %broadcast_in_dim3A_110 = vector.broadcast %broadcast_in_dim3A : f32 to vector<16xf32>
      %sub3A_111 = arith.constant 0.000000e+00 : f32
      %sub3A_112 = vector.broadcast %sub3A_111 : f32 to vector<16xf32>
      %sub3A_113 = arith.subf %sub3A_112, %sub3A_62 : vector<16xf32>
      %add3A_114 = arith.constant 0 : i32
      %add3A_115 = vector.broadcast %add3A_114 : i32 to vector<16xi32>
      %add3A_116 = arith.addi %convert_element_type3A, %add3A_115 : vector<16xi32>
      %mul3A_117 = arith.constant 128 : i32
      %mul3A_118 = vector.broadcast %mul3A_117 : i32 to vector<16xi32>
      %mul3A_119 = arith.muli %add3A_116, %mul3A_118 : vector<16xi32>
      %sub3A_120 = arith.constant 0.000000e+00 : f32
      %sub3A_121 = vector.broadcast %sub3A_120 : f32 to vector<16xf32>
      %sub3A_122 = arith.subf %sub3A_121, %sub3A_67 : vector<16xf32>
      %add3A_123 = arith.addi %mul3A_119, %convert_element_type3A_57 : vector<16xi32>
      %add3A_124 = arith.constant 0 : i32
      %add3A_125 = vector.broadcast %add3A_124 : i32 to vector<16xi32>
      %add3A_126 = arith.addi %add3A_123, %add3A_125 : vector<16xi32>
      %gather3A = tpu.vector_load_idx %arg20[%add3A_126] : memref<16384xf32, #tpu.memory_space<vmem>>[vector<16xi32>], vector<16xf32>,
      %gather3A_127 = tpu.vector_load_idx %arg21[%add3A_126] : memref<16384xf32, #tpu.memory_space<vmem>>[vector<16xi32>], vector<16xf32>,
      %mul3A_128 = arith.mulf %mul3A_80, %mul3A_101 : vector<16xf32>
      %mul3A_129 = arith.constant 5.120000e+02 : f32
      %mul3A_130 = vector.broadcast %mul3A_129 : f32 to vector<16xf32>
      %mul3A_131 = arith.mulf %mul3A_130, %mul3A_128 : vector<16xf32>
      %mul3A_132 = arith.mulf %mul3A_128, %gather3A : vector<16xf32>
      %add3A_133 = arith.addf %broadcast_in_dim3A_110, %mul3A_132 : vector<16xf32>
      %mul3A_134 = arith.mulf %mul3A_128, %gather3A_127 : vector<16xf32>
      %add3A_135 = arith.addf %broadcast_in_dim3A_110, %mul3A_134 : vector<16xf32>
      %mul3A_136 = arith.mulf %mul3A_131, %gather3A : vector<16xf32>
      %mul3A_137 = arith.mulf %mul3A_136, %sub3A_113 : vector<16xf32>
      %add3A_138 = arith.addf %broadcast_in_dim3A_110, %mul3A_137 : vector<16xf32>
      %mul3A_139 = arith.mulf %mul3A_131, %gather3A : vector<16xf32>
      %mul3A_140 = arith.mulf %mul3A_139, %sub3A_122 : vector<16xf32>
      %add3A_141 = arith.addf %broadcast_in_dim3A_110, %mul3A_140 : vector<16xf32>
      %mul3A_142 = arith.mulf %mul3A_131, %gather3A_127 : vector<16xf32>
      %mul3A_143 = arith.mulf %mul3A_142, %sub3A_113 : vector<16xf32>
      %add3A_144 = arith.addf %broadcast_in_dim3A_110, %mul3A_143 : vector<16xf32>
      %mul3A_145 = arith.mulf %mul3A_131, %gather3A_127 : vector<16xf32>
      %mul3A_146 = arith.mulf %mul3A_145, %sub3A_122 : vector<16xf32>
      %add3A_147 = arith.addf %broadcast_in_dim3A_110, %mul3A_146 : vector<16xf32>
      %sub3A_148 = arith.constant 1.000000e+00 : f32
      %sub3A_149 = vector.broadcast %sub3A_148 : f32 to vector<16xf32>
      %sub3A_150 = arith.subf %sub3A_149, %sub3A_67 : vector<16xf32>
      %add3A_151 = arith.addi %mul3A_119, %convert_element_type3A_57 : vector<16xi32>
      %add3A_152 = arith.constant 1 : i32
      %add3A_153 = vector.broadcast %add3A_152 : i32 to vector<16xi32>
      %add3A_154 = arith.addi %add3A_151, %add3A_153 : vector<16xi32>
      %gather3A_155 = tpu.vector_load_idx %arg20[%add3A_154] : memref<16384xf32, #tpu.memory_space<vmem>>[vector<16xi32>], vector<16xf32>,
      %gather3A_156 = tpu.vector_load_idx %arg21[%add3A_154] : memref<16384xf32, #tpu.memory_space<vmem>>[vector<16xi32>], vector<16xf32>,
      %mul3A_157 = arith.mulf %mul3A_80, %sub3A_105 : vector<16xf32>
      %mul3A_158 = arith.constant 5.120000e+02 : f32
      %mul3A_159 = vector.broadcast %mul3A_158 : f32 to vector<16xf32>
      %mul3A_160 = arith.mulf %mul3A_159, %mul3A_157 : vector<16xf32>
      %mul3A_161 = arith.mulf %mul3A_157, %gather3A_155 : vector<16xf32>
      %add3A_162 = arith.addf %add3A_133, %mul3A_161 : vector<16xf32>
      %mul3A_163 = arith.mulf %mul3A_157, %gather3A_156 : vector<16xf32>
      %add3A_164 = arith.addf %add3A_135, %mul3A_163 : vector<16xf32>
      %mul3A_165 = arith.mulf %mul3A_160, %gather3A_155 : vector<16xf32>
      %mul3A_166 = arith.mulf %mul3A_165, %sub3A_113 : vector<16xf32>
      %add3A_167 = arith.addf %add3A_138, %mul3A_166 : vector<16xf32>
      %mul3A_168 = arith.mulf %mul3A_160, %gather3A_155 : vector<16xf32>
      %mul3A_169 = arith.mulf %mul3A_168, %sub3A_150 : vector<16xf32>
      %add3A_170 = arith.addf %add3A_141, %mul3A_169 : vector<16xf32>
      %mul3A_171 = arith.mulf %mul3A_160, %gather3A_156 : vector<16xf32>
      %mul3A_172 = arith.mulf %mul3A_171, %sub3A_113 : vector<16xf32>
      %add3A_173 = arith.addf %add3A_144, %mul3A_172 : vector<16xf32>
      %mul3A_174 = arith.mulf %mul3A_160, %gather3A_156 : vector<16xf32>
      %mul3A_175 = arith.mulf %mul3A_174, %sub3A_150 : vector<16xf32>
      %add3A_176 = arith.addf %add3A_147, %mul3A_175 : vector<16xf32>
      %sub3A_177 = arith.constant 2.000000e+00 : f32
      %sub3A_178 = vector.broadcast %sub3A_177 : f32 to vector<16xf32>
      %sub3A_179 = arith.subf %sub3A_178, %sub3A_67 : vector<16xf32>
      %add3A_180 = arith.addi %mul3A_119, %convert_element_type3A_57 : vector<16xi32>
      %add3A_181 = arith.constant 2 : i32
      %add3A_182 = vector.broadcast %add3A_181 : i32 to vector<16xi32>
      %add3A_183 = arith.addi %add3A_180, %add3A_182 : vector<16xi32>
      %gather3A_184 = tpu.vector_load_idx %arg20[%add3A_183] : memref<16384xf32, #tpu.memory_space<vmem>>[vector<16xi32>], vector<16xf32>,
      %gather3A_185 = tpu.vector_load_idx %arg21[%add3A_183] : memref<16384xf32, #tpu.memory_space<vmem>>[vector<16xi32>], vector<16xf32>,
      %mul3A_186 = arith.mulf %mul3A_80, %mul3A_109 : vector<16xf32>
      %mul3A_187 = arith.constant 5.120000e+02 : f32
      %mul3A_188 = vector.broadcast %mul3A_187 : f32 to vector<16xf32>
      %mul3A_189 = arith.mulf %mul3A_188, %mul3A_186 : vector<16xf32>
      %mul3A_190 = arith.mulf %mul3A_186, %gather3A_184 : vector<16xf32>
      %add3A_191 = arith.addf %add3A_162, %mul3A_190 : vector<16xf32>
      %mul3A_192 = arith.mulf %mul3A_186, %gather3A_185 : vector<16xf32>
      %add3A_193 = arith.addf %add3A_164, %mul3A_192 : vector<16xf32>
      %mul3A_194 = arith.mulf %mul3A_189, %gather3A_184 : vector<16xf32>
      %mul3A_195 = arith.mulf %mul3A_194, %sub3A_113 : vector<16xf32>
      %add3A_196 = arith.addf %add3A_167, %mul3A_195 : vector<16xf32>
      %mul3A_197 = arith.mulf %mul3A_189, %gather3A_184 : vector<16xf32>
      %mul3A_198 = arith.mulf %mul3A_197, %sub3A_179 : vector<16xf32>
      %add3A_199 = arith.addf %add3A_170, %mul3A_198 : vector<16xf32>
      %mul3A_200 = arith.mulf %mul3A_189, %gather3A_185 : vector<16xf32>
      %mul3A_201 = arith.mulf %mul3A_200, %sub3A_113 : vector<16xf32>
      %add3A_202 = arith.addf %add3A_173, %mul3A_201 : vector<16xf32>
      %mul3A_203 = arith.mulf %mul3A_189, %gather3A_185 : vector<16xf32>
      %mul3A_204 = arith.mulf %mul3A_203, %sub3A_179 : vector<16xf32>
      %add3A_205 = arith.addf %add3A_176, %mul3A_204 : vector<16xf32>
      %sub3A_206 = arith.constant 1.000000e+00 : f32
      %sub3A_207 = vector.broadcast %sub3A_206 : f32 to vector<16xf32>
      %sub3A_208 = arith.subf %sub3A_207, %sub3A_62 : vector<16xf32>
      %add3A_209 = arith.constant 1 : i32
      %add3A_210 = vector.broadcast %add3A_209 : i32 to vector<16xi32>
      %add3A_211 = arith.addi %convert_element_type3A, %add3A_210 : vector<16xi32>
      %mul3A_212 = arith.constant 128 : i32
      %mul3A_213 = vector.broadcast %mul3A_212 : i32 to vector<16xi32>
      %mul3A_214 = arith.muli %add3A_211, %mul3A_213 : vector<16xi32>
      %sub3A_215 = arith.constant 0.000000e+00 : f32
      %sub3A_216 = vector.broadcast %sub3A_215 : f32 to vector<16xf32>
      %sub3A_217 = arith.subf %sub3A_216, %sub3A_67 : vector<16xf32>
      %add3A_218 = arith.addi %mul3A_214, %convert_element_type3A_57 : vector<16xi32>
      %add3A_219 = arith.constant 0 : i32
      %add3A_220 = vector.broadcast %add3A_219 : i32 to vector<16xi32>
      %add3A_221 = arith.addi %add3A_218, %add3A_220 : vector<16xi32>
      %gather3A_222 = tpu.vector_load_idx %arg20[%add3A_221] : memref<16384xf32, #tpu.memory_space<vmem>>[vector<16xi32>], vector<16xf32>,
      %gather3A_223 = tpu.vector_load_idx %arg21[%add3A_221] : memref<16384xf32, #tpu.memory_space<vmem>>[vector<16xi32>], vector<16xf32>,
      %mul3A_224 = arith.mulf %sub3A_84, %mul3A_101 : vector<16xf32>
      %mul3A_225 = arith.constant 5.120000e+02 : f32
      %mul3A_226 = vector.broadcast %mul3A_225 : f32 to vector<16xf32>
      %mul3A_227 = arith.mulf %mul3A_226, %mul3A_224 : vector<16xf32>
      %mul3A_228 = arith.mulf %mul3A_224, %gather3A_222 : vector<16xf32>
      %add3A_229 = arith.addf %add3A_191, %mul3A_228 : vector<16xf32>
      %mul3A_230 = arith.mulf %mul3A_224, %gather3A_223 : vector<16xf32>
      %add3A_231 = arith.addf %add3A_193, %mul3A_230 : vector<16xf32>
      %mul3A_232 = arith.mulf %mul3A_227, %gather3A_222 : vector<16xf32>
      %mul3A_233 = arith.mulf %mul3A_232, %sub3A_208 : vector<16xf32>
      %add3A_234 = arith.addf %add3A_196, %mul3A_233 : vector<16xf32>
      %mul3A_235 = arith.mulf %mul3A_227, %gather3A_222 : vector<16xf32>
      %mul3A_236 = arith.mulf %mul3A_235, %sub3A_217 : vector<16xf32>
      %add3A_237 = arith.addf %add3A_199, %mul3A_236 : vector<16xf32>
      %mul3A_238 = arith.mulf %mul3A_227, %gather3A_223 : vector<16xf32>
      %mul3A_239 = arith.mulf %mul3A_238, %sub3A_208 : vector<16xf32>
      %add3A_240 = arith.addf %add3A_202, %mul3A_239 : vector<16xf32>
      %mul3A_241 = arith.mulf %mul3A_227, %gather3A_223 : vector<16xf32>
      %mul3A_242 = arith.mulf %mul3A_241, %sub3A_217 : vector<16xf32>
      %add3A_243 = arith.addf %add3A_205, %mul3A_242 : vector<16xf32>
      %sub3A_244 = arith.constant 1.000000e+00 : f32
      %sub3A_245 = vector.broadcast %sub3A_244 : f32 to vector<16xf32>
      %sub3A_246 = arith.subf %sub3A_245, %sub3A_67 : vector<16xf32>
      %add3A_247 = arith.addi %mul3A_214, %convert_element_type3A_57 : vector<16xi32>
      %add3A_248 = arith.constant 1 : i32
      %add3A_249 = vector.broadcast %add3A_248 : i32 to vector<16xi32>
      %add3A_250 = arith.addi %add3A_247, %add3A_249 : vector<16xi32>
      %gather3A_251 = tpu.vector_load_idx %arg20[%add3A_250] : memref<16384xf32, #tpu.memory_space<vmem>>[vector<16xi32>], vector<16xf32>,
      %gather3A_252 = tpu.vector_load_idx %arg21[%add3A_250] : memref<16384xf32, #tpu.memory_space<vmem>>[vector<16xi32>], vector<16xf32>,
      %mul3A_253 = arith.mulf %sub3A_84, %sub3A_105 : vector<16xf32>
      %mul3A_254 = arith.constant 5.120000e+02 : f32
      %mul3A_255 = vector.broadcast %mul3A_254 : f32 to vector<16xf32>
      %mul3A_256 = arith.mulf %mul3A_255, %mul3A_253 : vector<16xf32>
      %mul3A_257 = arith.mulf %mul3A_253, %gather3A_251 : vector<16xf32>
      %add3A_258 = arith.addf %add3A_229, %mul3A_257 : vector<16xf32>
      %mul3A_259 = arith.mulf %mul3A_253, %gather3A_252 : vector<16xf32>
      %add3A_260 = arith.addf %add3A_231, %mul3A_259 : vector<16xf32>
      %mul3A_261 = arith.mulf %mul3A_256, %gather3A_251 : vector<16xf32>
      %mul3A_262 = arith.mulf %mul3A_261, %sub3A_208 : vector<16xf32>
      %add3A_263 = arith.addf %add3A_234, %mul3A_262 : vector<16xf32>
      %mul3A_264 = arith.mulf %mul3A_256, %gather3A_251 : vector<16xf32>
      %mul3A_265 = arith.mulf %mul3A_264, %sub3A_246 : vector<16xf32>
      %add3A_266 = arith.addf %add3A_237, %mul3A_265 : vector<16xf32>
      %mul3A_267 = arith.mulf %mul3A_256, %gather3A_252 : vector<16xf32>
      %mul3A_268 = arith.mulf %mul3A_267, %sub3A_208 : vector<16xf32>
      %add3A_269 = arith.addf %add3A_240, %mul3A_268 : vector<16xf32>
      %mul3A_270 = arith.mulf %mul3A_256, %gather3A_252 : vector<16xf32>
      %mul3A_271 = arith.mulf %mul3A_270, %sub3A_246 : vector<16xf32>
      %add3A_272 = arith.addf %add3A_243, %mul3A_271 : vector<16xf32>
      %sub3A_273 = arith.constant 2.000000e+00 : f32
      %sub3A_274 = vector.broadcast %sub3A_273 : f32 to vector<16xf32>
      %sub3A_275 = arith.subf %sub3A_274, %sub3A_67 : vector<16xf32>
      %add3A_276 = arith.addi %mul3A_214, %convert_element_type3A_57 : vector<16xi32>
      %add3A_277 = arith.constant 2 : i32
      %add3A_278 = vector.broadcast %add3A_277 : i32 to vector<16xi32>
      %add3A_279 = arith.addi %add3A_276, %add3A_278 : vector<16xi32>
      %gather3A_280 = tpu.vector_load_idx %arg20[%add3A_279] : memref<16384xf32, #tpu.memory_space<vmem>>[vector<16xi32>], vector<16xf32>,
      %gather3A_281 = tpu.vector_load_idx %arg21[%add3A_279] : memref<16384xf32, #tpu.memory_space<vmem>>[vector<16xi32>], vector<16xf32>,
      %mul3A_282 = arith.mulf %sub3A_84, %mul3A_109 : vector<16xf32>
      %mul3A_283 = arith.constant 5.120000e+02 : f32
      %mul3A_284 = vector.broadcast %mul3A_283 : f32 to vector<16xf32>
      %mul3A_285 = arith.mulf %mul3A_284, %mul3A_282 : vector<16xf32>
      %mul3A_286 = arith.mulf %mul3A_282, %gather3A_280 : vector<16xf32>
      %add3A_287 = arith.addf %add3A_258, %mul3A_286 : vector<16xf32>
      %mul3A_288 = arith.mulf %mul3A_282, %gather3A_281 : vector<16xf32>
      %add3A_289 = arith.addf %add3A_260, %mul3A_288 : vector<16xf32>
      %mul3A_290 = arith.mulf %mul3A_285, %gather3A_280 : vector<16xf32>
      %mul3A_291 = arith.mulf %mul3A_290, %sub3A_208 : vector<16xf32>
      %add3A_292 = arith.addf %add3A_263, %mul3A_291 : vector<16xf32>
      %mul3A_293 = arith.mulf %mul3A_285, %gather3A_280 : vector<16xf32>
      %mul3A_294 = arith.mulf %mul3A_293, %sub3A_275 : vector<16xf32>
      %add3A_295 = arith.addf %add3A_266, %mul3A_294 : vector<16xf32>
      %mul3A_296 = arith.mulf %mul3A_285, %gather3A_281 : vector<16xf32>
      %mul3A_297 = arith.mulf %mul3A_296, %sub3A_208 : vector<16xf32>
      %add3A_298 = arith.addf %add3A_269, %mul3A_297 : vector<16xf32>
      %mul3A_299 = arith.mulf %mul3A_285, %gather3A_281 : vector<16xf32>
      %mul3A_300 = arith.mulf %mul3A_299, %sub3A_275 : vector<16xf32>
      %add3A_301 = arith.addf %add3A_272, %mul3A_300 : vector<16xf32>
      %sub3A_302 = arith.constant 2.000000e+00 : f32
      %sub3A_303 = vector.broadcast %sub3A_302 : f32 to vector<16xf32>
      %sub3A_304 = arith.subf %sub3A_303, %sub3A_62 : vector<16xf32>
      %add3A_305 = arith.constant 2 : i32
      %add3A_306 = vector.broadcast %add3A_305 : i32 to vector<16xi32>
      %add3A_307 = arith.addi %convert_element_type3A, %add3A_306 : vector<16xi32>
      %mul3A_308 = arith.constant 128 : i32
      %mul3A_309 = vector.broadcast %mul3A_308 : i32 to vector<16xi32>
      %mul3A_310 = arith.muli %add3A_307, %mul3A_309 : vector<16xi32>
      %sub3A_311 = arith.constant 0.000000e+00 : f32
      %sub3A_312 = vector.broadcast %sub3A_311 : f32 to vector<16xf32>
      %sub3A_313 = arith.subf %sub3A_312, %sub3A_67 : vector<16xf32>
      %add3A_314 = arith.addi %mul3A_310, %convert_element_type3A_57 : vector<16xi32>
      %add3A_315 = arith.constant 0 : i32
      %add3A_316 = vector.broadcast %add3A_315 : i32 to vector<16xi32>
      %add3A_317 = arith.addi %add3A_314, %add3A_316 : vector<16xi32>
      %gather3A_318 = tpu.vector_load_idx %arg20[%add3A_317] : memref<16384xf32, #tpu.memory_space<vmem>>[vector<16xi32>], vector<16xf32>,
      %gather3A_319 = tpu.vector_load_idx %arg21[%add3A_317] : memref<16384xf32, #tpu.memory_space<vmem>>[vector<16xi32>], vector<16xf32>,
      %mul3A_320 = arith.mulf %mul3A_88, %mul3A_101 : vector<16xf32>
      %mul3A_321 = arith.constant 5.120000e+02 : f32
      %mul3A_322 = vector.broadcast %mul3A_321 : f32 to vector<16xf32>
      %mul3A_323 = arith.mulf %mul3A_322, %mul3A_320 : vector<16xf32>
      %mul3A_324 = arith.mulf %mul3A_320, %gather3A_318 : vector<16xf32>
      %add3A_325 = arith.addf %add3A_287, %mul3A_324 : vector<16xf32>
      %mul3A_326 = arith.mulf %mul3A_320, %gather3A_319 : vector<16xf32>
      %add3A_327 = arith.addf %add3A_289, %mul3A_326 : vector<16xf32>
      %mul3A_328 = arith.mulf %mul3A_323, %gather3A_318 : vector<16xf32>
      %mul3A_329 = arith.mulf %mul3A_328, %sub3A_304 : vector<16xf32>
      %add3A_330 = arith.addf %add3A_292, %mul3A_329 : vector<16xf32>
      %mul3A_331 = arith.mulf %mul3A_323, %gather3A_318 : vector<16xf32>
      %mul3A_332 = arith.mulf %mul3A_331, %sub3A_313 : vector<16xf32>
      %add3A_333 = arith.addf %add3A_295, %mul3A_332 : vector<16xf32>
      %mul3A_334 = arith.mulf %mul3A_323, %gather3A_319 : vector<16xf32>
      %mul3A_335 = arith.mulf %mul3A_334, %sub3A_304 : vector<16xf32>
      %add3A_336 = arith.addf %add3A_298, %mul3A_335 : vector<16xf32>
      %mul3A_337 = arith.mulf %mul3A_323, %gather3A_319 : vector<16xf32>
      %mul3A_338 = arith.mulf %mul3A_337, %sub3A_313 : vector<16xf32>
      %add3A_339 = arith.addf %add3A_301, %mul3A_338 : vector<16xf32>
      %sub3A_340 = arith.constant 1.000000e+00 : f32
      %sub3A_341 = vector.broadcast %sub3A_340 : f32 to vector<16xf32>
      %sub3A_342 = arith.subf %sub3A_341, %sub3A_67 : vector<16xf32>
      %add3A_343 = arith.addi %mul3A_310, %convert_element_type3A_57 : vector<16xi32>
      %add3A_344 = arith.constant 1 : i32
      %add3A_345 = vector.broadcast %add3A_344 : i32 to vector<16xi32>
      %add3A_346 = arith.addi %add3A_343, %add3A_345 : vector<16xi32>
      %gather3A_347 = tpu.vector_load_idx %arg20[%add3A_346] : memref<16384xf32, #tpu.memory_space<vmem>>[vector<16xi32>], vector<16xf32>,
      %gather3A_348 = tpu.vector_load_idx %arg21[%add3A_346] : memref<16384xf32, #tpu.memory_space<vmem>>[vector<16xi32>], vector<16xf32>,
      %mul3A_349 = arith.mulf %mul3A_88, %sub3A_105 : vector<16xf32>
      %mul3A_350 = arith.constant 5.120000e+02 : f32
      %mul3A_351 = vector.broadcast %mul3A_350 : f32 to vector<16xf32>
      %mul3A_352 = arith.mulf %mul3A_351, %mul3A_349 : vector<16xf32>
      %mul3A_353 = arith.mulf %mul3A_349, %gather3A_347 : vector<16xf32>
      %add3A_354 = arith.addf %add3A_325, %mul3A_353 : vector<16xf32>
      %mul3A_355 = arith.mulf %mul3A_349, %gather3A_348 : vector<16xf32>
      %add3A_356 = arith.addf %add3A_327, %mul3A_355 : vector<16xf32>
      %mul3A_357 = arith.mulf %mul3A_352, %gather3A_347 : vector<16xf32>
      %mul3A_358 = arith.mulf %mul3A_357, %sub3A_304 : vector<16xf32>
      %add3A_359 = arith.addf %add3A_330, %mul3A_358 : vector<16xf32>
      %mul3A_360 = arith.mulf %mul3A_352, %gather3A_347 : vector<16xf32>
      %mul3A_361 = arith.mulf %mul3A_360, %sub3A_342 : vector<16xf32>
      %add3A_362 = arith.addf %add3A_333, %mul3A_361 : vector<16xf32>
      %mul3A_363 = arith.mulf %mul3A_352, %gather3A_348 : vector<16xf32>
      %mul3A_364 = arith.mulf %mul3A_363, %sub3A_304 : vector<16xf32>
      %add3A_365 = arith.addf %add3A_336, %mul3A_364 : vector<16xf32>
      %mul3A_366 = arith.mulf %mul3A_352, %gather3A_348 : vector<16xf32>
      %mul3A_367 = arith.mulf %mul3A_366, %sub3A_342 : vector<16xf32>
      %add3A_368 = arith.addf %add3A_339, %mul3A_367 : vector<16xf32>
      %sub3A_369 = arith.constant 2.000000e+00 : f32
      %sub3A_370 = vector.broadcast %sub3A_369 : f32 to vector<16xf32>
      %sub3A_371 = arith.subf %sub3A_370, %sub3A_67 : vector<16xf32>
      %add3A_372 = arith.addi %mul3A_310, %convert_element_type3A_57 : vector<16xi32>
      %add3A_373 = arith.constant 2 : i32
      %add3A_374 = vector.broadcast %add3A_373 : i32 to vector<16xi32>
      %add3A_375 = arith.addi %add3A_372, %add3A_374 : vector<16xi32>
      %gather3A_376 = tpu.vector_load_idx %arg20[%add3A_375] : memref<16384xf32, #tpu.memory_space<vmem>>[vector<16xi32>], vector<16xf32>,
      %gather3A_377 = tpu.vector_load_idx %arg21[%add3A_375] : memref<16384xf32, #tpu.memory_space<vmem>>[vector<16xi32>], vector<16xf32>,
      %mul3A_378 = arith.mulf %mul3A_88, %mul3A_109 : vector<16xf32>
      %mul3A_379 = arith.constant 5.120000e+02 : f32
      %mul3A_380 = vector.broadcast %mul3A_379 : f32 to vector<16xf32>
      %mul3A_381 = arith.mulf %mul3A_380, %mul3A_378 : vector<16xf32>
      %mul3A_382 = arith.mulf %mul3A_378, %gather3A_376 : vector<16xf32>
      %add3A_383 = arith.addf %add3A_354, %mul3A_382 : vector<16xf32>
      %mul3A_384 = arith.mulf %mul3A_378, %gather3A_377 : vector<16xf32>
      %add3A_385 = arith.addf %add3A_356, %mul3A_384 : vector<16xf32>
      %mul3A_386 = arith.mulf %mul3A_381, %gather3A_376 : vector<16xf32>
      %mul3A_387 = arith.mulf %mul3A_386, %sub3A_304 : vector<16xf32>
      %add3A_388 = arith.addf %add3A_359, %mul3A_387 : vector<16xf32>
      %mul3A_389 = arith.mulf %mul3A_381, %gather3A_376 : vector<16xf32>
      %mul3A_390 = arith.mulf %mul3A_389, %sub3A_371 : vector<16xf32>
      %add3A_391 = arith.addf %add3A_362, %mul3A_390 : vector<16xf32>
      %mul3A_392 = arith.mulf %mul3A_381, %gather3A_377 : vector<16xf32>
      %mul3A_393 = arith.mulf %mul3A_392, %sub3A_304 : vector<16xf32>
      %add3A_394 = arith.addf %add3A_365, %mul3A_393 : vector<16xf32>
      %mul3A_395 = arith.mulf %mul3A_381, %gather3A_377 : vector<16xf32>
      %mul3A_396 = arith.mulf %mul3A_395, %sub3A_371 : vector<16xf32>
      %add3A_397 = arith.addf %add3A_368, %mul3A_396 : vector<16xf32>
      %mul3A_398 = arith.constant 9.99999974E-5 : f32
      %mul3A_399 = vector.broadcast %mul3A_398 : f32 to vector<16xf32>
      %mul3A_400 = arith.mulf %mul3A_399, %add3A_383 : vector<16xf32>
      %add3A_401 = arith.addf %get3A_43, %mul3A_400 : vector<16xf32>
      %swap3A = arith.index_cast %mul3A_42 : i32 to index
      %swap3A_402 = tpu.vector_load %arg25[%swap3A] {strides = array<i32>} : memref<576xf32, #tpu.memory_space<vmem>>, vector<16xf32>,
      tpu.vector_store %arg25[%swap3A], %add3A_401 {strides = array<i32>} : memref<576xf32, #tpu.memory_space<vmem>>, vector<16xf32>,
      %mul3A_403 = arith.constant 9.99999974E-5 : f32
      %mul3A_404 = vector.broadcast %mul3A_403 : f32 to vector<16xf32>
      %mul3A_405 = arith.mulf %mul3A_404, %add3A_385 : vector<16xf32>
      %add3A_406 = arith.addf %get3A_45, %mul3A_405 : vector<16xf32>
      %swap3A_407 = arith.index_cast %mul3A_42 : i32 to index
      %swap3A_408 = tpu.vector_load %arg26[%swap3A_407] {strides = array<i32>} : memref<576xf32, #tpu.memory_space<vmem>>, vector<16xf32>,
      tpu.vector_store %arg26[%swap3A_407], %add3A_406 {strides = array<i32>} : memref<576xf32, #tpu.memory_space<vmem>>, vector<16xf32>,
      %swap3A_409 = arith.index_cast %mul3A_42 : i32 to index
      %swap3A_410 = tpu.vector_load %arg27[%swap3A_409] {strides = array<i32>} : memref<576xf32, #tpu.memory_space<vmem>>, vector<16xf32>,
      tpu.vector_store %arg27[%swap3A_409], %add3A_383 {strides = array<i32>} : memref<576xf32, #tpu.memory_space<vmem>>, vector<16xf32>,
      %swap3A_411 = arith.index_cast %mul3A_42 : i32 to index
      %swap3A_412 = tpu.vector_load %arg28[%swap3A_411] {strides = array<i32>} : memref<576xf32, #tpu.memory_space<vmem>>, vector<16xf32>,
      tpu.vector_store %arg28[%swap3A_411], %add3A_385 {strides = array<i32>} : memref<576xf32, #tpu.memory_space<vmem>>, vector<16xf32>,
      %swap3A_413 = arith.index_cast %mul3A_42 : i32 to index
      %swap3A_414 = tpu.vector_load %arg29[%swap3A_413] {strides = array<i32>} : memref<576xf32, #tpu.memory_space<vmem>>, vector<16xf32>,
      tpu.vector_store %arg29[%swap3A_413], %add3A_388 {strides = array<i32>} : memref<576xf32, #tpu.memory_space<vmem>>, vector<16xf32>,
      %swap3A_415 = arith.index_cast %mul3A_42 : i32 to index
      %swap3A_416 = tpu.vector_load %arg30[%swap3A_415] {strides = array<i32>} : memref<576xf32, #tpu.memory_space<vmem>>, vector<16xf32>,
      tpu.vector_store %arg30[%swap3A_415], %add3A_391 {strides = array<i32>} : memref<576xf32, #tpu.memory_space<vmem>>, vector<16xf32>,
      %swap3A_417 = arith.index_cast %mul3A_42 : i32 to index
      %swap3A_418 = tpu.vector_load %arg31[%swap3A_417] {strides = array<i32>} : memref<576xf32, #tpu.memory_space<vmem>>, vector<16xf32>,
      tpu.vector_store %arg31[%swap3A_417], %add3A_394 {strides = array<i32>} : memref<576xf32, #tpu.memory_space<vmem>>, vector<16xf32>,
      %swap3A_419 = arith.index_cast %mul3A_42 : i32 to index
      %swap3A_420 = tpu.vector_load %arg32[%swap3A_419] {strides = array<i32>} : memref<576xf32, #tpu.memory_space<vmem>>, vector<16xf32>,
      tpu.vector_store %arg32[%swap3A_419], %add3A_397 {strides = array<i32>} : memref<576xf32, #tpu.memory_space<vmem>>, vector<16xf32>,
    }
    %scan3A_39 = arith.constant 36 : i32
    "tpu.region"() ({
      %run_scoped3A = tpu.sem_alloc : memref<!tpu.dma_semaphore, #tpu.memory_space<semaphore_mem>>
      %dma_start3A = tpu.memref_slice %arg6[%mul3A_2] : memref<18432xf32, #tpu.memory_space<hbm>> -> memref<576xf32, #tpu.memory_space<hbm>>
      %dma_start3A_40 = tpu.memref_slice %arg6[%mul3A_2] : memref<18432xf32, #tpu.memory_space<hbm>> -> memref<576xf32, #tpu.memory_space<hbm>>
      tpu.enqueue_dma source(%arg25 : memref<576xf32, #tpu.memory_space<vmem>>) target(%dma_start3A_40 : memref<576xf32, #tpu.memory_space<hbm>>) target_semaphore(%run_scoped3A : memref<!tpu.dma_semaphore, #tpu.memory_space<semaphore_mem>>)
      %dma_wait3A = tpu.memref_slice %arg6[%mul3A_2] : memref<18432xf32, #tpu.memory_space<hbm>> -> memref<576xf32, #tpu.memory_space<hbm>>
      %dma_wait3A_41 = tpu.memref_slice %arg6[%mul3A_2] : memref<18432xf32, #tpu.memory_space<hbm>> -> memref<576xf32, #tpu.memory_space<hbm>>
      tpu.wait_dma2 semaphore(%run_scoped3A : memref<!tpu.dma_semaphore, #tpu.memory_space<semaphore_mem>>) src(%arg25 : memref<576xf32, #tpu.memory_space<vmem>>) dst(%dma_wait3A_41 : memref<576xf32, #tpu.memory_space<hbm>>)
      tpu.yield
    }) : () -> ()
    "tpu.region"() ({
      %run_scoped3A = tpu.sem_alloc : memref<!tpu.dma_semaphore, #tpu.memory_space<semaphore_mem>>
      %dma_start3A = tpu.memref_slice %arg7[%mul3A_2] : memref<18432xf32, #tpu.memory_space<hbm>> -> memref<576xf32, #tpu.memory_space<hbm>>
      %dma_start3A_40 = tpu.memref_slice %arg7[%mul3A_2] : memref<18432xf32, #tpu.memory_space<hbm>> -> memref<576xf32, #tpu.memory_space<hbm>>
      tpu.enqueue_dma source(%arg26 : memref<576xf32, #tpu.memory_space<vmem>>) target(%dma_start3A_40 : memref<576xf32, #tpu.memory_space<hbm>>) target_semaphore(%run_scoped3A : memref<!tpu.dma_semaphore, #tpu.memory_space<semaphore_mem>>)
      %dma_wait3A = tpu.memref_slice %arg7[%mul3A_2] : memref<18432xf32, #tpu.memory_space<hbm>> -> memref<576xf32, #tpu.memory_space<hbm>>
      %dma_wait3A_41 = tpu.memref_slice %arg7[%mul3A_2] : memref<18432xf32, #tpu.memory_space<hbm>> -> memref<576xf32, #tpu.memory_space<hbm>>
      tpu.wait_dma2 semaphore(%run_scoped3A : memref<!tpu.dma_semaphore, #tpu.memory_space<semaphore_mem>>) src(%arg26 : memref<576xf32, #tpu.memory_space<vmem>>) dst(%dma_wait3A_41 : memref<576xf32, #tpu.memory_space<hbm>>)
      tpu.yield
    }) : () -> ()
    "tpu.region"() ({
      %run_scoped3A = tpu.sem_alloc : memref<!tpu.dma_semaphore, #tpu.memory_space<semaphore_mem>>
      %dma_start3A = tpu.memref_slice %arg8[%mul3A_2] : memref<18432xf32, #tpu.memory_space<hbm>> -> memref<576xf32, #tpu.memory_space<hbm>>
      %dma_start3A_40 = tpu.memref_slice %arg8[%mul3A_2] : memref<18432xf32, #tpu.memory_space<hbm>> -> memref<576xf32, #tpu.memory_space<hbm>>
      tpu.enqueue_dma source(%arg27 : memref<576xf32, #tpu.memory_space<vmem>>) target(%dma_start3A_40 : memref<576xf32, #tpu.memory_space<hbm>>) target_semaphore(%run_scoped3A : memref<!tpu.dma_semaphore, #tpu.memory_space<semaphore_mem>>)
      %dma_wait3A = tpu.memref_slice %arg8[%mul3A_2] : memref<18432xf32, #tpu.memory_space<hbm>> -> memref<576xf32, #tpu.memory_space<hbm>>
      %dma_wait3A_41 = tpu.memref_slice %arg8[%mul3A_2] : memref<18432xf32, #tpu.memory_space<hbm>> -> memref<576xf32, #tpu.memory_space<hbm>>
      tpu.wait_dma2 semaphore(%run_scoped3A : memref<!tpu.dma_semaphore, #tpu.memory_space<semaphore_mem>>) src(%arg27 : memref<576xf32, #tpu.memory_space<vmem>>) dst(%dma_wait3A_41 : memref<576xf32, #tpu.memory_space<hbm>>)
      tpu.yield
    }) : () -> ()
    "tpu.region"() ({
      %run_scoped3A = tpu.sem_alloc : memref<!tpu.dma_semaphore, #tpu.memory_space<semaphore_mem>>
      %dma_start3A = tpu.memref_slice %arg9[%mul3A_2] : memref<18432xf32, #tpu.memory_space<hbm>> -> memref<576xf32, #tpu.memory_space<hbm>>
      %dma_start3A_40 = tpu.memref_slice %arg9[%mul3A_2] : memref<18432xf32, #tpu.memory_space<hbm>> -> memref<576xf32, #tpu.memory_space<hbm>>
      tpu.enqueue_dma source(%arg28 : memref<576xf32, #tpu.memory_space<vmem>>) target(%dma_start3A_40 : memref<576xf32, #tpu.memory_space<hbm>>) target_semaphore(%run_scoped3A : memref<!tpu.dma_semaphore, #tpu.memory_space<semaphore_mem>>)
      %dma_wait3A = tpu.memref_slice %arg9[%mul3A_2] : memref<18432xf32, #tpu.memory_space<hbm>> -> memref<576xf32, #tpu.memory_space<hbm>>
      %dma_wait3A_41 = tpu.memref_slice %arg9[%mul3A_2] : memref<18432xf32, #tpu.memory_space<hbm>> -> memref<576xf32, #tpu.memory_space<hbm>>
      tpu.wait_dma2 semaphore(%run_scoped3A : memref<!tpu.dma_semaphore, #tpu.memory_space<semaphore_mem>>) src(%arg28 : memref<576xf32, #tpu.memory_space<vmem>>) dst(%dma_wait3A_41 : memref<576xf32, #tpu.memory_space<hbm>>)
      tpu.yield
    }) : () -> ()
    "tpu.region"() ({
      %run_scoped3A = tpu.sem_alloc : memref<!tpu.dma_semaphore, #tpu.memory_space<semaphore_mem>>
      %dma_start3A = tpu.memref_slice %arg10[%mul3A_2] : memref<18432xf32, #tpu.memory_space<hbm>> -> memref<576xf32, #tpu.memory_space<hbm>>
      %dma_start3A_40 = tpu.memref_slice %arg10[%mul3A_2] : memref<18432xf32, #tpu.memory_space<hbm>> -> memref<576xf32, #tpu.memory_space<hbm>>
      tpu.enqueue_dma source(%arg29 : memref<576xf32, #tpu.memory_space<vmem>>) target(%dma_start3A_40 : memref<576xf32, #tpu.memory_space<hbm>>) target_semaphore(%run_scoped3A : memref<!tpu.dma_semaphore, #tpu.memory_space<semaphore_mem>>)
      %dma_wait3A = tpu.memref_slice %arg10[%mul3A_2] : memref<18432xf32, #tpu.memory_space<hbm>> -> memref<576xf32, #tpu.memory_space<hbm>>
      %dma_wait3A_41 = tpu.memref_slice %arg10[%mul3A_2] : memref<18432xf32, #tpu.memory_space<hbm>> -> memref<576xf32, #tpu.memory_space<hbm>>
      tpu.wait_dma2 semaphore(%run_scoped3A : memref<!tpu.dma_semaphore, #tpu.memory_space<semaphore_mem>>) src(%arg29 : memref<576xf32, #tpu.memory_space<vmem>>) dst(%dma_wait3A_41 : memref<576xf32, #tpu.memory_space<hbm>>)
      tpu.yield
    }) : () -> ()
    "tpu.region"() ({
      %run_scoped3A = tpu.sem_alloc : memref<!tpu.dma_semaphore, #tpu.memory_space<semaphore_mem>>
      %dma_start3A = tpu.memref_slice %arg11[%mul3A_2] : memref<18432xf32, #tpu.memory_space<hbm>> -> memref<576xf32, #tpu.memory_space<hbm>>
      %dma_start3A_40 = tpu.memref_slice %arg11[%mul3A_2] : memref<18432xf32, #tpu.memory_space<hbm>> -> memref<576xf32, #tpu.memory_space<hbm>>
      tpu.enqueue_dma source(%arg30 : memref<576xf32, #tpu.memory_space<vmem>>) target(%dma_start3A_40 : memref<576xf32, #tpu.memory_space<hbm>>) target_semaphore(%run_scoped3A : memref<!tpu.dma_semaphore, #tpu.memory_space<semaphore_mem>>)
      %dma_wait3A = tpu.memref_slice %arg11[%mul3A_2] : memref<18432xf32, #tpu.memory_space<hbm>> -> memref<576xf32, #tpu.memory_space<hbm>>
      %dma_wait3A_41 = tpu.memref_slice %arg11[%mul3A_2] : memref<18432xf32, #tpu.memory_space<hbm>> -> memref<576xf32, #tpu.memory_space<hbm>>
      tpu.wait_dma2 semaphore(%run_scoped3A : memref<!tpu.dma_semaphore, #tpu.memory_space<semaphore_mem>>) src(%arg30 : memref<576xf32, #tpu.memory_space<vmem>>) dst(%dma_wait3A_41 : memref<576xf32, #tpu.memory_space<hbm>>)
      tpu.yield
    }) : () -> ()
    "tpu.region"() ({
      %run_scoped3A = tpu.sem_alloc : memref<!tpu.dma_semaphore, #tpu.memory_space<semaphore_mem>>
      %dma_start3A = tpu.memref_slice %arg12[%mul3A_2] : memref<18432xf32, #tpu.memory_space<hbm>> -> memref<576xf32, #tpu.memory_space<hbm>>
      %dma_start3A_40 = tpu.memref_slice %arg12[%mul3A_2] : memref<18432xf32, #tpu.memory_space<hbm>> -> memref<576xf32, #tpu.memory_space<hbm>>
      tpu.enqueue_dma source(%arg31 : memref<576xf32, #tpu.memory_space<vmem>>) target(%dma_start3A_40 : memref<576xf32, #tpu.memory_space<hbm>>) target_semaphore(%run_scoped3A : memref<!tpu.dma_semaphore, #tpu.memory_space<semaphore_mem>>)
      %dma_wait3A = tpu.memref_slice %arg12[%mul3A_2] : memref<18432xf32, #tpu.memory_space<hbm>> -> memref<576xf32, #tpu.memory_space<hbm>>
      %dma_wait3A_41 = tpu.memref_slice %arg12[%mul3A_2] : memref<18432xf32, #tpu.memory_space<hbm>> -> memref<576xf32, #tpu.memory_space<hbm>>
      tpu.wait_dma2 semaphore(%run_scoped3A : memref<!tpu.dma_semaphore, #tpu.memory_space<semaphore_mem>>) src(%arg31 : memref<576xf32, #tpu.memory_space<vmem>>) dst(%dma_wait3A_41 : memref<576xf32, #tpu.memory_space<hbm>>)
      tpu.yield
    }) : () -> ()
    "tpu.region"() ({
      %run_scoped3A = tpu.sem_alloc : memref<!tpu.dma_semaphore, #tpu.memory_space<semaphore_mem>>
      %dma_start3A = tpu.memref_slice %arg13[%mul3A_2] : memref<18432xf32, #tpu.memory_space<hbm>> -> memref<576xf32, #tpu.memory_space<hbm>>
      %dma_start3A_40 = tpu.memref_slice %arg13[%mul3A_2] : memref<18432xf32, #tpu.memory_space<hbm>> -> memref<576xf32, #tpu.memory_space<hbm>>
      tpu.enqueue_dma source(%arg32 : memref<576xf32, #tpu.memory_space<vmem>>) target(%dma_start3A_40 : memref<576xf32, #tpu.memory_space<hbm>>) target_semaphore(%run_scoped3A : memref<!tpu.dma_semaphore, #tpu.memory_space<semaphore_mem>>)
      %dma_wait3A = tpu.memref_slice %arg13[%mul3A_2] : memref<18432xf32, #tpu.memory_space<hbm>> -> memref<576xf32, #tpu.memory_space<hbm>>
      %dma_wait3A_41 = tpu.memref_slice %arg13[%mul3A_2] : memref<18432xf32, #tpu.memory_space<hbm>> -> memref<576xf32, #tpu.memory_space<hbm>>
      tpu.wait_dma2 semaphore(%run_scoped3A : memref<!tpu.dma_semaphore, #tpu.memory_space<semaphore_mem>>) src(%arg32 : memref<576xf32, #tpu.memory_space<vmem>>) dst(%dma_wait3A_41 : memref<576xf32, #tpu.memory_space<hbm>>)
      tpu.yield
    }) : () -> ()
    return
  }
}

</mosaic_0001>

<sc_bundles>
// kernel: kernel.4.cloned.1.call-start
scs
__scs_entry_jumppad:
0x0: {  	(pc) =	sbr.rel $0x88, $3  }
0x1: {  	(tag) =	ssettag $0x0;
	lr =	simm.s32 $0x1  }
0x2: {  	[smem:$0x3F98] =	sst lr;
	_ =	strace $0xD0000000  }
0x3: {  	_ = 	snop  }
0x4: {  	_ = 	snop  }
0x5: {  	_ = 	snop  }
0x6: {  	_ = 	snop  }
0x7: {  	_ = 	snop  }
__scs_overlays_trampoline_lowered:
0x8: {  	[smem:$0x3FA7] =	sst s0  }
0x9: {  	[smem:$0x3FA8] =	sst s1  }
0xa: {  	[smem:$0x3FA9] =	sst s2  }
0xb: {  	[smem:$0x3FAA] =	sst s3  }
0xc: {  	[smem:$0x3FAB] =	sst s4  }
0xd: {  	[smem:$0x3FAC] =	sst s5  }
0xe: {  	[smem:$0x3FAD] =	sst s6  }
0xf: {  	[smem:$0x3FAE] =	sst s7  }
0x10: {  	[smem:$0x3FAF] =	sst s8  }
0x11: {  	[smem:$0x3FB0] =	sst s9;
	s0 =	simm.s32 @!p0 $0x0  }
0x12: {  	s1 =	sld [smem:$0x3F96];
	s0 =	simm.s32 @p0 $0x1  }
0x13: {  	[smem:$0x3FB1] =	sst s0;
	s0 =	simm.s32 @!p1 $0x0  }
0x14: {  	s2 =	sld [smem:$0x3F95];
	s0 =	simm.s32 @p1 $0x1  }
0x15: {  	[smem:$0x3FB2] =	sst s0;
	s0 =	simm.s32 @!p2 $0x0  }
0x16: {  	s3 =	sld [smem:$0x3FDB];
	s0 =	simm.s32 @p2 $0x1  }
0x17: {  	s4 =	simm.s32 $0x1BF5;
	[smem:$0x3FB4] =	sst s0  }
0x18: {  	s0 =	sld [smem:$0x3F97];
	_ =	swait.ge [sflag:s4], $0x0  }
0x19: {  	s7 =	sld [smem:$0x3F98]  }
0x1a: {  	s8 =	sadd.s32 $0xFFFFE003, lr  }
0x1b: {  	s9 =	sadd.s32 $0xFFFFFEF7, lr;
	s5 =	simm.s32 $0xFFFFFFFF;
	p2 =	slt.u32 s8, $0xFFFFF086  }
0x1c: {  	p1 =	slt.u32 s9, $0xF7A;
	s5 =	simm.s32 @!p2 $0x0  }
0x1d: {  	s5 =	simm.s32 @p1 $0x1;
	p0 =	seq.s32 s7, s2  }
0x1e: {  	s7 =	smul.u32 @!p0 $0xF7A, s2;
	p2 =	seq.s32 @!p0 s5, $0x0  }
0x1f: {  	s9 =	smul.u32 $0xF7A, s1;
	s8 =	simm.s32 @!p0 $0x1BF5;
	p2 =	por !p2, p0  }
0x20: {  	[sflag:s8] =	ssyncset.s32 @!p0 $0xFFFFF086;
	s6 =	sadd.s32 @!p0 s3, s7;
	s7 =	simm.s32 @!p0 $0x108  }
0x21: {  	s3 =	sadd.s32 s3, s9;
	s6 =	sadd.s32 @!p0 $0x88, s6;
	s7 =	simm.s32 @p2 $0x1082  }
0x22: {  	[simem:s7], [sflag:s8] =	dma.local @!p0 [hbm:s6], $0xF7A  }
0x23: {  	s9 =	sor.u32 $0xD0000000, s2;
	s6 =	simm.s32 $0x108;
	_ =	swait.ge @!p0 [sflag:s8], $0x0  }
0x24: {  	s3 =	sadd.s32 $0x88, s3;
	s6 =	simm.s32 @!p1 $0x1082;
	[sflag:s4] =	ssyncset.s32 $0xFFFFF086  }
0x25: {  	[simem:s6], [sflag:s4] =	dma.local [hbm:s3], $0xF7A  }
0x26: {  	[smem:$0x3F98] =	sst s1;
	(tag) =	ssettag s2;
	_ =	strace s9  }
0x27: {  	s1 =	sld [smem:$0x3FA8]  }
0x28: {  	s2 =	sld [smem:$0x3FA9]  }
0x29: {  	s4 =	sld [smem:$0x3FAB]  }
0x2a: {  	p0 =	seq.s32 s5, $0x0;
	s5 =	sld [smem:$0x3FAC]  }
0x2b: {  	s6 =	sld [smem:$0x3FAD]  }
0x2c: {  	s7 =	sld [smem:$0x3FAE]  }
0x2d: {  	s3 =	simm.s32 $0x108;
	s8 =	sld [smem:$0x3FAF]  }
0x2e: {  	s3 =	simm.s32 @!p0 $0x1082;
	s9 =	sld [smem:$0x3FB0]  }
0x2f: {  	lr =	sadd.s32 s0, s3;
	s0 =	sld [smem:$0x3FA7]  }
0x30: {  	s3 =	sld [smem:$0x3FAA]  }
0x31: {  	[smem:$0x3FB3] =	sst s10  }
0x32: {  	s10 =	sld [smem:$0x3FB1];
	_ =	sdelay $0x3  }
0x33: {  	p0 =	seq.s32 s10, $0x1;
	s10 =	sld [smem:$0x3FB3];
	_ =	sdelay $0x3  }
0x34: {  	[smem:$0x3FB3] =	sst s10  }
0x35: {  	s10 =	sld [smem:$0x3FB2];
	_ =	sdelay $0x3  }
0x36: {  	p1 =	seq.s32 s10, $0x1;
	s10 =	sld [smem:$0x3FB3];
	_ =	sdelay $0x3  }
0x37: {  	[smem:$0x3FB3] =	sst s10  }
0x38: {  	s10 =	sld [smem:$0x3FB4]  }
0x39: {  	_ = 	snop;
	(pc) =	sbr.ind lr, $3  }
0x3a: {  	_ = 	snop  }
0x3b: {  	_ = 	snop  }
0x3c: {  	p2 =	seq.s32 s10, $0x1;
	s10 =	sld [smem:$0x3FB3]  }
0x3d: {  	_ =	shalt  }
0x3e: {  	_ =	shalt  }
0x3f: {  	_ =	shalt  }
0x40: {  	_ =	shalt  }
0x41: {  	_ =	shalt  }
0x42: {  	_ =	shalt  }
0x43: {  	_ =	shalt  }
0x44: {  	_ =	shalt  }
0x45: {  	_ =	shalt  }
0x46: {  	_ =	shalt  }
0x47: {  	_ =	shalt  }
0x48: {  	_ =	shalt  }
0x49: {  	_ =	shalt  }
0x4a: {  	_ =	shalt  }
0x4b: {  	_ =	shalt  }
0x4c: {  	_ =	shalt  }
0x4d: {  	_ =	shalt  }
0x4e: {  	_ =	shalt  }
0x4f: {  	_ =	shalt  }
0x50: {  	_ =	shalt  }
0x51: {  	_ =	shalt  }
0x52: {  	_ =	shalt  }
0x53: {  	_ =	shalt  }
0x54: {  	_ =	shalt  }
0x55: {  	_ =	shalt  }
0x56: {  	_ =	shalt  }
0x57: {  	_ =	shalt  }
0x58: {  	_ =	shalt  }
0x59: {  	_ =	shalt  }
0x5a: {  	_ =	shalt  }
0x5b: {  	_ =	shalt  }
0x5c: {  	_ =	shalt  }
0x5d: {  	_ =	shalt  }
0x5e: {  	_ =	shalt  }
0x5f: {  	_ =	shalt  }
0x60: {  	_ =	shalt  }
0x61: {  	_ =	shalt  }
0x62: {  	_ =	shalt  }
0x63: {  	_ =	shalt  }
0x64: {  	_ =	shalt  }
0x65: {  	_ =	shalt  }
0x66: {  	_ =	shalt  }
0x67: {  	_ =	shalt  }
0x68: {  	_ =	shalt  }
0x69: {  	_ =	shalt  }
0x6a: {  	_ =	shalt  }
0x6b: {  	_ =	shalt  }
0x6c: {  	_ =	shalt  }
0x6d: {  	_ =	shalt  }
0x6e: {  	_ =	shalt  }
0x6f: {  	_ =	shalt  }
0x70: {  	_ =	shalt  }
0x71: {  	_ =	shalt  }
0x72: {  	_ =	shalt  }
0x73: {  	_ =	shalt  }
0x74: {  	_ =	shalt  }
0x75: {  	_ =	shalt  }
0x76: {  	_ =	shalt  }
0x77: {  	_ =	shalt  }
0x78: {  	_ =	shalt  }
0x79: {  	_ =	shalt  }
0x7a: {  	_ =	shalt  }
0x7b: {  	_ =	shalt  }
0x7c: {  	_ =	shalt  }
0x7d: {  	_ =	shalt  }
0x7e: {  	_ =	shalt  }
0x7f: {  	_ =	shalt  }
0x80: {  	_ =	shalt  }
0x81: {  	_ =	shalt  }
0x82: {  	_ =	shalt  }
0x83: {  	_ =	shalt  }
0x84: {  	_ =	shalt  }
0x85: {  	_ =	shalt  }
0x86: {  	_ =	shalt  }
0x87: {  	_ =	shalt  }
.Lfunc_end0:
.L_simem_size_0:
called_computation_lowered:
.L_overlay_start_0:
0x88: {  	s2 =	sld [smem:$0x3FD9]  }
0x89: {  	s3 =	sld [smem:$0x3FFE];
	_ =	sdelay $0x1  }
0x8a: {  	s1 =	srdreg.scid  }
0x8b: {  	s0 =	sand.u32 $0x1, s1  }
0x8c: {  	s17 =	sshll.u32 s0, $0xA;
	s2 =	sadd.s32 s3, s2  }
0x8d: {  	s2 =	sadd.s32 s2, s17  }
0x8e: {  	[smem:$0x3FBF] =	sst s2  }
0x8f: {  	_ = 	snop  }
0x90: {  	s2 =	sld [smem:$0x3FD0];
	(tm) =	ssettm $0x1  }
0x91: {  	s18 =	sld [smem:$0x3FFB];
	_ =	sdelay $0x3  }
0x92: {  	_ =	strace s18  }
0x93: {  	s3 =	sld [smem:$0x3FFC];
	_ =	sdelay $0x3  }
0x94: {  	_ =	strace s3  }
0x95: {  	s3 =	sld [smem:$0x3FFD];
	_ =	sdelay $0x3  }
0x96: {  	_ =	strace s3  }
0x97: {  	_ =	strace $0x8FFFFFFF  }
0x98: {  	s19 =	sld [smem:$0x3FDB];
	_ =	sdelay $0x1  }
0x99: {  	s4 =	simm.s32 $_scs_section_size  }
0x9a: {  	s5 =	simm.s32 $_size__tile_overlayer_lowered;
	s6 =	simm.s32 $_tile_overlayer_lowered  }
0x9b: {  	s22 =	simm.s32 $0x1BFF;
	s21 =	sshll.u32 s6, $0x1;
	s3 =	sadd.s32 s4, s19  }
0x9c: {  	s7 =	simm.s32 $0x0;
	s20 =	sshll.u32 s5, $0x1;
	s5 =	sadd.s32 s21, s3  }
0x9d: {  	[timem:s7], [sflag:s22] =	dma.local [hbm:s5], s20  }
0x9e: {  	_ =	swait.ge [sflag:s22], s20  }
0x9f: {  	s4 =	ssub.s32 $0x0, s20;
	[sflag:s22] =	ssyncset.done $0x0  }
0xa0: {  	[sflag:s22] =	ssyncadd.s32 s4;
	_ =	sdelay $0x1  }
0xa1: {  	s23 =	simm.s32 $0x1B8B  }
0xa2: {  	_ =	swait.ge [sflag:s23], $0x1  }
0xa3: {  	[sflag:s23] =	ssyncset.done $0x0  }
0xa4: {  	s25 =	simm.s32 $0x1B8E;
	s24 =	sld [smem:$0x3FFE];
	[sflag:s23] =	ssyncadd.s32 $0xFFFFFFFF  }
0xa5: {  	s26 =	simm.s32 $execute0_lowered;
	[smem:$0x3FD2] =	sst s25  }
0xa6: {  	s5 =	sshll.u32 s26, $0x1;
	_ =	strace $0x80000046;
	[dreg:$0x1] =	wrdreg $0xFFFFFFFF  }
0xa7: {  	s28 =	simm.s32 $_size_execute0_lowered;
	s3 =	sadd.s32 s3, s5;
	[dreg:$0x0] =	wrdreg $0x0  }
0xa8: {  	s5 =	sshll.u32 s28, $0x1;
	[dreg:$0x2] =	wrdreg s3  }
0xa9: {  	[dreg:$0x3] =	wrdreg s5  }
0xaa: {  	[dreg:$0x4] =	wrdreg $0xC0  }
0xab: {  	_ =	task [dreg:s7], $0x5FFFF  }
0xac: {  	[dreg:$0x1] =	wrdreg $0xFFFFFFFF  }
0xad: {  	[dreg:$0x0] =	wrdreg $0x60  }
0xae: {  	[dreg:$0x2] =	wrdreg s2  }
0xaf: {  	[dreg:$0x3] =	wrdreg s24  }
0xb0: {  	[dreg:$0x4] =	wrdreg $0x9  }
0xb1: {  	_ =	task.clear_ibuf [dreg:s7], $0x5FFFF;
	_ =	strace $0x90000046  }
0xb2: {  	s29 =	simm.s32 $0x9;
	_ =	strace $0x80000048  }
0xb3: {  	_ =	swait.ge [sflag:s29], $0x1  }
0xb4: {  	[sflag:s29] =	ssyncadd.s32 $0xFFFFFFFF  }
0xb5: {  	_ =	strace $0x90000048  }
0xb6: {  	_ =	sfence  }
0xb7: {  	s30 =	sld [smem:$0x0];
	_ =	sdelay $0x2  }
0xb8: {  	s31 =	sshll.u32 s1, $0xD;
	s1 =	sshrl.u32 s1, $0x2  }
0xb9: {  	s3 =	sand.u32 $0x4000, s31;
	s1 =	sadd.s32 s1, s30  }
0xba: {  	s0 =	sor.u32 s3, s0;
	s1 =	sshll.u32 s1, $0x11  }
0xbb: {  	s0 =	sor.u32 s1, s0  }
0xbc: {  	s0 =	sadd.s32 $0x8F2B, s0  }
0xbd: {  	[sflag:s0] =	ssyncadd.remote.s32 $0x1  }
0xbe: {  	_ =	sfence.sel $0xFFFF  }
0xbf: {  	[dreg:$0x0] =	wrdreg $0xFFFFFFFF;
	(pc) =	sbr.abs _section_cstart, $3  }
0xc0: {  	[dreg:$0x1] =	wrdreg $0xFFFFFFFF  }
0xc1: {  	_ =	task.clear_ibuf [dreg:s7], $0x2FFFF;
	_ =	strace $0x9FFFFFFF  }
0xc2: {  	(tm) =	ssettm $0x7FFFFFFF  }
0xc3: {  	_ =	shalt  }
tec
execute0_lowered:
.L_overlay_start_1:
0x0: {  	(tag) =	ssettag $0x1  }
0x1: {  	s0 =	srdreg.scid  }
0x2: {  	s1 =	rddreg [dreg:$0x0];
	s20 =	stileid.u32  }
0x3: {  	s3 =	rddreg [dreg:$0x1];
	s28 =	simm.s32 $0x1;
	s29 =	simm.s32 $0xA300  }
0x4: {  	s30 =	simm.s32 $0x80;
	s31 =	simm.s32 $0x400;
	s0 =	sand.u32 $0x1, s0  }
0x5: {  	s19 =	sadd.s32 $0x8200, s3;
	s24 =	sshll.u32 s20, $0x7;
	s2 =	sshll.u32 s0, $0x4  }
0x6: {  	s26 =	smul.u32 $0x240, s20;
	s6 =	ssub.s32 $0x2, s0;
	s4 =	sor.u32 s20, s2  }
0x7: {  	s2 =	simm.s32 $0x0;
	s7 =	sshrl.u32 s6, $0x1;
	s5 =	smul.u32 $0x240, s4  }
0x8: {  	s0 =	smul.u32 $0x2400, s0;
	[smem:$0x7FF] =	sst s2;
	s7 =	ssub.s32 s6, s7  }
0x9: {  	s23 =	sshrl.u32 s4, $0x3;
	s4 =	sand.u32 $0x380, s24;
	s5 =	sshrl.u32 s5, $0x3  }
0xa: {  	s6 =	sadd.s32 s26, s0;
	s0 =	simm.s32 $0x6300;
	s1 =	sadd.s32 s1, s5  }
0xb: {  	_ =	strace $0x80000047;
	s3 =	sadd.s32 s3, s5;
	[dreg:$0x3] =	wrdreg s1  }
0xc: {  	s18 =	sadd.s32 $0x5000, s3;
	s21 =	sadd.s32 $0x5A00, s3;
	s22 =	sadd.s32 $0x6400, s3  }
0xd: {  	s8 =	sadd.s32 $0x2800, s3;
	s9 =	sadd.s32 $0x3200, s3;
	s1 =	smul.u32 $0x60000, s23  }
0xe: {  	s10 =	sadd.s32 $0x3C00, s3;
	s11 =	sadd.s32 $0x4600, s3;
	s12 =	sadd.s32 $0x1400, s3  }
0xf: {  	s13 =	sadd.s32 $0xA00, s3;
	s14 =	sadd.s32 $0x1E00, s3;
	s15 =	sadd.s32 $0x6E00, s3  }
0x10: {  	s16 =	sadd.s32 $0x7800, s3;
	s20 =	sadd.s32 $0x38200, s3;
	[dreg:$0x4] =	wrdreg s18  }
0x11: {  	s24 =	sadd.s32 $0x3A000, s3;
	s26 =	sadd.s32 $0x3AA00, s3;
	[dreg:$0x5] =	wrdreg s21  }
0x12: {  	[dreg:$0x6] =	wrdreg s22;
	s21 =	sadd.s32 $0x38C00, s3;
	s1 =	sor.u32 s4, s1  }
0x13: {  	s22 =	sadd.s32 $0x39600, s3;
	s4 =	sshrl.u32 s1, $0x3;
	s25 =	sadd.s32 $0x20000, s1  }
0x14: {  	s1 =	sadd.s32 $0x40000, s1;
	s17 =	sadd.s32 s19, s4;
	s4 =	sshrl.u32 s25, $0x3  }
0x15: {  	v1 =	vimm.f32 $1.000000000e+00;
	s1 =	sshrl.u32 s1, $0x3;
	s25 =	smax.u32 s7, $0x1;
	s18 =	sadd.s32 s19, s4  }
0x16: {  	v0 =	vimm.f32 $0.0e+00;
	vm0 =	vmxor vm0, vm0;
	v1 =	vand.u32 $0x7FFFFFFF, v1;
	s19 =	sadd.s32 s19, s1;
	s1 =	simm.s32 $0x2300;
	s4 =	simm.s32 $0x0  }
.LBB2_1:
0x17: {  	s5 =	rddreg [dreg:$0x3]  }
0x18: {  	[tilespmem:s2], [sflag:$0x1] =	stream.linear.gather [hbm4b:s5+s2], $0x240, $0x38;
	[tilespmem:$0xEF80] =	vst v63  }
0x19: {  	_ =	swait.ge [sflag:s28], $0x240  }
0x1a: {  	[sflag:s28] =	ssyncset.done $0x0  }
0x1b: {  	s7 =	simm.s32 $0x280;
	s23 =	rddreg [dreg:$0x4];
	[sflag:s28] =	ssyncadd.s32 $0xFFFFFDC0  }
0x1c: {  	[tilespmem:s7], [sflag:$0x1] =	stream.linear.gather [hbm4b:s23+s2], $0x240, $0x38;
	[tilespmem:$0xEF80] =	vst v63  }
0x1d: {  	_ =	swait.ge [sflag:s28], $0x240  }
0x1e: {  	[sflag:s28] =	ssyncset.done $0x0  }
0x1f: {  	s23 =	simm.s32 $0x500;
	s7 =	rddreg [dreg:$0x5];
	[sflag:s28] =	ssyncadd.s32 $0xFFFFFDC0  }
0x20: {  	[tilespmem:s23], [sflag:$0x1] =	stream.linear.gather [hbm4b:s7+s2], $0x240, $0x38;
	[tilespmem:$0xEF80] =	vst v63  }
0x21: {  	_ =	swait.ge [sflag:s28], $0x240  }
0x22: {  	[sflag:s28] =	ssyncset.done $0x0  }
0x23: {  	s23 =	simm.s32 $0x780;
	s7 =	rddreg [dreg:$0x6];
	[sflag:s28] =	ssyncadd.s32 $0xFFFFFDC0  }
0x24: {  	[tilespmem:s23], [sflag:$0x1] =	stream.linear.gather [hbm4b:s7+s2], $0x240, $0x38;
	[tilespmem:$0xEF80] =	vst v63  }
0x25: {  	_ =	swait.ge [sflag:s28], $0x240  }
0x26: {  	[sflag:s28] =	ssyncset.done $0x0  }
0x27: {  	s7 =	simm.s32 $0xA00;
	[sflag:s28] =	ssyncadd.s32 $0xFFFFFDC0  }
0x28: {  	[tilespmem:s7], [sflag:$0x1] =	stream.linear.gather [hbm4b:s8+s2], $0x240, $0x38;
	[tilespmem:$0xEF80] =	vst v63  }
0x29: {  	_ =	swait.ge [sflag:s28], $0x240  }
0x2a: {  	[sflag:s28] =	ssyncset.done $0x0  }
0x2b: {  	s23 =	simm.s32 $0xC80;
	[sflag:s28] =	ssyncadd.s32 $0xFFFFFDC0  }
0x2c: {  	[tilespmem:s23], [sflag:$0x1] =	stream.linear.gather [hbm4b:s9+s2], $0x240, $0x38;
	[tilespmem:$0xEF80] =	vst v63  }
0x2d: {  	_ =	swait.ge [sflag:s28], $0x240  }
0x2e: {  	[sflag:s28] =	ssyncset.done $0x0  }
0x2f: {  	s7 =	simm.s32 $0xF00;
	[sflag:s28] =	ssyncadd.s32 $0xFFFFFDC0  }
0x30: {  	[tilespmem:s7], [sflag:$0x1] =	stream.linear.gather [hbm4b:s10+s2], $0x240, $0x38;
	[tilespmem:$0xEF80] =	vst v63  }
0x31: {  	_ =	swait.ge [sflag:s28], $0x240  }
0x32: {  	[sflag:s28] =	ssyncset.done $0x0  }
0x33: {  	s23 =	simm.s32 $0x1180;
	[sflag:s28] =	ssyncadd.s32 $0xFFFFFDC0  }
0x34: {  	[tilespmem:s23], [sflag:$0x1] =	stream.linear.gather [hbm4b:s11+s2], $0x240, $0x38;
	[tilespmem:$0xEF80] =	vst v63  }
0x35: {  	_ =	swait.ge [sflag:s28], $0x240  }
0x36: {  	[sflag:s28] =	ssyncset.done $0x0  }
0x37: {  	s7 =	simm.s32 $0x1400;
	[sflag:s28] =	ssyncadd.s32 $0xFFFFFDC0  }
0x38: {  	[tilespmem:s7], [sflag:$0x1] =	stream.linear.gather [hbm4b:s12+s2], $0x240, $0x38;
	[tilespmem:$0xEF80] =	vst v63  }
0x39: {  	_ =	swait.ge [sflag:s28], $0x240  }
0x3a: {  	[sflag:s28] =	ssyncset.done $0x0  }
0x3b: {  	s23 =	simm.s32 $0x1680;
	[sflag:s28] =	ssyncadd.s32 $0xFFFFFDC0  }
0x3c: {  	[tilespmem:s23], [sflag:$0x1] =	stream.linear.gather [hbm4b:s3+s2], $0x240, $0x38;
	[tilespmem:$0xEF80] =	vst v63  }
0x3d: {  	_ =	swait.ge [sflag:s28], $0x240  }
0x3e: {  	[sflag:s28] =	ssyncset.done $0x0  }
0x3f: {  	s7 =	simm.s32 $0x1900;
	[sflag:s28] =	ssyncadd.s32 $0xFFFFFDC0  }
0x40: {  	[tilespmem:s7], [sflag:$0x1] =	stream.linear.gather [hbm4b:s13+s2], $0x240, $0x38;
	[tilespmem:$0xEF80] =	vst v63  }
0x41: {  	_ =	swait.ge [sflag:s28], $0x240  }
0x42: {  	[sflag:s28] =	ssyncset.done $0x0  }
0x43: {  	s23 =	simm.s32 $0x1B80;
	[sflag:s28] =	ssyncadd.s32 $0xFFFFFDC0  }
0x44: {  	[tilespmem:s23], [sflag:$0x1] =	stream.linear.gather [hbm4b:s14+s2], $0x240, $0x38;
	[tilespmem:$0xEF80] =	vst v63  }
0x45: {  	_ =	swait.ge [sflag:s28], $0x240  }
0x46: {  	[sflag:s28] =	ssyncset.done $0x0  }
0x47: {  	s7 =	simm.s32 $0x1E00;
	[sflag:s28] =	ssyncadd.s32 $0xFFFFFDC0  }
0x48: {  	[tilespmem:s7], [sflag:$0x1] =	stream.linear.gather [hbm4b:s15+s2], $0x240, $0x38;
	[tilespmem:$0xEF80] =	vst v63  }
0x49: {  	_ =	swait.ge [sflag:s28], $0x240  }
0x4a: {  	[sflag:s28] =	ssyncset.done $0x0  }
0x4b: {  	s23 =	simm.s32 $0x2080;
	[sflag:s28] =	ssyncadd.s32 $0xFFFFFDC0  }
0x4c: {  	[tilespmem:s23], [sflag:$0x1] =	stream.linear.gather [hbm4b:s16+s2], $0x240, $0x38;
	[tilespmem:$0xEF80] =	vst v63  }
0x4d: {  	_ =	swait.ge [sflag:s28], $0x240  }
0x4e: {  	[sflag:s28] =	ssyncset.done $0x0  }
0x4f: {  	s5 =	simm.s32 $0x0;
	[sflag:s28] =	ssyncadd.s32 $0xFFFFFDC0  }
.LBB2_2:
0x50: {  	p0 =	sne.s32 s5, $0xFFC0  }
.Ltmp0:
0x51: {  	_ = 	snop;
	(pc) =	sbr.rel @p0 .LBB2_2-.Ltmp0, $4  }
0x52: {  	s7 =	sshra.s32 s5, $0x2  }
0x53: {  	[tilespmem:s7+$0x2300] =	vst v0  }
0x54: {  	[tilespmem:s7+$0x6300] =	vst v0  }
0x55: {  	s5 =	sadd.s32 $0x40, s5;
	[tilespmem:s7+$0xA300] =	vst v0  }
0x56: {  	s5 =	simm.s32 $0x0;
	s23 =	smov.u32 s6  }
.LBB2_4:
0x57: {  	s7 =	sshra.s32 s5, $0x2  }
0x58: {  	v2 =	vld [tilespmem:s7+$0x1400]  }
0x59: {  	v6 =	vld [tilespmem:s7+$0x1680]  }
0x5a: {  	v5 =	vld [tilespmem:s7+$0xA00]  }
0x5b: {  	v7 =	vld [tilespmem:s7+$0x1900]  }
0x5c: {  	v8 =	vld [tilespmem:s7+$0x1B80]  }
0x5d: {  	v4 =	vld [tilespmem:s7+$0xC80];
	_ =	sdelay $0x2  }
0x5e: {  	v3 =	vshrl.u32 v2, $0x10  }
0x5f: {  	v9 =	vshrl.u32 v6, $0x10;
	v16 =	vmul.f32 $9.999999740e-05, v5;
	v11 =	vshrl.u32 v7, $0x10  }
0x60: {  	v12 =	vshrl.u32 v8, $0x10;
	v19 =	vmul.f32 $9.999999740e-05, v4;
	v3 =	vand.u32 $0x1, v3  }
0x61: {  	v9 =	vand.u32 $0x1, v9;
	v11 =	vand.u32 $0x1, v11;
	v2 =	vadd.s32 v3, v2  }
0x62: {  	v17 =	vand.u32 $0x1, v12;
	v6 =	vadd.s32 v9, v6;
	v10 =	vadd.s32 $0x7FFF, v2;
	v2 =	vld [tilespmem:s7+$0x1180]  }
0x63: {  	v3 =	vld [tilespmem:s7+$0xF00];
	v9 =	vadd.f32 $1.000000000e+00, v16;
	v7 =	vadd.s32 v11, v7;
	v8 =	vadd.s32 v17, v8  }
0x64: {  	v14 =	vshrl.u32 v19, $0x10;
	v6 =	vadd.s32 $0x7FFF, v6;
	v7 =	vadd.s32 $0x7FFF, v7  }
0x65: {  	v8 =	vadd.s32 $0x7FFF, v8;
	v14 =	vand.u32 $0x1, v14;
	v10 =	vand.u32 $0xFFFF0000, v10  }
0x66: {  	v6 =	vand.u32 $0xFFFF0000, v6;
	v18 =	vshrl.u32 v9, $0x10;
	v7 =	vand.u32 $0xFFFF0000, v7  }
0x67: {  	v8 =	vand.u32 $0xFFFF0000, v8;
	v12 =	vadd.s32 v14, v19;
	v13 =	vmul.f32 $9.999999740e-05, v2  }
0x68: {  	v11 =	vand.u32 $0x1, v18;
	v12 =	vadd.s32 $0x7FFF, v12;
	v20 =	vmul.f32 $9.999999740e-05, v3  }
0x69: {  	v9 =	vadd.s32 v11, v9;
	v12 =	vand.u32 $0xFFFF0000, v12;
	v13 =	vadd.f32 $1.000000000e+00, v13  }
0x6a: {  	v9 =	vadd.s32 $0x7FFF, v9;
	v23 =	vmul.f32 v7, v12;
	v15 =	vshrl.u32 v20, $0x10  }
0x6b: {  	v12 =	vmul.f32 v8, v12;
	v15 =	vand.u32 $0x1, v15;
	v21 =	vshrl.u32 v13, $0x10  }
0x6c: {  	v9 =	vand.u32 $0xFFFF0000, v9;
	v11 =	vadd.s32 v15, v20;
	v14 =	vand.u32 $0x1, v21  }
0x6d: {  	v22 =	vmul.f32 v10, v9;
	v11 =	vadd.s32 $0x7FFF, v11;
	v13 =	vadd.s32 v14, v13  }
0x6e: {  	v16 =	vmul.f32 v6, v9;
	v11 =	vand.u32 $0xFFFF0000, v11;
	v13 =	vadd.s32 $0x7FFF, v13  }
0x6f: {  	v10 =	vmul.f32 v10, v11;
	v6 =	vmul.f32 v6, v11;
	v13 =	vand.u32 $0xFFFF0000, v13  }
0x70: {  	v7 =	vmul.f32 v7, v13;
	v24 =	vmul.f32 v8, v13  }
0x71: {  	v9 =	vadd.f32 v23, v22;
	v8 =	vadd.f32 v12, v16  }
0x72: {  	v7 =	vadd.f32 v7, v10;
	v6 =	vadd.f32 v24, v6;
	_ =	sdelay $0x1  }
0x73: {  	v25 =	vadd.f32 v6, v9;
	v26 =	vsub.f32 v7, v8;
	_ =	sdelay $0x1  }
0x74: {  	v27 =	vmul.f32 v25, v25;
	v28 =	vmul.f32 v26, v26;
	_ =	sdelay $0x1  }
0x75: {  	v12 =	vadd.f32 v28, v27;
	_ =	sdelay $0x1  }
0x76: {  	v12 =	vmax.f32 v12, $1.000000000e-30  }
0x77: {  	v29 =	vshra.s32 v12, $0x1;
	v12 =	vmul.f32 $5.000000000e-01, v12  }
0x78: {  	v13 =	vsub.s32 $0x5F3759DF, v29  }
0x79: {  	v30 =	vmul.f32 v13, v12;
	_ =	sdelay $0x1  }
0x7a: {  	v14 =	vmul.f32 v13, v30;
	_ =	sdelay $0x1  }
0x7b: {  	v14 =	vsub.f32 $1.500000000e+00, v14;
	_ =	sdelay $0x1  }
0x7c: {  	v13 =	vmul.f32 v13, v14;
	_ =	sdelay $0x1  }
0x7d: {  	v14 =	vmul.f32 v13, v12;
	_ =	sdelay $0x1  }
0x7e: {  	v14 =	vmul.f32 v14, v13;
	_ =	sdelay $0x1  }
0x7f: {  	v14 =	vsub.f32 $1.500000000e+00, v14;
	_ =	sdelay $0x1  }
0x80: {  	v13 =	vmul.f32 v14, v13;
	_ =	sdelay $0x1  }
0x81: {  	v12 =	vmul.f32 v13, v12;
	_ =	sdelay $0x1  }
0x82: {  	v12 =	vmul.f32 v12, v13;
	_ =	sdelay $0x1  }
0x83: {  	v12 =	vsub.f32 $1.500000000e+00, v12;
	_ =	sdelay $0x1  }
0x84: {  	v12 =	vmul.f32 v12, v13  }
0x85: {  	v31 =	vsub.f32 v9, v6  }
0x86: {  	v32 =	vadd.f32 v8, v7;
	v18 =	vmul.f32 v12, v25;
	v20 =	vmul.f32 v12, v26;
	_ =	sdelay $0x1  }
0x87: {  	v12 =	vmul.f32 v18, v31;
	v13 =	vmul.f32 v20, v32;
	_ =	sdelay $0x1  }
0x88: {  	v33 =	vmul.f32 v18, v8;
	v34 =	vmul.f32 v20, v6;
	v12 =	vadd.f32 v13, v12;
	_ =	sdelay $0x1  }
0x89: {  	v35 =	vadd.f32 v34, v33;
	v12 =	vmul.f32 $5.000000000e-01, v12;
	_ =	sdelay $0x1  }
0x8a: {  	v15 =	vmul.f32 v35, v35;
	v36 =	vmul.f32 v12, v12;
	_ =	sdelay $0x1  }
0x8b: {  	v14 =	vadd.f32 v36, v15;
	_ =	sdelay $0x1  }
0x8c: {  	v37 =	vmax.f32 v14, $1.000000000e-30  }
0x8d: {  	v17 =	vshra.s32 v37, $0x1;
	v16 =	vmul.f32 $5.000000000e-01, v37  }
0x8e: {  	v17 =	vsub.s32 $0x5F3759DF, v17  }
0x8f: {  	v19 =	vmul.f32 v17, v16;
	_ =	sdelay $0x1  }
0x90: {  	v19 =	vmul.f32 v17, v19;
	_ =	sdelay $0x1  }
0x91: {  	v19 =	vsub.f32 $1.500000000e+00, v19;
	_ =	sdelay $0x1  }
0x92: {  	v17 =	vmul.f32 v17, v19;
	_ =	sdelay $0x1  }
0x93: {  	v19 =	vmul.f32 v17, v16;
	_ =	sdelay $0x1  }
0x94: {  	v19 =	vmul.f32 v19, v17;
	_ =	sdelay $0x1  }
0x95: {  	v19 =	vsub.f32 $1.500000000e+00, v19;
	_ =	sdelay $0x1  }
0x96: {  	v17 =	vmul.f32 v19, v17;
	_ =	sdelay $0x1  }
0x97: {  	v16 =	vmul.f32 v17, v16;
	_ =	sdelay $0x1  }
0x98: {  	v16 =	vmul.f32 v16, v17;
	_ =	sdelay $0x1  }
0x99: {  	v16 =	vsub.f32 $1.500000000e+00, v16;
	_ =	sdelay $0x1  }
0x9a: {  	v16 =	vmul.f32 v16, v17;
	_ =	sdelay $0x1  }
0x9b: {  	v14 =	vmul.f32 v16, v14;
	_ =	sdelay $0x1  }
0x9c: {  	v16 =	vsub.f32 v14, v12;
	v12 =	vadd.f32 v14, v12;
	_ =	sdelay $0x1  }
0x9d: {  	v38 =	vmul.f32 v16, v16;
	v39 =	vmul.f32 v12, v12;
	_ =	sdelay $0x1  }
0x9e: {  	v17 =	vadd.f32 v38, v15;
	v15 =	vadd.f32 v39, v15;
	_ =	sdelay $0x1  }
0x9f: {  	vm1 =	vge.f32 v17, v15  }
0xa0: {  	v15 =	vsel vm1, v35, v12;
	v13 =	vsel vm1, v16, v35  }
0xa1: {  	v12 =	vmul.f32 v15, v15;
	v16 =	vmul.f32 v13, v13;
	_ =	sdelay $0x1  }
0xa2: {  	v12 =	vadd.f32 v16, v12;
	_ =	sdelay $0x1  }
0xa3: {  	vm2 =	vlt.f32 v12, $1.000000000e-30  }
0xa4: {  	v12 =	vsel vm2, $0x3F800000, v12  }
0xa5: {  	v40 =	vshra.s32 v12, $0x1;
	v41 =	vmul.f32 $5.000000000e-01, v12  }
0xa6: {  	v43 =	vmax.f32 v14, $1.000000010e-07;
	v42 =	vsub.s32 $0x5F3759DF, v40  }
0xa7: {  	v21 =	vshra.s32 v43, $0x1;
	v22 =	vmul.f32 $5.000000000e-01, v43;
	v16 =	vmul.f32 v42, v41  }
0xa8: {  	v44 =	vsub.s32 $0x5F3759DF, v21  }
0xa9: {  	v21 =	vmul.f32 v44, v22;
	v16 =	vmul.f32 v42, v16;
	_ =	sdelay $0x1  }
0xaa: {  	v21 =	vmul.f32 v44, v21;
	v16 =	vsub.f32 $1.500000000e+00, v16  }
0xab: {  	v10 =	vmul.f32 v18, v25;
	v11 =	vmul.f32 v20, v26  }
0xac: {  	v45 =	vsub.f32 $1.500000000e+00, v21;
	v16 =	vmul.f32 v42, v16  }
0xad: {  	v10 =	vadd.f32 v11, v10  }
0xae: {  	v11 =	vld [tilespmem:s7+$0x2080];
	v23 =	vmul.f32 v44, v45;
	v46 =	vmul.f32 v16, v41  }
0xaf: {  	v10 =	vmul.f32 $5.000000000e-01, v10  }
0xb0: {  	v48 =	vmul.f32 v23, v22;
	v47 =	vmul.f32 v46, v16  }
0xb1: {  	v12 =	vadd.f32 v14, v10  }
0xb2: {  	v21 =	vmul.f32 v48, v23;
	v17 =	vsub.f32 $1.500000000e+00, v47  }
0xb3: {  	vm1 =	veq.s32 v11, $0x2;
	v24 =	vmax.f32 v12, $9.750000230e-01  }
0xb4: {  	v21 =	vsub.f32 $1.500000000e+00, v21;
	v49 =	vmin.f32 v24, $1.004500030e+00;
	v16 =	vmul.f32 v17, v16  }
0xb5: {  	v17 =	vsel vm1, v49, v12  }
0xb6: {  	v21 =	vmul.f32 v21, v23;
	v50 =	vmax.f32 v17, $1.000000000e-30;
	v19 =	vmul.f32 v16, v41  }
0xb7: {  	v5 =	vmul.f32 $1.525878910e-05, v5;
	v25 =	vshra.s32 v50, $0x1;
	v24 =	vmul.f32 $5.000000000e-01, v50  }
0xb8: {  	v22 =	vmul.f32 v21, v22;
	v51 =	vsub.s32 $0x5F3759DF, v25;
	v19 =	vmul.f32 v19, v16  }
0xb9: {  	v4 =	vmul.f32 $1.525878910e-05, v4;
	v25 =	vmul.f32 v51, v24  }
0xba: {  	v3 =	vmul.f32 $1.525878910e-05, v3;
	v22 =	vmul.f32 v22, v21;
	v19 =	vsub.f32 $1.500000000e+00, v19  }
0xbb: {  	v2 =	vmul.f32 $1.525878910e-05, v2;
	v25 =	vmul.f32 v51, v25  }
0xbc: {  	v10 =	vsub.f32 v10, v14;
	v22 =	vsub.f32 $1.500000000e+00, v22;
	v16 =	vmul.f32 v19, v16  }
0xbd: {  	v15 =	vsel vm2, $0x3F800000, v15;
	v52 =	vsel vm2, $0x0, v13;
	v25 =	vsub.f32 $1.500000000e+00, v25  }
0xbe: {  	v55 =	vmax.f32 v10, $9.750000230e-01;
	v53 =	vmul.f32 v22, v21;
	v13 =	vmul.f32 v16, v15  }
0xbf: {  	v56 =	vmin.f32 v55, $1.004500030e+00;
	v15 =	vmul.f32 v16, v52;
	v23 =	vmul.f32 v51, v25  }
0xc0: {  	v14 =	vsel vm1, v56, v10;
	v22 =	vmul.f32 v53, v53;
	v16 =	vld [tilespmem:s7+$0x1E00];
	v54 =	vmul.f32 v13, v20  }
0xc1: {  	v58 =	vmax.f32 v14, $1.000000000e-30;
	v19 =	vmul.f32 v15, v18;
	v57 =	vmul.f32 v23, v24  }
0xc2: {  	v26 =	vshra.s32 v58, $0x1;
	v18 =	vmul.f32 v13, v18;
	v20 =	vmul.f32 v15, v20  }
0xc3: {  	v26 =	vsub.s32 $0x5F3759DF, v26;
	v27 =	vadd.f32 v19, v54;
	v21 =	vmul.f32 v57, v23  }
0xc4: {  	v19 =	vmul.f32 $1.300000020e-08, v22;
	v22 =	vmul.f32 $5.000000000e-01, v58;
	v18 =	vsub.f32 v18, v20  }
0xc5: {  	v62 =	vsub.f32 $1.000000000e+00, v16;
	v59 =	vand.u32 $0x7FFFFFFF, v27;
	v21 =	vsub.f32 $1.500000000e+00, v21  }
0xc6: {  	v28 =	vmul.f32 v26, v22;
	v34 =	vshrl.u32 v18, $0x10;
	v25 =	vmul.f32 v59, v19  }
0xc7: {  	v39 =	vand.u32 $0x7FFFFFFF, v18;
	v50 =	vshrl.u32 v27, $0x10;
	v21 =	vmul.f32 v21, v23  }
0xc8: {  	v60 =	vmul.f32 v26, v28;
	v28 =	vmul.f32 $1.000000000e+01, v62;
	v25 =	vmax.f32 v25, $9.999999960e-13  }
0xc9: {  	v29 =	vshra.s32 v25, $0x1;
	v30 =	vmul.f32 $5.000000000e-01, v25;
	v24 =	vmul.f32 v21, v24  }
0xca: {  	v23 =	vsub.f32 $1.500000000e+00, v60;
	v32 =	vmul.f32 $1.442695020e+00, v28;
	v61 =	vsub.s32 $0x5F3759DF, v29  }
0xcb: {  	v36 =	vand.u32 $0x1, v34;
	v28 =	vmul.f32 v39, v19;
	v29 =	vmul.f32 v61, v30  }
0xcc: {  	v37 =	vadd.s32 v36, v18;
	v23 =	vmul.f32 v26, v23;
	v24 =	vmul.f32 v24, v21  }
0xcd: {  	v62 =	vshrl.u32 v13, $0x10;
	(erf) = vpow2.f32 v32;
	v29 =	vmul.f32 v61, v29  }
0xce: {  	v28 =	vmax.f32 v28, $9.999999960e-13;
	v33 =	vmul.f32 v23, v22;
	v24 =	vsub.f32 $1.500000000e+00, v24  }
0xcf: {  	v42 =	vshra.s32 v28, $0x1;
	v43 =	vmul.f32 $5.000000000e-01, v28;
	v63 =	vsub.f32 $1.500000000e+00, v29  }
0xd0: {  	v35 =	vmul.f32 v33, v23;
	v24 =	vmul.f32 v24, v21;
	v21 =	vadd.s32 $0x7FFF, v37  }
0xd1: {  	v45 =	vsub.s32 $0x5F3759DF, v42;
	v40 =	vand.u32 $0x7F800000, v21;
	v20 =	vmul.f32 v61, v63  }
0xd2: {  	v21 =	vand.u32 $0xFFFF0000, v21;
	v25 =	vsub.f32 $1.500000000e+00, v35;
	v41 =	vmul.f32 $7.812500000e-03, v40  }
0xd3: {  	v47 =	vmul.f32 v45, v43;
	v28 =	vsub.f32 v18, v21;
	v38 =	vmul.f32 v20, v30  }
0xd4: {  	v24 =	vmul.f32 v24, v24;
	v31 =	vmul.f32 v25, v23;
	v25 =	vmax.f32 v41, $9.999999960e-13  }
0xd5: {  	v32 =	vand.u32 $0x7FFFFFFF, v28;
	v23 =	vand.u32 $0x7FFFFFFF, v15;
	v26 =	vmul.f32 v38, v20  }
0xd6: {  	v12 =	vmul.f32 v24, v12;
	vm2 =	vlt.f32 v28, $0.0e+00;
	v46 =	vmul.f32 $5.000000000e-01, v25  }
0xd7: {  	v34 =	vmul.f32 v23, v19;
	v22 =	vmul.f32 v31, v22;
	v26 =	vsub.f32 $1.500000000e+00, v26  }
0xd8: {  	vm3 =	vgt.f32 v28, $0.0e+00;
	v12 =	vmul.f32 v12, v16;
	v16 =	vmul.f32 v14, v17  }
0xd9: {  	vm2 =	vmor vm3, vm2;
	v44 =	vmul.f32 v26, v20;
	v26 =	vmul.f32 v45, v47  }
0xda: {  	v32 =	vsub.f32 v46, v32;
	v52 =	vmax.f32 v34, $9.999999960e-13;
	v46 =	vshrl.u32 v15, $0x10  }
0xdb: {  	v34 =	vshra.s32 v52, $0x1;
	v30 =	vmul.f32 v44, v30;
	v26 =	vsub.f32 $1.500000000e+00, v26  }
0xdc: {  	v35 =	vmul.f32 $5.000000000e-01, v52;
	v49 =	vmax.f32 v32, $0.0e+00;
	v32 =	vand.u32 $0x1, v50  }
0xdd: {  	v34 =	vsub.s32 $0x5F3759DF, v34;
	v48 =	vmul.f32 v30, v44;
	v20 =	vmul.f32 v45, v26  }
0xde: {  	v33 =	vmul.f32 v22, v31;
	v51 =	vadd.s32 v32, v27;
	v37 =	vmul.f32 v34, v35  }
0xdf: {  	v26 =	vand.u32 $0x7FFFFFFF, v13;
	v22 =	vsub.f32 $1.500000000e+00, v48;
	v53 =	vmul.f32 v20, v43  }
0xe0: {  	v55 =	vmul.f32 v34, v37;
	v30 =	vsub.f32 $0.0e+00, v49;
	v56 =	vmul.f32 v26, v19  }
0xe1: {  	v18 =	vmul.f32 v22, v44;
	v22 =	vadd.s32 $0x7FFF, v51;
	v32 =	vmul.f32 v53, v20  }
0xe2: {  	v58 =	vmax.f32 v56, $9.999999960e-13;
	v53 =	vsub.f32 $1.500000000e+00, v33;
	v36 =	vand.u32 $0x7F800000, v22  }
0xe3: {  	v18 =	vmul.f32 v18, v18;
	v54 =	vmul.f32 $7.812500000e-03, v36;
	v32 =	vsub.f32 $1.500000000e+00, v32  }
0xe4: {  	v57 =	vsub.f32 $1.500000000e+00, v55;
	v59 =	vshra.s32 v58, $0x1;
	v24 =	vmul.f32 v53, v31  }
0xe5: {  	v18 =	vmul.f32 v18, v30;
	v30 =	vmax.f32 v54, $9.999999960e-13;
	v20 =	vmul.f32 v32, v20  }
0xe6: {  	v32 =	vmul.f32 $5.000000000e-01, v58;
	v58 =	vand.u32 $0x80000000, v28;
	v60 =	vmul.f32 $5.000000000e-01, v30  }
0xe7: {  	v33 =	vor.u32 v58, v1;
	v38 =	vmul.f32 $1.442695020e+00, v18;
	v18 =	vand.u32 $0xFFFF0000, v22  }
0xe8: {  	v29 =	vmul.f32 v20, v43;
	v36 =	vsub.f32 v27, v18;
	v27 =	vsub.s32 $0x5F3759DF, v59  }
0xe9: {  	v22 =	vmul.f32 v34, v57;
	v28 =	vsel vm2, v33, v28;
	v61 =	vmul.f32 v27, v32  }
0xea: {  	v29 =	vmul.f32 v29, v20;
	(erf) = vpow2.f32 v38;
	v38 =	vand.u32 $0x1, v62  }
0xeb: {  	v40 =	vmul.f32 v22, v35;
	v39 =	vand.u32 $0x7FFFFFFF, v36;
	v41 =	vadd.s32 v38, v13  }
0xec: {  	vm2 =	vlt.f32 v36, $0.0e+00;
	vm3 =	vgt.f32 v36, $0.0e+00;
	v34 =	vsub.f32 v60, v39  }
0xed: {  	v37 =	vmul.f32 v27, v61;
	v29 =	vsub.f32 $1.500000000e+00, v29;
	v63 =	vmul.f32 v40, v22  }
0xee: {  	v39 =	vand.u32 $0x1, v46;
	v60 =	vmul.f32 v19, v17;
	vm2 =	vmor vm3, vm2  }
0xef: {  	v19 =	vmul.f32 v19, v14;
	v39 =	vadd.s32 v39, v15;
	v34 =	vmax.f32 v34, $0.0e+00  }
0xf0: {  	v37 =	vsub.f32 $1.500000000e+00, v37;
	v20 =	vmul.f32 v29, v20;
	v42 =	vsub.f32 $1.500000000e+00, v63  }
0xf1: {  	v29 =	vadd.s32 $0x7FFF, v41;
	v39 =	vadd.s32 $0x7FFF, v39;
	v62 =	vmul.f32 v23, v60  }
0xf2: {  	v63 =	vand.u32 $0x80000000, v36;
	v53 =	vmul.f32 v26, v60;
	v26 =	vmul.f32 v26, v19  }
0xf3: {  	v19 =	vmul.f32 v23, v19;
	v34 =	vsub.f32 $0.0e+00, v34;
	v43 =	vand.u32 $0x7F800000, v29  }
0xf4: {  	v48 =	vand.u32 $0x7F800000, v39;
	v27 =	vmul.f32 v27, v37;
	v20 =	vmul.f32 v20, v20  }
0xf5: {  	v22 =	vmul.f32 v42, v22;
	v37 =	vmul.f32 $7.812500000e-03, v43;
	v42 =	vmax.f32 v62, $9.999999960e-13  }
0xf6: {  	v43 =	vor.u32 v63, v1;
	v26 =	vmax.f32 v26, $9.999999960e-13;
	v44 =	vmul.f32 v27, v32  }
0xf7: {  	v34 =	vmul.f32 v20, v34;
	v35 =	vmul.f32 v22, v35;
	v20 =	vand.u32 $0xFFFF0000, v29  }
0xf8: {  	v29 =	vmax.f32 v37, $9.999999960e-13;
	v38 =	vsub.f32 v13, v20;
	v45 =	vmul.f32 v44, v27  }
0xf9: {  	v19 =	vmax.f32 v19, $9.999999960e-13;
	v47 =	vmul.f32 $5.000000000e-01, v29;
	v35 =	vmul.f32 v35, v22  }
0xfa: {  	v34 =	vmul.f32 $1.442695020e+00, v34;
	v41 =	vand.u32 $0x7FFFFFFF, v38;
	v37 =	vsub.f32 $1.500000000e+00, v45  }
0xfb: {  	vm3 =	vgt.f32 v38, $0.0e+00;
	v35 =	vsub.f32 $1.500000000e+00, v35;
	v40 =	vsub.f32 v47, v41  }
0xfc: {  	(erf) = vpow2.f32 v34;
	v45 =	vsel vm2, v43, v36;
	v27 =	vmul.f32 v37, v27  }
0xfd: {  	vm2 =	vlt.f32 v38, $0.0e+00;
	v22 =	vmul.f32 v35, v22;
	v35 =	vmul.f32 $7.812500000e-03, v48  }
0xfe: {  	v49 =	vmax.f32 v40, $0.0e+00;
	v40 =	vmul.f32 $5.000000000e-01, v42;
	v32 =	vmul.f32 v27, v32  }
0xff: {  	v37 =	vsub.f32 $0.0e+00, v49;
	v50 =	vmul.f32 v22, v22;
	v22 =	vand.u32 $0xFFFF0000, v39  }
0x100: {  	v35 =	vmax.f32 v35, $9.999999960e-13;
	v39 =	vsub.f32 v15, v22;
	v32 =	vmul.f32 v32, v27  }
0x101: {  	vm2 =	vmor vm3, vm2;
	v51 =	vmul.f32 $5.000000000e-01, v35;
	v37 =	vmul.f32 v50, v37  }
0x102: {  	v48 =	vand.u32 $0x80000000, v38;
	v52 =	vand.u32 $0x7FFFFFFF, v39;
	v32 =	vsub.f32 $1.500000000e+00, v32  }
0x103: {  	v54 =	vsub.f32 v51, v52;
	v55 =	vmul.f32 $1.442695020e+00, v37;
	v37 =	vshra.s32 v42, $0x1  }
0x104: {  	vm3 =	vgt.f32 v39, $0.0e+00;
	v44 =	vsub.s32 $0x5F3759DF, v37;
	v27 =	vmul.f32 v32, v27  }
0x105: {  	v56 =	vmax.f32 v54, $0.0e+00;
	(erf) = vpow2.f32 v55;
	v47 =	vmul.f32 v44, v40  }
0x106: {  	v51 =	vmul.f32 v13, v17;
	v57 =	vsub.f32 $0.0e+00, v56;
	v32 =	vmul.f32 v27, v27  }
0x107: {  	v42 =	vshra.s32 v19, $0x1;
	v19 =	vmul.f32 $5.000000000e-01, v19;
	v36 =	vmul.f32 v44, v47  }
0x108: {  	v13 =	vmul.f32 v13, v14;
	v42 =	vsub.s32 $0x5F3759DF, v42;
	v27 =	vpop (erf);
	v31 =	vmul.f32 v32, v57  }
0x109: {  	v54 =	vand.u32 $0x80000000, v39;
	v55 =	vshrl.u32 v51, $0x10;
	v50 =	vsub.f32 $1.500000000e+00, v36;
	v59 =	vpop (erf)  }
0x10a: {  	v27 =	vmax.f32 v27, $1.000000010e-01;
	v34 =	vmul.f32 $5.000000000e-01, v59;
	v61 =	vpop (erf);
	v31 =	vmul.f32 $1.442695020e+00, v31  }
0x10b: {  	v32 =	vor.u32 v54, v1;
	v27 =	vmin.f32 v27, $5.000000000e+00;
	v33 =	vmul.f32 $5.000000000e-01, v61  }
0x10c: {  	v25 =	vmul.f32 v34, v25;
	(erf) = vpow2.f32 v31;
	v34 =	vand.u32 $0x1, v55  }
0x10d: {  	v55 =	vshra.s32 v26, $0x1;
	v26 =	vmul.f32 $5.000000000e-01, v26;
	v30 =	vmul.f32 v33, v30  }
0x10e: {  	v46 =	vpop (erf);
	v33 =	vor.u32 v48, v1;
	v58 =	vadd.s32 v34, v51;
	v25 =	vmul.f32 v25, v28  }
0x10f: {  	v31 =	vmul.f32 $5.000000000e-01, v46;
	v49 =	vsel vm2, v33, v38;
	vm2 =	vlt.f32 v39, $0.0e+00  }
0x110: {  	v46 =	vmul.f32 v15, v17;
	v15 =	vmul.f32 v15, v14;
	vm2 =	vmor vm3, vm2  }
0x111: {  	v31 =	vmul.f32 v31, v29;
	v29 =	vmul.f32 v30, v45;
	v21 =	vadd.f32 v21, v25  }
0x112: {  	v30 =	vmul.f32 v44, v50;
	v32 =	vsel vm2, v32, v39;
	vm2 =	veq.s32 v11, $0x1  }
0x113: {  	v15 =	vsub.f32 $0.0e+00, v15;
	v27 =	vsel vm2, $0x3E99999A, v27;
	v28 =	vmul.f32 v31, v49  }
0x114: {  	v56 =	vmul.f32 v30, v40;
	v31 =	vmax.f32 v53, $9.999999960e-13;
	v49 =	vshrl.u32 v46, $0x10  }
0x115: {  	v18 =	vadd.f32 v18, v29;
	v57 =	vshra.s32 v31, $0x1;
	v38 =	vmul.f32 $5.000000000e-01, v31  }
0x116: {  	v31 =	vadd.s32 $0x7FFF, v58;
	v36 =	vand.u32 $0x1, v49;
	v49 =	vshrl.u32 v13, $0x10  }
0x117: {  	v59 =	vmul.f32 v56, v30;
	v60 =	vsub.s32 $0x5F3759DF, v57;
	v61 =	vand.u32 $0x7F800000, v31  }
0x118: {  	v36 =	vadd.s32 v36, v46;
	v56 =	vsub.s32 $0x5F3759DF, v55;
	v52 =	vpop (erf);
	v37 =	vmul.f32 v60, v38  }
0x119: {  	v20 =	vadd.f32 v20, v28;
	v25 =	vmul.f32 $5.000000000e-01, v52;
	v34 =	vsub.f32 $1.500000000e+00, v59  }
0x11a: {  	v41 =	vmul.f32 $7.812500000e-03, v61;
	v52 =	vadd.s32 $0x7FFF, v36;
	v37 =	vmul.f32 v60, v37  }
0x11b: {  	v35 =	vmul.f32 v25, v35;
	v25 =	vand.u32 $0xFFFF0000, v31;
	v34 =	vmul.f32 v34, v30  }
0x11c: {  	v31 =	vmax.f32 v41, $9.999999960e-13;
	v30 =	vsub.f32 v51, v25;
	v62 =	vsub.f32 $1.500000000e+00, v37  }
0x11d: {  	v53 =	vand.u32 $0x7F800000, v52;
	v63 =	vmul.f32 $5.000000000e-01, v31;
	v44 =	vmul.f32 v34, v40  }
0x11e: {  	v32 =	vmul.f32 v35, v32;
	v45 =	vand.u32 $0x7FFFFFFF, v30;
	v33 =	vmul.f32 v60, v62  }
0x11f: {  	v60 =	vmul.f32 v42, v19;
	vm2 =	vlt.f32 v30, $0.0e+00;
	vm3 =	vgt.f32 v30, $0.0e+00  }
0x120: {  	v47 =	vsub.f32 v63, v45;
	v48 =	vmul.f32 v44, v34;
	v45 =	vshrl.u32 v15, $0x10  }
0x121: {  	v22 =	vadd.f32 v22, v32;
	vm2 =	vmor vm3, vm2;
	v50 =	vmul.f32 v33, v38  }
0x122: {  	v62 =	vmul.f32 v42, v60;
	v17 =	vmax.f32 v47, $0.0e+00;
	v35 =	vsub.f32 $1.500000000e+00, v48  }
0x123: {  	v39 =	vand.u32 $0x1, v45;
	v37 =	vmul.f32 v50, v33;
	v51 =	vsub.f32 $0.0e+00, v17  }
0x124: {  	v17 =	vand.u32 $0xFFFF0000, v52;
	v44 =	vsub.f32 $1.500000000e+00, v62;
	v34 =	vmul.f32 v35, v34  }
0x125: {  	v35 =	vmul.f32 $7.812500000e-03, v53;
	v54 =	vsub.f32 $1.500000000e+00, v37;
	v37 =	vmul.f32 v56, v26  }
0x126: {  	v57 =	vmul.f32 v34, v34;
	v34 =	vsub.f32 v46, v17;
	v46 =	vmul.f32 v42, v44  }
0x127: {  	v47 =	vadd.s32 v39, v15;
	v33 =	vmul.f32 v54, v33;
	v37 =	vmul.f32 v56, v37  }
0x128: {  	v35 =	vmax.f32 v35, $9.999999960e-13;
	v23 =	vmul.f32 v57, v51;
	v50 =	vmul.f32 v46, v19  }
0x129: {  	v58 =	vmul.f32 $5.000000000e-01, v35;
	v38 =	vmul.f32 v33, v38;
	v37 =	vsub.f32 $1.500000000e+00, v37  }
0x12a: {  	v41 =	vand.u32 $0x7FFFFFFF, v34;
	v23 =	vmul.f32 $1.442695020e+00, v23;
	v39 =	vmul.f32 v50, v46  }
0x12b: {  	v59 =	vsub.f32 v58, v41;
	v38 =	vmul.f32 v38, v33;
	v36 =	vmul.f32 v56, v37  }
0x12c: {  	v52 =	vand.u32 $0x1, v49;
	v50 =	vmul.f32 v21, v20;
	v20 =	vmul.f32 v18, v20  }
0x12d: {  	v61 =	vmax.f32 v59, $0.0e+00;
	v38 =	vsub.f32 $1.500000000e+00, v38;
	v63 =	vmul.f32 v36, v26  }
0x12e: {  	v37 =	vadd.s32 v52, v13;
	(erf) = vpow2.f32 v23;
	v43 =	vsub.f32 $0.0e+00, v61  }
0x12f: {  	v37 =	vadd.s32 $0x7FFF, v37;
	v33 =	vmul.f32 v38, v33;
	v38 =	vmul.f32 v63, v36  }
0x130: {  	v39 =	vsub.f32 $1.500000000e+00, v39;
	v61 =	vmax.f32 v16, $1.000000000e-30;
	v54 =	vand.u32 $0x7F800000, v37  }
0x131: {  	v37 =	vand.u32 $0xFFFF0000, v37;
	v33 =	vmul.f32 v33, v33;
	v48 =	vsub.f32 $1.500000000e+00, v38  }
0x132: {  	v62 =	vshra.s32 v61, $0x1;
	v40 =	vmul.f32 $7.812500000e-03, v54;
	v14 =	vmul.f32 v39, v46  }
0x133: {  	v23 =	vmul.f32 v33, v43;
	v33 =	vadd.s32 $0x7FFF, v47;
	v36 =	vmul.f32 v48, v36  }
0x134: {  	v54 =	vmul.f32 v18, v22;
	v22 =	vmul.f32 v21, v22;
	v51 =	vand.u32 $0x7F800000, v33  }
0x135: {  	v39 =	vmax.f32 v40, $9.999999960e-13;
	v53 =	vmul.f32 $7.812500000e-03, v51;
	v26 =	vmul.f32 v36, v26  }
0x136: {  	v19 =	vmul.f32 v14, v19;
	v57 =	vmul.f32 $5.000000000e-01, v39;
	v33 =	vand.u32 $0xFFFF0000, v33  }
0x137: {  	v15 =	vsub.f32 v15, v33;
	v38 =	vmax.f32 v53, $9.999999960e-13;
	v26 =	vmul.f32 v26, v36  }
0x138: {  	v40 =	vsub.f32 v13, v37;
	v19 =	vmul.f32 v19, v14;
	v55 =	vmul.f32 $5.000000000e-01, v38  }
0x139: {  	v23 =	vmul.f32 $1.442695020e+00, v23;
	v56 =	vand.u32 $0x7FFFFFFF, v15;
	v26 =	vsub.f32 $1.500000000e+00, v26  }
0x13a: {  	v58 =	vand.u32 $0x7FFFFFFF, v40;
	v19 =	vsub.f32 $1.500000000e+00, v19;
	v13 =	vsub.f32 v55, v56  }
0x13b: {  	(erf) = vpow2.f32 v23;
	v26 =	vmul.f32 v26, v36;
	v36 =	vsub.f32 v57, v58  }
0x13c: {  	v14 =	vmul.f32 v19, v14;
	v23 =	vmul.f32 $5.000000000e-01, v61;
	v13 =	vmax.f32 v13, $0.0e+00  }
0x13d: {  	v13 =	vsub.f32 $0.0e+00, v13;
	v59 =	vmul.f32 v26, v26;
	v36 =	vmax.f32 v36, $0.0e+00  }
0x13e: {  	v14 =	vmul.f32 v14, v14;
	v60 =	vsub.f32 $0.0e+00, v36;
	v36 =	vsub.s32 $0x5F3759DF, v62  }
0x13f: {  	vm3 =	vgt.f32 v34, $0.0e+00;
	v13 =	vmul.f32 v59, v13;
	v44 =	vmul.f32 v36, v23  }
0x140: {  	v52 =	vand.u32 $0x80000000, v34;
	v26 =	vmul.f32 $2.083333250e+03, v27;
	v14 =	vmul.f32 v14, v60  }
0x141: {  	v28 =	vor.u32 v52, v1;
	v63 =	vmul.f32 $1.442695020e+00, v13;
	v19 =	vmul.f32 v36, v44  }
0x142: {  	v46 =	vand.u32 $0x80000000, v30;
	v27 =	vmul.f32 $1.388888920e+03, v27;
	v14 =	vmul.f32 $1.442695020e+00, v14  }
0x143: {  	v45 =	vpop (erf);
	v13 =	vmul.f32 v24, v24;
	(erf) = vpow2.f32 v63;
	v47 =	vsub.f32 $1.500000000e+00, v19  }
0x144: {  	v48 =	vor.u32 v46, v1;
	v49 =	vpop (erf);
	v24 =	vmul.f32 $5.000000000e-01, v45;
	(erf) = vpow2.f32 v14  }
0x145: {  	v56 =	vand.u32 $0x80000000, v15;
	v51 =	vmul.f32 $5.000000000e-01, v49;
	v14 =	vmul.f32 v36, v47  }
0x146: {  	v59 =	vand.u32 $0x80000000, v40;
	v44 =	vmul.f32 v16, v27;
	v24 =	vmul.f32 v24, v31  }
0x147: {  	v19 =	vsel vm2, v48, v30;
	vm2 =	vlt.f32 v34, $0.0e+00;
	v53 =	vmul.f32 v14, v23  }
0x148: {  	v10 =	vmul.f32 v13, v10;
	vm2 =	vmor vm3, vm2;
	vm3 =	vgt.f32 v15, $0.0e+00  }
0x149: {  	v19 =	vmul.f32 v24, v19;
	v28 =	vsel vm2, v28, v34;
	v30 =	vmul.f32 v53, v14  }
0x14a: {  	v24 =	vmul.f32 v51, v35;
	vm2 =	vlt.f32 v15, $0.0e+00;
	v34 =	vor.u32 v56, v1  }
0x14b: {  	vm2 =	vmor vm3, vm2;
	vm3 =	vgt.f32 v40, $0.0e+00;
	v30 =	vsub.f32 $1.500000000e+00, v30  }
0x14c: {  	v15 =	vsel vm2, v34, v15;
	v60 =	vmul.f32 v24, v28;
	v19 =	vadd.f32 v25, v19;
	v55 =	vpop (erf)  }
0x14d: {  	vm2 =	vlt.f32 v40, $0.0e+00;
	v32 =	vmul.f32 $5.000000000e-01, v55;
	v57 =	vpop (erf);
	v14 =	vmul.f32 v30, v14  }
0x14e: {  	vm2 =	vmor vm3, vm2;
	v63 =	vmul.f32 v21, v19;
	v58 =	vmul.f32 $5.000000000e-01, v57  }
0x14f: {  	v25 =	vld [tilespmem:s7+$0x280];
	v30 =	vor.u32 v59, v1;
	v32 =	vmul.f32 v32, v38;
	v23 =	vmul.f32 v14, v23  }
0x150: {  	v30 =	vsel vm2, v30, v40;
	vm2 =	veq.s32 v11, $0x0;
	v34 =	vmul.f32 v58, v39  }
0x151: {  	v11 =	vadd.f32 v17, v60;
	v15 =	vmul.f32 v32, v15;
	v23 =	vmul.f32 v23, v14  }
0x152: {  	v19 =	vmul.f32 v18, v19;
	v40 =	vadd.f32 v26, v26;
	v61 =	vmul.f32 v34, v30  }
0x153: {  	v35 =	vmul.f32 v21, v11;
	v15 =	vadd.f32 v33, v15;
	v23 =	vsub.f32 $1.500000000e+00, v23  }
0x154: {  	v11 =	vmul.f32 v18, v11;
	v30 =	vmul.f32 $1.280000000e+02, v25;
	v62 =	vadd.f32 v37, v61  }
0x155: {  	v34 =	vadd.f32 v54, v50;
	v33 =	vmul.f32 v18, v15;
	v14 =	vmul.f32 v23, v14  }
0x156: {  	v37 =	vsub.f32 v22, v20;
	v15 =	vmul.f32 v21, v15;
	v36 =	vmul.f32 v18, v62  }
0x157: {  	v20 =	vsub.f32 v20, v22;
	v17 =	vmul.f32 v21, v62;
	v38 =	vsub.f32 v63, v33  }
0x158: {  	v14 =	vmul.f32 v14, v16;
	v15 =	vadd.f32 v15, v19;
	v39 =	vsub.f32 v35, v36  }
0x159: {  	v32 =	vadd.f32 $-5.000000000e-01, v30;
	v11 =	vadd.f32 v17, v11;
	v9 =	vsel vm1, v38, v9  }
0x15a: {  	v7 =	vsel vm1, v15, v7;
	v9 =	vsel vm2, v14, v9;
	v8 =	vsel vm1, v39, v8  }
0x15b: {  	v7 =	vsel vm2, $0x0, v7;
	v6 =	vsel vm1, v11, v6;
	v8 =	vsel vm2, $0x0, v8  }
0x15c: {  	v41 =	vsub.f32 v9, v34;
	v6 =	vsel vm2, v14, v6;
	v20 =	vsub.f32 v7, v20  }
0x15d: {  	v50 =	vshrl.u32 v9, $0x10;
	v53 =	vshrl.u32 v7, $0x10;
	v43 =	vsub.f32 v8, v37  }
0x15e: {  	v49 =	vsub.f32 v6, v34;
	v19 =	vand.u32 $0x1, v50;
	v52 =	vshrl.u32 v8, $0x10  }
0x15f: {  	v22 =	vand.u32 $0x1, v53;
	v54 =	vshrl.u32 v6, $0x10;
	v45 =	vshrl.u32 v41, $0x10  }
0x160: {  	v48 =	vshrl.u32 v20, $0x10;
	v19 =	vadd.s32 v19, v9;
	v21 =	vand.u32 $0x1, v52  }
0x161: {  	v22 =	vadd.s32 v22, v7;
	v23 =	vand.u32 $0x1, v54;
	v18 =	vand.u32 $0x1, v45  }
0x162: {  	v46 =	vshrl.u32 v43, $0x10;
	v17 =	vand.u32 $0x1, v48;
	v51 =	vshrl.u32 v49, $0x10  }
0x163: {  	v19 =	vadd.s32 $0x7FFF, v19;
	v21 =	vadd.s32 v21, v8;
	v23 =	vadd.s32 v23, v6  }
0x164: {  	v57 =	vadd.s32 $0x7FFF, v22;
	v11 =	vadd.s32 v18, v41;
	v47 =	vand.u32 $0x1, v46  }
0x165: {  	v17 =	vadd.s32 v17, v20;
	v20 =	vand.u32 $0x1, v51;
	v19 =	vand.u32 $0xFFFF0000, v19  }
0x166: {  	v21 =	vadd.s32 $0x7FFF, v21;
	v58 =	vadd.s32 $0x7FFF, v23;
	v11 =	vadd.s32 $0x7FFF, v11  }
0x167: {  	v15 =	vadd.s32 v47, v43;
	v17 =	vadd.s32 $0x7FFF, v17;
	v21 =	vand.u32 $0xFFFF0000, v21  }
0x168: {  	v18 =	vadd.s32 v20, v49;
	v20 =	vand.u32 $0xFFFF0000, v57;
	v22 =	vand.u32 $0xFFFF0000, v58  }
0x169: {  	v11 =	vand.u32 $0xFFFF0000, v11;
	v15 =	vadd.s32 $0x7FFF, v15;
	v18 =	vadd.s32 $0x7FFF, v18  }
0x16a: {  	v17 =	vand.u32 $0xFFFF0000, v17;
	v55 =	vmul.f32 v11, v19;
	v11 =	vmul.f32 v11, v20  }
0x16b: {  	v63 =	vld [tilespmem:s7+$0x0];
	v15 =	vand.u32 $0xFFFF0000, v15;
	v60 =	vmul.f32 v17, v19;
	v17 =	vmul.f32 v17, v20  }
0x16c: {  	v18 =	vand.u32 $0xFFFF0000, v18;
	v56 =	vmul.f32 v15, v21;
	v15 =	vmul.f32 v15, v22  }
0x16d: {  	v16 =	vadd.f32 $-1.000000000e+00, v16;
	v61 =	vmul.f32 v18, v21;
	v18 =	vmul.f32 v18, v22  }
0x16e: {  	v42 =	vsel vm2, $0x0, v40;
	v33 =	vtrunc.f32 v32;
	v59 =	vadd.f32 v56, v55  }
0x16f: {  	v16 =	vmul.f32 v16, v44;
	v11 =	vadd.f32 v15, v11;
	v17 =	vadd.f32 v18, v17  }
0x170: {  	v27 =	vmul.f32 $1.280000000e+02, v63;
	v23 =	vmul.f32 v59, v42  }
0x171: {  	v11 =	vmul.f32 v11, v42;
	v14 =	vmul.f32 v17, v42  }
0x172: {  	v15 =	vmul.f32 v12, v10;
	v17 =	vcvt.f32.s32 v33;
	v62 =	vadd.f32 v23, v16  }
0x173: {  	v23 =	vadd.f32 v61, v60;
	v11 =	vmul.f32 $9.999999740e-05, v11;
	v26 =	vadd.f32 v14, v16  }
0x174: {  	vm1 =	vmmov vm0;
	v38 =	vcvt.s32.f32 v17;
	v24 =	vmul.f32 $9.999999740e-05, v62  }
0x175: {  	p0 =	slt.u32 s23, $0x4650;
	v29 =	vadd.f32 $-5.000000000e-01, v27;
	v13 =	vmul.f32 v23, v42;
	v10 =	vmul.f32 $9.999999740e-05, v26  }
0x176: {  	vm1 =	vmneg @p0 vm1;
	v4 =	vsub.f32 v4, v11;
	v18 =	vsub.f32 v30, v38  }
0x177: {  	v5 =	vsub.f32 v5, v24;
	v13 =	vmul.f32 $9.999999740e-05, v13;
	v10 =	vsub.f32 v2, v10  }
0x178: {  	v31 =	vshrl.u32 v4, $0x10;
	v43 =	vsub.f32 $0.0e+00, v18;
	v45 =	vadd.f32 $-5.000000000e-01, v18  }
0x179: {  	v48 =	vadd.f32 $-1.000000000e+00, v18;
	v59 =	vsub.f32 $1.000000000e+00, v18;
	v14 =	vand.u32 $0x1, v31  }
0x17a: {  	v3 =	vsub.f32 v3, v13;
	v28 =	vshrl.u32 v5, $0x10;
	v13 =	vtrunc.f32 v29  }
0x17b: {  	v4 =	vadd.s32 v14, v4;
	v36 =	vshrl.u32 v10, $0x10;
	v49 =	vmul.f32 $7.812500000e-03, v43  }
0x17c: {  	v52 =	vmul.f32 v48, v48;
	v26 =	vmul.f32 $7.812500000e-03, v59;
	v11 =	vand.u32 $0x1, v28  }
0x17d: {  	v13 =	vcvt.f32.s32 v13;
	v4 =	vadd.s32 $0x7FFF, v4;
	v37 =	vand.u32 $0x1, v36  }
0x17e: {  	v50 =	vld [tilespmem:s7+$0x780];
	v5 =	vadd.s32 v11, v5;
	v16 =	vand.u32 $0xFFFF0000, v4;
	v35 =	vshrl.u32 v3, $0x10  }
0x17f: {  	v53 =	vshrl.u32 v49, $0x10;
	v63 =	vshrl.u32 v26, $0x10;
	v5 =	vadd.s32 $0x7FFF, v5  }
0x180: {  	v34 =	vcvt.s32.f32 v13;
	v4 =	vand.u32 $0x1, v35;
	v55 =	vand.u32 $0x1, v53  }
0x181: {  	v13 =	vshll.u32 v13, $0x7;
	v30 =	vand.u32 $0x1, v63;
	v2 =	vand.u32 $0xFFFF0000, v5  }
0x182: {  	v3 =	vadd.s32 v4, v3;
	v4 =	vadd.s32 v37, v10;
	v57 =	vadd.s32 v55, v49  }
0x183: {  	v5 =	vmul.f32 $1.525878910e-05, v50;
	v26 =	vadd.s32 v30, v26;
	v13 =	vadd.s32 v17, v13  }
0x184: {  	v14 =	vsub.f32 v27, v34;
	v3 =	vadd.s32 $0x7FFF, v3;
	v22 =	vadd.s32 $0x7FFF, v57  }
0x185: {  	v26 =	vadd.s32 $0x7FFF, v26;
	v10 =	vand.u32 $0xFFFF0000, v3;
	v3 =	vadd.s32 $0x7FFF, v4  }
0x186: {  	v22 =	vand.u32 $0xFFFF0000, v22;
	v26 =	vand.u32 $0xFFFF0000, v26;
	v12 =	vsub.f32 $1.500000000e+00, v14  }
0x187: {  	v39 =	vadd.f32 $-1.000000000e+00, v14;
	v19 =	vadd.f32 $-5.000000000e-01, v14;
	v20 =	vand.u32 $0xFFFF0000, v3  }
0x188: {  	v3 =	vsub.f32 $1.500000000e+00, v18;
	v29 =	vmul.f32 v16, v22;
	v30 =	vmul.f32 v16, v26  }
0x189: {  	v41 =	vsub.f32 $0.0e+00, v14;
	v22 =	vmul.f32 v20, v22;
	v26 =	vmul.f32 v20, v26  }
0x18a: {  	v18 =	vsub.f32 $2.000000000e+00, v18;
	v40 =	vmul.f32 $5.000000000e-01, v12;
	v42 =	vmul.f32 v39, v39  }
0x18b: {  	v43 =	vadd.s32 $0x1, v13;
	v46 =	vmul.f32 $5.000000000e-01, v3;
	v47 =	vmul.f32 $7.812500000e-03, v41  }
0x18c: {  	v44 =	vld [tilespmem:s7+$0x500];
	v25 =	vmul.f32 $5.000000000e-01, v19;
	v18 =	vmul.f32 $7.812500000e-03, v18;
	v39 =	vsub.f32 $1.000000000e+00, v14  }
0x18d: {  	v14 =	vsub.f32 $2.000000000e+00, v14;
	v21 =	vmul.f32 v40, v12;
	v11 =	vmul.f32 v46, v3  }
0x18e: {  	v3 =	vmul.f32 $5.000000000e-01, v45;
	v51 =	vshrl.u32 v47, $0x10;
	v28 =	vsub.f32 $7.500000000e-01, v42  }
0x18f: {  	v12 =	vsub.f32 $7.500000000e-01, v52;
	v41 =	vshrl.u32 v18, $0x10;
	v32 =	vmul.f32 $7.812500000e-03, v39  }
0x190: {  	v52 =	vadd.s32 $0x2, v13;
	v19 =	vmul.f32 v25, v19;
	v4 =	vand.u32 $0x1, v51  }
0x191: {  	v3 =	vmul.f32 v3, v45;
	v54 =	vadd.s32 v4, v47;
	v4 =	vmul.f32 $1.525878910e-05, v44  }
0x192: {  	v34 =	vand.u32 $0x1, v41;
	v36 =	vmul.f32 v11, v21;
	v40 =	vmul.f32 v12, v21  }
0x193: {  	v18 =	vadd.s32 v34, v18;
	v46 =	vshrl.u32 v32, $0x10;
	v57 =	vmul.f32 v11, v28  }
0x194: {  	v11 =	vmul.f32 v11, v19;
	v56 =	vadd.s32 $0x7FFF, v54;
	v45 =	vadd.s32 $0x7FFF, v18  }
0x195: {  	v18 =	vand.u32 $0x1, v46;
	v58 =	vand.u32 $0xFFFF0000, v56;
	v51 =	vmul.f32 v3, v21  }
0x196: {  	[tilespmem:s7+$0xE300] =	vst v9;
	v9 =	vand.u32 $0xFFFF0000, v45;
	v46 =	vmul.f32 v3, v28;
	v60 =	vmul.f32 v2, v58  }
0x197: {  	v48 =	vadd.s32 v18, v32;
	v3 =	vmul.f32 v3, v19;
	v61 =	vmul.f32 v10, v58  }
0x198: {  	[tilespmem:s7+$0xED00] =	vst v15;
	v15 =	vmul.f32 v16, v9;
	v9 =	vmul.f32 v20, v9;
	v62 =	vadd.f32 v60, v29  }
0x199: {  	v16 =	vadd.s32 $0x7FFF, v48;
	v37 =	vadd.f32 v22, v61;
	v42 =	vadd.f32 v60, v30  }
0x19a: {  	v16 =	vand.u32 $0xFFFF0000, v16;
	v47 =	vadd.f32 v26, v61;
	v49 =	vadd.f32 v60, v15  }
0x19b: {  	v50 =	vadd.f32 v9, v61;
	v53 =	vmul.f32 v2, v16;
	v24 =	vadd.f32 v62, v4  }
0x19c: {  	[tilespmem:s7+$0xE800] =	vst v7;
	v16 =	vmul.f32 v10, v16;
	v38 =	vadd.f32 v37, v5;
	v44 =	vadd.f32 v42, v4  }
0x19d: {  	[tilespmem:s7+$0xEA80] =	vst v6;
	v6 =	vadd.f32 v47, v5;
	v18 =	vadd.f32 v50, v5;
	v24 =	vmul.f32 v24, v36  }
0x19e: {  	[tilespmem:s7+$0xE580] =	vst v8;
	v55 =	vadd.f32 v53, v29;
	v56 =	vadd.f32 v22, v16;
	v17 =	vmul.f32 v38, v36  }
0x19f: {  	v31 =	vmul.f32 $1.525878910e-05, v36;
	v62 =	vadd.f32 v53, v30;
	v63 =	vadd.f32 v26, v16;
	[tilespmem:v13+s1+$0x0] =	vst.idx.add.f32.msk vm1, v24  }
0x1a0: {  	v14 =	vmul.f32 $7.812500000e-03, v14;
	v16 =	vadd.f32 v9, v16;
	v7 =	vmul.f32 v44, v40;
	[tilespmem:v13+s0+$0x0] =	vst.idx.add.f32.msk vm1, v17  }
0x1a1: {  	v54 =	vmul.f32 $1.525878910e-05, v40;
	v6 =	vmul.f32 v6, v40;
	v17 =	vadd.f32 v49, v4;
	[tilespmem:v13+s29+$0x0] =	vst.idx.add.f32.msk vm1, v31  }
0x1a2: {  	v58 =	vmul.f32 $1.525878910e-05, v51;
	v18 =	vmul.f32 v18, v51;
	v60 =	vadd.f32 v56, v5;
	[tilespmem:v43+s1+$0x0] =	vst.idx.add.f32.msk vm1, v7  }
0x1a3: {  	v59 =	vadd.s32 $0x80, v13;
	v36 =	vmul.f32 v12, v28;
	v17 =	vmul.f32 v17, v51;
	[tilespmem:v43+s0+$0x0] =	vst.idx.add.f32.msk vm1, v6  }
0x1a4: {  	v38 =	vshrl.u32 v14, $0x10;
	v39 =	vadd.f32 v62, v4;
	v24 =	vadd.f32 v55, v4;
	[tilespmem:v43+s29+$0x0] =	vst.idx.add.f32.msk vm1, v54  }
0x1a5: {  	v40 =	vadd.f32 v63, v5;
	v44 =	vadd.f32 v53, v15;
	v41 =	vand.u32 $0x1, v38;
	[tilespmem:v52+s1+$0x0] =	vst.idx.add.f32.msk vm1, v17  }
0x1a6: {  	v37 =	vadd.s32 $0x81, v13;
	v14 =	vadd.s32 v41, v14;
	v61 =	vmul.f32 v24, v57;
	[tilespmem:v52+s0+$0x0] =	vst.idx.add.f32.msk vm1, v18  }
0x1a7: {  	v47 =	vadd.f32 v16, v5;
	v20 =	vmul.f32 v60, v57;
	v14 =	vadd.s32 $0x7FFF, v14;
	[tilespmem:v52+s29+$0x0] =	vst.idx.add.f32.msk vm1, v58  }
0x1a8: {  	v42 =	vmul.f32 v40, v36;
	v14 =	vand.u32 $0xFFFF0000, v14;
	v6 =	vmul.f32 $1.525878910e-05, v57;
	[tilespmem:v59+s1+$0x0] =	vst.idx.add.f32.msk vm1, v61  }
0x1a9: {  	v45 =	vadd.s32 $0x82, v13;
	v7 =	vmul.f32 v39, v36;
	v2 =	vmul.f32 v2, v14;
	[tilespmem:v59+s0+$0x0] =	vst.idx.add.f32.msk vm1, v20  }
0x1aa: {  	v8 =	vadd.f32 v44, v4;
	v10 =	vmul.f32 v10, v14;
	[tilespmem:v59+s29+$0x0] =	vst.idx.add.f32.msk vm1, v6  }
0x1ab: {  	v12 =	vmul.f32 v12, v19;
	v43 =	vmul.f32 $1.525878910e-05, v36;
	v48 =	vadd.f32 v2, v29;
	[tilespmem:v37+s1+$0x0] =	vst.idx.add.f32.msk vm1, v7  }
0x1ac: {  	v50 =	vadd.s32 $0x100, v13;
	v49 =	vmul.f32 v8, v46;
	v51 =	vadd.f32 v22, v10;
	[tilespmem:v37+s0+$0x0] =	vst.idx.add.f32.msk vm1, v42  }
0x1ad: {  	v14 =	vmul.f32 v47, v46;
	v16 =	vadd.f32 v48, v4;
	[tilespmem:v37+s29+$0x0] =	vst.idx.add.f32.msk vm1, v43  }
0x1ae: {  	v54 =	vadd.f32 v2, v30;
	v17 =	vadd.f32 v51, v5;
	v52 =	vmul.f32 $1.525878910e-05, v46;
	[tilespmem:v45+s1+$0x0] =	vst.idx.add.f32.msk vm1, v49  }
0x1af: {  	v56 =	vadd.s32 $0x101, v13;
	v57 =	vadd.f32 v26, v10;
	v53 =	vmul.f32 v16, v11;
	[tilespmem:v45+s0+$0x0] =	vst.idx.add.f32.msk vm1, v14  }
0x1b0: {  	v58 =	vadd.f32 v54, v4;
	v55 =	vmul.f32 v17, v11;
	[tilespmem:v45+s29+$0x0] =	vst.idx.add.f32.msk vm1, v52  }
0x1b1: {  	v2 =	vadd.f32 v2, v15;
	v11 =	vmul.f32 $1.525878910e-05, v11;
	v59 =	vadd.f32 v57, v5;
	[tilespmem:v50+s1+$0x0] =	vst.idx.add.f32.msk vm1, v53  }
0x1b2: {  	v9 =	vadd.f32 v9, v10;
	v61 =	vadd.s32 $0x102, v13;
	v60 =	vmul.f32 v58, v12;
	[tilespmem:v50+s0+$0x0] =	vst.idx.add.f32.msk vm1, v55  }
0x1b3: {  	v2 =	vadd.f32 v2, v4;
	v6 =	vmul.f32 v59, v12;
	[tilespmem:v50+s29+$0x0] =	vst.idx.add.f32.msk vm1, v11  }
0x1b4: {  	p0 =	sne.s32 s5, $0x8C0;
	v62 =	vmul.f32 $1.525878910e-05, v12;
	v5 =	vadd.f32 v9, v5;
	[tilespmem:v56+s1+$0x0] =	vst.idx.add.f32.msk vm1, v60  }
.Ltmp1:
0x1b5: {  	v2 =	vmul.f32 v2, v3;
	[tilespmem:v56+s0+$0x0] =	vst.idx.add.f32.msk vm1, v6;
	(pc) =	sbr.rel @p0 .LBB2_4-.Ltmp1, $4  }
0x1b6: {  	v63 =	vmul.f32 v5, v3;
	[tilespmem:v56+s29+$0x0] =	vst.idx.add.f32.msk vm1, v62  }
0x1b7: {  	[tilespmem:v61+s1+$0x0] =	vst.idx.add.f32.msk vm1, v2;
	v2 =	vmul.f32 $1.525878910e-05, v3  }
0x1b8: {  	[tilespmem:v61+s0+$0x0] =	vst.idx.add.f32.msk vm1, v63  }
0x1b9: {  	s23 =	sadd.s32 $0x10, s23;
	s5 =	sadd.s32 $0x40, s5;
	[tilespmem:v61+s29+$0x0] =	vst.idx.add.f32.msk vm1, v2  }
0x1ba: {  	[hbm4b:s17+s30] =	stream.strided.scatter [tilespmem:s1], [sflag:$0x1], $0x4000, s31, s30, $0x38;
	[tilespmem:$0xEF80] =	vst v63  }
0x1bb: {  	_ =	swait.ge [sflag:s28], $0x4000  }
0x1bc: {  	[sflag:s28] =	ssyncset.done $0x0  }
0x1bd: {  	[sflag:s28] =	ssyncadd.s32 $0xFFFFC000  }
0x1be: {  	[hbm4b:s18+s30] =	stream.strided.scatter [tilespmem:s0], [sflag:$0x1], $0x4000, s31, s30, $0x38;
	[tilespmem:$0xEF80] =	vst v63  }
0x1bf: {  	_ =	swait.ge [sflag:s28], $0x4000  }
0x1c0: {  	[sflag:s28] =	ssyncset.done $0x0  }
0x1c1: {  	[sflag:s28] =	ssyncadd.s32 $0xFFFFC000  }
0x1c2: {  	[hbm4b:s19+s30] =	stream.strided.scatter [tilespmem:s29], [sflag:$0x1], $0x4000, s31, s30, $0x38;
	[tilespmem:$0xEF80] =	vst v63  }
0x1c3: {  	_ =	swait.ge [sflag:s28], $0x4000  }
0x1c4: {  	[sflag:s28] =	ssyncset.done $0x0  }
0x1c5: {  	s5 =	simm.s32 $0xE300;
	[sflag:s28] =	ssyncadd.s32 $0xFFFFC000  }
0x1c6: {  	[hbm4b:s20+s2] =	stream.linear.scatter [tilespmem:s5], [sflag:$0x1], $0x240, $0x38;
	[tilespmem:$0xEF80] =	vst v63  }
0x1c7: {  	_ =	swait.ge [sflag:s28], $0x240  }
0x1c8: {  	[sflag:s28] =	ssyncset.done $0x0  }
0x1c9: {  	s7 =	simm.s32 $0xE580;
	[sflag:s28] =	ssyncadd.s32 $0xFFFFFDC0  }
0x1ca: {  	[hbm4b:s21+s2] =	stream.linear.scatter [tilespmem:s7], [sflag:$0x1], $0x240, $0x38;
	[tilespmem:$0xEF80] =	vst v63  }
0x1cb: {  	_ =	swait.ge [sflag:s28], $0x240  }
0x1cc: {  	[sflag:s28] =	ssyncset.done $0x0  }
0x1cd: {  	s23 =	simm.s32 $0xE800;
	[sflag:s28] =	ssyncadd.s32 $0xFFFFFDC0  }
0x1ce: {  	[hbm4b:s22+s2] =	stream.linear.scatter [tilespmem:s23], [sflag:$0x1], $0x240, $0x38;
	[tilespmem:$0xEF80] =	vst v63  }
0x1cf: {  	_ =	swait.ge [sflag:s28], $0x240  }
0x1d0: {  	[sflag:s28] =	ssyncset.done $0x0  }
0x1d1: {  	s7 =	simm.s32 $0xEA80;
	[sflag:s28] =	ssyncadd.s32 $0xFFFFFDC0  }
0x1d2: {  	[hbm4b:s24+s2] =	stream.linear.scatter [tilespmem:s7], [sflag:$0x1], $0x240, $0x38;
	[tilespmem:$0xEF80] =	vst v63  }
0x1d3: {  	s4 =	sadd.s32 $0x1, s4;
	_ =	swait.ge [sflag:s28], $0x240  }
0x1d4: {  	p0 =	sne.s32 s4, s25;
	[sflag:s28] =	ssyncset.done $0x0  }
.Ltmp2:
0x1d5: {  	s23 =	simm.s32 $0xED00;
	[sflag:s28] =	ssyncadd.s32 $0xFFFFFDC0;
	(pc) =	sbr.rel @p0 .LBB2_1-.Ltmp2, $4  }
0x1d6: {  	[hbm4b:s26+s2] =	stream.linear.scatter [tilespmem:s23], [sflag:$0x1], $0x240, $0x38;
	[tilespmem:$0xEF80] =	vst v63  }
0x1d7: {  	_ =	swait.ge [sflag:s28], $0x240  }
0x1d8: {  	[sflag:s28] =	ssyncset.done $0x0  }
0x1d9: {  	[sflag:s28] =	ssyncadd.s32 $0xFFFFFDC0  }
0x1da: {  	_ =	sfence.sel $0x180000  }
0x1db: {  	[bflag:$0x0] =	sbarrier.arrive $0xFFFF  }
0x1dc: {  	_ =	strace $0x90000047  }
0x1dd: {  	s0 =	stileid.u32;
	[bflag:$0x2] =	sbarrier.arrive $0xFFFF  }
0x1de: {  	p0 =	sne.s32 s0, $0x0;
	s0 =	rddreg [dreg:$0x2]  }
0x1df: {  	s0 =	sadd.s32 @!p0 $0x100000, s0  }
0x1e0: {  	[sflag:s0] =	ssyncadd.tile.s32 @!p0 $0x1;
	_ =	shalt  }
.Lfunc_end2:
_tile_overlayer_lowered:
.L_overlay_start_2:
0x1e1: {  	(tag) =	ssettag $0x2  }
0x1e2: {  	s0 =	rddreg [dreg:$0x0];
	s2 =	stileid.u32  }
0x1e3: {  	s1 =	rddreg [dreg:$0x1];
	p0 =	sne.s32 s2, $0x0  }
0x1e4: {  	s3 =	rddreg [dreg:$0x2];
	[bflag:$0x3] =	sbarrier.arrive $0xFFFF;
	s2 =	simm.s32 @!p0 $0x1C01  }
0x1e5: {  	[timem:s3], [sflag:s2] =	dma.local @!p0 [hbm:s0], s1  }
0x1e6: {  	s0 =	simm.s32 @!p0 $0x1  }
0x1e7: {  	_ =	swait.ge @!p0 [sflag:s0], s1  }
0x1e8: {  	s1 =	ssub.s32 @!p0 $0x0, s1;
	[sflag:s0] =	ssyncset.done @!p0 $0x0  }
0x1e9: {  	[sflag:s0] =	ssyncadd.s32 @!p0 s1  }
0x1ea: {  	[bflag:$0x3] =	sbarrier.arrive $0xFFFF  }
0x1eb: {  	_ =	shalt  }

// kernel: kernel.7.cloned.1.call-start
scs
__scs_entry_jumppad:
0x0: {  	(pc) =	sbr.rel $0x88, $3  }
0x1: {  	(tag) =	ssettag $0x0;
	lr =	simm.s32 $0x1  }
0x2: {  	[smem:$0x3F98] =	sst lr;
	_ =	strace $0xD0000000  }
0x3: {  	_ = 	snop  }
0x4: {  	_ = 	snop  }
0x5: {  	_ = 	snop  }
0x6: {  	_ = 	snop  }
0x7: {  	_ = 	snop  }
__scs_overlays_trampoline_lowered:
0x8: {  	[smem:$0x3FA7] =	sst s0  }
0x9: {  	[smem:$0x3FA8] =	sst s1  }
0xa: {  	[smem:$0x3FA9] =	sst s2  }
0xb: {  	[smem:$0x3FAA] =	sst s3  }
0xc: {  	[smem:$0x3FAB] =	sst s4  }
0xd: {  	[smem:$0x3FAC] =	sst s5  }
0xe: {  	[smem:$0x3FAD] =	sst s6  }
0xf: {  	[smem:$0x3FAE] =	sst s7  }
0x10: {  	[smem:$0x3FAF] =	sst s8  }
0x11: {  	[smem:$0x3FB0] =	sst s9;
	s0 =	simm.s32 @!p0 $0x0  }
0x12: {  	s1 =	sld [smem:$0x3F96];
	s0 =	simm.s32 @p0 $0x1  }
0x13: {  	[smem:$0x3FB1] =	sst s0;
	s0 =	simm.s32 @!p1 $0x0  }
0x14: {  	s2 =	sld [smem:$0x3F95];
	s0 =	simm.s32 @p1 $0x1  }
0x15: {  	[smem:$0x3FB2] =	sst s0;
	s0 =	simm.s32 @!p2 $0x0  }
0x16: {  	s3 =	sld [smem:$0x3FDB];
	s0 =	simm.s32 @p2 $0x1  }
0x17: {  	s4 =	simm.s32 $0x1BF5;
	[smem:$0x3FB4] =	sst s0  }
0x18: {  	s0 =	sld [smem:$0x3F97];
	_ =	swait.ge [sflag:s4], $0x0  }
0x19: {  	s7 =	sld [smem:$0x3F98]  }
0x1a: {  	s8 =	sadd.s32 $0xFFFFE003, lr  }
0x1b: {  	s9 =	sadd.s32 $0xFFFFFEF7, lr;
	s5 =	simm.s32 $0xFFFFFFFF;
	p2 =	slt.u32 s8, $0xFFFFF086  }
0x1c: {  	p1 =	slt.u32 s9, $0xF7A;
	s5 =	simm.s32 @!p2 $0x0  }
0x1d: {  	s5 =	simm.s32 @p1 $0x1;
	p0 =	seq.s32 s7, s2  }
0x1e: {  	s7 =	smul.u32 @!p0 $0xF7A, s2;
	p2 =	seq.s32 @!p0 s5, $0x0  }
0x1f: {  	s9 =	smul.u32 $0xF7A, s1;
	s8 =	simm.s32 @!p0 $0x1BF5;
	p2 =	por !p2, p0  }
0x20: {  	[sflag:s8] =	ssyncset.s32 @!p0 $0xFFFFF086;
	s6 =	sadd.s32 @!p0 s3, s7;
	s7 =	simm.s32 @!p0 $0x108  }
0x21: {  	s3 =	sadd.s32 s3, s9;
	s6 =	sadd.s32 @!p0 $0x88, s6;
	s7 =	simm.s32 @p2 $0x1082  }
0x22: {  	[simem:s7], [sflag:s8] =	dma.local @!p0 [hbm:s6], $0xF7A  }
0x23: {  	s9 =	sor.u32 $0xD0000000, s2;
	s6 =	simm.s32 $0x108;
	_ =	swait.ge @!p0 [sflag:s8], $0x0  }
0x24: {  	s3 =	sadd.s32 $0x88, s3;
	s6 =	simm.s32 @!p1 $0x1082;
	[sflag:s4] =	ssyncset.s32 $0xFFFFF086  }
0x25: {  	[simem:s6], [sflag:s4] =	dma.local [hbm:s3], $0xF7A  }
0x26: {  	[smem:$0x3F98] =	sst s1;
	(tag) =	ssettag s2;
	_ =	strace s9  }
0x27: {  	s1 =	sld [smem:$0x3FA8]  }
0x28: {  	s2 =	sld [smem:$0x3FA9]  }
0x29: {  	s4 =	sld [smem:$0x3FAB]  }
0x2a: {  	p0 =	seq.s32 s5, $0x0;
	s5 =	sld [smem:$0x3FAC]  }
0x2b: {  	s6 =	sld [smem:$0x3FAD]  }
0x2c: {  	s7 =	sld [smem:$0x3FAE]  }
0x2d: {  	s3 =	simm.s32 $0x108;
	s8 =	sld [smem:$0x3FAF]  }
0x2e: {  	s3 =	simm.s32 @!p0 $0x1082;
	s9 =	sld [smem:$0x3FB0]  }
0x2f: {  	lr =	sadd.s32 s0, s3;
	s0 =	sld [smem:$0x3FA7]  }
0x30: {  	s3 =	sld [smem:$0x3FAA]  }
0x31: {  	[smem:$0x3FB3] =	sst s10  }
0x32: {  	s10 =	sld [smem:$0x3FB1];
	_ =	sdelay $0x3  }
0x33: {  	p0 =	seq.s32 s10, $0x1;
	s10 =	sld [smem:$0x3FB3];
	_ =	sdelay $0x3  }
0x34: {  	[smem:$0x3FB3] =	sst s10  }
0x35: {  	s10 =	sld [smem:$0x3FB2];
	_ =	sdelay $0x3  }
0x36: {  	p1 =	seq.s32 s10, $0x1;
	s10 =	sld [smem:$0x3FB3];
	_ =	sdelay $0x3  }
0x37: {  	[smem:$0x3FB3] =	sst s10  }
0x38: {  	s10 =	sld [smem:$0x3FB4]  }
0x39: {  	_ = 	snop;
	(pc) =	sbr.ind lr, $3  }
0x3a: {  	_ = 	snop  }
0x3b: {  	_ = 	snop  }
0x3c: {  	p2 =	seq.s32 s10, $0x1;
	s10 =	sld [smem:$0x3FB3]  }
0x3d: {  	_ =	shalt  }
0x3e: {  	_ =	shalt  }
0x3f: {  	_ =	shalt  }
0x40: {  	_ =	shalt  }
0x41: {  	_ =	shalt  }
0x42: {  	_ =	shalt  }
0x43: {  	_ =	shalt  }
0x44: {  	_ =	shalt  }
0x45: {  	_ =	shalt  }
0x46: {  	_ =	shalt  }
0x47: {  	_ =	shalt  }
0x48: {  	_ =	shalt  }
0x49: {  	_ =	shalt  }
0x4a: {  	_ =	shalt  }
0x4b: {  	_ =	shalt  }
0x4c: {  	_ =	shalt  }
0x4d: {  	_ =	shalt  }
0x4e: {  	_ =	shalt  }
0x4f: {  	_ =	shalt  }
0x50: {  	_ =	shalt  }
0x51: {  	_ =	shalt  }
0x52: {  	_ =	shalt  }
0x53: {  	_ =	shalt  }
0x54: {  	_ =	shalt  }
0x55: {  	_ =	shalt  }
0x56: {  	_ =	shalt  }
0x57: {  	_ =	shalt  }
0x58: {  	_ =	shalt  }
0x59: {  	_ =	shalt  }
0x5a: {  	_ =	shalt  }
0x5b: {  	_ =	shalt  }
0x5c: {  	_ =	shalt  }
0x5d: {  	_ =	shalt  }
0x5e: {  	_ =	shalt  }
0x5f: {  	_ =	shalt  }
0x60: {  	_ =	shalt  }
0x61: {  	_ =	shalt  }
0x62: {  	_ =	shalt  }
0x63: {  	_ =	shalt  }
0x64: {  	_ =	shalt  }
0x65: {  	_ =	shalt  }
0x66: {  	_ =	shalt  }
0x67: {  	_ =	shalt  }
0x68: {  	_ =	shalt  }
0x69: {  	_ =	shalt  }
0x6a: {  	_ =	shalt  }
0x6b: {  	_ =	shalt  }
0x6c: {  	_ =	shalt  }
0x6d: {  	_ =	shalt  }
0x6e: {  	_ =	shalt  }
0x6f: {  	_ =	shalt  }
0x70: {  	_ =	shalt  }
0x71: {  	_ =	shalt  }
0x72: {  	_ =	shalt  }
0x73: {  	_ =	shalt  }
0x74: {  	_ =	shalt  }
0x75: {  	_ =	shalt  }
0x76: {  	_ =	shalt  }
0x77: {  	_ =	shalt  }
0x78: {  	_ =	shalt  }
0x79: {  	_ =	shalt  }
0x7a: {  	_ =	shalt  }
0x7b: {  	_ =	shalt  }
0x7c: {  	_ =	shalt  }
0x7d: {  	_ =	shalt  }
0x7e: {  	_ =	shalt  }
0x7f: {  	_ =	shalt  }
0x80: {  	_ =	shalt  }
0x81: {  	_ =	shalt  }
0x82: {  	_ =	shalt  }
0x83: {  	_ =	shalt  }
0x84: {  	_ =	shalt  }
0x85: {  	_ =	shalt  }
0x86: {  	_ =	shalt  }
0x87: {  	_ =	shalt  }
.Lfunc_end0:
.L_simem_size_0:
called_computation.1_lowered:
.L_overlay_start_0:
0x88: {  	s2 =	sld [smem:$0x3FD9]  }
0x89: {  	s3 =	sld [smem:$0x3FFE];
	_ =	sdelay $0x1  }
0x8a: {  	s1 =	srdreg.scid  }
0x8b: {  	s0 =	sand.u32 $0x1, s1  }
0x8c: {  	s17 =	sshll.u32 s0, $0xA;
	s2 =	sadd.s32 s3, s2  }
0x8d: {  	s2 =	sadd.s32 s2, s17  }
0x8e: {  	[smem:$0x3FBF] =	sst s2  }
0x8f: {  	_ = 	snop  }
0x90: {  	s2 =	sld [smem:$0x3FD0];
	(tm) =	ssettm $0x1  }
0x91: {  	s18 =	sld [smem:$0x3FFB];
	_ =	sdelay $0x3  }
0x92: {  	_ =	strace s18  }
0x93: {  	s3 =	sld [smem:$0x3FFC];
	_ =	sdelay $0x3  }
0x94: {  	_ =	strace s3  }
0x95: {  	s3 =	sld [smem:$0x3FFD];
	_ =	sdelay $0x3  }
0x96: {  	_ =	strace s3  }
0x97: {  	_ =	strace $0x8FFFFFFF  }
0x98: {  	s19 =	sld [smem:$0x3FDB];
	_ =	sdelay $0x1  }
0x99: {  	s4 =	simm.s32 $_scs_section_size  }
0x9a: {  	s5 =	simm.s32 $_size__tile_overlayer_lowered;
	s6 =	simm.s32 $_tile_overlayer_lowered  }
0x9b: {  	s22 =	simm.s32 $0x1BFF;
	s21 =	sshll.u32 s6, $0x1;
	s3 =	sadd.s32 s4, s19  }
0x9c: {  	s7 =	simm.s32 $0x0;
	s20 =	sshll.u32 s5, $0x1;
	s5 =	sadd.s32 s21, s3  }
0x9d: {  	[timem:s7], [sflag:s22] =	dma.local [hbm:s5], s20  }
0x9e: {  	_ =	swait.ge [sflag:s22], s20  }
0x9f: {  	s4 =	ssub.s32 $0x0, s20;
	[sflag:s22] =	ssyncset.done $0x0  }
0xa0: {  	[sflag:s22] =	ssyncadd.s32 s4;
	_ =	sdelay $0x1  }
0xa1: {  	s23 =	simm.s32 $0x1B8B  }
0xa2: {  	_ =	swait.ge [sflag:s23], $0x1  }
0xa3: {  	[sflag:s23] =	ssyncset.done $0x0  }
0xa4: {  	s25 =	simm.s32 $0x1B8E;
	s24 =	sld [smem:$0x3FFE];
	[sflag:s23] =	ssyncadd.s32 $0xFFFFFFFF  }
0xa5: {  	s26 =	simm.s32 $execute0_lowered;
	[smem:$0x3FD2] =	sst s25  }
0xa6: {  	s5 =	sshll.u32 s26, $0x1;
	_ =	strace $0x80000049;
	[dreg:$0x1] =	wrdreg $0xFFFFFFFF  }
0xa7: {  	s28 =	simm.s32 $_size_execute0_lowered;
	s3 =	sadd.s32 s3, s5;
	[dreg:$0x0] =	wrdreg $0x0  }
0xa8: {  	s5 =	sshll.u32 s28, $0x1;
	[dreg:$0x2] =	wrdreg s3  }
0xa9: {  	[dreg:$0x3] =	wrdreg s5  }
0xaa: {  	[dreg:$0x4] =	wrdreg $0xC0  }
0xab: {  	_ =	task [dreg:s7], $0x5FFFF  }
0xac: {  	[dreg:$0x1] =	wrdreg $0xFFFFFFFF  }
0xad: {  	[dreg:$0x0] =	wrdreg $0x60  }
0xae: {  	[dreg:$0x2] =	wrdreg s24  }
0xaf: {  	[dreg:$0x3] =	wrdreg s2  }
0xb0: {  	[dreg:$0x4] =	wrdreg $0x8C000  }
0xb1: {  	[dreg:$0x5] =	wrdreg $0x90000  }
0xb2: {  	[dreg:$0x6] =	wrdreg $0x9  }
0xb3: {  	_ =	task.clear_ibuf [dreg:s7], $0x7FFFF;
	_ =	strace $0x90000049  }
0xb4: {  	s29 =	simm.s32 $0x9;
	_ =	strace $0x8000004B  }
0xb5: {  	_ =	swait.ge [sflag:s29], $0x1  }
0xb6: {  	[sflag:s29] =	ssyncadd.s32 $0xFFFFFFFF  }
0xb7: {  	_ =	strace $0x9000004B  }
0xb8: {  	_ =	sfence  }
0xb9: {  	s30 =	sld [smem:$0x0];
	_ =	sdelay $0x2  }
0xba: {  	s31 =	sshll.u32 s1, $0xD;
	s1 =	sshrl.u32 s1, $0x2  }
0xbb: {  	s3 =	sand.u32 $0x4000, s31;
	s1 =	sadd.s32 s1, s30  }
0xbc: {  	s0 =	sor.u32 s3, s0;
	s1 =	sshll.u32 s1, $0x11  }
0xbd: {  	s0 =	sor.u32 s1, s0  }
0xbe: {  	s0 =	sadd.s32 $0x8F2B, s0  }
0xbf: {  	[sflag:s0] =	ssyncadd.remote.s32 $0x1  }
0xc0: {  	_ =	sfence.sel $0xFFFF  }
0xc1: {  	[dreg:$0x0] =	wrdreg $0xFFFFFFFF;
	(pc) =	sbr.abs _section_cstart, $3  }
0xc2: {  	[dreg:$0x1] =	wrdreg $0xFFFFFFFF  }
0xc3: {  	_ =	task.clear_ibuf [dreg:s7], $0x2FFFF;
	_ =	strace $0x9FFFFFFF  }
0xc4: {  	(tm) =	ssettm $0x7FFFFFFF  }
0xc5: {  	_ =	shalt  }
tec
execute0_lowered:
.L_overlay_start_1:
0x0: {  	(tag) =	ssettag $0x1  }
0x1: {  	s0 =	rddreg [dreg:$0x0]  }
0x2: {  	s1 =	rddreg [dreg:$0x1]  }
0x3: {  	s13 =	rddreg [dreg:$0x2]  }
0x4: {  	s14 =	rddreg [dreg:$0x3];
	s2 =	srdreg.scid;
	s4 =	simm.s32 $0x0  }
0x5: {  	s5 =	stileid.u32;
	s24 =	simm.s32 $0x1;
	s28 =	simm.s32 $0x2000  }
0x6: {  	s29 =	simm.s32 $0x60000;
	s30 =	simm.s32 $0x8000;
	s23 =	simm.s32 $0x0  }
0x7: {  	s2 =	sand.u32 $0x1, s2;
	[smem:$0x7FF] =	sst s4;
	s31 =	sshll.u32 s5, $0xA  }
0x8: {  	s6 =	sadd.s32 $0x3B400, s0;
	s3 =	sshll.u32 s2, $0x4;
	_ =	strace $0x8000004A  }
0x9: {  	s2 =	ssub.s32 $0x2, s2;
	s13 =	sadd.s32 s31, s13;
	s14 =	sadd.s32 s31, s14  }
0xa: {  	s3 =	sor.u32 s5, s3;
	s5 =	sadd.s32 s31, s0;
	s7 =	sshrl.u32 s2, $0x1  }
0xb: {  	s3 =	smul.u32 $0x48, s3;
	s2 =	ssub.s32 s2, s7;
	s10 =	sadd.s32 $0x8200, s5  }
0xc: {  	s11 =	sadd.s32 $0xC200, s5;
	s12 =	sadd.s32 $0x10200, s5;
	s22 =	smax.u32 s2, $0x1  }
0xd: {  	s7 =	sadd.s32 s1, s3;
	s8 =	sadd.s32 s0, s3;
	s0 =	simm.s32 $0x9400  }
0xe: {  	s3 =	simm.s32 $0xD400;
	s9 =	sadd.s32 $0x5000, s8;
	s15 =	sadd.s32 $0x5A00, s8  }
0xf: {  	s16 =	sadd.s32 $0x6400, s8;
	s17 =	sadd.s32 $0x6E00, s8;
	s18 =	sadd.s32 $0x7800, s8  }
0x10: {  	v0 =	vlaneseq.u32;
	s19 =	sadd.s32 $0xA00, s8;
	s20 =	sadd.s32 $0x1400, s8;
	s21 =	sadd.s32 $0x1E00, s8  }
.LBB2_1:
0x11: {  	s1 =	simm.s32 $0x11900  }
0x12: {  	[tilespmem:s1], [sflag:$0x1] =	stream.linear.gather [hbm4b:s6+s4], $0x400, $0x38;
	[tilespmem:$0x13100] =	vst v63  }
0x13: {  	_ =	swait.ge [sflag:s24], $0x400  }
0x14: {  	[sflag:s24] =	ssyncset.done $0x0  }
0x15: {  	s5 =	simm.s32 $0x11400;
	[sflag:s24] =	ssyncadd.s32 $0xFFFFFC00  }
0x16: {  	[tilespmem:s5], [sflag:$0x1] =	stream.linear.gather [hbm4b:s7+s4], $0x240, $0x38;
	[tilespmem:$0x13100] =	vst v63  }
0x17: {  	_ =	swait.ge [sflag:s24], $0x240  }
0x18: {  	[sflag:s24] =	ssyncset.done $0x0  }
0x19: {  	s25 =	simm.s32 $0x11680;
	[sflag:s24] =	ssyncadd.s32 $0xFFFFFDC0  }
0x1a: {  	[tilespmem:s25], [sflag:$0x1] =	stream.linear.gather [hbm4b:s9+s4], $0x240, $0x38;
	[tilespmem:$0x13100] =	vst v63  }
0x1b: {  	_ =	swait.ge [sflag:s24], $0x240  }
0x1c: {  	[sflag:s24] =	ssyncset.done $0x0  }
0x1d: {  	[sflag:s24] =	ssyncadd.s32 $0xFFFFFDC0  }
0x1e: {  	[tilespmem:s4], [sflag:$0x1] =	stream.strided.gather [hbm4b:s10+s28], $0x8000, s29, s28, $0x38;
	[tilespmem:$0x13100] =	vst v63  }
0x1f: {  	_ =	swait.ge [sflag:s24], $0x8000  }
0x20: {  	s26 =	sand.u32 $0x70, s4;
	s2 =	sand.u32 $0x1C00, s4;
	[sflag:s24] =	ssyncset.done $0x0  }
0x21: {  	s1 =	sor.u32 s26, s2;
	[sflag:s24] =	ssyncadd.s32 $0xFFFF8000  }
0x22: {  	v1 =	vld [tilespmem:s1+$0x80]  }
0x23: {  	v2 =	vld [tilespmem:s1+$0x0];
	_ =	sdelay $0x1  }
0x24: {  	v3 =	vld [tilespmem:s1+$0x100];
	_ =	sdelay $0x1  }
0x25: {  	v4 =	vld [tilespmem:s1+$0x180]  }
0x26: {  	v1 =	vadd.f32 v1, v2  }
0x27: {  	v2 =	vld [tilespmem:s1+$0x200]  }
0x28: {  	v1 =	vadd.f32 v3, v1  }
0x29: {  	v3 =	vld [tilespmem:s1+$0x280]  }
0x2a: {  	v1 =	vadd.f32 v4, v1  }
0x2b: {  	v55 =	vld [tilespmem:s1+$0x300]  }
0x2c: {  	v1 =	vadd.f32 v2, v1  }
0x2d: {  	v2 =	vld [tilespmem:s1+$0x380]  }
0x2e: {  	v1 =	vadd.f32 v3, v1  }
0x2f: {  	v3 =	vld [tilespmem:s1+$0x2000]  }
0x30: {  	v1 =	vadd.f32 v55, v1  }
0x31: {  	v56 =	vld [tilespmem:s1+$0x2080]  }
0x32: {  	v1 =	vadd.f32 v2, v1  }
0x33: {  	v2 =	vld [tilespmem:s1+$0x2100]  }
0x34: {  	v1 =	vadd.f32 v3, v1  }
0x35: {  	v3 =	vld [tilespmem:s1+$0x2180]  }
0x36: {  	v1 =	vadd.f32 v56, v1  }
0x37: {  	v57 =	vld [tilespmem:s1+$0x2200]  }
0x38: {  	v1 =	vadd.f32 v2, v1  }
0x39: {  	v2 =	vld [tilespmem:s1+$0x2280]  }
0x3a: {  	v1 =	vadd.f32 v3, v1  }
0x3b: {  	v3 =	vld [tilespmem:s1+$0x2300]  }
0x3c: {  	v1 =	vadd.f32 v57, v1  }
0x3d: {  	v58 =	vld [tilespmem:s1+$0x2380]  }
0x3e: {  	v1 =	vadd.f32 v2, v1  }
0x3f: {  	v2 =	vld [tilespmem:s1+$0x4000]  }
0x40: {  	v1 =	vadd.f32 v3, v1  }
0x41: {  	v3 =	vld [tilespmem:s1+$0x4080]  }
0x42: {  	v1 =	vadd.f32 v58, v1  }
0x43: {  	v59 =	vld [tilespmem:s1+$0x4100]  }
0x44: {  	v1 =	vadd.f32 v2, v1  }
0x45: {  	v2 =	vld [tilespmem:s1+$0x4180]  }
0x46: {  	v1 =	vadd.f32 v3, v1  }
0x47: {  	v3 =	vld [tilespmem:s1+$0x4200]  }
0x48: {  	v1 =	vadd.f32 v59, v1  }
0x49: {  	v60 =	vld [tilespmem:s1+$0x4280]  }
0x4a: {  	v1 =	vadd.f32 v2, v1  }
0x4b: {  	v2 =	vld [tilespmem:s1+$0x4300]  }
0x4c: {  	v1 =	vadd.f32 v3, v1  }
0x4d: {  	v3 =	vld [tilespmem:s1+$0x4380]  }
0x4e: {  	v1 =	vadd.f32 v60, v1  }
0x4f: {  	v61 =	vld [tilespmem:s1+$0x6000]  }
0x50: {  	v1 =	vadd.f32 v2, v1  }
0x51: {  	v2 =	vld [tilespmem:s1+$0x6080]  }
0x52: {  	v1 =	vadd.f32 v3, v1  }
0x53: {  	v3 =	vld [tilespmem:s1+$0x6100]  }
0x54: {  	v1 =	vadd.f32 v61, v1  }
0x55: {  	v62 =	vld [tilespmem:s1+$0x6180]  }
0x56: {  	v1 =	vadd.f32 v2, v1  }
0x57: {  	v2 =	vld [tilespmem:s1+$0x6200]  }
0x58: {  	v1 =	vadd.f32 v3, v1  }
0x59: {  	v3 =	vld [tilespmem:s1+$0x6280]  }
0x5a: {  	v1 =	vadd.f32 v62, v1  }
0x5b: {  	v63 =	vld [tilespmem:s1+$0x6300]  }
0x5c: {  	v1 =	vadd.f32 v2, v1  }
0x5d: {  	v2 =	vld [tilespmem:s1+$0x6380]  }
0x5e: {  	v1 =	vadd.f32 v3, v1;
	_ =	sdelay $0x1  }
0x5f: {  	v1 =	vadd.f32 v63, v1;
	_ =	sdelay $0x1  }
0x60: {  	s26 =	simm.s32 $0x80;
	s5 =	simm.s32 $0x10;
	v1 =	vadd.f32 v2, v1  }
0x61: {  	s25 =	sand.u32 $0x1C00, s26;
	s1 =	sand.u32 $0x70, s5  }
0x62: {  	s5 =	sor.u32 s1, s25;
	s1 =	simm.s32 $0x20;
	s25 =	simm.s32 $0x8000;
	[tilespmem:s30+$0x0] =	vst v1  }
.LBB2_2:
0x63: {  	p0 =	sne.s32 s1, $0x3F0;
	v1 =	vld [tilespmem:s5+$0x80]  }
0x64: {  	v2 =	vld [tilespmem:s5+$0x0];
	_ =	sdelay $0x1  }
0x65: {  	v3 =	vld [tilespmem:s5+$0x100];
	_ =	sdelay $0x1  }
0x66: {  	v4 =	vld [tilespmem:s5+$0x180]  }
0x67: {  	v1 =	vadd.f32 v1, v2  }
0x68: {  	v2 =	vld [tilespmem:s5+$0x200]  }
0x69: {  	v1 =	vadd.f32 v3, v1  }
0x6a: {  	v3 =	vld [tilespmem:s5+$0x280]  }
0x6b: {  	v1 =	vadd.f32 v4, v1  }
0x6c: {  	v4 =	vld [tilespmem:s5+$0x300]  }
0x6d: {  	v1 =	vadd.f32 v2, v1  }
0x6e: {  	v2 =	vld [tilespmem:s5+$0x380]  }
0x6f: {  	v1 =	vadd.f32 v3, v1  }
0x70: {  	v3 =	vld [tilespmem:s5+$0x2000]  }
0x71: {  	v1 =	vadd.f32 v4, v1  }
0x72: {  	v4 =	vld [tilespmem:s5+$0x2080]  }
0x73: {  	v1 =	vadd.f32 v2, v1  }
0x74: {  	v2 =	vld [tilespmem:s5+$0x2100]  }
0x75: {  	v1 =	vadd.f32 v3, v1  }
0x76: {  	v3 =	vld [tilespmem:s5+$0x2180]  }
0x77: {  	v1 =	vadd.f32 v4, v1  }
0x78: {  	v4 =	vld [tilespmem:s5+$0x2200]  }
0x79: {  	v1 =	vadd.f32 v2, v1  }
0x7a: {  	v2 =	vld [tilespmem:s5+$0x2280]  }
0x7b: {  	v1 =	vadd.f32 v3, v1  }
0x7c: {  	v3 =	vld [tilespmem:s5+$0x2300]  }
0x7d: {  	v1 =	vadd.f32 v4, v1  }
0x7e: {  	v4 =	vld [tilespmem:s5+$0x2380]  }
0x7f: {  	v1 =	vadd.f32 v2, v1  }
0x80: {  	v2 =	vld [tilespmem:s5+$0x4000]  }
0x81: {  	v1 =	vadd.f32 v3, v1  }
0x82: {  	v3 =	vld [tilespmem:s5+$0x4080]  }
0x83: {  	v1 =	vadd.f32 v4, v1  }
0x84: {  	v4 =	vld [tilespmem:s5+$0x4100]  }
0x85: {  	v1 =	vadd.f32 v2, v1  }
0x86: {  	v2 =	vld [tilespmem:s5+$0x4180]  }
0x87: {  	v1 =	vadd.f32 v3, v1  }
0x88: {  	v3 =	vld [tilespmem:s5+$0x4200]  }
0x89: {  	v1 =	vadd.f32 v4, v1  }
0x8a: {  	v4 =	vld [tilespmem:s5+$0x4280]  }
0x8b: {  	v1 =	vadd.f32 v2, v1  }
0x8c: {  	v2 =	vld [tilespmem:s5+$0x4300]  }
0x8d: {  	v1 =	vadd.f32 v3, v1  }
0x8e: {  	v3 =	vld [tilespmem:s5+$0x4380]  }
0x8f: {  	v1 =	vadd.f32 v4, v1  }
0x90: {  	v4 =	vld [tilespmem:s5+$0x6000]  }
0x91: {  	v1 =	vadd.f32 v2, v1  }
0x92: {  	v2 =	vld [tilespmem:s5+$0x6080]  }
0x93: {  	v1 =	vadd.f32 v3, v1  }
0x94: {  	v3 =	vld [tilespmem:s5+$0x6100]  }
0x95: {  	v1 =	vadd.f32 v4, v1  }
0x96: {  	v4 =	vld [tilespmem:s5+$0x6180]  }
0x97: {  	v1 =	vadd.f32 v2, v1  }
0x98: {  	v2 =	vld [tilespmem:s5+$0x6200]  }
0x99: {  	v1 =	vadd.f32 v3, v1  }
0x9a: {  	v3 =	vld [tilespmem:s5+$0x6280]  }
0x9b: {  	v1 =	vadd.f32 v4, v1  }
0x9c: {  	v4 =	vld [tilespmem:s5+$0x6300]  }
0x9d: {  	v1 =	vadd.f32 v2, v1  }
0x9e: {  	v2 =	vld [tilespmem:s5+$0x6380]  }
0x9f: {  	v1 =	vadd.f32 v3, v1;
	_ =	sdelay $0x1  }
.Ltmp0:
0xa0: {  	v1 =	vadd.f32 v4, v1;
	(pc) =	sbr.rel @p0 .LBB2_2-.Ltmp0, $4  }
0xa1: {  	_ = 	snop  }
0xa2: {  	s26 =	sadd.s32 $0x80, s26;
	v1 =	vadd.f32 v2, v1  }
0xa3: {  	s2 =	sand.u32 $0x70, s1;
	s25 =	sadd.s32 $0x10, s25;
	s5 =	sand.u32 $0x1C00, s26  }
0xa4: {  	s1 =	sadd.s32 $0x10, s1;
	s5 =	sor.u32 s2, s5;
	[tilespmem:s25+$0x0] =	vst v1  }
0xa5: {  	v1 =	vld [tilespmem:s5+$0x80]  }
0xa6: {  	v2 =	vld [tilespmem:s5+$0x0];
	_ =	sdelay $0x1  }
0xa7: {  	v3 =	vld [tilespmem:s5+$0x100];
	_ =	sdelay $0x1  }
0xa8: {  	v4 =	vld [tilespmem:s5+$0x180]  }
0xa9: {  	v1 =	vadd.f32 v1, v2  }
0xaa: {  	v2 =	vld [tilespmem:s5+$0x200]  }
0xab: {  	v1 =	vadd.f32 v3, v1  }
0xac: {  	v3 =	vld [tilespmem:s5+$0x280]  }
0xad: {  	v1 =	vadd.f32 v4, v1  }
0xae: {  	v45 =	vld [tilespmem:s5+$0x300]  }
0xaf: {  	v1 =	vadd.f32 v2, v1  }
0xb0: {  	v2 =	vld [tilespmem:s5+$0x380]  }
0xb1: {  	v1 =	vadd.f32 v3, v1  }
0xb2: {  	v3 =	vld [tilespmem:s5+$0x2000]  }
0xb3: {  	v1 =	vadd.f32 v45, v1  }
0xb4: {  	v46 =	vld [tilespmem:s5+$0x2080]  }
0xb5: {  	v1 =	vadd.f32 v2, v1  }
0xb6: {  	v2 =	vld [tilespmem:s5+$0x2100]  }
0xb7: {  	v1 =	vadd.f32 v3, v1  }
0xb8: {  	v3 =	vld [tilespmem:s5+$0x2180]  }
0xb9: {  	v1 =	vadd.f32 v46, v1  }
0xba: {  	v47 =	vld [tilespmem:s5+$0x2200]  }
0xbb: {  	v1 =	vadd.f32 v2, v1  }
0xbc: {  	v2 =	vld [tilespmem:s5+$0x2280]  }
0xbd: {  	v1 =	vadd.f32 v3, v1  }
0xbe: {  	v3 =	vld [tilespmem:s5+$0x2300]  }
0xbf: {  	v1 =	vadd.f32 v47, v1  }
0xc0: {  	v48 =	vld [tilespmem:s5+$0x2380]  }
0xc1: {  	v1 =	vadd.f32 v2, v1  }
0xc2: {  	v2 =	vld [tilespmem:s5+$0x4000]  }
0xc3: {  	v1 =	vadd.f32 v3, v1  }
0xc4: {  	v3 =	vld [tilespmem:s5+$0x4080]  }
0xc5: {  	v1 =	vadd.f32 v48, v1  }
0xc6: {  	v49 =	vld [tilespmem:s5+$0x4100]  }
0xc7: {  	v1 =	vadd.f32 v2, v1  }
0xc8: {  	v2 =	vld [tilespmem:s5+$0x4180]  }
0xc9: {  	v1 =	vadd.f32 v3, v1  }
0xca: {  	v3 =	vld [tilespmem:s5+$0x4200]  }
0xcb: {  	v1 =	vadd.f32 v49, v1  }
0xcc: {  	v50 =	vld [tilespmem:s5+$0x4280]  }
0xcd: {  	v1 =	vadd.f32 v2, v1  }
0xce: {  	v2 =	vld [tilespmem:s5+$0x4300]  }
0xcf: {  	v1 =	vadd.f32 v3, v1  }
0xd0: {  	v3 =	vld [tilespmem:s5+$0x4380]  }
0xd1: {  	v1 =	vadd.f32 v50, v1  }
0xd2: {  	v51 =	vld [tilespmem:s5+$0x6000]  }
0xd3: {  	v1 =	vadd.f32 v2, v1  }
0xd4: {  	v2 =	vld [tilespmem:s5+$0x6080]  }
0xd5: {  	v1 =	vadd.f32 v3, v1  }
0xd6: {  	v3 =	vld [tilespmem:s5+$0x6100]  }
0xd7: {  	v1 =	vadd.f32 v51, v1  }
0xd8: {  	v52 =	vld [tilespmem:s5+$0x6180]  }
0xd9: {  	v1 =	vadd.f32 v2, v1  }
0xda: {  	v2 =	vld [tilespmem:s5+$0x6200]  }
0xdb: {  	v1 =	vadd.f32 v3, v1  }
0xdc: {  	v3 =	vld [tilespmem:s5+$0x6280]  }
0xdd: {  	v1 =	vadd.f32 v52, v1  }
0xde: {  	v53 =	vld [tilespmem:s5+$0x6300]  }
0xdf: {  	v1 =	vadd.f32 v2, v1  }
0xe0: {  	v2 =	vld [tilespmem:s5+$0x6380]  }
0xe1: {  	v1 =	vadd.f32 v3, v1;
	_ =	sdelay $0x1  }
0xe2: {  	v1 =	vadd.f32 v53, v1;
	_ =	sdelay $0x1  }
0xe3: {  	v1 =	vadd.f32 v2, v1  }
0xe4: {  	s1 =	sadd.s32 $0x10, s25  }
0xe5: {  	s30 =	simm.s32 $0x0;
	[tilespmem:s1+$0x0] =	vst v1  }
0xe6: {  	[tilespmem:s30], [sflag:$0x1] =	stream.strided.gather [hbm4b:s11+s28], $0x8000, s29, s28, $0x38;
	[tilespmem:$0x13100] =	vst v63  }
0xe7: {  	_ =	swait.ge [sflag:s24], $0x8000  }
0xe8: {  	s2 =	sand.u32 $0x70, s30;
	s1 =	sand.u32 $0x1C00, s30;
	[sflag:s24] =	ssyncset.done $0x0  }
0xe9: {  	s1 =	sor.u32 s2, s1;
	[sflag:s24] =	ssyncadd.s32 $0xFFFF8000  }
0xea: {  	v1 =	vld [tilespmem:s1+$0x80]  }
0xeb: {  	v2 =	vld [tilespmem:s1+$0x0];
	_ =	sdelay $0x1  }
0xec: {  	v3 =	vld [tilespmem:s1+$0x100];
	_ =	sdelay $0x1  }
0xed: {  	v54 =	vld [tilespmem:s1+$0x180]  }
0xee: {  	v1 =	vadd.f32 v1, v2  }
0xef: {  	v2 =	vld [tilespmem:s1+$0x200]  }
0xf0: {  	v1 =	vadd.f32 v3, v1  }
0xf1: {  	v3 =	vld [tilespmem:s1+$0x280]  }
0xf2: {  	v1 =	vadd.f32 v54, v1  }
0xf3: {  	v55 =	vld [tilespmem:s1+$0x300]  }
0xf4: {  	v1 =	vadd.f32 v2, v1  }
0xf5: {  	v2 =	vld [tilespmem:s1+$0x380]  }
0xf6: {  	v1 =	vadd.f32 v3, v1  }
0xf7: {  	v3 =	vld [tilespmem:s1+$0x2000]  }
0xf8: {  	v1 =	vadd.f32 v55, v1  }
0xf9: {  	v56 =	vld [tilespmem:s1+$0x2080]  }
0xfa: {  	v1 =	vadd.f32 v2, v1  }
0xfb: {  	v2 =	vld [tilespmem:s1+$0x2100]  }
0xfc: {  	v1 =	vadd.f32 v3, v1  }
0xfd: {  	v3 =	vld [tilespmem:s1+$0x2180]  }
0xfe: {  	v1 =	vadd.f32 v56, v1  }
0xff: {  	v57 =	vld [tilespmem:s1+$0x2200]  }
0x100: {  	v1 =	vadd.f32 v2, v1  }
0x101: {  	v2 =	vld [tilespmem:s1+$0x2280]  }
0x102: {  	v1 =	vadd.f32 v3, v1  }
0x103: {  	v3 =	vld [tilespmem:s1+$0x2300]  }
0x104: {  	v1 =	vadd.f32 v57, v1  }
0x105: {  	v58 =	vld [tilespmem:s1+$0x2380]  }
0x106: {  	v1 =	vadd.f32 v2, v1  }
0x107: {  	v2 =	vld [tilespmem:s1+$0x4000]  }
0x108: {  	v1 =	vadd.f32 v3, v1  }
0x109: {  	v3 =	vld [tilespmem:s1+$0x4080]  }
0x10a: {  	v1 =	vadd.f32 v58, v1  }
0x10b: {  	v59 =	vld [tilespmem:s1+$0x4100]  }
0x10c: {  	v1 =	vadd.f32 v2, v1  }
0x10d: {  	v2 =	vld [tilespmem:s1+$0x4180]  }
0x10e: {  	v1 =	vadd.f32 v3, v1  }
0x10f: {  	v3 =	vld [tilespmem:s1+$0x4200]  }
0x110: {  	v1 =	vadd.f32 v59, v1  }
0x111: {  	v60 =	vld [tilespmem:s1+$0x4280]  }
0x112: {  	v1 =	vadd.f32 v2, v1  }
0x113: {  	v2 =	vld [tilespmem:s1+$0x4300]  }
0x114: {  	v1 =	vadd.f32 v3, v1  }
0x115: {  	v3 =	vld [tilespmem:s1+$0x4380]  }
0x116: {  	v1 =	vadd.f32 v60, v1  }
0x117: {  	v61 =	vld [tilespmem:s1+$0x6000]  }
0x118: {  	v1 =	vadd.f32 v2, v1  }
0x119: {  	v2 =	vld [tilespmem:s1+$0x6080]  }
0x11a: {  	v1 =	vadd.f32 v3, v1  }
0x11b: {  	v3 =	vld [tilespmem:s1+$0x6100]  }
0x11c: {  	v1 =	vadd.f32 v61, v1  }
0x11d: {  	v62 =	vld [tilespmem:s1+$0x6180]  }
0x11e: {  	v1 =	vadd.f32 v2, v1  }
0x11f: {  	v2 =	vld [tilespmem:s1+$0x6200]  }
0x120: {  	v1 =	vadd.f32 v3, v1  }
0x121: {  	v3 =	vld [tilespmem:s1+$0x6280]  }
0x122: {  	v1 =	vadd.f32 v62, v1  }
0x123: {  	v63 =	vld [tilespmem:s1+$0x6300]  }
0x124: {  	v1 =	vadd.f32 v2, v1  }
0x125: {  	v2 =	vld [tilespmem:s1+$0x6380]  }
0x126: {  	v1 =	vadd.f32 v3, v1;
	_ =	sdelay $0x1  }
0x127: {  	v1 =	vadd.f32 v63, v1;
	_ =	sdelay $0x1  }
0x128: {  	s26 =	simm.s32 $0x80;
	s5 =	simm.s32 $0x10;
	v1 =	vadd.f32 v2, v1  }
0x129: {  	s25 =	simm.s32 $0x8400;
	s30 =	sand.u32 $0x1C00, s26;
	s1 =	sand.u32 $0x70, s5  }
0x12a: {  	s5 =	sor.u32 s1, s30;
	s1 =	simm.s32 $0x20;
	[tilespmem:s25+$0x0] =	vst v1  }
.LBB2_4:
0x12b: {  	p0 =	sne.s32 s1, $0x3F0;
	v1 =	vld [tilespmem:s5+$0x80]  }
0x12c: {  	v2 =	vld [tilespmem:s5+$0x0];
	_ =	sdelay $0x1  }
0x12d: {  	v3 =	vld [tilespmem:s5+$0x100];
	_ =	sdelay $0x1  }
0x12e: {  	v4 =	vld [tilespmem:s5+$0x180]  }
0x12f: {  	v1 =	vadd.f32 v1, v2  }
0x130: {  	v2 =	vld [tilespmem:s5+$0x200]  }
0x131: {  	v1 =	vadd.f32 v3, v1  }
0x132: {  	v3 =	vld [tilespmem:s5+$0x280]  }
0x133: {  	v1 =	vadd.f32 v4, v1  }
0x134: {  	v4 =	vld [tilespmem:s5+$0x300]  }
0x135: {  	v1 =	vadd.f32 v2, v1  }
0x136: {  	v2 =	vld [tilespmem:s5+$0x380]  }
0x137: {  	v1 =	vadd.f32 v3, v1  }
0x138: {  	v3 =	vld [tilespmem:s5+$0x2000]  }
0x139: {  	v1 =	vadd.f32 v4, v1  }
0x13a: {  	v4 =	vld [tilespmem:s5+$0x2080]  }
0x13b: {  	v1 =	vadd.f32 v2, v1  }
0x13c: {  	v2 =	vld [tilespmem:s5+$0x2100]  }
0x13d: {  	v1 =	vadd.f32 v3, v1  }
0x13e: {  	v3 =	vld [tilespmem:s5+$0x2180]  }
0x13f: {  	v1 =	vadd.f32 v4, v1  }
0x140: {  	v4 =	vld [tilespmem:s5+$0x2200]  }
0x141: {  	v1 =	vadd.f32 v2, v1  }
0x142: {  	v2 =	vld [tilespmem:s5+$0x2280]  }
0x143: {  	v1 =	vadd.f32 v3, v1  }
0x144: {  	v3 =	vld [tilespmem:s5+$0x2300]  }
0x145: {  	v1 =	vadd.f32 v4, v1  }
0x146: {  	v4 =	vld [tilespmem:s5+$0x2380]  }
0x147: {  	v1 =	vadd.f32 v2, v1  }
0x148: {  	v2 =	vld [tilespmem:s5+$0x4000]  }
0x149: {  	v1 =	vadd.f32 v3, v1  }
0x14a: {  	v3 =	vld [tilespmem:s5+$0x4080]  }
0x14b: {  	v1 =	vadd.f32 v4, v1  }
0x14c: {  	v4 =	vld [tilespmem:s5+$0x4100]  }
0x14d: {  	v1 =	vadd.f32 v2, v1  }
0x14e: {  	v2 =	vld [tilespmem:s5+$0x4180]  }
0x14f: {  	v1 =	vadd.f32 v3, v1  }
0x150: {  	v3 =	vld [tilespmem:s5+$0x4200]  }
0x151: {  	v1 =	vadd.f32 v4, v1  }
0x152: {  	v4 =	vld [tilespmem:s5+$0x4280]  }
0x153: {  	v1 =	vadd.f32 v2, v1  }
0x154: {  	v2 =	vld [tilespmem:s5+$0x4300]  }
0x155: {  	v1 =	vadd.f32 v3, v1  }
0x156: {  	v3 =	vld [tilespmem:s5+$0x4380]  }
0x157: {  	v1 =	vadd.f32 v4, v1  }
0x158: {  	v4 =	vld [tilespmem:s5+$0x6000]  }
0x159: {  	v1 =	vadd.f32 v2, v1  }
0x15a: {  	v2 =	vld [tilespmem:s5+$0x6080]  }
0x15b: {  	v1 =	vadd.f32 v3, v1  }
0x15c: {  	v3 =	vld [tilespmem:s5+$0x6100]  }
0x15d: {  	v1 =	vadd.f32 v4, v1  }
0x15e: {  	v4 =	vld [tilespmem:s5+$0x6180]  }
0x15f: {  	v1 =	vadd.f32 v2, v1  }
0x160: {  	v2 =	vld [tilespmem:s5+$0x6200]  }
0x161: {  	v1 =	vadd.f32 v3, v1  }
0x162: {  	v3 =	vld [tilespmem:s5+$0x6280]  }
0x163: {  	v1 =	vadd.f32 v4, v1  }
0x164: {  	v4 =	vld [tilespmem:s5+$0x6300]  }
0x165: {  	v1 =	vadd.f32 v2, v1  }
0x166: {  	v2 =	vld [tilespmem:s5+$0x6380]  }
0x167: {  	v1 =	vadd.f32 v3, v1;
	_ =	sdelay $0x1  }
.Ltmp1:
0x168: {  	v1 =	vadd.f32 v4, v1;
	(pc) =	sbr.rel @p0 .LBB2_4-.Ltmp1, $4  }
0x169: {  	_ = 	snop  }
0x16a: {  	s26 =	sadd.s32 $0x80, s26;
	v1 =	vadd.f32 v2, v1  }
0x16b: {  	s2 =	sand.u32 $0x70, s1;
	s25 =	sadd.s32 $0x10, s25;
	s5 =	sand.u32 $0x1C00, s26  }
0x16c: {  	s1 =	sadd.s32 $0x10, s1;
	s5 =	sor.u32 s2, s5;
	[tilespmem:s25+$0x0] =	vst v1  }
0x16d: {  	v1 =	vld [tilespmem:s5+$0x80]  }
0x16e: {  	v2 =	vld [tilespmem:s5+$0x0];
	_ =	sdelay $0x1  }
0x16f: {  	v3 =	vld [tilespmem:s5+$0x100];
	_ =	sdelay $0x1  }
0x170: {  	v4 =	vld [tilespmem:s5+$0x180]  }
0x171: {  	v1 =	vadd.f32 v1, v2  }
0x172: {  	v2 =	vld [tilespmem:s5+$0x200]  }
0x173: {  	v1 =	vadd.f32 v3, v1  }
0x174: {  	v3 =	vld [tilespmem:s5+$0x280]  }
0x175: {  	v1 =	vadd.f32 v4, v1  }
0x176: {  	v45 =	vld [tilespmem:s5+$0x300]  }
0x177: {  	v1 =	vadd.f32 v2, v1  }
0x178: {  	v2 =	vld [tilespmem:s5+$0x380]  }
0x179: {  	v1 =	vadd.f32 v3, v1  }
0x17a: {  	v3 =	vld [tilespmem:s5+$0x2000]  }
0x17b: {  	v1 =	vadd.f32 v45, v1  }
0x17c: {  	v46 =	vld [tilespmem:s5+$0x2080]  }
0x17d: {  	v1 =	vadd.f32 v2, v1  }
0x17e: {  	v2 =	vld [tilespmem:s5+$0x2100]  }
0x17f: {  	v1 =	vadd.f32 v3, v1  }
0x180: {  	v3 =	vld [tilespmem:s5+$0x2180]  }
0x181: {  	v1 =	vadd.f32 v46, v1  }
0x182: {  	v47 =	vld [tilespmem:s5+$0x2200]  }
0x183: {  	v1 =	vadd.f32 v2, v1  }
0x184: {  	v2 =	vld [tilespmem:s5+$0x2280]  }
0x185: {  	v1 =	vadd.f32 v3, v1  }
0x186: {  	v3 =	vld [tilespmem:s5+$0x2300]  }
0x187: {  	v1 =	vadd.f32 v47, v1  }
0x188: {  	v48 =	vld [tilespmem:s5+$0x2380]  }
0x189: {  	v1 =	vadd.f32 v2, v1  }
0x18a: {  	v2 =	vld [tilespmem:s5+$0x4000]  }
0x18b: {  	v1 =	vadd.f32 v3, v1  }
0x18c: {  	v3 =	vld [tilespmem:s5+$0x4080]  }
0x18d: {  	v1 =	vadd.f32 v48, v1  }
0x18e: {  	v49 =	vld [tilespmem:s5+$0x4100]  }
0x18f: {  	v1 =	vadd.f32 v2, v1  }
0x190: {  	v2 =	vld [tilespmem:s5+$0x4180]  }
0x191: {  	v1 =	vadd.f32 v3, v1  }
0x192: {  	v3 =	vld [tilespmem:s5+$0x4200]  }
0x193: {  	v1 =	vadd.f32 v49, v1  }
0x194: {  	v50 =	vld [tilespmem:s5+$0x4280]  }
0x195: {  	v1 =	vadd.f32 v2, v1  }
0x196: {  	v2 =	vld [tilespmem:s5+$0x4300]  }
0x197: {  	v1 =	vadd.f32 v3, v1  }
0x198: {  	v3 =	vld [tilespmem:s5+$0x4380]  }
0x199: {  	v1 =	vadd.f32 v50, v1  }
0x19a: {  	v51 =	vld [tilespmem:s5+$0x6000]  }
0x19b: {  	v1 =	vadd.f32 v2, v1  }
0x19c: {  	v2 =	vld [tilespmem:s5+$0x6080]  }
0x19d: {  	v1 =	vadd.f32 v3, v1  }
0x19e: {  	v3 =	vld [tilespmem:s5+$0x6100]  }
0x19f: {  	v1 =	vadd.f32 v51, v1  }
0x1a0: {  	v52 =	vld [tilespmem:s5+$0x6180]  }
0x1a1: {  	v1 =	vadd.f32 v2, v1  }
0x1a2: {  	v2 =	vld [tilespmem:s5+$0x6200]  }
0x1a3: {  	v1 =	vadd.f32 v3, v1  }
0x1a4: {  	v3 =	vld [tilespmem:s5+$0x6280]  }
0x1a5: {  	v1 =	vadd.f32 v52, v1  }
0x1a6: {  	v53 =	vld [tilespmem:s5+$0x6300]  }
0x1a7: {  	v1 =	vadd.f32 v2, v1  }
0x1a8: {  	v2 =	vld [tilespmem:s5+$0x6380]  }
0x1a9: {  	v1 =	vadd.f32 v3, v1;
	_ =	sdelay $0x1  }
0x1aa: {  	v1 =	vadd.f32 v53, v1;
	_ =	sdelay $0x1  }
0x1ab: {  	v1 =	vadd.f32 v2, v1  }
0x1ac: {  	s1 =	sadd.s32 $0x10, s25  }
0x1ad: {  	s25 =	simm.s32 $0x0;
	[tilespmem:s1+$0x0] =	vst v1  }
0x1ae: {  	[tilespmem:s25], [sflag:$0x1] =	stream.strided.gather [hbm4b:s12+s28], $0x8000, s29, s28, $0x38;
	[tilespmem:$0x13100] =	vst v63  }
0x1af: {  	_ =	swait.ge [sflag:s24], $0x8000  }
0x1b0: {  	s30 =	sand.u32 $0x70, s25;
	s2 =	sand.u32 $0x1C00, s25;
	[sflag:s24] =	ssyncset.done $0x0  }
0x1b1: {  	s1 =	sor.u32 s30, s2;
	[sflag:s24] =	ssyncadd.s32 $0xFFFF8000  }
0x1b2: {  	v1 =	vld [tilespmem:s1+$0x80]  }
0x1b3: {  	v2 =	vld [tilespmem:s1+$0x0];
	_ =	sdelay $0x1  }
0x1b4: {  	v3 =	vld [tilespmem:s1+$0x100];
	_ =	sdelay $0x1  }
0x1b5: {  	v54 =	vld [tilespmem:s1+$0x180]  }
0x1b6: {  	v1 =	vadd.f32 v1, v2  }
0x1b7: {  	v2 =	vld [tilespmem:s1+$0x200]  }
0x1b8: {  	v1 =	vadd.f32 v3, v1  }
0x1b9: {  	v3 =	vld [tilespmem:s1+$0x280]  }
0x1ba: {  	v1 =	vadd.f32 v54, v1  }
0x1bb: {  	v55 =	vld [tilespmem:s1+$0x300]  }
0x1bc: {  	v1 =	vadd.f32 v2, v1  }
0x1bd: {  	v2 =	vld [tilespmem:s1+$0x380]  }
0x1be: {  	v1 =	vadd.f32 v3, v1  }
0x1bf: {  	v3 =	vld [tilespmem:s1+$0x2000]  }
0x1c0: {  	v1 =	vadd.f32 v55, v1  }
0x1c1: {  	v56 =	vld [tilespmem:s1+$0x2080]  }
0x1c2: {  	v1 =	vadd.f32 v2, v1  }
0x1c3: {  	v2 =	vld [tilespmem:s1+$0x2100]  }
0x1c4: {  	v1 =	vadd.f32 v3, v1  }
0x1c5: {  	v3 =	vld [tilespmem:s1+$0x2180]  }
0x1c6: {  	v1 =	vadd.f32 v56, v1  }
0x1c7: {  	v57 =	vld [tilespmem:s1+$0x2200]  }
0x1c8: {  	v1 =	vadd.f32 v2, v1  }
0x1c9: {  	v2 =	vld [tilespmem:s1+$0x2280]  }
0x1ca: {  	v1 =	vadd.f32 v3, v1  }
0x1cb: {  	v3 =	vld [tilespmem:s1+$0x2300]  }
0x1cc: {  	v1 =	vadd.f32 v57, v1  }
0x1cd: {  	v58 =	vld [tilespmem:s1+$0x2380]  }
0x1ce: {  	v1 =	vadd.f32 v2, v1  }
0x1cf: {  	v2 =	vld [tilespmem:s1+$0x4000]  }
0x1d0: {  	v1 =	vadd.f32 v3, v1  }
0x1d1: {  	v3 =	vld [tilespmem:s1+$0x4080]  }
0x1d2: {  	v1 =	vadd.f32 v58, v1  }
0x1d3: {  	v59 =	vld [tilespmem:s1+$0x4100]  }
0x1d4: {  	v1 =	vadd.f32 v2, v1  }
0x1d5: {  	v2 =	vld [tilespmem:s1+$0x4180]  }
0x1d6: {  	v1 =	vadd.f32 v3, v1  }
0x1d7: {  	v3 =	vld [tilespmem:s1+$0x4200]  }
0x1d8: {  	v1 =	vadd.f32 v59, v1  }
0x1d9: {  	v60 =	vld [tilespmem:s1+$0x4280]  }
0x1da: {  	v1 =	vadd.f32 v2, v1  }
0x1db: {  	v2 =	vld [tilespmem:s1+$0x4300]  }
0x1dc: {  	v1 =	vadd.f32 v3, v1  }
0x1dd: {  	v3 =	vld [tilespmem:s1+$0x4380]  }
0x1de: {  	v1 =	vadd.f32 v60, v1  }
0x1df: {  	v61 =	vld [tilespmem:s1+$0x6000]  }
0x1e0: {  	v1 =	vadd.f32 v2, v1  }
0x1e1: {  	v2 =	vld [tilespmem:s1+$0x6080]  }
0x1e2: {  	v1 =	vadd.f32 v3, v1  }
0x1e3: {  	v3 =	vld [tilespmem:s1+$0x6100]  }
0x1e4: {  	v1 =	vadd.f32 v61, v1  }
0x1e5: {  	v62 =	vld [tilespmem:s1+$0x6180]  }
0x1e6: {  	v1 =	vadd.f32 v2, v1  }
0x1e7: {  	v2 =	vld [tilespmem:s1+$0x6200]  }
0x1e8: {  	v1 =	vadd.f32 v3, v1  }
0x1e9: {  	v3 =	vld [tilespmem:s1+$0x6280]  }
0x1ea: {  	v1 =	vadd.f32 v62, v1  }
0x1eb: {  	v63 =	vld [tilespmem:s1+$0x6300]  }
0x1ec: {  	v1 =	vadd.f32 v2, v1  }
0x1ed: {  	v2 =	vld [tilespmem:s1+$0x6380]  }
0x1ee: {  	v1 =	vadd.f32 v3, v1;
	_ =	sdelay $0x1  }
0x1ef: {  	v1 =	vadd.f32 v63, v1;
	_ =	sdelay $0x1  }
0x1f0: {  	s5 =	simm.s32 $0x10;
	s1 =	simm.s32 $0x80;
	v1 =	vadd.f32 v2, v1  }
0x1f1: {  	s26 =	simm.s32 $0x8800;
	s2 =	sand.u32 $0x70, s5;
	s30 =	sand.u32 $0x1C00, s1  }
0x1f2: {  	s5 =	sor.u32 s2, s30;
	s2 =	simm.s32 $0x20;
	[tilespmem:s26+$0x0] =	vst v1  }
.LBB2_6:
0x1f3: {  	p0 =	sne.s32 s2, $0x3F0;
	v1 =	vld [tilespmem:s5+$0x80]  }
0x1f4: {  	v2 =	vld [tilespmem:s5+$0x0];
	_ =	sdelay $0x1  }
0x1f5: {  	v3 =	vld [tilespmem:s5+$0x100];
	_ =	sdelay $0x1  }
0x1f6: {  	v4 =	vld [tilespmem:s5+$0x180]  }
0x1f7: {  	v1 =	vadd.f32 v1, v2  }
0x1f8: {  	v2 =	vld [tilespmem:s5+$0x200]  }
0x1f9: {  	v1 =	vadd.f32 v3, v1  }
0x1fa: {  	v3 =	vld [tilespmem:s5+$0x280]  }
0x1fb: {  	v1 =	vadd.f32 v4, v1  }
0x1fc: {  	v4 =	vld [tilespmem:s5+$0x300]  }
0x1fd: {  	v1 =	vadd.f32 v2, v1  }
0x1fe: {  	v2 =	vld [tilespmem:s5+$0x380]  }
0x1ff: {  	v1 =	vadd.f32 v3, v1  }
0x200: {  	v3 =	vld [tilespmem:s5+$0x2000]  }
0x201: {  	v1 =	vadd.f32 v4, v1  }
0x202: {  	v4 =	vld [tilespmem:s5+$0x2080]  }
0x203: {  	v1 =	vadd.f32 v2, v1  }
0x204: {  	v2 =	vld [tilespmem:s5+$0x2100]  }
0x205: {  	v1 =	vadd.f32 v3, v1  }
0x206: {  	v3 =	vld [tilespmem:s5+$0x2180]  }
0x207: {  	v1 =	vadd.f32 v4, v1  }
0x208: {  	v4 =	vld [tilespmem:s5+$0x2200]  }
0x209: {  	v1 =	vadd.f32 v2, v1  }
0x20a: {  	v2 =	vld [tilespmem:s5+$0x2280]  }
0x20b: {  	v1 =	vadd.f32 v3, v1  }
0x20c: {  	v3 =	vld [tilespmem:s5+$0x2300]  }
0x20d: {  	v1 =	vadd.f32 v4, v1  }
0x20e: {  	v4 =	vld [tilespmem:s5+$0x2380]  }
0x20f: {  	v1 =	vadd.f32 v2, v1  }
0x210: {  	v2 =	vld [tilespmem:s5+$0x4000]  }
0x211: {  	v1 =	vadd.f32 v3, v1  }
0x212: {  	v3 =	vld [tilespmem:s5+$0x4080]  }
0x213: {  	v1 =	vadd.f32 v4, v1  }
0x214: {  	v4 =	vld [tilespmem:s5+$0x4100]  }
0x215: {  	v1 =	vadd.f32 v2, v1  }
0x216: {  	v2 =	vld [tilespmem:s5+$0x4180]  }
0x217: {  	v1 =	vadd.f32 v3, v1  }
0x218: {  	v3 =	vld [tilespmem:s5+$0x4200]  }
0x219: {  	v1 =	vadd.f32 v4, v1  }
0x21a: {  	v4 =	vld [tilespmem:s5+$0x4280]  }
0x21b: {  	v1 =	vadd.f32 v2, v1  }
0x21c: {  	v2 =	vld [tilespmem:s5+$0x4300]  }
0x21d: {  	v1 =	vadd.f32 v3, v1  }
0x21e: {  	v3 =	vld [tilespmem:s5+$0x4380]  }
0x21f: {  	v1 =	vadd.f32 v4, v1  }
0x220: {  	v4 =	vld [tilespmem:s5+$0x6000]  }
0x221: {  	v1 =	vadd.f32 v2, v1  }
0x222: {  	v2 =	vld [tilespmem:s5+$0x6080]  }
0x223: {  	v1 =	vadd.f32 v3, v1  }
0x224: {  	v3 =	vld [tilespmem:s5+$0x6100]  }
0x225: {  	v1 =	vadd.f32 v4, v1  }
0x226: {  	v4 =	vld [tilespmem:s5+$0x6180]  }
0x227: {  	v1 =	vadd.f32 v2, v1  }
0x228: {  	v2 =	vld [tilespmem:s5+$0x6200]  }
0x229: {  	v1 =	vadd.f32 v3, v1  }
0x22a: {  	v3 =	vld [tilespmem:s5+$0x6280]  }
0x22b: {  	v1 =	vadd.f32 v4, v1  }
0x22c: {  	v4 =	vld [tilespmem:s5+$0x6300]  }
0x22d: {  	v1 =	vadd.f32 v2, v1  }
0x22e: {  	v2 =	vld [tilespmem:s5+$0x6380]  }
0x22f: {  	v1 =	vadd.f32 v3, v1;
	_ =	sdelay $0x1  }
.Ltmp2:
0x230: {  	v1 =	vadd.f32 v4, v1;
	(pc) =	sbr.rel @p0 .LBB2_6-.Ltmp2, $4  }
0x231: {  	_ = 	snop  }
0x232: {  	s1 =	sadd.s32 $0x80, s1;
	v1 =	vadd.f32 v2, v1  }
0x233: {  	s26 =	sadd.s32 $0x10, s26;
	s30 =	sand.u32 $0x1C00, s1;
	s5 =	sand.u32 $0x70, s2  }
0x234: {  	s2 =	sadd.s32 $0x10, s2;
	s5 =	sor.u32 s5, s30;
	[tilespmem:s26+$0x0] =	vst v1  }
0x235: {  	v1 =	vld [tilespmem:s5+$0x80]  }
0x236: {  	v2 =	vld [tilespmem:s5+$0x0];
	_ =	sdelay $0x1  }
0x237: {  	v3 =	vld [tilespmem:s5+$0x100];
	_ =	sdelay $0x1  }
0x238: {  	v4 =	vld [tilespmem:s5+$0x180]  }
0x239: {  	v1 =	vadd.f32 v1, v2  }
0x23a: {  	v2 =	vld [tilespmem:s5+$0x200]  }
0x23b: {  	v1 =	vadd.f32 v3, v1  }
0x23c: {  	v3 =	vld [tilespmem:s5+$0x280]  }
0x23d: {  	v1 =	vadd.f32 v4, v1  }
0x23e: {  	v4 =	vld [tilespmem:s5+$0x300]  }
0x23f: {  	v1 =	vadd.f32 v2, v1  }
0x240: {  	v2 =	vld [tilespmem:s5+$0x380]  }
0x241: {  	v1 =	vadd.f32 v3, v1  }
0x242: {  	v3 =	vld [tilespmem:s5+$0x2000]  }
0x243: {  	v1 =	vadd.f32 v4, v1  }
0x244: {  	v4 =	vld [tilespmem:s5+$0x2080]  }
0x245: {  	v1 =	vadd.f32 v2, v1  }
0x246: {  	v2 =	vld [tilespmem:s5+$0x2100]  }
0x247: {  	v1 =	vadd.f32 v3, v1  }
0x248: {  	v3 =	vld [tilespmem:s5+$0x2180]  }
0x249: {  	v1 =	vadd.f32 v4, v1  }
0x24a: {  	v4 =	vld [tilespmem:s5+$0x2200]  }
0x24b: {  	v1 =	vadd.f32 v2, v1  }
0x24c: {  	v2 =	vld [tilespmem:s5+$0x2280]  }
0x24d: {  	v1 =	vadd.f32 v3, v1  }
0x24e: {  	v3 =	vld [tilespmem:s5+$0x2300]  }
0x24f: {  	v1 =	vadd.f32 v4, v1  }
0x250: {  	v4 =	vld [tilespmem:s5+$0x2380]  }
0x251: {  	v1 =	vadd.f32 v2, v1  }
0x252: {  	v2 =	vld [tilespmem:s5+$0x4000]  }
0x253: {  	v1 =	vadd.f32 v3, v1  }
0x254: {  	v3 =	vld [tilespmem:s5+$0x4080]  }
0x255: {  	v1 =	vadd.f32 v4, v1  }
0x256: {  	v4 =	vld [tilespmem:s5+$0x4100]  }
0x257: {  	v1 =	vadd.f32 v2, v1  }
0x258: {  	v2 =	vld [tilespmem:s5+$0x4180]  }
0x259: {  	v1 =	vadd.f32 v3, v1  }
0x25a: {  	v3 =	vld [tilespmem:s5+$0x4200]  }
0x25b: {  	v1 =	vadd.f32 v4, v1  }
0x25c: {  	v4 =	vld [tilespmem:s5+$0x4280]  }
0x25d: {  	v1 =	vadd.f32 v2, v1  }
0x25e: {  	v2 =	vld [tilespmem:s5+$0x4300]  }
0x25f: {  	v1 =	vadd.f32 v3, v1  }
0x260: {  	v3 =	vld [tilespmem:s5+$0x4380]  }
0x261: {  	v1 =	vadd.f32 v4, v1  }
0x262: {  	v4 =	vld [tilespmem:s5+$0x6000]  }
0x263: {  	v1 =	vadd.f32 v2, v1  }
0x264: {  	v2 =	vld [tilespmem:s5+$0x6080]  }
0x265: {  	v1 =	vadd.f32 v3, v1  }
0x266: {  	v3 =	vld [tilespmem:s5+$0x6100]  }
0x267: {  	v1 =	vadd.f32 v4, v1  }
0x268: {  	v4 =	vld [tilespmem:s5+$0x6180]  }
0x269: {  	v1 =	vadd.f32 v2, v1  }
0x26a: {  	v2 =	vld [tilespmem:s5+$0x6200]  }
0x26b: {  	v1 =	vadd.f32 v3, v1  }
0x26c: {  	v3 =	vld [tilespmem:s5+$0x6280]  }
0x26d: {  	v1 =	vadd.f32 v4, v1  }
0x26e: {  	v4 =	vld [tilespmem:s5+$0x6300]  }
0x26f: {  	v1 =	vadd.f32 v2, v1  }
0x270: {  	v2 =	vld [tilespmem:s5+$0x6380]  }
0x271: {  	v1 =	vadd.f32 v3, v1;
	_ =	sdelay $0x1  }
0x272: {  	v1 =	vadd.f32 v4, v1;
	_ =	sdelay $0x1  }
0x273: {  	v1 =	vadd.f32 v2, v1  }
0x274: {  	s1 =	sadd.s32 $0x10, s26  }
0x275: {  	[tilespmem:s1+$0x0] =	vst v1  }
0x276: {  	s26 =	simm.s32 $0x40;
	s5 =	smov.u32 s31;
	v2 =	vor.u32 s31, v0;
	v1 =	vmov s31;
	v6 =	vld [tilespmem:$0x11980]  }
.LBB2_8:
0x277: {  	p0 =	sne.s32 s26, $0xFC0;
	v4 =	vshrl.u32 v1, $0x7;
	v2 =	vand.u32 $0x7F, v2;
	v5 =	vld [tilespmem:$0x11900]  }
0x278: {  	v3 =	vld [tilespmem:$0x11A80];
	v7 =	vcvt.s32.f32 v4;
	v8 =	vcvt.s32.f32 v2  }
0x279: {  	v4 =	vld [tilespmem:$0x11A00]  }
0x27a: {  	v7 =	vmul.f32 $7.812500000e-03, v7;
	v8 =	vmul.f32 $7.812500000e-03, v8;
	_ =	sdelay $0x1  }
0x27b: {  	v5 =	vsub.f32 v5, v7;
	v6 =	vsub.f32 v6, v8;
	_ =	sdelay $0x1  }
0x27c: {  	v7 =	vmul.f32 v5, v5;
	v8 =	vmul.f32 v6, v6;
	_ =	sdelay $0x1  }
0x27d: {  	v7 =	vadd.f32 v8, v7;
	_ =	sdelay $0x1  }
0x27e: {  	v8 =	vmax.f32 v7, $1.000000000e-30  }
0x27f: {  	v9 =	vshra.s32 v8, $0x1;
	v8 =	vmul.f32 $5.000000000e-01, v8  }
0x280: {  	v9 =	vsub.s32 $0x5F3759DF, v9  }
0x281: {  	v10 =	vmul.f32 v9, v8;
	_ =	sdelay $0x1  }
0x282: {  	v10 =	vmul.f32 v9, v10;
	_ =	sdelay $0x1  }
0x283: {  	v10 =	vsub.f32 $1.500000000e+00, v10;
	_ =	sdelay $0x1  }
0x284: {  	v9 =	vmul.f32 v9, v10;
	_ =	sdelay $0x1  }
0x285: {  	v10 =	vmul.f32 v9, v8;
	_ =	sdelay $0x1  }
0x286: {  	v10 =	vmul.f32 v10, v9;
	_ =	sdelay $0x1  }
0x287: {  	v10 =	vsub.f32 $1.500000000e+00, v10;
	_ =	sdelay $0x1  }
0x288: {  	v9 =	vmul.f32 v10, v9;
	_ =	sdelay $0x1  }
0x289: {  	v8 =	vmul.f32 v9, v8;
	_ =	sdelay $0x1  }
0x28a: {  	v8 =	vmul.f32 v8, v9;
	_ =	sdelay $0x1  }
0x28b: {  	s1 =	sshra.s32 s25, $0x2;
	s25 =	smov.u32 s26;
	v8 =	vsub.f32 $1.500000000e+00, v8  }
0x28c: {  	v10 =	vld [tilespmem:s1+$0x8800]  }
0x28d: {  	v8 =	vmul.f32 v8, v9;
	_ =	sdelay $0x1  }
0x28e: {  	v7 =	vmul.f32 v8, v7;
	_ =	sdelay $0x1  }
0x28f: {  	v8 =	vmax.f32 v10, $1.000000000e-30;
	v7 =	vadd.f32 $9.999999770e-03, v7  }
0x290: {  	v9 =	vshra.s32 v8, $0x1;
	v8 =	vmul.f32 $5.000000000e-01, v8  }
0x291: {  	v9 =	vsub.s32 $0x5F3759DF, v9;
	v11 =	vshra.s32 v7, $0x1;
	v7 =	vmul.f32 $5.000000000e-01, v7  }
0x292: {  	v12 =	vmul.f32 v9, v8;
	v11 =	vsub.s32 $0x5F3759DF, v11  }
0x293: {  	v13 =	vmul.f32 v11, v7  }
0x294: {  	v12 =	vmul.f32 v9, v12  }
0x295: {  	v13 =	vmul.f32 v11, v13  }
0x296: {  	v12 =	vsub.f32 $1.500000000e+00, v12  }
0x297: {  	v13 =	vsub.f32 $1.500000000e+00, v13  }
0x298: {  	v9 =	vmul.f32 v9, v12  }
0x299: {  	v11 =	vmul.f32 v11, v13  }
0x29a: {  	v12 =	vmul.f32 v9, v8  }
0x29b: {  	v13 =	vmul.f32 v11, v7  }
0x29c: {  	v12 =	vmul.f32 v12, v9  }
0x29d: {  	v13 =	vmul.f32 v13, v11  }
0x29e: {  	v12 =	vsub.f32 $1.500000000e+00, v12  }
0x29f: {  	v13 =	vsub.f32 $1.500000000e+00, v13  }
0x2a0: {  	v9 =	vmul.f32 v12, v9  }
0x2a1: {  	v11 =	vmul.f32 v13, v11  }
0x2a2: {  	v8 =	vmul.f32 v9, v8  }
0x2a3: {  	v7 =	vmul.f32 v11, v7  }
0x2a4: {  	v8 =	vmul.f32 v8, v9  }
0x2a5: {  	v7 =	vmul.f32 v7, v11  }
0x2a6: {  	v8 =	vsub.f32 $1.500000000e+00, v8  }
0x2a7: {  	v12 =	vld [tilespmem:s1+$0x8000];
	v7 =	vsub.f32 $1.500000000e+00, v7  }
0x2a8: {  	v8 =	vmul.f32 v8, v9;
	v9 =	vld [tilespmem:s1+$0x8400]  }
0x2a9: {  	v7 =	vmul.f32 v7, v11  }
0x2aa: {  	v8 =	vmul.f32 v8, v8;
	v11 =	vld [tilespmem:$0x11B00]  }
0x2ab: {  	v7 =	vmul.f32 v7, v7  }
0x2ac: {  	v12 =	vmul.f32 v8, v12  }
0x2ad: {  	v8 =	vmul.f32 v8, v9;
	v4 =	vmul.f32 v7, v4  }
0x2ae: {  	v3 =	vadd.f32 v12, v3  }
0x2af: {  	v7 =	vadd.f32 v8, v11;
	v5 =	vmul.f32 v4, v5;
	v4 =	vmul.f32 v4, v6;
	_ =	sdelay $0x1  }
0x2b0: {  	v3 =	vadd.f32 v5, v3;
	v4 =	vadd.f32 v4, v7  }
0x2b1: {  	vm0 =	vlt.u32 v1, $0x180  }
0x2b2: {  	vm2 =	vlt.u32 v2, $0x3;
	vm1 =	vlt.f32 v3, $0.0e+00;
	vm3 =	vlt.f32 v4, $0.0e+00  }
0x2b3: {  	vm0 =	vmand vm0, vm1;
	vm1 =	vmand vm2, vm3  }
0x2b4: {  	v3 =	vsel vm0, $0x0, v3;
	v4 =	vsel vm1, $0x0, v4  }
0x2b5: {  	vm0 =	vlt.u32 v1, $0x3F00;
	vm1 =	vgt.f32 v3, $0.0e+00;
	vm2 =	vgt.f32 v4, $0.0e+00  }
0x2b6: {  	vm3 =	vlt.u32 v2, $0x7E;
	vm1 =	vmneg vm1;
	vm2 =	vmneg vm2  }
0x2b7: {  	vm4 =	vgt.f32 v10, $0.0e+00;
	vm0 =	vmor vm0, vm1;
	vm1 =	vmor vm3, vm2  }
.Ltmp3:
0x2b8: {  	vm0 =	vmand vm4, vm0;
	vm1 =	vmand vm4, vm1;
	(pc) =	sbr.rel @p0 .LBB2_8-.Ltmp3, $4  }
0x2b9: {  	v1 =	vnsel vm0, $0x0, v3;
	v2 =	vnsel vm1, $0x0, v4  }
0x2ba: {  	[tilespmem:s1+$0x8400] =	vst v2  }
0x2bb: {  	s5 =	sadd.s32 $0x10, s5;
	[tilespmem:s1+$0x8000] =	vst v1  }
0x2bc: {  	s26 =	sadd.s32 $0x40, s26;
	v2 =	vor.u32 s5, v0;
	v1 =	vmov s5;
	v6 =	vld [tilespmem:$0x11980]  }
0x2bd: {  	v3 =	vshrl.u32 v1, $0x7;
	v2 =	vand.u32 $0x7F, v2;
	v4 =	vld [tilespmem:$0x11900]  }
0x2be: {  	v3 =	vcvt.s32.f32 v3;
	v5 =	vcvt.s32.f32 v2;
	_ =	sdelay $0x1  }
0x2bf: {  	v3 =	vmul.f32 $7.812500000e-03, v3;
	v5 =	vmul.f32 $7.812500000e-03, v5;
	_ =	sdelay $0x1  }
0x2c0: {  	v3 =	vsub.f32 v4, v3;
	v4 =	vsub.f32 v6, v5;
	_ =	sdelay $0x1  }
0x2c1: {  	v5 =	vmul.f32 v3, v3;
	v6 =	vmul.f32 v4, v4;
	_ =	sdelay $0x1  }
0x2c2: {  	v5 =	vadd.f32 v6, v5;
	_ =	sdelay $0x1  }
0x2c3: {  	v6 =	vmax.f32 v5, $1.000000000e-30  }
0x2c4: {  	v7 =	vshra.s32 v6, $0x1;
	v6 =	vmul.f32 $5.000000000e-01, v6  }
0x2c5: {  	v7 =	vsub.s32 $0x5F3759DF, v7  }
0x2c6: {  	v8 =	vmul.f32 v7, v6;
	_ =	sdelay $0x1  }
0x2c7: {  	v8 =	vmul.f32 v7, v8;
	_ =	sdelay $0x1  }
0x2c8: {  	v8 =	vsub.f32 $1.500000000e+00, v8;
	_ =	sdelay $0x1  }
0x2c9: {  	v7 =	vmul.f32 v7, v8;
	_ =	sdelay $0x1  }
0x2ca: {  	v8 =	vmul.f32 v7, v6;
	_ =	sdelay $0x1  }
0x2cb: {  	v8 =	vmul.f32 v8, v7;
	_ =	sdelay $0x1  }
0x2cc: {  	v8 =	vsub.f32 $1.500000000e+00, v8;
	_ =	sdelay $0x1  }
0x2cd: {  	v7 =	vmul.f32 v8, v7;
	_ =	sdelay $0x1  }
0x2ce: {  	v6 =	vmul.f32 v7, v6;
	_ =	sdelay $0x1  }
0x2cf: {  	v6 =	vmul.f32 v6, v7;
	_ =	sdelay $0x1  }
0x2d0: {  	s1 =	sshra.s32 s25, $0x2;
	v6 =	vsub.f32 $1.500000000e+00, v6  }
0x2d1: {  	v8 =	vld [tilespmem:s1+$0x8800]  }
0x2d2: {  	v6 =	vmul.f32 v6, v7;
	_ =	sdelay $0x1  }
0x2d3: {  	v5 =	vmul.f32 v6, v5;
	_ =	sdelay $0x1  }
0x2d4: {  	v6 =	vmax.f32 v8, $1.000000000e-30;
	v5 =	vadd.f32 $9.999999770e-03, v5  }
0x2d5: {  	v7 =	vshra.s32 v6, $0x1  }
0x2d6: {  	v6 =	vmul.f32 $5.000000000e-01, v6;
	v9 =	vshra.s32 v5, $0x1;
	v5 =	vmul.f32 $5.000000000e-01, v5  }
0x2d7: {  	v7 =	vsub.s32 $0x5F3759DF, v7;
	v9 =	vsub.s32 $0x5F3759DF, v9  }
0x2d8: {  	v10 =	vmul.f32 v7, v6;
	v11 =	vmul.f32 v9, v5;
	_ =	sdelay $0x1  }
0x2d9: {  	v10 =	vmul.f32 v7, v10;
	v11 =	vmul.f32 v9, v11;
	_ =	sdelay $0x1  }
0x2da: {  	v10 =	vsub.f32 $1.500000000e+00, v10;
	v11 =	vsub.f32 $1.500000000e+00, v11;
	_ =	sdelay $0x1  }
0x2db: {  	v7 =	vmul.f32 v7, v10;
	v9 =	vmul.f32 v9, v11;
	_ =	sdelay $0x1  }
0x2dc: {  	v10 =	vmul.f32 v7, v6;
	v11 =	vmul.f32 v9, v5;
	_ =	sdelay $0x1  }
0x2dd: {  	v10 =	vmul.f32 v10, v7;
	v11 =	vmul.f32 v11, v9;
	_ =	sdelay $0x1  }
0x2de: {  	v10 =	vsub.f32 $1.500000000e+00, v10;
	v11 =	vsub.f32 $1.500000000e+00, v11;
	_ =	sdelay $0x1  }
0x2df: {  	v7 =	vmul.f32 v10, v7;
	v9 =	vmul.f32 v11, v9;
	_ =	sdelay $0x1  }
0x2e0: {  	v6 =	vmul.f32 v7, v6;
	v5 =	vmul.f32 v9, v5;
	_ =	sdelay $0x1  }
0x2e1: {  	v6 =	vmul.f32 v6, v7;
	v5 =	vmul.f32 v5, v9;
	_ =	sdelay $0x1  }
0x2e2: {  	v10 =	vld [tilespmem:$0x11A00];
	v6 =	vsub.f32 $1.500000000e+00, v6;
	v5 =	vsub.f32 $1.500000000e+00, v5  }
0x2e3: {  	v11 =	vld [tilespmem:s1+$0x8400]  }
0x2e4: {  	v12 =	vld [tilespmem:s1+$0x8000];
	v6 =	vmul.f32 v6, v7;
	v5 =	vmul.f32 v5, v9  }
0x2e5: {  	v7 =	vld [tilespmem:$0x11B00]  }
0x2e6: {  	v6 =	vmul.f32 v6, v6;
	v9 =	vld [tilespmem:$0x11A80];
	v5 =	vmul.f32 v5, v5;
	_ =	sdelay $0x1  }
0x2e7: {  	v11 =	vmul.f32 v6, v11;
	v5 =	vmul.f32 v5, v10  }
0x2e8: {  	v6 =	vmul.f32 v6, v12  }
0x2e9: {  	v7 =	vadd.f32 v11, v7;
	v4 =	vmul.f32 v5, v4  }
0x2ea: {  	v6 =	vadd.f32 v6, v9;
	v3 =	vmul.f32 v5, v3  }
0x2eb: {  	v4 =	vadd.f32 v4, v7  }
0x2ec: {  	v3 =	vadd.f32 v3, v6  }
0x2ed: {  	vm0 =	vlt.u32 v2, $0x3;
	vm1 =	vlt.f32 v4, $0.0e+00  }
0x2ee: {  	vm2 =	vlt.u32 v1, $0x180;
	vm3 =	vlt.f32 v3, $0.0e+00;
	vm0 =	vmand vm0, vm1  }
0x2ef: {  	vm11 =	vmand vm2, vm3;
	v4 =	vsel vm0, $0x0, v4  }
0x2f0: {  	vm12 =	vlt.u32 v1, $0x3F00;
	v3 =	vsel vm11, $0x0, v3;
	vm13 =	vgt.f32 v4, $0.0e+00  }
0x2f1: {  	vm15 =	vlt.u32 v2, $0x7E;
	vm14 =	vgt.f32 v3, $0.0e+00;
	vm1 =	vmneg vm13  }
0x2f2: {  	vm4 =	vgt.f32 v8, $0.0e+00;
	vm2 =	vmneg vm14;
	vm1 =	vmor vm15, vm1  }
0x2f3: {  	vm0 =	vmor vm12, vm2;
	vm1 =	vmand vm4, vm1  }
0x2f4: {  	vm0 =	vmand vm4, vm0;
	v1 =	vnsel vm1, $0x0, v4  }
0x2f5: {  	v2 =	vnsel vm0, $0x0, v3;
	[tilespmem:s1+$0x8400] =	vst v1  }
0x2f6: {  	s30 =	simm.s32 $0x8000;
	[tilespmem:s1+$0x8000] =	vst v2  }
0x2f7: {  	[spmem:s13] =	stream.linear.scatter [tilespmem:s30], [sflag:$0x1], $0x400, $0x38;
	[tilespmem:$0x13100] =	vst v63  }
0x2f8: {  	_ =	swait.ge [sflag:s24], $0x400  }
0x2f9: {  	[sflag:s24] =	ssyncset.done $0x0  }
0x2fa: {  	s5 =	simm.s32 $0x8400;
	[sflag:s24] =	ssyncadd.s32 $0xFFFFFC00  }
0x2fb: {  	[spmem:s14] =	stream.linear.scatter [tilespmem:s5], [sflag:$0x1], $0x400, $0x38;
	[tilespmem:$0x13100] =	vst v63  }
0x2fc: {  	_ =	swait.ge [sflag:s24], $0x400  }
0x2fd: {  	[sflag:s24] =	ssyncset.done $0x0  }
0x2fe: {  	[sflag:s24] =	ssyncadd.s32 $0xFFFFFC00  }
0x2ff: {  	[bflag:$0x0] =	sbarrier.arrive $0xFFFF  }
0x300: {  	s25 =	rddreg [dreg:$0x2]  }
0x301: {  	[tilespmem:s0], [sflag:$0x1] =	stream.linear.gather [spmem:s25], $0x4000, $0x38;
	[tilespmem:$0x13100] =	vst v63  }
0x302: {  	_ =	swait.ge [sflag:s24], $0x4000  }
0x303: {  	[sflag:s24] =	ssyncset.done $0x0  }
0x304: {  	[sflag:s24] =	ssyncadd.s32 $0xFFFFC000  }
0x305: {  	s26 =	rddreg [dreg:$0x3]  }
0x306: {  	[tilespmem:s3], [sflag:$0x1] =	stream.linear.gather [spmem:s26], $0x4000, $0x38;
	[tilespmem:$0x13100] =	vst v63  }
0x307: {  	_ =	swait.ge [sflag:s24], $0x4000  }
0x308: {  	[sflag:s24] =	ssyncset.done $0x0  }
0x309: {  	s25 =	simm.s32 $0x0;
	[sflag:s24] =	ssyncadd.s32 $0xFFFFC000  }
0x30a: {  	v2 =	vld [tilespmem:s25+$0x11680]  }
0x30b: {  	v1 =	vld [tilespmem:s25+$0x11400];
	_ =	sdelay $0x3  }
0x30c: {  	v3 =	vmul.f32 $1.280000000e+02, v2  }
0x30d: {  	v4 =	vmul.f32 $1.280000000e+02, v1  }
0x30e: {  	v5 =	vadd.f32 $-5.000000000e-01, v3  }
0x30f: {  	v6 =	vadd.f32 $-5.000000000e-01, v4  }
0x310: {  	v5 =	vtrunc.f32 v5  }
0x311: {  	v6 =	vtrunc.f32 v6;
	v5 =	vcvt.f32.s32 v5  }
0x312: {  	v6 =	vcvt.f32.s32 v6  }
0x313: {  	v7 =	vcvt.s32.f32 v5  }
0x314: {  	v8 =	vcvt.s32.f32 v6  }
0x315: {  	v6 =	vshll.u32 v6, $0x7;
	v9 =	vsub.f32 v3, v7  }
0x316: {  	v6 =	vadd.s32 v5, v6;
	v10 =	vsub.f32 v4, v8  }
0x317: {  	v3 =	vadd.s32 $0x1, v6;
	v4 =	vsub.f32 $1.500000000e+00, v9  }
0x318: {  	v15 =	vadd.s32 $0x2, v6;
	v5 =	vadd.f32 $-5.000000000e-01, v9;
	v8 =	vsub.f32 $1.500000000e+00, v10  }
0x319: {  	v11 =	vadd.f32 $-1.000000000e+00, v9;
	v12 =	vadd.f32 $-1.000000000e+00, v10;
	v13 =	vmul.f32 $5.000000000e-01, v4  }
0x31a: {  	v23 =	vadd.s32 $0x81, v6;
	v14 =	vmul.f32 $5.000000000e-01, v5;
	v16 =	vmul.f32 $5.000000000e-01, v8  }
0x31b: {  	v47 =	vadd.s32 $0x82, v6;
	v11 =	vmul.f32 v11, v11;
	v12 =	vmul.f32 v12, v12;
	v25 =	vld.idx.msk [tilespmem:v6+s3+$0x0], $0xffff  }
0x31c: {  	v17 =	vadd.f32 $-5.000000000e-01, v10;
	v18 =	vld.idx.msk [tilespmem:v3+s0+$0x0], $0xffff;
	v13 =	vmul.f32 v13, v4;
	v4 =	vmul.f32 v16, v8  }
0x31d: {  	v7 =	vadd.s32 $0x80, v6;
	v24 =	vld.idx.msk [tilespmem:v15+s0+$0x0], $0xffff;
	v8 =	vmul.f32 v14, v5;
	v11 =	vsub.f32 $7.500000000e-01, v11  }
0x31e: {  	v12 =	vsub.f32 $7.500000000e-01, v12;
	v14 =	vmul.f32 $5.000000000e-01, v17;
	v16 =	vld.idx.msk [tilespmem:v3+s3+$0x0], $0xffff;
	v3 =	vmul.f32 v13, v4  }
0x31f: {  	v38 =	vld.idx.msk [tilespmem:v23+s0+$0x0], $0xffff;
	v19 =	vmul.f32 v8, v4;
	v21 =	vmul.f32 v11, v4  }
0x320: {  	v23 =	vld.idx.msk [tilespmem:v23+s3+$0x0], $0xffff;
	v22 =	vmul.f32 v8, v12;
	v14 =	vmul.f32 v14, v17  }
0x321: {  	v49 =	vld.idx.msk [tilespmem:v47+s3+$0x0], $0xffff;
	v27 =	vmul.f32 v13, v12;
	v12 =	vmul.f32 v11, v12  }
0x322: {  	v5 =	vld.idx.msk [tilespmem:v6+s0+$0x0], $0xffff;
	v17 =	vmul.f32 $5.120000000e+02, v3;
	v26 =	vmul.f32 v21, v18  }
0x323: {  	v20 =	vld.idx.msk [tilespmem:v7+s0+$0x0], $0xffff;
	v30 =	vmul.f32 $5.120000000e+02, v19;
	v33 =	vmul.f32 $5.120000000e+02, v27  }
0x324: {  	v15 =	vld.idx.msk [tilespmem:v15+s3+$0x0], $0xffff;
	v39 =	vmul.f32 v19, v24;
	v40 =	vmul.f32 v3, v25  }
0x325: {  	v46 =	vmul.f32 v38, v12;
	v54 =	vmul.f32 v23, v12  }
0x326: {  	v31 =	vadd.s32 $0x102, v6;
	v57 =	vmul.f32 v49, v22;
	v32 =	vmul.f32 v21, v16  }
0x327: {  	v34 =	vadd.s32 $0x101, v6;
	v35 =	vmul.f32 v3, v5;
	v29 =	vmul.f32 v17, v5  }
0x328: {  	v28 =	vsub.f32 $0.0e+00, v10;
	v5 =	vmul.f32 v33, v20;
	v24 =	vmul.f32 v30, v24  }
0x329: {  	v37 =	vsub.f32 $1.000000000e+00, v10;
	v30 =	vmul.f32 v30, v15;
	v17 =	vmul.f32 v17, v25  }
0x32a: {  	v4 =	vsub.f32 $0.0e+00, v9;
	v25 =	vmul.f32 v8, v14;
	v20 =	vmul.f32 v27, v20  }
0x32b: {  	v15 =	vmul.f32 v19, v15;
	v36 =	vmul.f32 v29, v28  }
0x32c: {  	v3 =	vsub.f32 $2.000000000e+00, v9;
	v41 =	vmul.f32 v5, v37;
	v42 =	vmul.f32 v5, v4  }
0x32d: {  	v44 =	vadd.s32 $0x100, v6;
	v48 =	vld.idx.msk [tilespmem:v34+s0+$0x0], $0xffff;
	v29 =	vmul.f32 v29, v4;
	v43 =	vmul.f32 v30, v28  }
0x32e: {  	v34 =	vld.idx.msk [tilespmem:v34+s3+$0x0], $0xffff;
	v6 =	vadd.f32 $0.0e+00, v35;
	v45 =	vmul.f32 v24, v3;
	v30 =	vmul.f32 v30, v3  }
0x32f: {  	v58 =	vsub.f32 $1.000000000e+00, v9;
	v5 =	vld.idx.msk [tilespmem:v31+s0+$0x0], $0xffff;
	v53 =	vmul.f32 v17, v28;
	v24 =	vmul.f32 v24, v28  }
0x330: {  	v19 =	vld.idx.msk [tilespmem:v7+s3+$0x0], $0xffff;
	v17 =	vmul.f32 v17, v4;
	v8 =	vadd.f32 v6, v26;
	v26 =	vmul.f32 v11, v14  }
0x331: {  	v6 =	vmul.f32 $5.120000000e+02, v25;
	v11 =	vadd.f32 $0.0e+00, v40;
	v14 =	vmul.f32 v13, v14  }
0x332: {  	v39 =	vadd.f32 v8, v39;
	v50 =	vmul.f32 v48, v26;
	v8 =	vld.idx.msk [tilespmem:v31+s3+$0x0], $0xffff;
	v31 =	vmul.f32 $5.120000000e+02, v22  }
0x333: {  	v11 =	vadd.f32 v11, v32;
	v56 =	vmul.f32 v34, v26;
	v26 =	vmul.f32 $5.120000000e+02, v26  }
0x334: {  	v7 =	vmul.f32 v5, v25;
	v13 =	vadd.f32 v39, v20;
	v20 =	vmul.f32 $5.120000000e+02, v12  }
0x335: {  	v55 =	vld.idx.msk [tilespmem:v44+s3+$0x0], $0xffff;
	v12 =	vadd.f32 v11, v15;
	v15 =	vmul.f32 $5.120000000e+02, v21;
	v21 =	vmul.f32 v33, v19  }
0x336: {  	v63 =	vadd.f32 $0.0e+00, v36;
	v19 =	vmul.f32 v27, v19;
	v23 =	vmul.f32 v23, v20  }
0x337: {  	v29 =	vadd.f32 $0.0e+00, v29;
	v16 =	vmul.f32 v15, v16;
	v15 =	vmul.f32 v15, v18  }
0x338: {  	v17 =	vadd.f32 $0.0e+00, v17;
	v18 =	vmul.f32 v20, v38;
	v20 =	vmul.f32 $5.120000000e+02, v14  }
0x339: {  	v9 =	vadd.f32 v12, v19;
	v60 =	vmul.f32 v21, v37;
	v11 =	vmul.f32 v8, v25  }
0x33a: {  	v27 =	vadd.f32 v13, v46;
	v19 =	vld.idx.msk [tilespmem:v44+s0+$0x0], $0xffff;
	v25 =	vmul.f32 v55, v14;
	v13 =	vmul.f32 v23, v37  }
0x33b: {  	v12 =	vmul.f32 v23, v58;
	v59 =	vmul.f32 v16, v58;
	v40 =	vadd.f32 v9, v54  }
0x33c: {  	v61 =	vmul.f32 v18, v58;
	v9 =	vsub.f32 $2.000000000e+00, v10;
	v10 =	vmul.f32 v15, v28  }
0x33d: {  	v36 =	vadd.f32 $0.0e+00, v53;
	v23 =	vld.idx.msk [tilespmem:v47+s0+$0x0], $0xffff;
	v51 =	vmul.f32 v18, v37;
	v15 =	vmul.f32 v15, v58  }
0x33e: {  	v10 =	vadd.f32 v63, v10;
	v63 =	vmul.f32 v48, v26;
	v26 =	vmul.f32 v34, v26  }
0x33f: {  	v39 =	vadd.f32 v40, v57;
	v18 =	vmul.f32 v19, v20;
	v62 =	vmul.f32 v19, v14  }
0x340: {  	v14 =	vadd.f32 v29, v15;
	v15 =	vmul.f32 v16, v28;
	v29 =	vmul.f32 v21, v4  }
0x341: {  	v19 =	vadd.f32 v10, v24;
	v24 =	vmul.f32 v49, v31;
	v10 =	vmul.f32 v63, v9  }
0x342: {  	v17 =	vadd.f32 v17, v59;
	v16 =	vmul.f32 v26, v58;
	v22 =	vmul.f32 v23, v22  }
0x343: {  	v25 =	vadd.f32 v39, v25;
	v23 =	vmul.f32 v23, v31;
	v28 =	vadd.f32 v14, v45  }
0x344: {  	v14 =	vmul.f32 v26, v9;
	v15 =	vadd.f32 v36, v15;
	v27 =	vadd.f32 v27, v22  }
0x345: {  	v22 =	vadd.f32 v17, v30;
	v30 =	vadd.f32 v19, v41;
	v17 =	vmul.f32 v23, v37  }
0x346: {  	v28 =	vadd.f32 v28, v42;
	v19 =	vmul.f32 v24, v3;
	v26 =	vmul.f32 v23, v3  }
0x347: {  	v23 =	vmul.f32 v55, v20;
	v31 =	vadd.f32 v15, v43;
	v27 =	vadd.f32 v27, v62  }
0x348: {  	v24 =	vmul.f32 v24, v37;
	v15 =	vmul.f32 v18, v9;
	v28 =	vadd.f32 v28, v61  }
0x349: {  	v20 =	vadd.f32 v30, v51;
	v21 =	vmul.f32 v23, v4;
	v27 =	vadd.f32 v27, v50  }
0x34a: {  	s26 =	simm.s32 $0x40;
	v31 =	vadd.f32 v31, v60;
	v30 =	vadd.f32 v56, v25;
	v25 =	vmul.f32 v63, v58  }
.LBB2_10:
0x34b: {  	s1 =	sshra.s32 s26, $0x2;
	p0 =	sne.s32 s26, $0x8C0;
	s26 =	sadd.s32 $0x40, s26;
	v26 =	vadd.f32 v28, v26;
	v4 =	vmul.f32 v18, v4;
	v7 =	vadd.f32 v7, v27  }
0x34c: {  	v22 =	vadd.f32 v22, v29;
	v8 =	vmul.f32 v8, v6;
	v18 =	vld [tilespmem:s1+$0x11680];
	v13 =	vadd.f32 v31, v13  }
0x34d: {  	v11 =	vadd.f32 v11, v30;
	v27 =	vld [tilespmem:s1+$0x11400];
	v4 =	vadd.f32 v26, v4;
	v26 =	vmul.f32 $9.999999740e-05, v7;
	[tilespmem:s25+$0x12200] =	vst v7  }
0x34e: {  	v5 =	vmul.f32 v5, v6;
	v7 =	vadd.f32 v13, v24;
	v13 =	vmul.f32 v23, v9  }
0x34f: {  	v6 =	vadd.f32 v22, v12;
	v12 =	vmul.f32 v8, v3;
	v22 =	vmul.f32 $9.999999740e-05, v11;
	[tilespmem:s25+$0x12480] =	vst v11  }
0x350: {  	v3 =	vmul.f32 v5, v3;
	v4 =	vadd.f32 v4, v25;
	v7 =	vadd.f32 v7, v13  }
0x351: {  	v6 =	vadd.f32 v6, v19;
	v13 =	vadd.f32 v22, v2;
	v11 =	vmul.f32 $1.280000000e+02, v18;
	v2 =	vmovc v18  }
0x352: {  	v3 =	vadd.f32 v4, v3;
	v4 =	vadd.f32 v26, v1;
	v18 =	vmul.f32 $1.280000000e+02, v27;
	v1 =	vmovc v27  }
0x353: {  	v8 =	vmul.f32 v8, v9;
	v6 =	vadd.f32 v6, v21;
	v19 =	vadd.f32 $-5.000000000e-01, v11;
	[tilespmem:s25+$0x11F80] =	vst v13  }
0x354: {  	v13 =	vadd.f32 $-5.000000000e-01, v18;
	[tilespmem:s25+$0x12980] =	vst v3  }
0x355: {  	v17 =	vadd.f32 v20, v17;
	v6 =	vadd.f32 v6, v16;
	v3 =	vtrunc.f32 v19;
	[tilespmem:s25+$0x11D00] =	vst v4  }
0x356: {  	v4 =	vtrunc.f32 v13;
	v3 =	vcvt.f32.s32 v3  }
0x357: {  	v6 =	vadd.f32 v12, v6;
	v13 =	vadd.f32 v17, v15;
	v4 =	vcvt.f32.s32 v4  }
0x358: {  	v5 =	vmul.f32 v5, v9;
	v7 =	vadd.f32 v7, v14;
	v12 =	vcvt.s32.f32 v3  }
0x359: {  	v13 =	vadd.f32 v13, v10;
	v9 =	vcvt.s32.f32 v4;
	v4 =	vshll.u32 v4, $0x7;
	[tilespmem:s25+$0x12E80] =	vst v6  }
0x35a: {  	v10 =	vsub.f32 v11, v12;
	v3 =	vadd.s32 v3, v4;
	v4 =	vadd.f32 v8, v7  }
0x35b: {  	v5 =	vadd.f32 v13, v5;
	v9 =	vsub.f32 v18, v9;
	v6 =	vadd.s32 $0x1, v3  }
0x35c: {  	v11 =	vadd.s32 $0x80, v3;
	v7 =	vsub.f32 $1.500000000e+00, v10;
	v8 =	vadd.f32 $-5.000000000e-01, v10;
	[tilespmem:s25+$0x12C00] =	vst v4  }
0x35d: {  	v13 =	vadd.s32 $0x2, v3;
	v12 =	vadd.f32 $-1.000000000e+00, v10;
	v4 =	vsub.f32 $1.500000000e+00, v9;
	[tilespmem:s25+$0x12700] =	vst v5;
	s25 =	smov.u32 s1  }
0x35e: {  	v5 =	vadd.f32 $-1.000000000e+00, v9;
	v14 =	vmul.f32 $5.000000000e-01, v7;
	v15 =	vmul.f32 $5.000000000e-01, v8  }
0x35f: {  	v18 =	vadd.s32 $0x81, v3;
	v12 =	vmul.f32 v12, v12;
	v16 =	vmul.f32 $5.000000000e-01, v4;
	v17 =	vld.idx.msk [tilespmem:v3+s0+$0x0], $0xffff  }
0x360: {  	v19 =	vadd.f32 $-5.000000000e-01, v9;
	v5 =	vmul.f32 v5, v5;
	v20 =	vmul.f32 v14, v7;
	v21 =	vld.idx.msk [tilespmem:v6+s0+$0x0], $0xffff  }
0x361: {  	v7 =	vmul.f32 v15, v8;
	v4 =	vmul.f32 v16, v4;
	v8 =	vld.idx.msk [tilespmem:v3+s3+$0x0], $0xffff;
	v16 =	vadd.s32 $0x100, v3  }
0x362: {  	v12 =	vsub.f32 $7.500000000e-01, v12;
	v22 =	vsub.f32 $7.500000000e-01, v5;
	v5 =	vmul.f32 $5.000000000e-01, v19;
	v23 =	vld.idx.msk [tilespmem:v6+s3+$0x0], $0xffff  }
0x363: {  	v26 =	vadd.s32 $0x82, v3;
	v6 =	vmul.f32 v20, v4;
	v24 =	vmul.f32 v7, v4;
	v25 =	vld.idx.msk [tilespmem:v11+s0+$0x0], $0xffff  }
0x364: {  	v29 =	vadd.s32 $0x102, v3;
	v27 =	vmul.f32 v12, v4;
	v14 =	vmul.f32 v7, v22;
	v28 =	vld.idx.msk [tilespmem:v13+s0+$0x0], $0xffff  }
0x365: {  	v31 =	vadd.s32 $0x101, v3;
	v19 =	vmul.f32 v5, v19;
	v30 =	vmul.f32 $5.120000000e+02, v6  }
0x366: {  	v4 =	vsub.f32 $0.0e+00, v10;
	v33 =	vmul.f32 v20, v22;
	v32 =	vmul.f32 v27, v21;
	v13 =	vld.idx.msk [tilespmem:v13+s3+$0x0], $0xffff  }
0x367: {  	v34 =	vsub.f32 $0.0e+00, v9;
	v36 =	vmul.f32 $5.120000000e+02, v24;
	v35 =	vmul.f32 v30, v17;
	v11 =	vld.idx.msk [tilespmem:v11+s3+$0x0], $0xffff  }
0x368: {  	v38 =	vmul.f32 $5.120000000e+02, v33;
	v37 =	vmul.f32 v27, v23;
	v39 =	vld.idx.msk [tilespmem:v18+s3+$0x0], $0xffff  }
0x369: {  	v15 =	vsub.f32 $1.000000000e+00, v9;
	v17 =	vmul.f32 v6, v17;
	v5 =	vmul.f32 v35, v34;
	v18 =	vld.idx.msk [tilespmem:v18+s0+$0x0], $0xffff  }
0x36a: {  	v3 =	vsub.f32 $2.000000000e+00, v10;
	v41 =	vmul.f32 v38, v25;
	v40 =	vmul.f32 v24, v28  }
0x36b: {  	v6 =	vmul.f32 v6, v8;
	v28 =	vmul.f32 v36, v28;
	v42 =	vadd.f32 $0.0e+00, v5;
	v5 =	vld.idx.msk [tilespmem:v29+s0+$0x0], $0xffff  }
0x36c: {  	v17 =	vadd.f32 $0.0e+00, v17;
	v43 =	vmul.f32 v41, v15;
	v36 =	vmul.f32 v36, v13;
	v44 =	vld.idx.msk [tilespmem:v26+s3+$0x0], $0xffff  }
0x36d: {  	v22 =	vmul.f32 v12, v22;
	v6 =	vadd.f32 $0.0e+00, v6;
	v41 =	vmul.f32 v41, v4;
	v26 =	vld.idx.msk [tilespmem:v26+s0+$0x0], $0xffff  }
0x36e: {  	v35 =	vmul.f32 v35, v4;
	v17 =	vadd.f32 v17, v32;
	v32 =	vmul.f32 v36, v34;
	v45 =	vld.idx.msk [tilespmem:v16+s3+$0x0], $0xffff  }
0x36f: {  	v37 =	vadd.f32 v6, v37;
	v46 =	vmul.f32 v28, v3;
	v47 =	vmul.f32 v18, v22;
	v48 =	vld.idx.msk [tilespmem:v31+s0+$0x0], $0xffff  }
0x370: {  	v30 =	vmul.f32 v30, v8;
	v6 =	vadd.f32 v17, v40;
	v17 =	vmul.f32 v7, v19  }
0x371: {  	v36 =	vmul.f32 v36, v3;
	v7 =	vmul.f32 v33, v25  }
0x372: {  	v8 =	vmul.f32 v24, v13;
	v25 =	vmul.f32 v30, v34  }
0x373: {  	v13 =	vadd.f32 v6, v7;
	v6 =	vmul.f32 $5.120000000e+02, v17;
	v24 =	vld.idx.msk [tilespmem:v31+s3+$0x0], $0xffff;
	v31 =	vmul.f32 v12, v19  }
0x374: {  	v7 =	vmul.f32 v5, v17;
	v12 =	vadd.f32 v37, v8;
	v37 =	vmul.f32 v39, v22  }
0x375: {  	v35 =	vadd.f32 $0.0e+00, v35;
	v28 =	vmul.f32 v28, v34;
	v40 =	vmul.f32 v48, v31;
	v8 =	vld.idx.msk [tilespmem:v29+s3+$0x0], $0xffff  }
0x376: {  	v19 =	vmul.f32 v20, v19;
	v29 =	vadd.f32 v13, v47;
	v47 =	vmul.f32 $5.120000000e+02, v14  }
0x377: {  	v20 =	vmul.f32 $5.120000000e+02, v22;
	v13 =	vmul.f32 v30, v4  }
0x378: {  	v22 =	vmul.f32 $5.120000000e+02, v27;
	v30 =	vmul.f32 v38, v11  }
0x379: {  	v27 =	vmul.f32 v33, v11;
	v33 =	vmul.f32 v24, v31  }
0x37a: {  	v38 =	vsub.f32 $1.000000000e+00, v10;
	v10 =	vmul.f32 v39, v20;
	v39 =	vmul.f32 v44, v14  }
0x37b: {  	v23 =	vmul.f32 v22, v23;
	v49 =	vadd.f32 $0.0e+00, v13;
	v11 =	vmul.f32 v8, v17  }
0x37c: {  	v13 =	vmul.f32 v10, v15;
	v17 =	vmul.f32 v22, v21;
	v21 =	vadd.f32 v12, v27;
	v16 =	vld.idx.msk [tilespmem:v16+s0+$0x0], $0xffff  }
0x37d: {  	v12 =	vmul.f32 v10, v38;
	v27 =	vmul.f32 v45, v19  }
0x37e: {  	v25 =	vadd.f32 $0.0e+00, v25;
	v10 =	vmul.f32 v20, v18;
	v20 =	vmul.f32 $5.120000000e+02, v19  }
0x37f: {  	v18 =	vmul.f32 v23, v38;
	v22 =	vmul.f32 $5.120000000e+02, v31;
	v21 =	vadd.f32 v21, v37  }
0x380: {  	v9 =	vsub.f32 $2.000000000e+00, v9;
	v31 =	vmul.f32 v30, v15;
	v37 =	vmul.f32 v10, v38  }
0x381: {  	v50 =	vmul.f32 v17, v34;
	v51 =	vmul.f32 v10, v15;
	v21 =	vadd.f32 v21, v39  }
0x382: {  	v10 =	vmul.f32 v17, v38;
	v17 =	vadd.f32 v49, v18;
	v18 =	vmul.f32 v16, v20  }
0x383: {  	v14 =	vmul.f32 v26, v14;
	v39 =	vadd.f32 v42, v50;
	v42 =	vmul.f32 v16, v19  }
0x384: {  	v16 =	vadd.f32 v35, v10;
	v19 =	vmul.f32 v23, v34;
	v34 =	vmul.f32 v48, v22  }
0x385: {  	v24 =	vmul.f32 v24, v22;
	v23 =	vadd.f32 v39, v28;
	v35 =	vmul.f32 v44, v47  }
0x386: {  	v26 =	vmul.f32 v26, v47;
	v28 =	vadd.f32 v29, v14;
	v10 =	vmul.f32 v34, v9  }
0x387: {  	v22 =	vadd.f32 v17, v36;
	v29 =	vadd.f32 v16, v46;
	v16 =	vmul.f32 v24, v38  }
0x388: {  	v17 =	vmul.f32 v26, v15;
	v14 =	vmul.f32 v24, v9;
	v36 =	vadd.f32 v23, v43  }
0x389: {  	v24 =	vadd.f32 v25, v19;
	v19 =	vmul.f32 v35, v3;
	v25 =	vadd.f32 v29, v41  }
.Ltmp4:
0x38a: {  	v26 =	vmul.f32 v26, v3;
	v23 =	vmul.f32 v45, v20;
	v29 =	vadd.f32 v28, v42;
	(pc) =	sbr.rel @p0 .LBB2_10-.Ltmp4, $4  }
0x38b: {  	v32 =	vadd.f32 v24, v32;
	v24 =	vmul.f32 v35, v15;
	v28 =	vadd.f32 v25, v37  }
0x38c: {  	v15 =	vmul.f32 v18, v9;
	v25 =	vadd.f32 v21, v27;
	v27 =	vadd.f32 v29, v40  }
0x38d: {  	v20 =	vadd.f32 v36, v51;
	v29 =	vmul.f32 v30, v4;
	v21 =	vmul.f32 v23, v4  }
0x38e: {  	v31 =	vadd.f32 v32, v31;
	v30 =	vadd.f32 v33, v25;
	v25 =	vmul.f32 v34, v38  }
0x38f: {  	v26 =	vadd.f32 v28, v26  }
0x390: {  	v4 =	vmul.f32 v18, v4;
	v52 =	vadd.f32 v22, v29;
	v7 =	vadd.f32 v7, v27  }
0x391: {  	v53 =	vmul.f32 v23, v9;
	v13 =	vadd.f32 v31, v13;
	v11 =	vadd.f32 v11, v30  }
0x392: {  	v5 =	vmul.f32 v5, v6;
	v58 =	vadd.f32 v20, v17;
	v12 =	vadd.f32 v52, v12  }
0x393: {  	v4 =	vadd.f32 v26, v4;
	v13 =	vadd.f32 v13, v24;
	v54 =	vmul.f32 $9.999999740e-05, v11  }
0x394: {  	v59 =	vmul.f32 $9.999999740e-05, v7;
	v61 =	vadd.f32 v58, v15;
	v12 =	vadd.f32 v12, v19  }
0x395: {  	v56 =	vmul.f32 v8, v6;
	v13 =	vadd.f32 v13, v53;
	v2 =	vadd.f32 v54, v2  }
0x396: {  	v55 =	vmul.f32 v5, v3;
	[tilespmem:s25+$0x12200] =	vst v7;
	v4 =	vadd.f32 v4, v25;
	v1 =	vadd.f32 v59, v1  }
0x397: {  	v6 =	vmul.f32 v56, v9;
	v57 =	vadd.f32 v12, v21;
	[tilespmem:s25+$0x11F80] =	vst v2;
	v2 =	vadd.f32 v13, v14  }
0x398: {  	v62 =	vmul.f32 v5, v9;
	[tilespmem:s25+$0x12480] =	vst v11;
	v63 =	vadd.f32 v61, v10;
	v4 =	vadd.f32 v4, v55  }
0x399: {  	v3 =	vmul.f32 v56, v3;
	[tilespmem:s25+$0x11D00] =	vst v1;
	v60 =	vadd.f32 v57, v16;
	v1 =	vadd.f32 v6, v2  }
0x39a: {  	[tilespmem:s25+$0x12980] =	vst v4;
	v2 =	vadd.f32 v63, v62  }
0x39b: {  	v3 =	vadd.f32 v3, v60;
	[tilespmem:s25+$0x12C00] =	vst v1  }
0x39c: {  	[tilespmem:s25+$0x12700] =	vst v2  }
0x39d: {  	s1 =	simm.s32 $0x11D00;
	[tilespmem:s25+$0x12E80] =	vst v3  }
0x39e: {  	[hbm4b:s15+s4] =	stream.linear.scatter [tilespmem:s1], [sflag:$0x1], $0x240, $0x38;
	[tilespmem:$0x13100] =	vst v63  }
0x39f: {  	_ =	swait.ge [sflag:s24], $0x240  }
0x3a0: {  	[sflag:s24] =	ssyncset.done $0x0  }
0x3a1: {  	s5 =	simm.s32 $0x11F80;
	[sflag:s24] =	ssyncadd.s32 $0xFFFFFDC0  }
0x3a2: {  	[hbm4b:s16+s4] =	stream.linear.scatter [tilespmem:s5], [sflag:$0x1], $0x240, $0x38;
	[tilespmem:$0x13100] =	vst v63  }
0x3a3: {  	_ =	swait.ge [sflag:s24], $0x240  }
0x3a4: {  	[sflag:s24] =	ssyncset.done $0x0  }
0x3a5: {  	s25 =	simm.s32 $0x12200;
	[sflag:s24] =	ssyncadd.s32 $0xFFFFFDC0  }
0x3a6: {  	[hbm4b:s17+s4] =	stream.linear.scatter [tilespmem:s25], [sflag:$0x1], $0x240, $0x38;
	[tilespmem:$0x13100] =	vst v63  }
0x3a7: {  	_ =	swait.ge [sflag:s24], $0x240  }
0x3a8: {  	[sflag:s24] =	ssyncset.done $0x0  }
0x3a9: {  	s26 =	simm.s32 $0x12480;
	[sflag:s24] =	ssyncadd.s32 $0xFFFFFDC0  }
0x3aa: {  	[hbm4b:s18+s4] =	stream.linear.scatter [tilespmem:s26], [sflag:$0x1], $0x240, $0x38;
	[tilespmem:$0x13100] =	vst v63  }
0x3ab: {  	_ =	swait.ge [sflag:s24], $0x240  }
0x3ac: {  	[sflag:s24] =	ssyncset.done $0x0  }
0x3ad: {  	s2 =	simm.s32 $0x12700;
	[sflag:s24] =	ssyncadd.s32 $0xFFFFFDC0  }
0x3ae: {  	[hbm4b:s8+s4] =	stream.linear.scatter [tilespmem:s2], [sflag:$0x1], $0x240, $0x38;
	[tilespmem:$0x13100] =	vst v63  }
0x3af: {  	_ =	swait.ge [sflag:s24], $0x240  }
0x3b0: {  	[sflag:s24] =	ssyncset.done $0x0  }
0x3b1: {  	s5 =	simm.s32 $0x12980;
	[sflag:s24] =	ssyncadd.s32 $0xFFFFFDC0  }
0x3b2: {  	[hbm4b:s19+s4] =	stream.linear.scatter [tilespmem:s5], [sflag:$0x1], $0x240, $0x38;
	[tilespmem:$0x13100] =	vst v63  }
0x3b3: {  	_ =	swait.ge [sflag:s24], $0x240  }
0x3b4: {  	[sflag:s24] =	ssyncset.done $0x0  }
0x3b5: {  	s25 =	simm.s32 $0x12C00;
	[sflag:s24] =	ssyncadd.s32 $0xFFFFFDC0  }
0x3b6: {  	[hbm4b:s20+s4] =	stream.linear.scatter [tilespmem:s25], [sflag:$0x1], $0x240, $0x38;
	[tilespmem:$0x13100] =	vst v63  }
0x3b7: {  	s23 =	sadd.s32 $0x1, s23;
	_ =	swait.ge [sflag:s24], $0x240  }
0x3b8: {  	p0 =	sne.s32 s23, s22;
	[sflag:s24] =	ssyncset.done $0x0  }
.Ltmp5:
0x3b9: {  	s26 =	simm.s32 $0x12E80;
	[sflag:s24] =	ssyncadd.s32 $0xFFFFFDC0;
	(pc) =	sbr.rel @p0 .LBB2_1-.Ltmp5, $4  }
0x3ba: {  	[hbm4b:s21+s4] =	stream.linear.scatter [tilespmem:s26], [sflag:$0x1], $0x240, $0x38;
	[tilespmem:$0x13100] =	vst v63  }
0x3bb: {  	_ =	swait.ge [sflag:s24], $0x240  }
0x3bc: {  	[sflag:s24] =	ssyncset.done $0x0  }
0x3bd: {  	[sflag:s24] =	ssyncadd.s32 $0xFFFFFDC0  }
0x3be: {  	_ =	sfence.sel $0x180000  }
0x3bf: {  	[bflag:$0x0] =	sbarrier.arrive $0xFFFF  }
0x3c0: {  	_ =	strace $0x9000004A  }
0x3c1: {  	s0 =	stileid.u32;
	[bflag:$0x2] =	sbarrier.arrive $0xFFFF  }
0x3c2: {  	p0 =	sne.s32 s0, $0x0;
	s0 =	rddreg [dreg:$0x4]  }
0x3c3: {  	s0 =	sadd.s32 @!p0 $0x100000, s0  }
0x3c4: {  	[sflag:s0] =	ssyncadd.tile.s32 @!p0 $0x1;
	_ =	shalt  }
.Lfunc_end2:
_tile_overlayer_lowered:
.L_overlay_start_2:
0x3c5: {  	(tag) =	ssettag $0x2  }
0x3c6: {  	s0 =	rddreg [dreg:$0x0];
	s2 =	stileid.u32  }
0x3c7: {  	s1 =	rddreg [dreg:$0x1];
	p0 =	sne.s32 s2, $0x0  }
0x3c8: {  	s3 =	rddreg [dreg:$0x2];
	[bflag:$0x3] =	sbarrier.arrive $0xFFFF;
	s2 =	simm.s32 @!p0 $0x1C01  }
0x3c9: {  	[timem:s3], [sflag:s2] =	dma.local @!p0 [hbm:s0], s1  }
0x3ca: {  	s0 =	simm.s32 @!p0 $0x1  }
0x3cb: {  	_ =	swait.ge @!p0 [sflag:s0], s1  }
0x3cc: {  	s1 =	ssub.s32 @!p0 $0x0, s1;
	[sflag:s0] =	ssyncset.done @!p0 $0x0  }
0x3cd: {  	[sflag:s0] =	ssyncadd.s32 @!p0 s1  }
0x3ce: {  	[bflag:$0x3] =	sbarrier.arrive $0xFFFF  }
0x3cf: {  	_ =	shalt  }

</sc_bundles>
